<compile_context>
chip_gen: v7x
topology: tpu7x:2x2x1
jax: 0.10.2.dev20260603
libtpu: 0.0.44.dev20260713+nightly
codegen_flags: <defaults>
</compile_context>

<pallas_src>
import functools

import jax
import jax.numpy as jnp
from jax import lax
from jax.experimental import pallas as pl
from jax.experimental.pallas import tpu as pltpu
from jax.experimental.pallas import tpu_sc as plsc

NUM_EXPERTS = 16
TOKENS = 8192
HIDDEN = 2048
TPE = 640
BLK = 1024
LANES = 16
ROWS = TOKENS // LANES
NBINS = 256
INT_MIN = -2147483648


def _logits_t_body(w_ref, x_ref, out_ref):
    out_ref[...] = lax.dot_general(
        w_ref[...], x_ref[...],
        (((1,), (1,)), ((), ())),
        preferred_element_type=jnp.float32,
    )


def _logits_t(x, W):
    return pl.pallas_call(
        _logits_t_body,
        grid=(TOKENS // BLK,),
        in_specs=[
            pl.BlockSpec((NUM_EXPERTS, HIDDEN), lambda i: (0, 0)),
            pl.BlockSpec((BLK, HIDDEN), lambda i: (i, 0)),
        ],
        out_specs=pl.BlockSpec((NUM_EXPERTS, BLK), lambda i: (0, i)),
        out_shape=jax.ShapeDtypeStruct((NUM_EXPERTS, TOKENS), jnp.float32),
    )(W, x)


def _row(ref, j):
    return ref[pl.ds(j * LANES, LANES)]


def _sc_body(logits_hbm, idx_out, mask_out,
             lg, ka, kb, ia, ib, pb, hist, maskbuf, aidx):
    core = lax.axis_index("c")
    sub = lax.axis_index("s")
    iota = lax.iota(jnp.int32, LANES)
    ones16 = jnp.ones((LANES,), jnp.float32)

    @pl.when(core == 0)
    def _():
        e = sub
        pltpu.sync_copy(logits_hbm.at[e], lg)

        @plsc.parallel_loop(0, ROWS, unroll=4)
        def _prol(j):
            src = iota * ROWS + j
            v = plsc.load_gather(lg, [src])
            bits = lax.bitcast_convert_type(v, jnp.int32)
            mkey = jnp.where(bits < 0, jnp.bitwise_not(bits),
                             jnp.bitwise_or(bits, jnp.int32(INT_MIN)))
            skey = jnp.bitwise_xor(mkey, jnp.int32(-1))
            ka[pl.ds(j * LANES, LANES)] = skey
            ia[pl.ds(j * LANES, LANES)] = src

        bufs = [(ka, ia, kb, ib), (kb, ib, ka, ia),
                (ka, ia, kb, ib), (kb, ib, None, ia)]
        for p in range(4):
            in_k, in_i, out_k, out_i = bufs[p]
            shift = jnp.int32(8 * p)

            @plsc.parallel_loop(0, NBINS, unroll=8)
            def _zero(j):
                hist[pl.ds(j * LANES, LANES)] = jnp.zeros((LANES,), jnp.int32)

            @plsc.parallel_loop(0, ROWS, unroll=8)
            def _count(j, in_k=in_k):
                key = _row(in_k, j)
                d = jnp.bitwise_and(
                    lax.shift_right_logical(key, shift), jnp.int32(255))
                addr = d * LANES + iota
                plsc.addupdate_scatter(hist, [addr],
                                       jnp.ones((LANES,), jnp.int32))

            def excl(j, carry):
                v = _row(hist, j)
                inc = jnp.cumsum(v)
                hist[pl.ds(j * LANES, LANES)] = inc - v + carry
                return carry + jnp.sum(v)

            lax.fori_loop(0, NBINS, excl, jnp.zeros((LANES,), jnp.int32),
                          unroll=4)

            def posl(j, _, in_k=in_k):
                key = _row(in_k, j)
                d = jnp.bitwise_and(
                    lax.shift_right_logical(key, shift), jnp.int32(255))
                addr = d * LANES + iota
                pos = plsc.load_gather(hist, [addr])
                plsc.store_scatter(hist, [addr], pos + 1)
                pb[pl.ds(j * LANES, LANES)] = pos
                return 0

            lax.fori_loop(0, ROWS, posl, 0, unroll=4)

            @plsc.parallel_loop(0, ROWS, unroll=8)
            def _out(j, in_k=in_k, in_i=in_i, out_k=out_k, out_i=out_i,
                     last=(p == 3)):
                idx = _row(in_i, j)
                pos = _row(pb, j)
                if last:
                    plsc.store_scatter(out_i, [pos], idx)
                else:
                    key = _row(in_k, j)
                    pa = jnp.bitwise_and(pos, jnp.int32(ROWS - 1)) * LANES + \
                        lax.shift_right_logical(pos, jnp.int32(9))
                    plsc.store_scatter(out_k, [pa], key)
                    plsc.store_scatter(out_i, [pa], idx)

        pltpu.sync_copy(ia.at[pl.ds(0, TPE)], idx_out.at[e])

    plsc.subcore_barrier()

    @pl.when(core == 0)
    def _():
        w = sub
        base = w * (TOKENS // LANES)

        @plsc.parallel_loop(0, ROWS, unroll=8)
        def _zrow(j):
            maskbuf[j] = jnp.zeros((LANES,), jnp.float32)

        for e in range(NUM_EXPERTS):
            ev = jnp.full((LANES,), e, jnp.int32)
            pltpu.sync_copy(idx_out.at[e], aidx)

            @plsc.parallel_loop(0, TPE // LANES, unroll=4)
            def _fill(c, ev=ev):
                idxv = aidx[pl.ds(c * LANES, LANES)]
                m = jnp.logical_and(idxv >= base, idxv < base + ROWS)
                plsc.store_scatter(maskbuf, [idxv - base, ev], ones16, mask=m)

        pltpu.sync_copy(maskbuf, mask_out.at[pl.ds(base, ROWS)])


def _sc_topk(logits_t):
    mesh = plsc.VectorSubcoreMesh(core_axis_name="c", subcore_axis_name="s")
    f = pl.kernel(
        _sc_body,
        mesh=mesh,
        compiler_params=pltpu.CompilerParams(needs_layout_passes=False),
        out_type=[
            jax.ShapeDtypeStruct((NUM_EXPERTS, TPE), jnp.int32),
            jax.ShapeDtypeStruct((TOKENS, NUM_EXPERTS), jnp.float32),
        ],
        scratch_types=[
            pltpu.VMEM((TOKENS,), jnp.float32),
            pltpu.VMEM((TOKENS,), jnp.int32),
            pltpu.VMEM((TOKENS,), jnp.int32),
            pltpu.VMEM((TOKENS,), jnp.int32),
            pltpu.VMEM((TOKENS,), jnp.int32),
            pltpu.VMEM((TOKENS,), jnp.int32),
            pltpu.VMEM((NBINS * LANES,), jnp.int32),
            pltpu.VMEM((ROWS, LANES), jnp.float32),
            pltpu.VMEM((TPE,), jnp.int32),
        ],
    )
    return f(logits_t)


def _loss_body(m_ref, o_ref):
    load = jnp.sum(m_ref[...], axis=0)
    mean = jnp.mean(load)
    o_ref[...] = jnp.reshape(jnp.mean(load * jnp.log(load / mean)), (1, 1))


def _loss(mask):
    out = pl.pallas_call(
        _loss_body,
        out_shape=jax.ShapeDtypeStruct((1, 1), jnp.float32),
    )(mask)
    return jnp.reshape(out, ())


def kernel(x, W):
    logits_t = _logits_t(x, W)
    expert_indices, dispatch_mask, = _sc_topk(logits_t)
    loss = _loss(dispatch_mask)
    return expert_indices, dispatch_mask, loss

# --- scband reference (transcript-rebuilt; emitter-appended) ---
"""Pipeline reference for scband-arctic-expert-choice-router-54211077210369 (READ-ONLY COPY).

The authoritative reference and input builder live on the scoring server;
editing this copy changes nothing except your own understanding.
"""

import jax, jax.numpy as jnp
import numpy as np

NUM_EXPERTS = 16
CAPACITY_FACTOR = 1.25
TOKENS = 8192
HIDDEN = 2048


def setup_inputs(seed: int = 0) -> dict:
    key = jax.random.key(seed)
    k1, k2 = jax.random.split(key)
    x = jax.random.normal(k1, (TOKENS, HIDDEN), dtype=jnp.float32)
    # gate weight, torch nn.Linear(hidden, num_experts, bias=False): W shape [E, hidden]
    W = jax.random.normal(k2, (NUM_EXPERTS, HIDDEN), dtype=jnp.float32) * (1.0 / np.sqrt(HIDDEN))
    return {"x": x, "W": W}


def reference(x, W):
    tokens_per_expert = int(x.shape[0] * CAPACITY_FACTOR / NUM_EXPERTS)
    logits = x @ W.T  # [tokens, E]
    # expert-choice: each expert picks its top tokens_per_expert tokens
    _, expert_indices = jax.lax.top_k(logits.T, tokens_per_expert)  # [E, tpe]
    rows = expert_indices.T.reshape(-1)  # token indices, [tpe*E]
    cols = jnp.tile(jnp.arange(NUM_EXPERTS), tokens_per_expert)  # expert indices, [tpe*E]
    dispatch_mask = jnp.zeros_like(logits).at[rows, cols].set(1.0)
    expert_load = dispatch_mask.sum(axis=0)
    load_balancing_loss = (expert_load * jnp.log(expert_load / expert_load.mean())).mean()
    return expert_indices, dispatch_mask, load_balancing_loss

if __name__ == "__main__":
    import jax
    _d = setup_inputs()
    print(jax.jit(kernel)(*tuple(_d.values())))

</pallas_src>

<mosaic_0001>
#map = affine_map<(d0, d1) -> (0, 0)>
module attributes {stable_mosaic.version = 14 : i64} {
  func.func @_sc_body(%arg0: i32, %arg1: i32, %arg2: memref<16x8192xf32, #tpu.memory_space<hbm>>, %arg3: memref<16x640xi32, #tpu.memory_space<hbm>>, %arg4: memref<8192x16xf32, #tpu.memory_space<hbm>>, %arg5: memref<8192xf32, #tpu.memory_space<vmem>>, %arg6: memref<8192xi32, #tpu.memory_space<vmem>>, %arg7: memref<8192xi32, #tpu.memory_space<vmem>>, %arg8: memref<8192xi32, #tpu.memory_space<vmem>>, %arg9: memref<8192xi32, #tpu.memory_space<vmem>>, %arg10: memref<8192xi32, #tpu.memory_space<vmem>>, %arg11: memref<4096xi32, #tpu.memory_space<vmem>>, %arg12: memref<512x16xf32, #tpu.memory_space<vmem>>, %arg13: memref<640xi32, #tpu.memory_space<vmem>>) attributes {dimension_semantics = [#tpu.dimension_semantics<core_parallel>, #tpu.dimension_semantics<subcore_parallel>], iteration_bounds = array<i64: 2, 16>, scalar_prefetch = 0 : i64, scratch_operands = 9 : i64, tpu.core_type = #tpu.core_type<sc_vector_subcore>, window_params = [{transform_indices = #map}, {transform_indices = #map}, {transform_indices = #map}]} {
    %iota3A = tpu.iota {dimensions = array<i32: 0>} : vector<16xi32>
    %broadcast_in_dim3A = arith.constant 1.000000e+00 : f32
    %broadcast_in_dim3A_0 = vector.broadcast %broadcast_in_dim3A : f32 to vector<16xf32>
    %eq3A = arith.constant 0 : i32
    %eq3A_1 = arith.cmpi eq, %arg0, %eq3A : i32
    %convert_element_type3A = arith.extui %eq3A_1 : i1 to i32
    %cond3A = arith.constant 0 : i32
    %cond3A_2 = arith.cmpi ne, %convert_element_type3A, %cond3A : i32
    scf.if %cond3A_2 {
      "tpu.region"() ({
        %run_scoped3A = tpu.sem_alloc : memref<!tpu.dma_semaphore, #tpu.memory_space<semaphore_mem>>
        %dma_start3A = arith.constant 0 : i32
        %dma_start3A_113 = tpu.memref_slice %arg2[%arg1, %dma_start3A] : memref<16x8192xf32, #tpu.memory_space<hbm>> -> memref<1x8192xf32, #tpu.memory_space<hbm>>
        %dma_start3A_114 = tpu.memref_squeeze %dma_start3A_113 : memref<1x8192xf32, #tpu.memory_space<hbm>> -> memref<8192xf32, #tpu.memory_space<hbm>>
        %dma_start3A_115 = arith.constant 0 : i32
        %dma_start3A_116 = tpu.memref_slice %arg2[%arg1, %dma_start3A_115] : memref<16x8192xf32, #tpu.memory_space<hbm>> -> memref<1x8192xf32, #tpu.memory_space<hbm>>
        %dma_start3A_117 = tpu.memref_squeeze %dma_start3A_116 : memref<1x8192xf32, #tpu.memory_space<hbm>> -> memref<8192xf32, #tpu.memory_space<hbm>>
        tpu.enqueue_dma source(%dma_start3A_117 : memref<8192xf32, #tpu.memory_space<hbm>>) target(%arg5 : memref<8192xf32, #tpu.memory_space<vmem>>) target_semaphore(%run_scoped3A : memref<!tpu.dma_semaphore, #tpu.memory_space<semaphore_mem>>)
        %dma_wait3A = arith.constant 0 : i32
        %dma_wait3A_118 = tpu.memref_slice %arg2[%arg1, %dma_wait3A] : memref<16x8192xf32, #tpu.memory_space<hbm>> -> memref<1x8192xf32, #tpu.memory_space<hbm>>
        %dma_wait3A_119 = tpu.memref_squeeze %dma_wait3A_118 : memref<1x8192xf32, #tpu.memory_space<hbm>> -> memref<8192xf32, #tpu.memory_space<hbm>>
        %dma_wait3A_120 = arith.constant 0 : i32
        %dma_wait3A_121 = tpu.memref_slice %arg2[%arg1, %dma_wait3A_120] : memref<16x8192xf32, #tpu.memory_space<hbm>> -> memref<1x8192xf32, #tpu.memory_space<hbm>>
        %dma_wait3A_122 = tpu.memref_squeeze %dma_wait3A_121 : memref<1x8192xf32, #tpu.memory_space<hbm>> -> memref<8192xf32, #tpu.memory_space<hbm>>
        tpu.wait_dma2 semaphore(%run_scoped3A : memref<!tpu.dma_semaphore, #tpu.memory_space<semaphore_mem>>) src(%dma_wait3A_122 : memref<8192xf32, #tpu.memory_space<hbm>>) dst(%arg5 : memref<8192xf32, #tpu.memory_space<vmem>>)
        tpu.yield
      }) : () -> ()
      %parallel_loop3A = arith.constant 0 : i32
      %parallel_loop3A_8 = arith.constant 512 : i32
      %parallel_loop3A_9 = arith.constant 1 : i32
      scf.for %parallel_loop3A_113 = %parallel_loop3A to %parallel_loop3A_8 step %parallel_loop3A_9  : i32 {
        %parallel_loop3A_114 = arith.constant 512 : i32
        %parallel_loop3A_115 = vector.broadcast %parallel_loop3A_114 : i32 to vector<16xi32>
        %parallel_loop3A_116 = arith.muli %iota3A, %parallel_loop3A_115 : vector<16xi32>
        %parallel_loop3A_117 = vector.broadcast %parallel_loop3A_113 : i32 to vector<16xi32>
        %parallel_loop3A_118 = arith.addi %parallel_loop3A_116, %parallel_loop3A_117 : vector<16xi32>
        %parallel_loop3A_119 = tpu.vector_load_idx %arg5[%parallel_loop3A_118] : memref<8192xf32, #tpu.memory_space<vmem>>[vector<16xi32>], vector<16xf32>,
        %parallel_loop3A_120 = tpu.bitcast %parallel_loop3A_119 : vector<16xf32> -> vector<16xi32>
        %parallel_loop3A_121 = arith.constant 0 : i32
        %parallel_loop3A_122 = vector.broadcast %parallel_loop3A_121 : i32 to vector<16xi32>
        %parallel_loop3A_123 = arith.cmpi slt, %parallel_loop3A_120, %parallel_loop3A_122 : vector<16xi32>
        %parallel_loop3A_124 = arith.constant dense<-1> : vector<16xi32>
        %parallel_loop3A_125 = arith.xori %parallel_loop3A_120, %parallel_loop3A_124 : vector<16xi32>
        %parallel_loop3A_126 = arith.constant -2147483648 : i32
        %parallel_loop3A_127 = vector.broadcast %parallel_loop3A_126 : i32 to vector<16xi32>
        %parallel_loop3A_128 = arith.ori %parallel_loop3A_120, %parallel_loop3A_127 : vector<16xi32>
        %parallel_loop3A_129 = arith.select %parallel_loop3A_123, %parallel_loop3A_125, %parallel_loop3A_128 : vector<16xi1>, vector<16xi32>
        %parallel_loop3A_130 = arith.constant -1 : i32
        %parallel_loop3A_131 = vector.broadcast %parallel_loop3A_130 : i32 to vector<16xi32>
        %parallel_loop3A_132 = arith.xori %parallel_loop3A_129, %parallel_loop3A_131 : vector<16xi32>
        %parallel_loop3A_133 = arith.constant 16 : i32
        %parallel_loop3A_134 = arith.muli %parallel_loop3A_113, %parallel_loop3A_133 : i32
        %parallel_loop3A_135 = arith.index_cast %parallel_loop3A_134 : i32 to index
        %parallel_loop3A_136 = tpu.vector_load %arg6[%parallel_loop3A_135] {strides = array<i32>} : memref<8192xi32, #tpu.memory_space<vmem>>, vector<16xi32>,
        tpu.vector_store %arg6[%parallel_loop3A_135], %parallel_loop3A_132 {strides = array<i32>} : memref<8192xi32, #tpu.memory_space<vmem>>, vector<16xi32>,
        %parallel_loop3A_137 = arith.constant 16 : i32
        %parallel_loop3A_138 = arith.muli %parallel_loop3A_113, %parallel_loop3A_137 : i32
        %parallel_loop3A_139 = arith.index_cast %parallel_loop3A_138 : i32 to index
        %parallel_loop3A_140 = tpu.vector_load %arg8[%parallel_loop3A_139] {strides = array<i32>} : memref<8192xi32, #tpu.memory_space<vmem>>, vector<16xi32>,
        tpu.vector_store %arg8[%parallel_loop3A_139], %parallel_loop3A_118 {strides = array<i32>} : memref<8192xi32, #tpu.memory_space<vmem>>, vector<16xi32>,
      } {sc.loop_unroll_factor = 4 : i64, sc.parallel_access}
      %parallel_loop3A_10 = arith.constant 0 : i32
      %parallel_loop3A_11 = arith.constant 256 : i32
      %parallel_loop3A_12 = arith.constant 1 : i32
      scf.for %parallel_loop3A_113 = %parallel_loop3A_10 to %parallel_loop3A_11 step %parallel_loop3A_12  : i32 {
        %parallel_loop3A_114 = arith.constant 0 : i32
        %parallel_loop3A_115 = vector.broadcast %parallel_loop3A_114 : i32 to vector<16xi32>
        %parallel_loop3A_116 = arith.constant 16 : i32
        %parallel_loop3A_117 = arith.muli %parallel_loop3A_113, %parallel_loop3A_116 : i32
        %parallel_loop3A_118 = arith.index_cast %parallel_loop3A_117 : i32 to index
        %parallel_loop3A_119 = tpu.vector_load %arg11[%parallel_loop3A_118] {strides = array<i32>} : memref<4096xi32, #tpu.memory_space<vmem>>, vector<16xi32>,
        tpu.vector_store %arg11[%parallel_loop3A_118], %parallel_loop3A_115 {strides = array<i32>} : memref<4096xi32, #tpu.memory_space<vmem>>, vector<16xi32>,
      } {sc.loop_unroll_factor = 8 : i64, sc.parallel_access}
      %parallel_loop3A_13 = arith.constant 0 : i32
      %parallel_loop3A_14 = arith.constant 512 : i32
      %parallel_loop3A_15 = arith.constant 1 : i32
      %parallel_loop3A_16 = arith.constant 0 : i32
      scf.for %parallel_loop3A_113 = %parallel_loop3A_13 to %parallel_loop3A_14 step %parallel_loop3A_15  : i32 {
        %parallel_loop3A_114 = arith.constant 16 : i32
        %parallel_loop3A_115 = arith.muli %parallel_loop3A_113, %parallel_loop3A_114 : i32
        %parallel_loop3A_116 = arith.index_cast %parallel_loop3A_115 : i32 to index
        %parallel_loop3A_117 = tpu.vector_load %arg6[%parallel_loop3A_116] {strides = array<i32>} : memref<8192xi32, #tpu.memory_space<vmem>>, vector<16xi32>,
        %parallel_loop3A_118 = vector.broadcast %parallel_loop3A_16 : i32 to vector<16xi32>
        %parallel_loop3A_119 = arith.shrui %parallel_loop3A_117, %parallel_loop3A_118 : vector<16xi32>
        %parallel_loop3A_120 = arith.constant 255 : i32
        %parallel_loop3A_121 = vector.broadcast %parallel_loop3A_120 : i32 to vector<16xi32>
        %parallel_loop3A_122 = arith.andi %parallel_loop3A_119, %parallel_loop3A_121 : vector<16xi32>
        %parallel_loop3A_123 = arith.constant 16 : i32
        %parallel_loop3A_124 = vector.broadcast %parallel_loop3A_123 : i32 to vector<16xi32>
        %parallel_loop3A_125 = arith.muli %parallel_loop3A_122, %parallel_loop3A_124 : vector<16xi32>
        %parallel_loop3A_126 = arith.addi %parallel_loop3A_125, %iota3A : vector<16xi32>
        %parallel_loop3A_127 = arith.constant 1 : i32
        %parallel_loop3A_128 = vector.broadcast %parallel_loop3A_127 : i32 to vector<16xi32>
        tpu.vector_store_idx %arg11[%parallel_loop3A_126], %parallel_loop3A_128 {add = true} : memref<4096xi32, #tpu.memory_space<vmem>>[vector<16xi32>], vector<16xi32>,
      } {sc.loop_unroll_factor = 8 : i64, sc.parallel_access}
      %broadcast_in_dim3A_17 = arith.constant 0 : i32
      %broadcast_in_dim3A_18 = vector.broadcast %broadcast_in_dim3A_17 : i32 to vector<16xi32>
      %scan3A = arith.constant 0 : i32
      %scan3A_19 = arith.constant 256 : i32
      %scan3A_20 = arith.addi %scan3A, %scan3A_19 : i32
      %scan3A_21 = arith.constant 4 : i32
      %scan3A_22 = scf.for %scan3A_113 = %scan3A to %scan3A_20 step %scan3A_21 iter_args(%scan3A_114 = %broadcast_in_dim3A_18) -> (vector<16xi32>)  : i32 {
        %mul3A = arith.constant 16 : i32
        %mul3A_115 = arith.muli %scan3A_113, %mul3A : i32
        %get3A = arith.index_cast %mul3A_115 : i32 to index
        %get3A_116 = tpu.vector_load %arg11[%get3A] {strides = array<i32>} : memref<4096xi32, #tpu.memory_space<vmem>>, vector<16xi32>,
        %cumsum3A = arith.constant true
        %cumsum3A_117 = vector.broadcast %cumsum3A : i1 to vector<16xi1>
        %cumsum3A_118 = tpu.scan <sum>, %get3A_116 masked %cumsum3A_117 : vector<16xi32>, vector<16xi1> -> vector<16xi32>
        %sub3A = arith.subi %cumsum3A_118, %get3A_116 : vector<16xi32>
        %add3A = arith.addi %sub3A, %scan3A_114 : vector<16xi32>
        %mul3A_119 = arith.constant 16 : i32
        %mul3A_120 = arith.muli %scan3A_113, %mul3A_119 : i32
        %swap3A = arith.index_cast %mul3A_120 : i32 to index
        %swap3A_121 = tpu.vector_load %arg11[%swap3A] {strides = array<i32>} : memref<4096xi32, #tpu.memory_space<vmem>>, vector<16xi32>,
        tpu.vector_store %arg11[%swap3A], %add3A {strides = array<i32>} : memref<4096xi32, #tpu.memory_space<vmem>>, vector<16xi32>,
        %reduce_sum3A = arith.constant true
        %reduce_sum3A_122 = vector.broadcast %reduce_sum3A : i1 to vector<16xi1>
        %reduce_sum3A_123 = tpu.scan <sum>, %get3A_116 masked %reduce_sum3A_122 : vector<16xi32>, vector<16xi1> -> vector<16xi32>
        %reduce_sum3A_124 = vector.extract %reduce_sum3A_123[15] : i32 from vector<16xi32>
        %add3A_125 = vector.broadcast %reduce_sum3A_124 : i32 to vector<16xi32>
        %add3A_126 = arith.addi %scan3A_114, %add3A_125 : vector<16xi32>
        %scan3A_127 = arith.constant 1 : i32
        %scan3A_128 = arith.addi %scan3A_113, %scan3A_127 : i32
        %mul3A_129 = arith.constant 16 : i32
        %mul3A_130 = arith.muli %scan3A_128, %mul3A_129 : i32
        %get3A_131 = arith.index_cast %mul3A_130 : i32 to index
        %get3A_132 = tpu.vector_load %arg11[%get3A_131] {strides = array<i32>} : memref<4096xi32, #tpu.memory_space<vmem>>, vector<16xi32>,
        %cumsum3A_133 = arith.constant true
        %cumsum3A_134 = vector.broadcast %cumsum3A_133 : i1 to vector<16xi1>
        %cumsum3A_135 = tpu.scan <sum>, %get3A_132 masked %cumsum3A_134 : vector<16xi32>, vector<16xi1> -> vector<16xi32>
        %sub3A_136 = arith.subi %cumsum3A_135, %get3A_132 : vector<16xi32>
        %add3A_137 = arith.addi %sub3A_136, %add3A_126 : vector<16xi32>
        %mul3A_138 = arith.constant 16 : i32
        %mul3A_139 = arith.muli %scan3A_128, %mul3A_138 : i32
        %swap3A_140 = arith.index_cast %mul3A_139 : i32 to index
        %swap3A_141 = tpu.vector_load %arg11[%swap3A_140] {strides = array<i32>} : memref<4096xi32, #tpu.memory_space<vmem>>, vector<16xi32>,
        tpu.vector_store %arg11[%swap3A_140], %add3A_137 {strides = array<i32>} : memref<4096xi32, #tpu.memory_space<vmem>>, vector<16xi32>,
        %reduce_sum3A_142 = arith.constant true
        %reduce_sum3A_143 = vector.broadcast %reduce_sum3A_142 : i1 to vector<16xi1>
        %reduce_sum3A_144 = tpu.scan <sum>, %get3A_132 masked %reduce_sum3A_143 : vector<16xi32>, vector<16xi1> -> vector<16xi32>
        %reduce_sum3A_145 = vector.extract %reduce_sum3A_144[15] : i32 from vector<16xi32>
        %add3A_146 = vector.broadcast %reduce_sum3A_145 : i32 to vector<16xi32>
        %add3A_147 = arith.addi %add3A_126, %add3A_146 : vector<16xi32>
        %scan3A_148 = arith.constant 2 : i32
        %scan3A_149 = arith.addi %scan3A_113, %scan3A_148 : i32
        %mul3A_150 = arith.constant 16 : i32
        %mul3A_151 = arith.muli %scan3A_149, %mul3A_150 : i32
        %get3A_152 = arith.index_cast %mul3A_151 : i32 to index
        %get3A_153 = tpu.vector_load %arg11[%get3A_152] {strides = array<i32>} : memref<4096xi32, #tpu.memory_space<vmem>>, vector<16xi32>,
        %cumsum3A_154 = arith.constant true
        %cumsum3A_155 = vector.broadcast %cumsum3A_154 : i1 to vector<16xi1>
        %cumsum3A_156 = tpu.scan <sum>, %get3A_153 masked %cumsum3A_155 : vector<16xi32>, vector<16xi1> -> vector<16xi32>
        %sub3A_157 = arith.subi %cumsum3A_156, %get3A_153 : vector<16xi32>
        %add3A_158 = arith.addi %sub3A_157, %add3A_147 : vector<16xi32>
        %mul3A_159 = arith.constant 16 : i32
        %mul3A_160 = arith.muli %scan3A_149, %mul3A_159 : i32
        %swap3A_161 = arith.index_cast %mul3A_160 : i32 to index
        %swap3A_162 = tpu.vector_load %arg11[%swap3A_161] {strides = array<i32>} : memref<4096xi32, #tpu.memory_space<vmem>>, vector<16xi32>,
        tpu.vector_store %arg11[%swap3A_161], %add3A_158 {strides = array<i32>} : memref<4096xi32, #tpu.memory_space<vmem>>, vector<16xi32>,
        %reduce_sum3A_163 = arith.constant true
        %reduce_sum3A_164 = vector.broadcast %reduce_sum3A_163 : i1 to vector<16xi1>
        %reduce_sum3A_165 = tpu.scan <sum>, %get3A_153 masked %reduce_sum3A_164 : vector<16xi32>, vector<16xi1> -> vector<16xi32>
        %reduce_sum3A_166 = vector.extract %reduce_sum3A_165[15] : i32 from vector<16xi32>
        %add3A_167 = vector.broadcast %reduce_sum3A_166 : i32 to vector<16xi32>
        %add3A_168 = arith.addi %add3A_147, %add3A_167 : vector<16xi32>
        %scan3A_169 = arith.constant 3 : i32
        %scan3A_170 = arith.addi %scan3A_113, %scan3A_169 : i32
        %mul3A_171 = arith.constant 16 : i32
        %mul3A_172 = arith.muli %scan3A_170, %mul3A_171 : i32
        %get3A_173 = arith.index_cast %mul3A_172 : i32 to index
        %get3A_174 = tpu.vector_load %arg11[%get3A_173] {strides = array<i32>} : memref<4096xi32, #tpu.memory_space<vmem>>, vector<16xi32>,
        %cumsum3A_175 = arith.constant true
        %cumsum3A_176 = vector.broadcast %cumsum3A_175 : i1 to vector<16xi1>
        %cumsum3A_177 = tpu.scan <sum>, %get3A_174 masked %cumsum3A_176 : vector<16xi32>, vector<16xi1> -> vector<16xi32>
        %sub3A_178 = arith.subi %cumsum3A_177, %get3A_174 : vector<16xi32>
        %add3A_179 = arith.addi %sub3A_178, %add3A_168 : vector<16xi32>
        %mul3A_180 = arith.constant 16 : i32
        %mul3A_181 = arith.muli %scan3A_170, %mul3A_180 : i32
        %swap3A_182 = arith.index_cast %mul3A_181 : i32 to index
        %swap3A_183 = tpu.vector_load %arg11[%swap3A_182] {strides = array<i32>} : memref<4096xi32, #tpu.memory_space<vmem>>, vector<16xi32>,
        tpu.vector_store %arg11[%swap3A_182], %add3A_179 {strides = array<i32>} : memref<4096xi32, #tpu.memory_space<vmem>>, vector<16xi32>,
        %reduce_sum3A_184 = arith.constant true
        %reduce_sum3A_185 = vector.broadcast %reduce_sum3A_184 : i1 to vector<16xi1>
        %reduce_sum3A_186 = tpu.scan <sum>, %get3A_174 masked %reduce_sum3A_185 : vector<16xi32>, vector<16xi1> -> vector<16xi32>
        %reduce_sum3A_187 = vector.extract %reduce_sum3A_186[15] : i32 from vector<16xi32>
        %add3A_188 = vector.broadcast %reduce_sum3A_187 : i32 to vector<16xi32>
        %add3A_189 = arith.addi %add3A_168, %add3A_188 : vector<16xi32>
        scf.yield %add3A_189 : vector<16xi32>
      }
      %scan3A_23 = arith.constant 256 : i32
      %scan3A_24 = arith.constant 0 : i32
      %scan3A_25 = arith.constant 0 : i32
      %scan3A_26 = arith.constant 0 : i32
      %scan3A_27 = arith.constant 512 : i32
      %scan3A_28 = arith.addi %scan3A_26, %scan3A_27 : i32
      %scan3A_29 = arith.constant 4 : i32
      %scan3A_30 = scf.for %scan3A_113 = %scan3A_26 to %scan3A_28 step %scan3A_29 iter_args(%scan3A_114 = %scan3A_25) -> (i32)  : i32 {
        %mul3A = arith.constant 16 : i32
        %mul3A_115 = arith.muli %scan3A_113, %mul3A : i32
        %get3A = arith.index_cast %mul3A_115 : i32 to index
        %get3A_116 = tpu.vector_load %arg6[%get3A] {strides = array<i32>} : memref<8192xi32, #tpu.memory_space<vmem>>, vector<16xi32>,
        %shift_right_logical3A = vector.broadcast %scan3A_24 : i32 to vector<16xi32>
        %shift_right_logical3A_117 = arith.shrui %get3A_116, %shift_right_logical3A : vector<16xi32>
        %and3A = arith.constant 255 : i32
        %and3A_118 = vector.broadcast %and3A : i32 to vector<16xi32>
        %and3A_119 = arith.andi %shift_right_logical3A_117, %and3A_118 : vector<16xi32>
        %mul3A_120 = arith.constant 16 : i32
        %mul3A_121 = vector.broadcast %mul3A_120 : i32 to vector<16xi32>
        %mul3A_122 = arith.muli %and3A_119, %mul3A_121 : vector<16xi32>
        %add3A = arith.addi %mul3A_122, %iota3A : vector<16xi32>
        %gather3A = tpu.vector_load_idx %arg11[%add3A] : memref<4096xi32, #tpu.memory_space<vmem>>[vector<16xi32>], vector<16xi32>,
        %add3A_123 = arith.constant 1 : i32
        %add3A_124 = vector.broadcast %add3A_123 : i32 to vector<16xi32>
        %add3A_125 = arith.addi %gather3A, %add3A_124 : vector<16xi32>
        tpu.vector_store_idx %arg11[%add3A], %add3A_125 : memref<4096xi32, #tpu.memory_space<vmem>>[vector<16xi32>], vector<16xi32>,
        %mul3A_126 = arith.constant 16 : i32
        %mul3A_127 = arith.muli %scan3A_113, %mul3A_126 : i32
        %swap3A = arith.index_cast %mul3A_127 : i32 to index
        %swap3A_128 = tpu.vector_load %arg10[%swap3A] {strides = array<i32>} : memref<8192xi32, #tpu.memory_space<vmem>>, vector<16xi32>,
        tpu.vector_store %arg10[%swap3A], %gather3A {strides = array<i32>} : memref<8192xi32, #tpu.memory_space<vmem>>, vector<16xi32>,
        %scan3A_129 = arith.constant 0 : i32
        %scan3A_130 = arith.constant 1 : i32
        %scan3A_131 = arith.addi %scan3A_113, %scan3A_130 : i32
        %mul3A_132 = arith.constant 16 : i32
        %mul3A_133 = arith.muli %scan3A_131, %mul3A_132 : i32
        %get3A_134 = arith.index_cast %mul3A_133 : i32 to index
        %get3A_135 = tpu.vector_load %arg6[%get3A_134] {strides = array<i32>} : memref<8192xi32, #tpu.memory_space<vmem>>, vector<16xi32>,
        %shift_right_logical3A_136 = vector.broadcast %scan3A_24 : i32 to vector<16xi32>
        %shift_right_logical3A_137 = arith.shrui %get3A_135, %shift_right_logical3A_136 : vector<16xi32>
        %and3A_138 = arith.constant 255 : i32
        %and3A_139 = vector.broadcast %and3A_138 : i32 to vector<16xi32>
        %and3A_140 = arith.andi %shift_right_logical3A_137, %and3A_139 : vector<16xi32>
        %mul3A_141 = arith.constant 16 : i32
        %mul3A_142 = vector.broadcast %mul3A_141 : i32 to vector<16xi32>
        %mul3A_143 = arith.muli %and3A_140, %mul3A_142 : vector<16xi32>
        %add3A_144 = arith.addi %mul3A_143, %iota3A : vector<16xi32>
        %gather3A_145 = tpu.vector_load_idx %arg11[%add3A_144] : memref<4096xi32, #tpu.memory_space<vmem>>[vector<16xi32>], vector<16xi32>,
        %add3A_146 = arith.constant 1 : i32
        %add3A_147 = vector.broadcast %add3A_146 : i32 to vector<16xi32>
        %add3A_148 = arith.addi %gather3A_145, %add3A_147 : vector<16xi32>
        tpu.vector_store_idx %arg11[%add3A_144], %add3A_148 : memref<4096xi32, #tpu.memory_space<vmem>>[vector<16xi32>], vector<16xi32>,
        %mul3A_149 = arith.constant 16 : i32
        %mul3A_150 = arith.muli %scan3A_131, %mul3A_149 : i32
        %swap3A_151 = arith.index_cast %mul3A_150 : i32 to index
        %swap3A_152 = tpu.vector_load %arg10[%swap3A_151] {strides = array<i32>} : memref<8192xi32, #tpu.memory_space<vmem>>, vector<16xi32>,
        tpu.vector_store %arg10[%swap3A_151], %gather3A_145 {strides = array<i32>} : memref<8192xi32, #tpu.memory_space<vmem>>, vector<16xi32>,
        %scan3A_153 = arith.constant 0 : i32
        %scan3A_154 = arith.constant 2 : i32
        %scan3A_155 = arith.addi %scan3A_113, %scan3A_154 : i32
        %mul3A_156 = arith.constant 16 : i32
        %mul3A_157 = arith.muli %scan3A_155, %mul3A_156 : i32
        %get3A_158 = arith.index_cast %mul3A_157 : i32 to index
        %get3A_159 = tpu.vector_load %arg6[%get3A_158] {strides = array<i32>} : memref<8192xi32, #tpu.memory_space<vmem>>, vector<16xi32>,
        %shift_right_logical3A_160 = vector.broadcast %scan3A_24 : i32 to vector<16xi32>
        %shift_right_logical3A_161 = arith.shrui %get3A_159, %shift_right_logical3A_160 : vector<16xi32>
        %and3A_162 = arith.constant 255 : i32
        %and3A_163 = vector.broadcast %and3A_162 : i32 to vector<16xi32>
        %and3A_164 = arith.andi %shift_right_logical3A_161, %and3A_163 : vector<16xi32>
        %mul3A_165 = arith.constant 16 : i32
        %mul3A_166 = vector.broadcast %mul3A_165 : i32 to vector<16xi32>
        %mul3A_167 = arith.muli %and3A_164, %mul3A_166 : vector<16xi32>
        %add3A_168 = arith.addi %mul3A_167, %iota3A : vector<16xi32>
        %gather3A_169 = tpu.vector_load_idx %arg11[%add3A_168] : memref<4096xi32, #tpu.memory_space<vmem>>[vector<16xi32>], vector<16xi32>,
        %add3A_170 = arith.constant 1 : i32
        %add3A_171 = vector.broadcast %add3A_170 : i32 to vector<16xi32>
        %add3A_172 = arith.addi %gather3A_169, %add3A_171 : vector<16xi32>
        tpu.vector_store_idx %arg11[%add3A_168], %add3A_172 : memref<4096xi32, #tpu.memory_space<vmem>>[vector<16xi32>], vector<16xi32>,
        %mul3A_173 = arith.constant 16 : i32
        %mul3A_174 = arith.muli %scan3A_155, %mul3A_173 : i32
        %swap3A_175 = arith.index_cast %mul3A_174 : i32 to index
        %swap3A_176 = tpu.vector_load %arg10[%swap3A_175] {strides = array<i32>} : memref<8192xi32, #tpu.memory_space<vmem>>, vector<16xi32>,
        tpu.vector_store %arg10[%swap3A_175], %gather3A_169 {strides = array<i32>} : memref<8192xi32, #tpu.memory_space<vmem>>, vector<16xi32>,
        %scan3A_177 = arith.constant 0 : i32
        %scan3A_178 = arith.constant 3 : i32
        %scan3A_179 = arith.addi %scan3A_113, %scan3A_178 : i32
        %mul3A_180 = arith.constant 16 : i32
        %mul3A_181 = arith.muli %scan3A_179, %mul3A_180 : i32
        %get3A_182 = arith.index_cast %mul3A_181 : i32 to index
        %get3A_183 = tpu.vector_load %arg6[%get3A_182] {strides = array<i32>} : memref<8192xi32, #tpu.memory_space<vmem>>, vector<16xi32>,
        %shift_right_logical3A_184 = vector.broadcast %scan3A_24 : i32 to vector<16xi32>
        %shift_right_logical3A_185 = arith.shrui %get3A_183, %shift_right_logical3A_184 : vector<16xi32>
        %and3A_186 = arith.constant 255 : i32
        %and3A_187 = vector.broadcast %and3A_186 : i32 to vector<16xi32>
        %and3A_188 = arith.andi %shift_right_logical3A_185, %and3A_187 : vector<16xi32>
        %mul3A_189 = arith.constant 16 : i32
        %mul3A_190 = vector.broadcast %mul3A_189 : i32 to vector<16xi32>
        %mul3A_191 = arith.muli %and3A_188, %mul3A_190 : vector<16xi32>
        %add3A_192 = arith.addi %mul3A_191, %iota3A : vector<16xi32>
        %gather3A_193 = tpu.vector_load_idx %arg11[%add3A_192] : memref<4096xi32, #tpu.memory_space<vmem>>[vector<16xi32>], vector<16xi32>,
        %add3A_194 = arith.constant 1 : i32
        %add3A_195 = vector.broadcast %add3A_194 : i32 to vector<16xi32>
        %add3A_196 = arith.addi %gather3A_193, %add3A_195 : vector<16xi32>
        tpu.vector_store_idx %arg11[%add3A_192], %add3A_196 : memref<4096xi32, #tpu.memory_space<vmem>>[vector<16xi32>], vector<16xi32>,
        %mul3A_197 = arith.constant 16 : i32
        %mul3A_198 = arith.muli %scan3A_179, %mul3A_197 : i32
        %swap3A_199 = arith.index_cast %mul3A_198 : i32 to index
        %swap3A_200 = tpu.vector_load %arg10[%swap3A_199] {strides = array<i32>} : memref<8192xi32, #tpu.memory_space<vmem>>, vector<16xi32>,
        tpu.vector_store %arg10[%swap3A_199], %gather3A_193 {strides = array<i32>} : memref<8192xi32, #tpu.memory_space<vmem>>, vector<16xi32>,
        %scan3A_201 = arith.constant 0 : i32
        scf.yield %scan3A_201 : i32
      }
      %scan3A_31 = arith.constant 512 : i32
      %parallel_loop3A_32 = arith.constant 0 : i32
      %parallel_loop3A_33 = arith.constant 512 : i32
      %parallel_loop3A_34 = arith.constant 1 : i32
      scf.for %parallel_loop3A_113 = %parallel_loop3A_32 to %parallel_loop3A_33 step %parallel_loop3A_34  : i32 {
        %parallel_loop3A_114 = arith.constant 16 : i32
        %parallel_loop3A_115 = arith.muli %parallel_loop3A_113, %parallel_loop3A_114 : i32
        %parallel_loop3A_116 = arith.index_cast %parallel_loop3A_115 : i32 to index
        %parallel_loop3A_117 = tpu.vector_load %arg8[%parallel_loop3A_116] {strides = array<i32>} : memref<8192xi32, #tpu.memory_space<vmem>>, vector<16xi32>,
        %parallel_loop3A_118 = arith.constant 16 : i32
        %parallel_loop3A_119 = arith.muli %parallel_loop3A_113, %parallel_loop3A_118 : i32
        %parallel_loop3A_120 = arith.index_cast %parallel_loop3A_119 : i32 to index
        %parallel_loop3A_121 = tpu.vector_load %arg10[%parallel_loop3A_120] {strides = array<i32>} : memref<8192xi32, #tpu.memory_space<vmem>>, vector<16xi32>,
        %parallel_loop3A_122 = arith.constant 16 : i32
        %parallel_loop3A_123 = arith.muli %parallel_loop3A_113, %parallel_loop3A_122 : i32
        %parallel_loop3A_124 = arith.index_cast %parallel_loop3A_123 : i32 to index
        %parallel_loop3A_125 = tpu.vector_load %arg6[%parallel_loop3A_124] {strides = array<i32>} : memref<8192xi32, #tpu.memory_space<vmem>>, vector<16xi32>,
        %parallel_loop3A_126 = arith.constant 511 : i32
        %parallel_loop3A_127 = vector.broadcast %parallel_loop3A_126 : i32 to vector<16xi32>
        %parallel_loop3A_128 = arith.andi %parallel_loop3A_121, %parallel_loop3A_127 : vector<16xi32>
        %parallel_loop3A_129 = arith.constant 16 : i32
        %parallel_loop3A_130 = vector.broadcast %parallel_loop3A_129 : i32 to vector<16xi32>
        %parallel_loop3A_131 = arith.muli %parallel_loop3A_128, %parallel_loop3A_130 : vector<16xi32>
        %parallel_loop3A_132 = arith.constant 9 : i32
        %parallel_loop3A_133 = vector.broadcast %parallel_loop3A_132 : i32 to vector<16xi32>
        %parallel_loop3A_134 = arith.shrui %parallel_loop3A_121, %parallel_loop3A_133 : vector<16xi32>
        %parallel_loop3A_135 = arith.addi %parallel_loop3A_131, %parallel_loop3A_134 : vector<16xi32>
        tpu.vector_store_idx %arg7[%parallel_loop3A_135], %parallel_loop3A_125 : memref<8192xi32, #tpu.memory_space<vmem>>[vector<16xi32>], vector<16xi32>,
        tpu.vector_store_idx %arg9[%parallel_loop3A_135], %parallel_loop3A_117 : memref<8192xi32, #tpu.memory_space<vmem>>[vector<16xi32>], vector<16xi32>,
      } {sc.loop_unroll_factor = 8 : i64, sc.parallel_access}
      %parallel_loop3A_35 = arith.constant 0 : i32
      %parallel_loop3A_36 = arith.constant 256 : i32
      %parallel_loop3A_37 = arith.constant 1 : i32
      scf.for %parallel_loop3A_113 = %parallel_loop3A_35 to %parallel_loop3A_36 step %parallel_loop3A_37  : i32 {
        %parallel_loop3A_114 = arith.constant 0 : i32
        %parallel_loop3A_115 = vector.broadcast %parallel_loop3A_114 : i32 to vector<16xi32>
        %parallel_loop3A_116 = arith.constant 16 : i32
        %parallel_loop3A_117 = arith.muli %parallel_loop3A_113, %parallel_loop3A_116 : i32
        %parallel_loop3A_118 = arith.index_cast %parallel_loop3A_117 : i32 to index
        %parallel_loop3A_119 = tpu.vector_load %arg11[%parallel_loop3A_118] {strides = array<i32>} : memref<4096xi32, #tpu.memory_space<vmem>>, vector<16xi32>,
        tpu.vector_store %arg11[%parallel_loop3A_118], %parallel_loop3A_115 {strides = array<i32>} : memref<4096xi32, #tpu.memory_space<vmem>>, vector<16xi32>,
      } {sc.loop_unroll_factor = 8 : i64, sc.parallel_access}
      %parallel_loop3A_38 = arith.constant 0 : i32
      %parallel_loop3A_39 = arith.constant 512 : i32
      %parallel_loop3A_40 = arith.constant 1 : i32
      %parallel_loop3A_41 = arith.constant 8 : i32
      scf.for %parallel_loop3A_113 = %parallel_loop3A_38 to %parallel_loop3A_39 step %parallel_loop3A_40  : i32 {
        %parallel_loop3A_114 = arith.constant 16 : i32
        %parallel_loop3A_115 = arith.muli %parallel_loop3A_113, %parallel_loop3A_114 : i32
        %parallel_loop3A_116 = arith.index_cast %parallel_loop3A_115 : i32 to index
        %parallel_loop3A_117 = tpu.vector_load %arg7[%parallel_loop3A_116] {strides = array<i32>} : memref<8192xi32, #tpu.memory_space<vmem>>, vector<16xi32>,
        %parallel_loop3A_118 = vector.broadcast %parallel_loop3A_41 : i32 to vector<16xi32>
        %parallel_loop3A_119 = arith.shrui %parallel_loop3A_117, %parallel_loop3A_118 : vector<16xi32>
        %parallel_loop3A_120 = arith.constant 255 : i32
        %parallel_loop3A_121 = vector.broadcast %parallel_loop3A_120 : i32 to vector<16xi32>
        %parallel_loop3A_122 = arith.andi %parallel_loop3A_119, %parallel_loop3A_121 : vector<16xi32>
        %parallel_loop3A_123 = arith.constant 16 : i32
        %parallel_loop3A_124 = vector.broadcast %parallel_loop3A_123 : i32 to vector<16xi32>
        %parallel_loop3A_125 = arith.muli %parallel_loop3A_122, %parallel_loop3A_124 : vector<16xi32>
        %parallel_loop3A_126 = arith.addi %parallel_loop3A_125, %iota3A : vector<16xi32>
        %parallel_loop3A_127 = arith.constant 1 : i32
        %parallel_loop3A_128 = vector.broadcast %parallel_loop3A_127 : i32 to vector<16xi32>
        tpu.vector_store_idx %arg11[%parallel_loop3A_126], %parallel_loop3A_128 {add = true} : memref<4096xi32, #tpu.memory_space<vmem>>[vector<16xi32>], vector<16xi32>,
      } {sc.loop_unroll_factor = 8 : i64, sc.parallel_access}
      %broadcast_in_dim3A_42 = arith.constant 0 : i32
      %broadcast_in_dim3A_43 = vector.broadcast %broadcast_in_dim3A_42 : i32 to vector<16xi32>
      %scan3A_44 = arith.constant 0 : i32
      %scan3A_45 = arith.constant 256 : i32
      %scan3A_46 = arith.addi %scan3A_44, %scan3A_45 : i32
      %scan3A_47 = arith.constant 4 : i32
      %scan3A_48 = scf.for %scan3A_113 = %scan3A_44 to %scan3A_46 step %scan3A_47 iter_args(%scan3A_114 = %broadcast_in_dim3A_43) -> (vector<16xi32>)  : i32 {
        %mul3A = arith.constant 16 : i32
        %mul3A_115 = arith.muli %scan3A_113, %mul3A : i32
        %get3A = arith.index_cast %mul3A_115 : i32 to index
        %get3A_116 = tpu.vector_load %arg11[%get3A] {strides = array<i32>} : memref<4096xi32, #tpu.memory_space<vmem>>, vector<16xi32>,
        %cumsum3A = arith.constant true
        %cumsum3A_117 = vector.broadcast %cumsum3A : i1 to vector<16xi1>
        %cumsum3A_118 = tpu.scan <sum>, %get3A_116 masked %cumsum3A_117 : vector<16xi32>, vector<16xi1> -> vector<16xi32>
        %sub3A = arith.subi %cumsum3A_118, %get3A_116 : vector<16xi32>
        %add3A = arith.addi %sub3A, %scan3A_114 : vector<16xi32>
        %mul3A_119 = arith.constant 16 : i32
        %mul3A_120 = arith.muli %scan3A_113, %mul3A_119 : i32
        %swap3A = arith.index_cast %mul3A_120 : i32 to index
        %swap3A_121 = tpu.vector_load %arg11[%swap3A] {strides = array<i32>} : memref<4096xi32, #tpu.memory_space<vmem>>, vector<16xi32>,
        tpu.vector_store %arg11[%swap3A], %add3A {strides = array<i32>} : memref<4096xi32, #tpu.memory_space<vmem>>, vector<16xi32>,
        %reduce_sum3A = arith.constant true
        %reduce_sum3A_122 = vector.broadcast %reduce_sum3A : i1 to vector<16xi1>
        %reduce_sum3A_123 = tpu.scan <sum>, %get3A_116 masked %reduce_sum3A_122 : vector<16xi32>, vector<16xi1> -> vector<16xi32>
        %reduce_sum3A_124 = vector.extract %reduce_sum3A_123[15] : i32 from vector<16xi32>
        %add3A_125 = vector.broadcast %reduce_sum3A_124 : i32 to vector<16xi32>
        %add3A_126 = arith.addi %scan3A_114, %add3A_125 : vector<16xi32>
        %scan3A_127 = arith.constant 1 : i32
        %scan3A_128 = arith.addi %scan3A_113, %scan3A_127 : i32
        %mul3A_129 = arith.constant 16 : i32
        %mul3A_130 = arith.muli %scan3A_128, %mul3A_129 : i32
        %get3A_131 = arith.index_cast %mul3A_130 : i32 to index
        %get3A_132 = tpu.vector_load %arg11[%get3A_131] {strides = array<i32>} : memref<4096xi32, #tpu.memory_space<vmem>>, vector<16xi32>,
        %cumsum3A_133 = arith.constant true
        %cumsum3A_134 = vector.broadcast %cumsum3A_133 : i1 to vector<16xi1>
        %cumsum3A_135 = tpu.scan <sum>, %get3A_132 masked %cumsum3A_134 : vector<16xi32>, vector<16xi1> -> vector<16xi32>
        %sub3A_136 = arith.subi %cumsum3A_135, %get3A_132 : vector<16xi32>
        %add3A_137 = arith.addi %sub3A_136, %add3A_126 : vector<16xi32>
        %mul3A_138 = arith.constant 16 : i32
        %mul3A_139 = arith.muli %scan3A_128, %mul3A_138 : i32
        %swap3A_140 = arith.index_cast %mul3A_139 : i32 to index
        %swap3A_141 = tpu.vector_load %arg11[%swap3A_140] {strides = array<i32>} : memref<4096xi32, #tpu.memory_space<vmem>>, vector<16xi32>,
        tpu.vector_store %arg11[%swap3A_140], %add3A_137 {strides = array<i32>} : memref<4096xi32, #tpu.memory_space<vmem>>, vector<16xi32>,
        %reduce_sum3A_142 = arith.constant true
        %reduce_sum3A_143 = vector.broadcast %reduce_sum3A_142 : i1 to vector<16xi1>
        %reduce_sum3A_144 = tpu.scan <sum>, %get3A_132 masked %reduce_sum3A_143 : vector<16xi32>, vector<16xi1> -> vector<16xi32>
        %reduce_sum3A_145 = vector.extract %reduce_sum3A_144[15] : i32 from vector<16xi32>
        %add3A_146 = vector.broadcast %reduce_sum3A_145 : i32 to vector<16xi32>
        %add3A_147 = arith.addi %add3A_126, %add3A_146 : vector<16xi32>
        %scan3A_148 = arith.constant 2 : i32
        %scan3A_149 = arith.addi %scan3A_113, %scan3A_148 : i32
        %mul3A_150 = arith.constant 16 : i32
        %mul3A_151 = arith.muli %scan3A_149, %mul3A_150 : i32
        %get3A_152 = arith.index_cast %mul3A_151 : i32 to index
        %get3A_153 = tpu.vector_load %arg11[%get3A_152] {strides = array<i32>} : memref<4096xi32, #tpu.memory_space<vmem>>, vector<16xi32>,
        %cumsum3A_154 = arith.constant true
        %cumsum3A_155 = vector.broadcast %cumsum3A_154 : i1 to vector<16xi1>
        %cumsum3A_156 = tpu.scan <sum>, %get3A_153 masked %cumsum3A_155 : vector<16xi32>, vector<16xi1> -> vector<16xi32>
        %sub3A_157 = arith.subi %cumsum3A_156, %get3A_153 : vector<16xi32>
        %add3A_158 = arith.addi %sub3A_157, %add3A_147 : vector<16xi32>
        %mul3A_159 = arith.constant 16 : i32
        %mul3A_160 = arith.muli %scan3A_149, %mul3A_159 : i32
        %swap3A_161 = arith.index_cast %mul3A_160 : i32 to index
        %swap3A_162 = tpu.vector_load %arg11[%swap3A_161] {strides = array<i32>} : memref<4096xi32, #tpu.memory_space<vmem>>, vector<16xi32>,
        tpu.vector_store %arg11[%swap3A_161], %add3A_158 {strides = array<i32>} : memref<4096xi32, #tpu.memory_space<vmem>>, vector<16xi32>,
        %reduce_sum3A_163 = arith.constant true
        %reduce_sum3A_164 = vector.broadcast %reduce_sum3A_163 : i1 to vector<16xi1>
        %reduce_sum3A_165 = tpu.scan <sum>, %get3A_153 masked %reduce_sum3A_164 : vector<16xi32>, vector<16xi1> -> vector<16xi32>
        %reduce_sum3A_166 = vector.extract %reduce_sum3A_165[15] : i32 from vector<16xi32>
        %add3A_167 = vector.broadcast %reduce_sum3A_166 : i32 to vector<16xi32>
        %add3A_168 = arith.addi %add3A_147, %add3A_167 : vector<16xi32>
        %scan3A_169 = arith.constant 3 : i32
        %scan3A_170 = arith.addi %scan3A_113, %scan3A_169 : i32
        %mul3A_171 = arith.constant 16 : i32
        %mul3A_172 = arith.muli %scan3A_170, %mul3A_171 : i32
        %get3A_173 = arith.index_cast %mul3A_172 : i32 to index
        %get3A_174 = tpu.vector_load %arg11[%get3A_173] {strides = array<i32>} : memref<4096xi32, #tpu.memory_space<vmem>>, vector<16xi32>,
        %cumsum3A_175 = arith.constant true
        %cumsum3A_176 = vector.broadcast %cumsum3A_175 : i1 to vector<16xi1>
        %cumsum3A_177 = tpu.scan <sum>, %get3A_174 masked %cumsum3A_176 : vector<16xi32>, vector<16xi1> -> vector<16xi32>
        %sub3A_178 = arith.subi %cumsum3A_177, %get3A_174 : vector<16xi32>
        %add3A_179 = arith.addi %sub3A_178, %add3A_168 : vector<16xi32>
        %mul3A_180 = arith.constant 16 : i32
        %mul3A_181 = arith.muli %scan3A_170, %mul3A_180 : i32
        %swap3A_182 = arith.index_cast %mul3A_181 : i32 to index
        %swap3A_183 = tpu.vector_load %arg11[%swap3A_182] {strides = array<i32>} : memref<4096xi32, #tpu.memory_space<vmem>>, vector<16xi32>,
        tpu.vector_store %arg11[%swap3A_182], %add3A_179 {strides = array<i32>} : memref<4096xi32, #tpu.memory_space<vmem>>, vector<16xi32>,
        %reduce_sum3A_184 = arith.constant true
        %reduce_sum3A_185 = vector.broadcast %reduce_sum3A_184 : i1 to vector<16xi1>
        %reduce_sum3A_186 = tpu.scan <sum>, %get3A_174 masked %reduce_sum3A_185 : vector<16xi32>, vector<16xi1> -> vector<16xi32>
        %reduce_sum3A_187 = vector.extract %reduce_sum3A_186[15] : i32 from vector<16xi32>
        %add3A_188 = vector.broadcast %reduce_sum3A_187 : i32 to vector<16xi32>
        %add3A_189 = arith.addi %add3A_168, %add3A_188 : vector<16xi32>
        scf.yield %add3A_189 : vector<16xi32>
      }
      %scan3A_49 = arith.constant 256 : i32
      %scan3A_50 = arith.constant 8 : i32
      %scan3A_51 = arith.constant 0 : i32
      %scan3A_52 = arith.constant 0 : i32
      %scan3A_53 = arith.constant 512 : i32
      %scan3A_54 = arith.addi %scan3A_52, %scan3A_53 : i32
      %scan3A_55 = arith.constant 4 : i32
      %scan3A_56 = scf.for %scan3A_113 = %scan3A_52 to %scan3A_54 step %scan3A_55 iter_args(%scan3A_114 = %scan3A_51) -> (i32)  : i32 {
        %mul3A = arith.constant 16 : i32
        %mul3A_115 = arith.muli %scan3A_113, %mul3A : i32
        %get3A = arith.index_cast %mul3A_115 : i32 to index
        %get3A_116 = tpu.vector_load %arg7[%get3A] {strides = array<i32>} : memref<8192xi32, #tpu.memory_space<vmem>>, vector<16xi32>,
        %shift_right_logical3A = vector.broadcast %scan3A_50 : i32 to vector<16xi32>
        %shift_right_logical3A_117 = arith.shrui %get3A_116, %shift_right_logical3A : vector<16xi32>
        %and3A = arith.constant 255 : i32
        %and3A_118 = vector.broadcast %and3A : i32 to vector<16xi32>
        %and3A_119 = arith.andi %shift_right_logical3A_117, %and3A_118 : vector<16xi32>
        %mul3A_120 = arith.constant 16 : i32
        %mul3A_121 = vector.broadcast %mul3A_120 : i32 to vector<16xi32>
        %mul3A_122 = arith.muli %and3A_119, %mul3A_121 : vector<16xi32>
        %add3A = arith.addi %mul3A_122, %iota3A : vector<16xi32>
        %gather3A = tpu.vector_load_idx %arg11[%add3A] : memref<4096xi32, #tpu.memory_space<vmem>>[vector<16xi32>], vector<16xi32>,
        %add3A_123 = arith.constant 1 : i32
        %add3A_124 = vector.broadcast %add3A_123 : i32 to vector<16xi32>
        %add3A_125 = arith.addi %gather3A, %add3A_124 : vector<16xi32>
        tpu.vector_store_idx %arg11[%add3A], %add3A_125 : memref<4096xi32, #tpu.memory_space<vmem>>[vector<16xi32>], vector<16xi32>,
        %mul3A_126 = arith.constant 16 : i32
        %mul3A_127 = arith.muli %scan3A_113, %mul3A_126 : i32
        %swap3A = arith.index_cast %mul3A_127 : i32 to index
        %swap3A_128 = tpu.vector_load %arg10[%swap3A] {strides = array<i32>} : memref<8192xi32, #tpu.memory_space<vmem>>, vector<16xi32>,
        tpu.vector_store %arg10[%swap3A], %gather3A {strides = array<i32>} : memref<8192xi32, #tpu.memory_space<vmem>>, vector<16xi32>,
        %scan3A_129 = arith.constant 0 : i32
        %scan3A_130 = arith.constant 1 : i32
        %scan3A_131 = arith.addi %scan3A_113, %scan3A_130 : i32
        %mul3A_132 = arith.constant 16 : i32
        %mul3A_133 = arith.muli %scan3A_131, %mul3A_132 : i32
        %get3A_134 = arith.index_cast %mul3A_133 : i32 to index
        %get3A_135 = tpu.vector_load %arg7[%get3A_134] {strides = array<i32>} : memref<8192xi32, #tpu.memory_space<vmem>>, vector<16xi32>,
        %shift_right_logical3A_136 = vector.broadcast %scan3A_50 : i32 to vector<16xi32>
        %shift_right_logical3A_137 = arith.shrui %get3A_135, %shift_right_logical3A_136 : vector<16xi32>
        %and3A_138 = arith.constant 255 : i32
        %and3A_139 = vector.broadcast %and3A_138 : i32 to vector<16xi32>
        %and3A_140 = arith.andi %shift_right_logical3A_137, %and3A_139 : vector<16xi32>
        %mul3A_141 = arith.constant 16 : i32
        %mul3A_142 = vector.broadcast %mul3A_141 : i32 to vector<16xi32>
        %mul3A_143 = arith.muli %and3A_140, %mul3A_142 : vector<16xi32>
        %add3A_144 = arith.addi %mul3A_143, %iota3A : vector<16xi32>
        %gather3A_145 = tpu.vector_load_idx %arg11[%add3A_144] : memref<4096xi32, #tpu.memory_space<vmem>>[vector<16xi32>], vector<16xi32>,
        %add3A_146 = arith.constant 1 : i32
        %add3A_147 = vector.broadcast %add3A_146 : i32 to vector<16xi32>
        %add3A_148 = arith.addi %gather3A_145, %add3A_147 : vector<16xi32>
        tpu.vector_store_idx %arg11[%add3A_144], %add3A_148 : memref<4096xi32, #tpu.memory_space<vmem>>[vector<16xi32>], vector<16xi32>,
        %mul3A_149 = arith.constant 16 : i32
        %mul3A_150 = arith.muli %scan3A_131, %mul3A_149 : i32
        %swap3A_151 = arith.index_cast %mul3A_150 : i32 to index
        %swap3A_152 = tpu.vector_load %arg10[%swap3A_151] {strides = array<i32>} : memref<8192xi32, #tpu.memory_space<vmem>>, vector<16xi32>,
        tpu.vector_store %arg10[%swap3A_151], %gather3A_145 {strides = array<i32>} : memref<8192xi32, #tpu.memory_space<vmem>>, vector<16xi32>,
        %scan3A_153 = arith.constant 0 : i32
        %scan3A_154 = arith.constant 2 : i32
        %scan3A_155 = arith.addi %scan3A_113, %scan3A_154 : i32
        %mul3A_156 = arith.constant 16 : i32
        %mul3A_157 = arith.muli %scan3A_155, %mul3A_156 : i32
        %get3A_158 = arith.index_cast %mul3A_157 : i32 to index
        %get3A_159 = tpu.vector_load %arg7[%get3A_158] {strides = array<i32>} : memref<8192xi32, #tpu.memory_space<vmem>>, vector<16xi32>,
        %shift_right_logical3A_160 = vector.broadcast %scan3A_50 : i32 to vector<16xi32>
        %shift_right_logical3A_161 = arith.shrui %get3A_159, %shift_right_logical3A_160 : vector<16xi32>
        %and3A_162 = arith.constant 255 : i32
        %and3A_163 = vector.broadcast %and3A_162 : i32 to vector<16xi32>
        %and3A_164 = arith.andi %shift_right_logical3A_161, %and3A_163 : vector<16xi32>
        %mul3A_165 = arith.constant 16 : i32
        %mul3A_166 = vector.broadcast %mul3A_165 : i32 to vector<16xi32>
        %mul3A_167 = arith.muli %and3A_164, %mul3A_166 : vector<16xi32>
        %add3A_168 = arith.addi %mul3A_167, %iota3A : vector<16xi32>
        %gather3A_169 = tpu.vector_load_idx %arg11[%add3A_168] : memref<4096xi32, #tpu.memory_space<vmem>>[vector<16xi32>], vector<16xi32>,
        %add3A_170 = arith.constant 1 : i32
        %add3A_171 = vector.broadcast %add3A_170 : i32 to vector<16xi32>
        %add3A_172 = arith.addi %gather3A_169, %add3A_171 : vector<16xi32>
        tpu.vector_store_idx %arg11[%add3A_168], %add3A_172 : memref<4096xi32, #tpu.memory_space<vmem>>[vector<16xi32>], vector<16xi32>,
        %mul3A_173 = arith.constant 16 : i32
        %mul3A_174 = arith.muli %scan3A_155, %mul3A_173 : i32
        %swap3A_175 = arith.index_cast %mul3A_174 : i32 to index
        %swap3A_176 = tpu.vector_load %arg10[%swap3A_175] {strides = array<i32>} : memref<8192xi32, #tpu.memory_space<vmem>>, vector<16xi32>,
        tpu.vector_store %arg10[%swap3A_175], %gather3A_169 {strides = array<i32>} : memref<8192xi32, #tpu.memory_space<vmem>>, vector<16xi32>,
        %scan3A_177 = arith.constant 0 : i32
        %scan3A_178 = arith.constant 3 : i32
        %scan3A_179 = arith.addi %scan3A_113, %scan3A_178 : i32
        %mul3A_180 = arith.constant 16 : i32
        %mul3A_181 = arith.muli %scan3A_179, %mul3A_180 : i32
        %get3A_182 = arith.index_cast %mul3A_181 : i32 to index
        %get3A_183 = tpu.vector_load %arg7[%get3A_182] {strides = array<i32>} : memref<8192xi32, #tpu.memory_space<vmem>>, vector<16xi32>,
        %shift_right_logical3A_184 = vector.broadcast %scan3A_50 : i32 to vector<16xi32>
        %shift_right_logical3A_185 = arith.shrui %get3A_183, %shift_right_logical3A_184 : vector<16xi32>
        %and3A_186 = arith.constant 255 : i32
        %and3A_187 = vector.broadcast %and3A_186 : i32 to vector<16xi32>
        %and3A_188 = arith.andi %shift_right_logical3A_185, %and3A_187 : vector<16xi32>
        %mul3A_189 = arith.constant 16 : i32
        %mul3A_190 = vector.broadcast %mul3A_189 : i32 to vector<16xi32>
        %mul3A_191 = arith.muli %and3A_188, %mul3A_190 : vector<16xi32>
        %add3A_192 = arith.addi %mul3A_191, %iota3A : vector<16xi32>
        %gather3A_193 = tpu.vector_load_idx %arg11[%add3A_192] : memref<4096xi32, #tpu.memory_space<vmem>>[vector<16xi32>], vector<16xi32>,
        %add3A_194 = arith.constant 1 : i32
        %add3A_195 = vector.broadcast %add3A_194 : i32 to vector<16xi32>
        %add3A_196 = arith.addi %gather3A_193, %add3A_195 : vector<16xi32>
        tpu.vector_store_idx %arg11[%add3A_192], %add3A_196 : memref<4096xi32, #tpu.memory_space<vmem>>[vector<16xi32>], vector<16xi32>,
        %mul3A_197 = arith.constant 16 : i32
        %mul3A_198 = arith.muli %scan3A_179, %mul3A_197 : i32
        %swap3A_199 = arith.index_cast %mul3A_198 : i32 to index
        %swap3A_200 = tpu.vector_load %arg10[%swap3A_199] {strides = array<i32>} : memref<8192xi32, #tpu.memory_space<vmem>>, vector<16xi32>,
        tpu.vector_store %arg10[%swap3A_199], %gather3A_193 {strides = array<i32>} : memref<8192xi32, #tpu.memory_space<vmem>>, vector<16xi32>,
        %scan3A_201 = arith.constant 0 : i32
        scf.yield %scan3A_201 : i32
      }
      %scan3A_57 = arith.constant 512 : i32
      %parallel_loop3A_58 = arith.constant 0 : i32
      %parallel_loop3A_59 = arith.constant 512 : i32
      %parallel_loop3A_60 = arith.constant 1 : i32
      scf.for %parallel_loop3A_113 = %parallel_loop3A_58 to %parallel_loop3A_59 step %parallel_loop3A_60  : i32 {
        %parallel_loop3A_114 = arith.constant 16 : i32
        %parallel_loop3A_115 = arith.muli %parallel_loop3A_113, %parallel_loop3A_114 : i32
        %parallel_loop3A_116 = arith.index_cast %parallel_loop3A_115 : i32 to index
        %parallel_loop3A_117 = tpu.vector_load %arg9[%parallel_loop3A_116] {strides = array<i32>} : memref<8192xi32, #tpu.memory_space<vmem>>, vector<16xi32>,
        %parallel_loop3A_118 = arith.constant 16 : i32
        %parallel_loop3A_119 = arith.muli %parallel_loop3A_113, %parallel_loop3A_118 : i32
        %parallel_loop3A_120 = arith.index_cast %parallel_loop3A_119 : i32 to index
        %parallel_loop3A_121 = tpu.vector_load %arg10[%parallel_loop3A_120] {strides = array<i32>} : memref<8192xi32, #tpu.memory_space<vmem>>, vector<16xi32>,
        %parallel_loop3A_122 = arith.constant 16 : i32
        %parallel_loop3A_123 = arith.muli %parallel_loop3A_113, %parallel_loop3A_122 : i32
        %parallel_loop3A_124 = arith.index_cast %parallel_loop3A_123 : i32 to index
        %parallel_loop3A_125 = tpu.vector_load %arg7[%parallel_loop3A_124] {strides = array<i32>} : memref<8192xi32, #tpu.memory_space<vmem>>, vector<16xi32>,
        %parallel_loop3A_126 = arith.constant 511 : i32
        %parallel_loop3A_127 = vector.broadcast %parallel_loop3A_126 : i32 to vector<16xi32>
        %parallel_loop3A_128 = arith.andi %parallel_loop3A_121, %parallel_loop3A_127 : vector<16xi32>
        %parallel_loop3A_129 = arith.constant 16 : i32
        %parallel_loop3A_130 = vector.broadcast %parallel_loop3A_129 : i32 to vector<16xi32>
        %parallel_loop3A_131 = arith.muli %parallel_loop3A_128, %parallel_loop3A_130 : vector<16xi32>
        %parallel_loop3A_132 = arith.constant 9 : i32
        %parallel_loop3A_133 = vector.broadcast %parallel_loop3A_132 : i32 to vector<16xi32>
        %parallel_loop3A_134 = arith.shrui %parallel_loop3A_121, %parallel_loop3A_133 : vector<16xi32>
        %parallel_loop3A_135 = arith.addi %parallel_loop3A_131, %parallel_loop3A_134 : vector<16xi32>
        tpu.vector_store_idx %arg6[%parallel_loop3A_135], %parallel_loop3A_125 : memref<8192xi32, #tpu.memory_space<vmem>>[vector<16xi32>], vector<16xi32>,
        tpu.vector_store_idx %arg8[%parallel_loop3A_135], %parallel_loop3A_117 : memref<8192xi32, #tpu.memory_space<vmem>>[vector<16xi32>], vector<16xi32>,
      } {sc.loop_unroll_factor = 8 : i64, sc.parallel_access}
      %parallel_loop3A_61 = arith.constant 0 : i32
      %parallel_loop3A_62 = arith.constant 256 : i32
      %parallel_loop3A_63 = arith.constant 1 : i32
      scf.for %parallel_loop3A_113 = %parallel_loop3A_61 to %parallel_loop3A_62 step %parallel_loop3A_63  : i32 {
        %parallel_loop3A_114 = arith.constant 0 : i32
        %parallel_loop3A_115 = vector.broadcast %parallel_loop3A_114 : i32 to vector<16xi32>
        %parallel_loop3A_116 = arith.constant 16 : i32
        %parallel_loop3A_117 = arith.muli %parallel_loop3A_113, %parallel_loop3A_116 : i32
        %parallel_loop3A_118 = arith.index_cast %parallel_loop3A_117 : i32 to index
        %parallel_loop3A_119 = tpu.vector_load %arg11[%parallel_loop3A_118] {strides = array<i32>} : memref<4096xi32, #tpu.memory_space<vmem>>, vector<16xi32>,
        tpu.vector_store %arg11[%parallel_loop3A_118], %parallel_loop3A_115 {strides = array<i32>} : memref<4096xi32, #tpu.memory_space<vmem>>, vector<16xi32>,
      } {sc.loop_unroll_factor = 8 : i64, sc.parallel_access}
      %parallel_loop3A_64 = arith.constant 0 : i32
      %parallel_loop3A_65 = arith.constant 512 : i32
      %parallel_loop3A_66 = arith.constant 1 : i32
      %parallel_loop3A_67 = arith.constant 16 : i32
      scf.for %parallel_loop3A_113 = %parallel_loop3A_64 to %parallel_loop3A_65 step %parallel_loop3A_66  : i32 {
        %parallel_loop3A_114 = arith.constant 16 : i32
        %parallel_loop3A_115 = arith.muli %parallel_loop3A_113, %parallel_loop3A_114 : i32
        %parallel_loop3A_116 = arith.index_cast %parallel_loop3A_115 : i32 to index
        %parallel_loop3A_117 = tpu.vector_load %arg6[%parallel_loop3A_116] {strides = array<i32>} : memref<8192xi32, #tpu.memory_space<vmem>>, vector<16xi32>,
        %parallel_loop3A_118 = vector.broadcast %parallel_loop3A_67 : i32 to vector<16xi32>
        %parallel_loop3A_119 = arith.shrui %parallel_loop3A_117, %parallel_loop3A_118 : vector<16xi32>
        %parallel_loop3A_120 = arith.constant 255 : i32
        %parallel_loop3A_121 = vector.broadcast %parallel_loop3A_120 : i32 to vector<16xi32>
        %parallel_loop3A_122 = arith.andi %parallel_loop3A_119, %parallel_loop3A_121 : vector<16xi32>
        %parallel_loop3A_123 = arith.constant 16 : i32
        %parallel_loop3A_124 = vector.broadcast %parallel_loop3A_123 : i32 to vector<16xi32>
        %parallel_loop3A_125 = arith.muli %parallel_loop3A_122, %parallel_loop3A_124 : vector<16xi32>
        %parallel_loop3A_126 = arith.addi %parallel_loop3A_125, %iota3A : vector<16xi32>
        %parallel_loop3A_127 = arith.constant 1 : i32
        %parallel_loop3A_128 = vector.broadcast %parallel_loop3A_127 : i32 to vector<16xi32>
        tpu.vector_store_idx %arg11[%parallel_loop3A_126], %parallel_loop3A_128 {add = true} : memref<4096xi32, #tpu.memory_space<vmem>>[vector<16xi32>], vector<16xi32>,
      } {sc.loop_unroll_factor = 8 : i64, sc.parallel_access}
      %broadcast_in_dim3A_68 = arith.constant 0 : i32
      %broadcast_in_dim3A_69 = vector.broadcast %broadcast_in_dim3A_68 : i32 to vector<16xi32>
      %scan3A_70 = arith.constant 0 : i32
      %scan3A_71 = arith.constant 256 : i32
      %scan3A_72 = arith.addi %scan3A_70, %scan3A_71 : i32
      %scan3A_73 = arith.constant 4 : i32
      %scan3A_74 = scf.for %scan3A_113 = %scan3A_70 to %scan3A_72 step %scan3A_73 iter_args(%scan3A_114 = %broadcast_in_dim3A_69) -> (vector<16xi32>)  : i32 {
        %mul3A = arith.constant 16 : i32
        %mul3A_115 = arith.muli %scan3A_113, %mul3A : i32
        %get3A = arith.index_cast %mul3A_115 : i32 to index
        %get3A_116 = tpu.vector_load %arg11[%get3A] {strides = array<i32>} : memref<4096xi32, #tpu.memory_space<vmem>>, vector<16xi32>,
        %cumsum3A = arith.constant true
        %cumsum3A_117 = vector.broadcast %cumsum3A : i1 to vector<16xi1>
        %cumsum3A_118 = tpu.scan <sum>, %get3A_116 masked %cumsum3A_117 : vector<16xi32>, vector<16xi1> -> vector<16xi32>
        %sub3A = arith.subi %cumsum3A_118, %get3A_116 : vector<16xi32>
        %add3A = arith.addi %sub3A, %scan3A_114 : vector<16xi32>
        %mul3A_119 = arith.constant 16 : i32
        %mul3A_120 = arith.muli %scan3A_113, %mul3A_119 : i32
        %swap3A = arith.index_cast %mul3A_120 : i32 to index
        %swap3A_121 = tpu.vector_load %arg11[%swap3A] {strides = array<i32>} : memref<4096xi32, #tpu.memory_space<vmem>>, vector<16xi32>,
        tpu.vector_store %arg11[%swap3A], %add3A {strides = array<i32>} : memref<4096xi32, #tpu.memory_space<vmem>>, vector<16xi32>,
        %reduce_sum3A = arith.constant true
        %reduce_sum3A_122 = vector.broadcast %reduce_sum3A : i1 to vector<16xi1>
        %reduce_sum3A_123 = tpu.scan <sum>, %get3A_116 masked %reduce_sum3A_122 : vector<16xi32>, vector<16xi1> -> vector<16xi32>
        %reduce_sum3A_124 = vector.extract %reduce_sum3A_123[15] : i32 from vector<16xi32>
        %add3A_125 = vector.broadcast %reduce_sum3A_124 : i32 to vector<16xi32>
        %add3A_126 = arith.addi %scan3A_114, %add3A_125 : vector<16xi32>
        %scan3A_127 = arith.constant 1 : i32
        %scan3A_128 = arith.addi %scan3A_113, %scan3A_127 : i32
        %mul3A_129 = arith.constant 16 : i32
        %mul3A_130 = arith.muli %scan3A_128, %mul3A_129 : i32
        %get3A_131 = arith.index_cast %mul3A_130 : i32 to index
        %get3A_132 = tpu.vector_load %arg11[%get3A_131] {strides = array<i32>} : memref<4096xi32, #tpu.memory_space<vmem>>, vector<16xi32>,
        %cumsum3A_133 = arith.constant true
        %cumsum3A_134 = vector.broadcast %cumsum3A_133 : i1 to vector<16xi1>
        %cumsum3A_135 = tpu.scan <sum>, %get3A_132 masked %cumsum3A_134 : vector<16xi32>, vector<16xi1> -> vector<16xi32>
        %sub3A_136 = arith.subi %cumsum3A_135, %get3A_132 : vector<16xi32>
        %add3A_137 = arith.addi %sub3A_136, %add3A_126 : vector<16xi32>
        %mul3A_138 = arith.constant 16 : i32
        %mul3A_139 = arith.muli %scan3A_128, %mul3A_138 : i32
        %swap3A_140 = arith.index_cast %mul3A_139 : i32 to index
        %swap3A_141 = tpu.vector_load %arg11[%swap3A_140] {strides = array<i32>} : memref<4096xi32, #tpu.memory_space<vmem>>, vector<16xi32>,
        tpu.vector_store %arg11[%swap3A_140], %add3A_137 {strides = array<i32>} : memref<4096xi32, #tpu.memory_space<vmem>>, vector<16xi32>,
        %reduce_sum3A_142 = arith.constant true
        %reduce_sum3A_143 = vector.broadcast %reduce_sum3A_142 : i1 to vector<16xi1>
        %reduce_sum3A_144 = tpu.scan <sum>, %get3A_132 masked %reduce_sum3A_143 : vector<16xi32>, vector<16xi1> -> vector<16xi32>
        %reduce_sum3A_145 = vector.extract %reduce_sum3A_144[15] : i32 from vector<16xi32>
        %add3A_146 = vector.broadcast %reduce_sum3A_145 : i32 to vector<16xi32>
        %add3A_147 = arith.addi %add3A_126, %add3A_146 : vector<16xi32>
        %scan3A_148 = arith.constant 2 : i32
        %scan3A_149 = arith.addi %scan3A_113, %scan3A_148 : i32
        %mul3A_150 = arith.constant 16 : i32
        %mul3A_151 = arith.muli %scan3A_149, %mul3A_150 : i32
        %get3A_152 = arith.index_cast %mul3A_151 : i32 to index
        %get3A_153 = tpu.vector_load %arg11[%get3A_152] {strides = array<i32>} : memref<4096xi32, #tpu.memory_space<vmem>>, vector<16xi32>,
        %cumsum3A_154 = arith.constant true
        %cumsum3A_155 = vector.broadcast %cumsum3A_154 : i1 to vector<16xi1>
        %cumsum3A_156 = tpu.scan <sum>, %get3A_153 masked %cumsum3A_155 : vector<16xi32>, vector<16xi1> -> vector<16xi32>
        %sub3A_157 = arith.subi %cumsum3A_156, %get3A_153 : vector<16xi32>
        %add3A_158 = arith.addi %sub3A_157, %add3A_147 : vector<16xi32>
        %mul3A_159 = arith.constant 16 : i32
        %mul3A_160 = arith.muli %scan3A_149, %mul3A_159 : i32
        %swap3A_161 = arith.index_cast %mul3A_160 : i32 to index
        %swap3A_162 = tpu.vector_load %arg11[%swap3A_161] {strides = array<i32>} : memref<4096xi32, #tpu.memory_space<vmem>>, vector<16xi32>,
        tpu.vector_store %arg11[%swap3A_161], %add3A_158 {strides = array<i32>} : memref<4096xi32, #tpu.memory_space<vmem>>, vector<16xi32>,
        %reduce_sum3A_163 = arith.constant true
        %reduce_sum3A_164 = vector.broadcast %reduce_sum3A_163 : i1 to vector<16xi1>
        %reduce_sum3A_165 = tpu.scan <sum>, %get3A_153 masked %reduce_sum3A_164 : vector<16xi32>, vector<16xi1> -> vector<16xi32>
        %reduce_sum3A_166 = vector.extract %reduce_sum3A_165[15] : i32 from vector<16xi32>
        %add3A_167 = vector.broadcast %reduce_sum3A_166 : i32 to vector<16xi32>
        %add3A_168 = arith.addi %add3A_147, %add3A_167 : vector<16xi32>
        %scan3A_169 = arith.constant 3 : i32
        %scan3A_170 = arith.addi %scan3A_113, %scan3A_169 : i32
        %mul3A_171 = arith.constant 16 : i32
        %mul3A_172 = arith.muli %scan3A_170, %mul3A_171 : i32
        %get3A_173 = arith.index_cast %mul3A_172 : i32 to index
        %get3A_174 = tpu.vector_load %arg11[%get3A_173] {strides = array<i32>} : memref<4096xi32, #tpu.memory_space<vmem>>, vector<16xi32>,
        %cumsum3A_175 = arith.constant true
        %cumsum3A_176 = vector.broadcast %cumsum3A_175 : i1 to vector<16xi1>
        %cumsum3A_177 = tpu.scan <sum>, %get3A_174 masked %cumsum3A_176 : vector<16xi32>, vector<16xi1> -> vector<16xi32>
        %sub3A_178 = arith.subi %cumsum3A_177, %get3A_174 : vector<16xi32>
        %add3A_179 = arith.addi %sub3A_178, %add3A_168 : vector<16xi32>
        %mul3A_180 = arith.constant 16 : i32
        %mul3A_181 = arith.muli %scan3A_170, %mul3A_180 : i32
        %swap3A_182 = arith.index_cast %mul3A_181 : i32 to index
        %swap3A_183 = tpu.vector_load %arg11[%swap3A_182] {strides = array<i32>} : memref<4096xi32, #tpu.memory_space<vmem>>, vector<16xi32>,
        tpu.vector_store %arg11[%swap3A_182], %add3A_179 {strides = array<i32>} : memref<4096xi32, #tpu.memory_space<vmem>>, vector<16xi32>,
        %reduce_sum3A_184 = arith.constant true
        %reduce_sum3A_185 = vector.broadcast %reduce_sum3A_184 : i1 to vector<16xi1>
        %reduce_sum3A_186 = tpu.scan <sum>, %get3A_174 masked %reduce_sum3A_185 : vector<16xi32>, vector<16xi1> -> vector<16xi32>
        %reduce_sum3A_187 = vector.extract %reduce_sum3A_186[15] : i32 from vector<16xi32>
        %add3A_188 = vector.broadcast %reduce_sum3A_187 : i32 to vector<16xi32>
        %add3A_189 = arith.addi %add3A_168, %add3A_188 : vector<16xi32>
        scf.yield %add3A_189 : vector<16xi32>
      }
      %scan3A_75 = arith.constant 256 : i32
      %scan3A_76 = arith.constant 16 : i32
      %scan3A_77 = arith.constant 0 : i32
      %scan3A_78 = arith.constant 0 : i32
      %scan3A_79 = arith.constant 512 : i32
      %scan3A_80 = arith.addi %scan3A_78, %scan3A_79 : i32
      %scan3A_81 = arith.constant 4 : i32
      %scan3A_82 = scf.for %scan3A_113 = %scan3A_78 to %scan3A_80 step %scan3A_81 iter_args(%scan3A_114 = %scan3A_77) -> (i32)  : i32 {
        %mul3A = arith.constant 16 : i32
        %mul3A_115 = arith.muli %scan3A_113, %mul3A : i32
        %get3A = arith.index_cast %mul3A_115 : i32 to index
        %get3A_116 = tpu.vector_load %arg6[%get3A] {strides = array<i32>} : memref<8192xi32, #tpu.memory_space<vmem>>, vector<16xi32>,
        %shift_right_logical3A = vector.broadcast %scan3A_76 : i32 to vector<16xi32>
        %shift_right_logical3A_117 = arith.shrui %get3A_116, %shift_right_logical3A : vector<16xi32>
        %and3A = arith.constant 255 : i32
        %and3A_118 = vector.broadcast %and3A : i32 to vector<16xi32>
        %and3A_119 = arith.andi %shift_right_logical3A_117, %and3A_118 : vector<16xi32>
        %mul3A_120 = arith.constant 16 : i32
        %mul3A_121 = vector.broadcast %mul3A_120 : i32 to vector<16xi32>
        %mul3A_122 = arith.muli %and3A_119, %mul3A_121 : vector<16xi32>
        %add3A = arith.addi %mul3A_122, %iota3A : vector<16xi32>
        %gather3A = tpu.vector_load_idx %arg11[%add3A] : memref<4096xi32, #tpu.memory_space<vmem>>[vector<16xi32>], vector<16xi32>,
        %add3A_123 = arith.constant 1 : i32
        %add3A_124 = vector.broadcast %add3A_123 : i32 to vector<16xi32>
        %add3A_125 = arith.addi %gather3A, %add3A_124 : vector<16xi32>
        tpu.vector_store_idx %arg11[%add3A], %add3A_125 : memref<4096xi32, #tpu.memory_space<vmem>>[vector<16xi32>], vector<16xi32>,
        %mul3A_126 = arith.constant 16 : i32
        %mul3A_127 = arith.muli %scan3A_113, %mul3A_126 : i32
        %swap3A = arith.index_cast %mul3A_127 : i32 to index
        %swap3A_128 = tpu.vector_load %arg10[%swap3A] {strides = array<i32>} : memref<8192xi32, #tpu.memory_space<vmem>>, vector<16xi32>,
        tpu.vector_store %arg10[%swap3A], %gather3A {strides = array<i32>} : memref<8192xi32, #tpu.memory_space<vmem>>, vector<16xi32>,
        %scan3A_129 = arith.constant 0 : i32
        %scan3A_130 = arith.constant 1 : i32
        %scan3A_131 = arith.addi %scan3A_113, %scan3A_130 : i32
        %mul3A_132 = arith.constant 16 : i32
        %mul3A_133 = arith.muli %scan3A_131, %mul3A_132 : i32
        %get3A_134 = arith.index_cast %mul3A_133 : i32 to index
        %get3A_135 = tpu.vector_load %arg6[%get3A_134] {strides = array<i32>} : memref<8192xi32, #tpu.memory_space<vmem>>, vector<16xi32>,
        %shift_right_logical3A_136 = vector.broadcast %scan3A_76 : i32 to vector<16xi32>
        %shift_right_logical3A_137 = arith.shrui %get3A_135, %shift_right_logical3A_136 : vector<16xi32>
        %and3A_138 = arith.constant 255 : i32
        %and3A_139 = vector.broadcast %and3A_138 : i32 to vector<16xi32>
        %and3A_140 = arith.andi %shift_right_logical3A_137, %and3A_139 : vector<16xi32>
        %mul3A_141 = arith.constant 16 : i32
        %mul3A_142 = vector.broadcast %mul3A_141 : i32 to vector<16xi32>
        %mul3A_143 = arith.muli %and3A_140, %mul3A_142 : vector<16xi32>
        %add3A_144 = arith.addi %mul3A_143, %iota3A : vector<16xi32>
        %gather3A_145 = tpu.vector_load_idx %arg11[%add3A_144] : memref<4096xi32, #tpu.memory_space<vmem>>[vector<16xi32>], vector<16xi32>,
        %add3A_146 = arith.constant 1 : i32
        %add3A_147 = vector.broadcast %add3A_146 : i32 to vector<16xi32>
        %add3A_148 = arith.addi %gather3A_145, %add3A_147 : vector<16xi32>
        tpu.vector_store_idx %arg11[%add3A_144], %add3A_148 : memref<4096xi32, #tpu.memory_space<vmem>>[vector<16xi32>], vector<16xi32>,
        %mul3A_149 = arith.constant 16 : i32
        %mul3A_150 = arith.muli %scan3A_131, %mul3A_149 : i32
        %swap3A_151 = arith.index_cast %mul3A_150 : i32 to index
        %swap3A_152 = tpu.vector_load %arg10[%swap3A_151] {strides = array<i32>} : memref<8192xi32, #tpu.memory_space<vmem>>, vector<16xi32>,
        tpu.vector_store %arg10[%swap3A_151], %gather3A_145 {strides = array<i32>} : memref<8192xi32, #tpu.memory_space<vmem>>, vector<16xi32>,
        %scan3A_153 = arith.constant 0 : i32
        %scan3A_154 = arith.constant 2 : i32
        %scan3A_155 = arith.addi %scan3A_113, %scan3A_154 : i32
        %mul3A_156 = arith.constant 16 : i32
        %mul3A_157 = arith.muli %scan3A_155, %mul3A_156 : i32
        %get3A_158 = arith.index_cast %mul3A_157 : i32 to index
        %get3A_159 = tpu.vector_load %arg6[%get3A_158] {strides = array<i32>} : memref<8192xi32, #tpu.memory_space<vmem>>, vector<16xi32>,
        %shift_right_logical3A_160 = vector.broadcast %scan3A_76 : i32 to vector<16xi32>
        %shift_right_logical3A_161 = arith.shrui %get3A_159, %shift_right_logical3A_160 : vector<16xi32>
        %and3A_162 = arith.constant 255 : i32
        %and3A_163 = vector.broadcast %and3A_162 : i32 to vector<16xi32>
        %and3A_164 = arith.andi %shift_right_logical3A_161, %and3A_163 : vector<16xi32>
        %mul3A_165 = arith.constant 16 : i32
        %mul3A_166 = vector.broadcast %mul3A_165 : i32 to vector<16xi32>
        %mul3A_167 = arith.muli %and3A_164, %mul3A_166 : vector<16xi32>
        %add3A_168 = arith.addi %mul3A_167, %iota3A : vector<16xi32>
        %gather3A_169 = tpu.vector_load_idx %arg11[%add3A_168] : memref<4096xi32, #tpu.memory_space<vmem>>[vector<16xi32>], vector<16xi32>,
        %add3A_170 = arith.constant 1 : i32
        %add3A_171 = vector.broadcast %add3A_170 : i32 to vector<16xi32>
        %add3A_172 = arith.addi %gather3A_169, %add3A_171 : vector<16xi32>
        tpu.vector_store_idx %arg11[%add3A_168], %add3A_172 : memref<4096xi32, #tpu.memory_space<vmem>>[vector<16xi32>], vector<16xi32>,
        %mul3A_173 = arith.constant 16 : i32
        %mul3A_174 = arith.muli %scan3A_155, %mul3A_173 : i32
        %swap3A_175 = arith.index_cast %mul3A_174 : i32 to index
        %swap3A_176 = tpu.vector_load %arg10[%swap3A_175] {strides = array<i32>} : memref<8192xi32, #tpu.memory_space<vmem>>, vector<16xi32>,
        tpu.vector_store %arg10[%swap3A_175], %gather3A_169 {strides = array<i32>} : memref<8192xi32, #tpu.memory_space<vmem>>, vector<16xi32>,
        %scan3A_177 = arith.constant 0 : i32
        %scan3A_178 = arith.constant 3 : i32
        %scan3A_179 = arith.addi %scan3A_113, %scan3A_178 : i32
        %mul3A_180 = arith.constant 16 : i32
        %mul3A_181 = arith.muli %scan3A_179, %mul3A_180 : i32
        %get3A_182 = arith.index_cast %mul3A_181 : i32 to index
        %get3A_183 = tpu.vector_load %arg6[%get3A_182] {strides = array<i32>} : memref<8192xi32, #tpu.memory_space<vmem>>, vector<16xi32>,
        %shift_right_logical3A_184 = vector.broadcast %scan3A_76 : i32 to vector<16xi32>
        %shift_right_logical3A_185 = arith.shrui %get3A_183, %shift_right_logical3A_184 : vector<16xi32>
        %and3A_186 = arith.constant 255 : i32
        %and3A_187 = vector.broadcast %and3A_186 : i32 to vector<16xi32>
        %and3A_188 = arith.andi %shift_right_logical3A_185, %and3A_187 : vector<16xi32>
        %mul3A_189 = arith.constant 16 : i32
        %mul3A_190 = vector.broadcast %mul3A_189 : i32 to vector<16xi32>
        %mul3A_191 = arith.muli %and3A_188, %mul3A_190 : vector<16xi32>
        %add3A_192 = arith.addi %mul3A_191, %iota3A : vector<16xi32>
        %gather3A_193 = tpu.vector_load_idx %arg11[%add3A_192] : memref<4096xi32, #tpu.memory_space<vmem>>[vector<16xi32>], vector<16xi32>,
        %add3A_194 = arith.constant 1 : i32
        %add3A_195 = vector.broadcast %add3A_194 : i32 to vector<16xi32>
        %add3A_196 = arith.addi %gather3A_193, %add3A_195 : vector<16xi32>
        tpu.vector_store_idx %arg11[%add3A_192], %add3A_196 : memref<4096xi32, #tpu.memory_space<vmem>>[vector<16xi32>], vector<16xi32>,
        %mul3A_197 = arith.constant 16 : i32
        %mul3A_198 = arith.muli %scan3A_179, %mul3A_197 : i32
        %swap3A_199 = arith.index_cast %mul3A_198 : i32 to index
        %swap3A_200 = tpu.vector_load %arg10[%swap3A_199] {strides = array<i32>} : memref<8192xi32, #tpu.memory_space<vmem>>, vector<16xi32>,
        tpu.vector_store %arg10[%swap3A_199], %gather3A_193 {strides = array<i32>} : memref<8192xi32, #tpu.memory_space<vmem>>, vector<16xi32>,
        %scan3A_201 = arith.constant 0 : i32
        scf.yield %scan3A_201 : i32
      }
      %scan3A_83 = arith.constant 512 : i32
      %parallel_loop3A_84 = arith.constant 0 : i32
      %parallel_loop3A_85 = arith.constant 512 : i32
      %parallel_loop3A_86 = arith.constant 1 : i32
      scf.for %parallel_loop3A_113 = %parallel_loop3A_84 to %parallel_loop3A_85 step %parallel_loop3A_86  : i32 {
        %parallel_loop3A_114 = arith.constant 16 : i32
        %parallel_loop3A_115 = arith.muli %parallel_loop3A_113, %parallel_loop3A_114 : i32
        %parallel_loop3A_116 = arith.index_cast %parallel_loop3A_115 : i32 to index
        %parallel_loop3A_117 = tpu.vector_load %arg8[%parallel_loop3A_116] {strides = array<i32>} : memref<8192xi32, #tpu.memory_space<vmem>>, vector<16xi32>,
        %parallel_loop3A_118 = arith.constant 16 : i32
        %parallel_loop3A_119 = arith.muli %parallel_loop3A_113, %parallel_loop3A_118 : i32
        %parallel_loop3A_120 = arith.index_cast %parallel_loop3A_119 : i32 to index
        %parallel_loop3A_121 = tpu.vector_load %arg10[%parallel_loop3A_120] {strides = array<i32>} : memref<8192xi32, #tpu.memory_space<vmem>>, vector<16xi32>,
        %parallel_loop3A_122 = arith.constant 16 : i32
        %parallel_loop3A_123 = arith.muli %parallel_loop3A_113, %parallel_loop3A_122 : i32
        %parallel_loop3A_124 = arith.index_cast %parallel_loop3A_123 : i32 to index
        %parallel_loop3A_125 = tpu.vector_load %arg6[%parallel_loop3A_124] {strides = array<i32>} : memref<8192xi32, #tpu.memory_space<vmem>>, vector<16xi32>,
        %parallel_loop3A_126 = arith.constant 511 : i32
        %parallel_loop3A_127 = vector.broadcast %parallel_loop3A_126 : i32 to vector<16xi32>
        %parallel_loop3A_128 = arith.andi %parallel_loop3A_121, %parallel_loop3A_127 : vector<16xi32>
        %parallel_loop3A_129 = arith.constant 16 : i32
        %parallel_loop3A_130 = vector.broadcast %parallel_loop3A_129 : i32 to vector<16xi32>
        %parallel_loop3A_131 = arith.muli %parallel_loop3A_128, %parallel_loop3A_130 : vector<16xi32>
        %parallel_loop3A_132 = arith.constant 9 : i32
        %parallel_loop3A_133 = vector.broadcast %parallel_loop3A_132 : i32 to vector<16xi32>
        %parallel_loop3A_134 = arith.shrui %parallel_loop3A_121, %parallel_loop3A_133 : vector<16xi32>
        %parallel_loop3A_135 = arith.addi %parallel_loop3A_131, %parallel_loop3A_134 : vector<16xi32>
        tpu.vector_store_idx %arg7[%parallel_loop3A_135], %parallel_loop3A_125 : memref<8192xi32, #tpu.memory_space<vmem>>[vector<16xi32>], vector<16xi32>,
        tpu.vector_store_idx %arg9[%parallel_loop3A_135], %parallel_loop3A_117 : memref<8192xi32, #tpu.memory_space<vmem>>[vector<16xi32>], vector<16xi32>,
      } {sc.loop_unroll_factor = 8 : i64, sc.parallel_access}
      %parallel_loop3A_87 = arith.constant 0 : i32
      %parallel_loop3A_88 = arith.constant 256 : i32
      %parallel_loop3A_89 = arith.constant 1 : i32
      scf.for %parallel_loop3A_113 = %parallel_loop3A_87 to %parallel_loop3A_88 step %parallel_loop3A_89  : i32 {
        %parallel_loop3A_114 = arith.constant 0 : i32
        %parallel_loop3A_115 = vector.broadcast %parallel_loop3A_114 : i32 to vector<16xi32>
        %parallel_loop3A_116 = arith.constant 16 : i32
        %parallel_loop3A_117 = arith.muli %parallel_loop3A_113, %parallel_loop3A_116 : i32
        %parallel_loop3A_118 = arith.index_cast %parallel_loop3A_117 : i32 to index
        %parallel_loop3A_119 = tpu.vector_load %arg11[%parallel_loop3A_118] {strides = array<i32>} : memref<4096xi32, #tpu.memory_space<vmem>>, vector<16xi32>,
        tpu.vector_store %arg11[%parallel_loop3A_118], %parallel_loop3A_115 {strides = array<i32>} : memref<4096xi32, #tpu.memory_space<vmem>>, vector<16xi32>,
      } {sc.loop_unroll_factor = 8 : i64, sc.parallel_access}
      %parallel_loop3A_90 = arith.constant 0 : i32
      %parallel_loop3A_91 = arith.constant 512 : i32
      %parallel_loop3A_92 = arith.constant 1 : i32
      %parallel_loop3A_93 = arith.constant 24 : i32
      scf.for %parallel_loop3A_113 = %parallel_loop3A_90 to %parallel_loop3A_91 step %parallel_loop3A_92  : i32 {
        %parallel_loop3A_114 = arith.constant 16 : i32
        %parallel_loop3A_115 = arith.muli %parallel_loop3A_113, %parallel_loop3A_114 : i32
        %parallel_loop3A_116 = arith.index_cast %parallel_loop3A_115 : i32 to index
        %parallel_loop3A_117 = tpu.vector_load %arg7[%parallel_loop3A_116] {strides = array<i32>} : memref<8192xi32, #tpu.memory_space<vmem>>, vector<16xi32>,
        %parallel_loop3A_118 = vector.broadcast %parallel_loop3A_93 : i32 to vector<16xi32>
        %parallel_loop3A_119 = arith.shrui %parallel_loop3A_117, %parallel_loop3A_118 : vector<16xi32>
        %parallel_loop3A_120 = arith.constant 255 : i32
        %parallel_loop3A_121 = vector.broadcast %parallel_loop3A_120 : i32 to vector<16xi32>
        %parallel_loop3A_122 = arith.andi %parallel_loop3A_119, %parallel_loop3A_121 : vector<16xi32>
        %parallel_loop3A_123 = arith.constant 16 : i32
        %parallel_loop3A_124 = vector.broadcast %parallel_loop3A_123 : i32 to vector<16xi32>
        %parallel_loop3A_125 = arith.muli %parallel_loop3A_122, %parallel_loop3A_124 : vector<16xi32>
        %parallel_loop3A_126 = arith.addi %parallel_loop3A_125, %iota3A : vector<16xi32>
        %parallel_loop3A_127 = arith.constant 1 : i32
        %parallel_loop3A_128 = vector.broadcast %parallel_loop3A_127 : i32 to vector<16xi32>
        tpu.vector_store_idx %arg11[%parallel_loop3A_126], %parallel_loop3A_128 {add = true} : memref<4096xi32, #tpu.memory_space<vmem>>[vector<16xi32>], vector<16xi32>,
      } {sc.loop_unroll_factor = 8 : i64, sc.parallel_access}
      %broadcast_in_dim3A_94 = arith.constant 0 : i32
      %broadcast_in_dim3A_95 = vector.broadcast %broadcast_in_dim3A_94 : i32 to vector<16xi32>
      %scan3A_96 = arith.constant 0 : i32
      %scan3A_97 = arith.constant 256 : i32
      %scan3A_98 = arith.addi %scan3A_96, %scan3A_97 : i32
      %scan3A_99 = arith.constant 4 : i32
      %scan3A_100 = scf.for %scan3A_113 = %scan3A_96 to %scan3A_98 step %scan3A_99 iter_args(%scan3A_114 = %broadcast_in_dim3A_95) -> (vector<16xi32>)  : i32 {
        %mul3A = arith.constant 16 : i32
        %mul3A_115 = arith.muli %scan3A_113, %mul3A : i32
        %get3A = arith.index_cast %mul3A_115 : i32 to index
        %get3A_116 = tpu.vector_load %arg11[%get3A] {strides = array<i32>} : memref<4096xi32, #tpu.memory_space<vmem>>, vector<16xi32>,
        %cumsum3A = arith.constant true
        %cumsum3A_117 = vector.broadcast %cumsum3A : i1 to vector<16xi1>
        %cumsum3A_118 = tpu.scan <sum>, %get3A_116 masked %cumsum3A_117 : vector<16xi32>, vector<16xi1> -> vector<16xi32>
        %sub3A = arith.subi %cumsum3A_118, %get3A_116 : vector<16xi32>
        %add3A = arith.addi %sub3A, %scan3A_114 : vector<16xi32>
        %mul3A_119 = arith.constant 16 : i32
        %mul3A_120 = arith.muli %scan3A_113, %mul3A_119 : i32
        %swap3A = arith.index_cast %mul3A_120 : i32 to index
        %swap3A_121 = tpu.vector_load %arg11[%swap3A] {strides = array<i32>} : memref<4096xi32, #tpu.memory_space<vmem>>, vector<16xi32>,
        tpu.vector_store %arg11[%swap3A], %add3A {strides = array<i32>} : memref<4096xi32, #tpu.memory_space<vmem>>, vector<16xi32>,
        %reduce_sum3A = arith.constant true
        %reduce_sum3A_122 = vector.broadcast %reduce_sum3A : i1 to vector<16xi1>
        %reduce_sum3A_123 = tpu.scan <sum>, %get3A_116 masked %reduce_sum3A_122 : vector<16xi32>, vector<16xi1> -> vector<16xi32>
        %reduce_sum3A_124 = vector.extract %reduce_sum3A_123[15] : i32 from vector<16xi32>
        %add3A_125 = vector.broadcast %reduce_sum3A_124 : i32 to vector<16xi32>
        %add3A_126 = arith.addi %scan3A_114, %add3A_125 : vector<16xi32>
        %scan3A_127 = arith.constant 1 : i32
        %scan3A_128 = arith.addi %scan3A_113, %scan3A_127 : i32
        %mul3A_129 = arith.constant 16 : i32
        %mul3A_130 = arith.muli %scan3A_128, %mul3A_129 : i32
        %get3A_131 = arith.index_cast %mul3A_130 : i32 to index
        %get3A_132 = tpu.vector_load %arg11[%get3A_131] {strides = array<i32>} : memref<4096xi32, #tpu.memory_space<vmem>>, vector<16xi32>,
        %cumsum3A_133 = arith.constant true
        %cumsum3A_134 = vector.broadcast %cumsum3A_133 : i1 to vector<16xi1>
        %cumsum3A_135 = tpu.scan <sum>, %get3A_132 masked %cumsum3A_134 : vector<16xi32>, vector<16xi1> -> vector<16xi32>
        %sub3A_136 = arith.subi %cumsum3A_135, %get3A_132 : vector<16xi32>
        %add3A_137 = arith.addi %sub3A_136, %add3A_126 : vector<16xi32>
        %mul3A_138 = arith.constant 16 : i32
        %mul3A_139 = arith.muli %scan3A_128, %mul3A_138 : i32
        %swap3A_140 = arith.index_cast %mul3A_139 : i32 to index
        %swap3A_141 = tpu.vector_load %arg11[%swap3A_140] {strides = array<i32>} : memref<4096xi32, #tpu.memory_space<vmem>>, vector<16xi32>,
        tpu.vector_store %arg11[%swap3A_140], %add3A_137 {strides = array<i32>} : memref<4096xi32, #tpu.memory_space<vmem>>, vector<16xi32>,
        %reduce_sum3A_142 = arith.constant true
        %reduce_sum3A_143 = vector.broadcast %reduce_sum3A_142 : i1 to vector<16xi1>
        %reduce_sum3A_144 = tpu.scan <sum>, %get3A_132 masked %reduce_sum3A_143 : vector<16xi32>, vector<16xi1> -> vector<16xi32>
        %reduce_sum3A_145 = vector.extract %reduce_sum3A_144[15] : i32 from vector<16xi32>
        %add3A_146 = vector.broadcast %reduce_sum3A_145 : i32 to vector<16xi32>
        %add3A_147 = arith.addi %add3A_126, %add3A_146 : vector<16xi32>
        %scan3A_148 = arith.constant 2 : i32
        %scan3A_149 = arith.addi %scan3A_113, %scan3A_148 : i32
        %mul3A_150 = arith.constant 16 : i32
        %mul3A_151 = arith.muli %scan3A_149, %mul3A_150 : i32
        %get3A_152 = arith.index_cast %mul3A_151 : i32 to index
        %get3A_153 = tpu.vector_load %arg11[%get3A_152] {strides = array<i32>} : memref<4096xi32, #tpu.memory_space<vmem>>, vector<16xi32>,
        %cumsum3A_154 = arith.constant true
        %cumsum3A_155 = vector.broadcast %cumsum3A_154 : i1 to vector<16xi1>
        %cumsum3A_156 = tpu.scan <sum>, %get3A_153 masked %cumsum3A_155 : vector<16xi32>, vector<16xi1> -> vector<16xi32>
        %sub3A_157 = arith.subi %cumsum3A_156, %get3A_153 : vector<16xi32>
        %add3A_158 = arith.addi %sub3A_157, %add3A_147 : vector<16xi32>
        %mul3A_159 = arith.constant 16 : i32
        %mul3A_160 = arith.muli %scan3A_149, %mul3A_159 : i32
        %swap3A_161 = arith.index_cast %mul3A_160 : i32 to index
        %swap3A_162 = tpu.vector_load %arg11[%swap3A_161] {strides = array<i32>} : memref<4096xi32, #tpu.memory_space<vmem>>, vector<16xi32>,
        tpu.vector_store %arg11[%swap3A_161], %add3A_158 {strides = array<i32>} : memref<4096xi32, #tpu.memory_space<vmem>>, vector<16xi32>,
        %reduce_sum3A_163 = arith.constant true
        %reduce_sum3A_164 = vector.broadcast %reduce_sum3A_163 : i1 to vector<16xi1>
        %reduce_sum3A_165 = tpu.scan <sum>, %get3A_153 masked %reduce_sum3A_164 : vector<16xi32>, vector<16xi1> -> vector<16xi32>
        %reduce_sum3A_166 = vector.extract %reduce_sum3A_165[15] : i32 from vector<16xi32>
        %add3A_167 = vector.broadcast %reduce_sum3A_166 : i32 to vector<16xi32>
        %add3A_168 = arith.addi %add3A_147, %add3A_167 : vector<16xi32>
        %scan3A_169 = arith.constant 3 : i32
        %scan3A_170 = arith.addi %scan3A_113, %scan3A_169 : i32
        %mul3A_171 = arith.constant 16 : i32
        %mul3A_172 = arith.muli %scan3A_170, %mul3A_171 : i32
        %get3A_173 = arith.index_cast %mul3A_172 : i32 to index
        %get3A_174 = tpu.vector_load %arg11[%get3A_173] {strides = array<i32>} : memref<4096xi32, #tpu.memory_space<vmem>>, vector<16xi32>,
        %cumsum3A_175 = arith.constant true
        %cumsum3A_176 = vector.broadcast %cumsum3A_175 : i1 to vector<16xi1>
        %cumsum3A_177 = tpu.scan <sum>, %get3A_174 masked %cumsum3A_176 : vector<16xi32>, vector<16xi1> -> vector<16xi32>
        %sub3A_178 = arith.subi %cumsum3A_177, %get3A_174 : vector<16xi32>
        %add3A_179 = arith.addi %sub3A_178, %add3A_168 : vector<16xi32>
        %mul3A_180 = arith.constant 16 : i32
        %mul3A_181 = arith.muli %scan3A_170, %mul3A_180 : i32
        %swap3A_182 = arith.index_cast %mul3A_181 : i32 to index
        %swap3A_183 = tpu.vector_load %arg11[%swap3A_182] {strides = array<i32>} : memref<4096xi32, #tpu.memory_space<vmem>>, vector<16xi32>,
        tpu.vector_store %arg11[%swap3A_182], %add3A_179 {strides = array<i32>} : memref<4096xi32, #tpu.memory_space<vmem>>, vector<16xi32>,
        %reduce_sum3A_184 = arith.constant true
        %reduce_sum3A_185 = vector.broadcast %reduce_sum3A_184 : i1 to vector<16xi1>
        %reduce_sum3A_186 = tpu.scan <sum>, %get3A_174 masked %reduce_sum3A_185 : vector<16xi32>, vector<16xi1> -> vector<16xi32>
        %reduce_sum3A_187 = vector.extract %reduce_sum3A_186[15] : i32 from vector<16xi32>
        %add3A_188 = vector.broadcast %reduce_sum3A_187 : i32 to vector<16xi32>
        %add3A_189 = arith.addi %add3A_168, %add3A_188 : vector<16xi32>
        scf.yield %add3A_189 : vector<16xi32>
      }
      %scan3A_101 = arith.constant 256 : i32
      %scan3A_102 = arith.constant 24 : i32
      %scan3A_103 = arith.constant 0 : i32
      %scan3A_104 = arith.constant 0 : i32
      %scan3A_105 = arith.constant 512 : i32
      %scan3A_106 = arith.addi %scan3A_104, %scan3A_105 : i32
      %scan3A_107 = arith.constant 4 : i32
      %scan3A_108 = scf.for %scan3A_113 = %scan3A_104 to %scan3A_106 step %scan3A_107 iter_args(%scan3A_114 = %scan3A_103) -> (i32)  : i32 {
        %mul3A = arith.constant 16 : i32
        %mul3A_115 = arith.muli %scan3A_113, %mul3A : i32
        %get3A = arith.index_cast %mul3A_115 : i32 to index
        %get3A_116 = tpu.vector_load %arg7[%get3A] {strides = array<i32>} : memref<8192xi32, #tpu.memory_space<vmem>>, vector<16xi32>,
        %shift_right_logical3A = vector.broadcast %scan3A_102 : i32 to vector<16xi32>
        %shift_right_logical3A_117 = arith.shrui %get3A_116, %shift_right_logical3A : vector<16xi32>
        %and3A = arith.constant 255 : i32
        %and3A_118 = vector.broadcast %and3A : i32 to vector<16xi32>
        %and3A_119 = arith.andi %shift_right_logical3A_117, %and3A_118 : vector<16xi32>
        %mul3A_120 = arith.constant 16 : i32
        %mul3A_121 = vector.broadcast %mul3A_120 : i32 to vector<16xi32>
        %mul3A_122 = arith.muli %and3A_119, %mul3A_121 : vector<16xi32>
        %add3A = arith.addi %mul3A_122, %iota3A : vector<16xi32>
        %gather3A = tpu.vector_load_idx %arg11[%add3A] : memref<4096xi32, #tpu.memory_space<vmem>>[vector<16xi32>], vector<16xi32>,
        %add3A_123 = arith.constant 1 : i32
        %add3A_124 = vector.broadcast %add3A_123 : i32 to vector<16xi32>
        %add3A_125 = arith.addi %gather3A, %add3A_124 : vector<16xi32>
        tpu.vector_store_idx %arg11[%add3A], %add3A_125 : memref<4096xi32, #tpu.memory_space<vmem>>[vector<16xi32>], vector<16xi32>,
        %mul3A_126 = arith.constant 16 : i32
        %mul3A_127 = arith.muli %scan3A_113, %mul3A_126 : i32
        %swap3A = arith.index_cast %mul3A_127 : i32 to index
        %swap3A_128 = tpu.vector_load %arg10[%swap3A] {strides = array<i32>} : memref<8192xi32, #tpu.memory_space<vmem>>, vector<16xi32>,
        tpu.vector_store %arg10[%swap3A], %gather3A {strides = array<i32>} : memref<8192xi32, #tpu.memory_space<vmem>>, vector<16xi32>,
        %scan3A_129 = arith.constant 0 : i32
        %scan3A_130 = arith.constant 1 : i32
        %scan3A_131 = arith.addi %scan3A_113, %scan3A_130 : i32
        %mul3A_132 = arith.constant 16 : i32
        %mul3A_133 = arith.muli %scan3A_131, %mul3A_132 : i32
        %get3A_134 = arith.index_cast %mul3A_133 : i32 to index
        %get3A_135 = tpu.vector_load %arg7[%get3A_134] {strides = array<i32>} : memref<8192xi32, #tpu.memory_space<vmem>>, vector<16xi32>,
        %shift_right_logical3A_136 = vector.broadcast %scan3A_102 : i32 to vector<16xi32>
        %shift_right_logical3A_137 = arith.shrui %get3A_135, %shift_right_logical3A_136 : vector<16xi32>
        %and3A_138 = arith.constant 255 : i32
        %and3A_139 = vector.broadcast %and3A_138 : i32 to vector<16xi32>
        %and3A_140 = arith.andi %shift_right_logical3A_137, %and3A_139 : vector<16xi32>
        %mul3A_141 = arith.constant 16 : i32
        %mul3A_142 = vector.broadcast %mul3A_141 : i32 to vector<16xi32>
        %mul3A_143 = arith.muli %and3A_140, %mul3A_142 : vector<16xi32>
        %add3A_144 = arith.addi %mul3A_143, %iota3A : vector<16xi32>
        %gather3A_145 = tpu.vector_load_idx %arg11[%add3A_144] : memref<4096xi32, #tpu.memory_space<vmem>>[vector<16xi32>], vector<16xi32>,
        %add3A_146 = arith.constant 1 : i32
        %add3A_147 = vector.broadcast %add3A_146 : i32 to vector<16xi32>
        %add3A_148 = arith.addi %gather3A_145, %add3A_147 : vector<16xi32>
        tpu.vector_store_idx %arg11[%add3A_144], %add3A_148 : memref<4096xi32, #tpu.memory_space<vmem>>[vector<16xi32>], vector<16xi32>,
        %mul3A_149 = arith.constant 16 : i32
        %mul3A_150 = arith.muli %scan3A_131, %mul3A_149 : i32
        %swap3A_151 = arith.index_cast %mul3A_150 : i32 to index
        %swap3A_152 = tpu.vector_load %arg10[%swap3A_151] {strides = array<i32>} : memref<8192xi32, #tpu.memory_space<vmem>>, vector<16xi32>,
        tpu.vector_store %arg10[%swap3A_151], %gather3A_145 {strides = array<i32>} : memref<8192xi32, #tpu.memory_space<vmem>>, vector<16xi32>,
        %scan3A_153 = arith.constant 0 : i32
        %scan3A_154 = arith.constant 2 : i32
        %scan3A_155 = arith.addi %scan3A_113, %scan3A_154 : i32
        %mul3A_156 = arith.constant 16 : i32
        %mul3A_157 = arith.muli %scan3A_155, %mul3A_156 : i32
        %get3A_158 = arith.index_cast %mul3A_157 : i32 to index
        %get3A_159 = tpu.vector_load %arg7[%get3A_158] {strides = array<i32>} : memref<8192xi32, #tpu.memory_space<vmem>>, vector<16xi32>,
        %shift_right_logical3A_160 = vector.broadcast %scan3A_102 : i32 to vector<16xi32>
        %shift_right_logical3A_161 = arith.shrui %get3A_159, %shift_right_logical3A_160 : vector<16xi32>
        %and3A_162 = arith.constant 255 : i32
        %and3A_163 = vector.broadcast %and3A_162 : i32 to vector<16xi32>
        %and3A_164 = arith.andi %shift_right_logical3A_161, %and3A_163 : vector<16xi32>
        %mul3A_165 = arith.constant 16 : i32
        %mul3A_166 = vector.broadcast %mul3A_165 : i32 to vector<16xi32>
        %mul3A_167 = arith.muli %and3A_164, %mul3A_166 : vector<16xi32>
        %add3A_168 = arith.addi %mul3A_167, %iota3A : vector<16xi32>
        %gather3A_169 = tpu.vector_load_idx %arg11[%add3A_168] : memref<4096xi32, #tpu.memory_space<vmem>>[vector<16xi32>], vector<16xi32>,
        %add3A_170 = arith.constant 1 : i32
        %add3A_171 = vector.broadcast %add3A_170 : i32 to vector<16xi32>
        %add3A_172 = arith.addi %gather3A_169, %add3A_171 : vector<16xi32>
        tpu.vector_store_idx %arg11[%add3A_168], %add3A_172 : memref<4096xi32, #tpu.memory_space<vmem>>[vector<16xi32>], vector<16xi32>,
        %mul3A_173 = arith.constant 16 : i32
        %mul3A_174 = arith.muli %scan3A_155, %mul3A_173 : i32
        %swap3A_175 = arith.index_cast %mul3A_174 : i32 to index
        %swap3A_176 = tpu.vector_load %arg10[%swap3A_175] {strides = array<i32>} : memref<8192xi32, #tpu.memory_space<vmem>>, vector<16xi32>,
        tpu.vector_store %arg10[%swap3A_175], %gather3A_169 {strides = array<i32>} : memref<8192xi32, #tpu.memory_space<vmem>>, vector<16xi32>,
        %scan3A_177 = arith.constant 0 : i32
        %scan3A_178 = arith.constant 3 : i32
        %scan3A_179 = arith.addi %scan3A_113, %scan3A_178 : i32
        %mul3A_180 = arith.constant 16 : i32
        %mul3A_181 = arith.muli %scan3A_179, %mul3A_180 : i32
        %get3A_182 = arith.index_cast %mul3A_181 : i32 to index
        %get3A_183 = tpu.vector_load %arg7[%get3A_182] {strides = array<i32>} : memref<8192xi32, #tpu.memory_space<vmem>>, vector<16xi32>,
        %shift_right_logical3A_184 = vector.broadcast %scan3A_102 : i32 to vector<16xi32>
        %shift_right_logical3A_185 = arith.shrui %get3A_183, %shift_right_logical3A_184 : vector<16xi32>
        %and3A_186 = arith.constant 255 : i32
        %and3A_187 = vector.broadcast %and3A_186 : i32 to vector<16xi32>
        %and3A_188 = arith.andi %shift_right_logical3A_185, %and3A_187 : vector<16xi32>
        %mul3A_189 = arith.constant 16 : i32
        %mul3A_190 = vector.broadcast %mul3A_189 : i32 to vector<16xi32>
        %mul3A_191 = arith.muli %and3A_188, %mul3A_190 : vector<16xi32>
        %add3A_192 = arith.addi %mul3A_191, %iota3A : vector<16xi32>
        %gather3A_193 = tpu.vector_load_idx %arg11[%add3A_192] : memref<4096xi32, #tpu.memory_space<vmem>>[vector<16xi32>], vector<16xi32>,
        %add3A_194 = arith.constant 1 : i32
        %add3A_195 = vector.broadcast %add3A_194 : i32 to vector<16xi32>
        %add3A_196 = arith.addi %gather3A_193, %add3A_195 : vector<16xi32>
        tpu.vector_store_idx %arg11[%add3A_192], %add3A_196 : memref<4096xi32, #tpu.memory_space<vmem>>[vector<16xi32>], vector<16xi32>,
        %mul3A_197 = arith.constant 16 : i32
        %mul3A_198 = arith.muli %scan3A_179, %mul3A_197 : i32
        %swap3A_199 = arith.index_cast %mul3A_198 : i32 to index
        %swap3A_200 = tpu.vector_load %arg10[%swap3A_199] {strides = array<i32>} : memref<8192xi32, #tpu.memory_space<vmem>>, vector<16xi32>,
        tpu.vector_store %arg10[%swap3A_199], %gather3A_193 {strides = array<i32>} : memref<8192xi32, #tpu.memory_space<vmem>>, vector<16xi32>,
        %scan3A_201 = arith.constant 0 : i32
        scf.yield %scan3A_201 : i32
      }
      %scan3A_109 = arith.constant 512 : i32
      %parallel_loop3A_110 = arith.constant 0 : i32
      %parallel_loop3A_111 = arith.constant 512 : i32
      %parallel_loop3A_112 = arith.constant 1 : i32
      scf.for %parallel_loop3A_113 = %parallel_loop3A_110 to %parallel_loop3A_111 step %parallel_loop3A_112  : i32 {
        %parallel_loop3A_114 = arith.constant 16 : i32
        %parallel_loop3A_115 = arith.muli %parallel_loop3A_113, %parallel_loop3A_114 : i32
        %parallel_loop3A_116 = arith.index_cast %parallel_loop3A_115 : i32 to index
        %parallel_loop3A_117 = tpu.vector_load %arg9[%parallel_loop3A_116] {strides = array<i32>} : memref<8192xi32, #tpu.memory_space<vmem>>, vector<16xi32>,
        %parallel_loop3A_118 = arith.constant 16 : i32
        %parallel_loop3A_119 = arith.muli %parallel_loop3A_113, %parallel_loop3A_118 : i32
        %parallel_loop3A_120 = arith.index_cast %parallel_loop3A_119 : i32 to index
        %parallel_loop3A_121 = tpu.vector_load %arg10[%parallel_loop3A_120] {strides = array<i32>} : memref<8192xi32, #tpu.memory_space<vmem>>, vector<16xi32>,
        tpu.vector_store_idx %arg8[%parallel_loop3A_121], %parallel_loop3A_117 : memref<8192xi32, #tpu.memory_space<vmem>>[vector<16xi32>], vector<16xi32>,
      } {sc.loop_unroll_factor = 8 : i64, sc.parallel_access}
      "tpu.region"() ({
        %run_scoped3A = tpu.sem_alloc : memref<!tpu.dma_semaphore, #tpu.memory_space<semaphore_mem>>
        %dma_start3A = arith.constant 0 : i32
        %dma_start3A_113 = tpu.memref_slice %arg8[%dma_start3A] : memref<8192xi32, #tpu.memory_space<vmem>> -> memref<640xi32, #tpu.memory_space<vmem>>
        %dma_start3A_114 = arith.constant 0 : i32
        %dma_start3A_115 = tpu.memref_slice %arg3[%arg1, %dma_start3A_114] : memref<16x640xi32, #tpu.memory_space<hbm>> -> memref<1x640xi32, #tpu.memory_space<hbm>>
        %dma_start3A_116 = tpu.memref_squeeze %dma_start3A_115 : memref<1x640xi32, #tpu.memory_space<hbm>> -> memref<640xi32, #tpu.memory_space<hbm>>
        %dma_start3A_117 = arith.constant 0 : i32
        %dma_start3A_118 = tpu.memref_slice %arg3[%arg1, %dma_start3A_117] : memref<16x640xi32, #tpu.memory_space<hbm>> -> memref<1x640xi32, #tpu.memory_space<hbm>>
        %dma_start3A_119 = tpu.memref_squeeze %dma_start3A_118 : memref<1x640xi32, #tpu.memory_space<hbm>> -> memref<640xi32, #tpu.memory_space<hbm>>
        %dma_start3A_120 = arith.constant 0 : i32
        %dma_start3A_121 = tpu.memref_slice %arg8[%dma_start3A_120] : memref<8192xi32, #tpu.memory_space<vmem>> -> memref<640xi32, #tpu.memory_space<vmem>>
        tpu.enqueue_dma source(%dma_start3A_121 : memref<640xi32, #tpu.memory_space<vmem>>) target(%dma_start3A_119 : memref<640xi32, #tpu.memory_space<hbm>>) target_semaphore(%run_scoped3A : memref<!tpu.dma_semaphore, #tpu.memory_space<semaphore_mem>>)
        %dma_wait3A = arith.constant 0 : i32
        %dma_wait3A_122 = tpu.memref_slice %arg8[%dma_wait3A] : memref<8192xi32, #tpu.memory_space<vmem>> -> memref<640xi32, #tpu.memory_space<vmem>>
        %dma_wait3A_123 = arith.constant 0 : i32
        %dma_wait3A_124 = tpu.memref_slice %arg3[%arg1, %dma_wait3A_123] : memref<16x640xi32, #tpu.memory_space<hbm>> -> memref<1x640xi32, #tpu.memory_space<hbm>>
        %dma_wait3A_125 = tpu.memref_squeeze %dma_wait3A_124 : memref<1x640xi32, #tpu.memory_space<hbm>> -> memref<640xi32, #tpu.memory_space<hbm>>
        %dma_wait3A_126 = arith.constant 0 : i32
        %dma_wait3A_127 = tpu.memref_slice %arg3[%arg1, %dma_wait3A_126] : memref<16x640xi32, #tpu.memory_space<hbm>> -> memref<1x640xi32, #tpu.memory_space<hbm>>
        %dma_wait3A_128 = tpu.memref_squeeze %dma_wait3A_127 : memref<1x640xi32, #tpu.memory_space<hbm>> -> memref<640xi32, #tpu.memory_space<hbm>>
        %dma_wait3A_129 = arith.constant 0 : i32
        %dma_wait3A_130 = tpu.memref_slice %arg8[%dma_wait3A_129] : memref<8192xi32, #tpu.memory_space<vmem>> -> memref<640xi32, #tpu.memory_space<vmem>>
        tpu.wait_dma2 semaphore(%run_scoped3A : memref<!tpu.dma_semaphore, #tpu.memory_space<semaphore_mem>>) src(%dma_wait3A_130 : memref<640xi32, #tpu.memory_space<vmem>>) dst(%dma_wait3A_128 : memref<640xi32, #tpu.memory_space<hbm>>)
        tpu.yield
      }) : () -> ()
    } else {
    }
    %barrier3A = arith.constant 0 : index
    tpu.barrier barrier_id(%barrier3A)
    %eq3A_3 = arith.constant 0 : i32
    %eq3A_4 = arith.cmpi eq, %arg0, %eq3A_3 : i32
    %convert_element_type3A_5 = arith.extui %eq3A_4 : i1 to i32
    %cond3A_6 = arith.constant 0 : i32
    %cond3A_7 = arith.cmpi ne, %convert_element_type3A_5, %cond3A_6 : i32
    scf.if %cond3A_7 {
      %mul3A = arith.constant 512 : i32
      %mul3A_8 = arith.muli %arg1, %mul3A : i32
      %parallel_loop3A = arith.constant 0 : i32
      %parallel_loop3A_9 = arith.constant 512 : i32
      %parallel_loop3A_10 = arith.constant 1 : i32
      scf.for %parallel_loop3A_106 = %parallel_loop3A to %parallel_loop3A_9 step %parallel_loop3A_10  : i32 {
        %parallel_loop3A_107 = arith.constant 0.000000e+00 : f32
        %parallel_loop3A_108 = vector.broadcast %parallel_loop3A_107 : f32 to vector<16xf32>
        %parallel_loop3A_109 = arith.index_cast %parallel_loop3A_106 : i32 to index
        %parallel_loop3A_110 = arith.constant 0 : index
        %parallel_loop3A_111 = tpu.vector_load %arg12[%parallel_loop3A_109, %parallel_loop3A_110] {strides = array<i32>} : memref<512x16xf32, #tpu.memory_space<vmem>>, vector<16xf32>,
        tpu.vector_store %arg12[%parallel_loop3A_109, %parallel_loop3A_110], %parallel_loop3A_108 {strides = array<i32>} : memref<512x16xf32, #tpu.memory_space<vmem>>, vector<16xf32>,
      } {sc.loop_unroll_factor = 8 : i64, sc.parallel_access}
      %broadcast_in_dim3A_11 = arith.constant 0 : i32
      %broadcast_in_dim3A_12 = vector.broadcast %broadcast_in_dim3A_11 : i32 to vector<16xi32>
      %run_scoped3A = arith.constant 0 : i32
      "tpu.region"() ({
        %run_scoped3A_106 = tpu.sem_alloc : memref<!tpu.dma_semaphore, #tpu.memory_space<semaphore_mem>>
        %dma_start3A = arith.constant 0 : i32
        %dma_start3A_107 = tpu.memref_slice %arg3[%run_scoped3A, %dma_start3A] : memref<16x640xi32, #tpu.memory_space<hbm>> -> memref<1x640xi32, #tpu.memory_space<hbm>>
        %dma_start3A_108 = tpu.memref_squeeze %dma_start3A_107 : memref<1x640xi32, #tpu.memory_space<hbm>> -> memref<640xi32, #tpu.memory_space<hbm>>
        %dma_start3A_109 = arith.constant 0 : i32
        %dma_start3A_110 = tpu.memref_slice %arg3[%run_scoped3A, %dma_start3A_109] : memref<16x640xi32, #tpu.memory_space<hbm>> -> memref<1x640xi32, #tpu.memory_space<hbm>>
        %dma_start3A_111 = tpu.memref_squeeze %dma_start3A_110 : memref<1x640xi32, #tpu.memory_space<hbm>> -> memref<640xi32, #tpu.memory_space<hbm>>
        tpu.enqueue_dma source(%dma_start3A_111 : memref<640xi32, #tpu.memory_space<hbm>>) target(%arg13 : memref<640xi32, #tpu.memory_space<vmem>>) target_semaphore(%run_scoped3A_106 : memref<!tpu.dma_semaphore, #tpu.memory_space<semaphore_mem>>)
        %dma_wait3A = arith.constant 0 : i32
        %dma_wait3A_112 = tpu.memref_slice %arg3[%run_scoped3A, %dma_wait3A] : memref<16x640xi32, #tpu.memory_space<hbm>> -> memref<1x640xi32, #tpu.memory_space<hbm>>
        %dma_wait3A_113 = tpu.memref_squeeze %dma_wait3A_112 : memref<1x640xi32, #tpu.memory_space<hbm>> -> memref<640xi32, #tpu.memory_space<hbm>>
        %dma_wait3A_114 = arith.constant 0 : i32
        %dma_wait3A_115 = tpu.memref_slice %arg3[%run_scoped3A, %dma_wait3A_114] : memref<16x640xi32, #tpu.memory_space<hbm>> -> memref<1x640xi32, #tpu.memory_space<hbm>>
        %dma_wait3A_116 = tpu.memref_squeeze %dma_wait3A_115 : memref<1x640xi32, #tpu.memory_space<hbm>> -> memref<640xi32, #tpu.memory_space<hbm>>
        tpu.wait_dma2 semaphore(%run_scoped3A_106 : memref<!tpu.dma_semaphore, #tpu.memory_space<semaphore_mem>>) src(%dma_wait3A_116 : memref<640xi32, #tpu.memory_space<hbm>>) dst(%arg13 : memref<640xi32, #tpu.memory_space<vmem>>)
        tpu.yield
      }) : () -> ()
      %parallel_loop3A_13 = arith.constant 0 : i32
      %parallel_loop3A_14 = arith.constant 40 : i32
      %parallel_loop3A_15 = arith.constant 1 : i32
      scf.for %parallel_loop3A_106 = %parallel_loop3A_13 to %parallel_loop3A_14 step %parallel_loop3A_15  : i32 {
        %parallel_loop3A_107 = arith.constant 16 : i32
        %parallel_loop3A_108 = arith.muli %parallel_loop3A_106, %parallel_loop3A_107 : i32
        %parallel_loop3A_109 = arith.index_cast %parallel_loop3A_108 : i32 to index
        %parallel_loop3A_110 = tpu.vector_load %arg13[%parallel_loop3A_109] {strides = array<i32>} : memref<640xi32, #tpu.memory_space<vmem>>, vector<16xi32>,
        %parallel_loop3A_111 = vector.broadcast %mul3A_8 : i32 to vector<16xi32>
        %parallel_loop3A_112 = arith.cmpi sge, %parallel_loop3A_110, %parallel_loop3A_111 : vector<16xi32>
        %parallel_loop3A_113 = arith.constant 512 : i32
        %parallel_loop3A_114 = arith.addi %mul3A_8, %parallel_loop3A_113 : i32
        %parallel_loop3A_115 = vector.broadcast %parallel_loop3A_114 : i32 to vector<16xi32>
        %parallel_loop3A_116 = arith.cmpi slt, %parallel_loop3A_110, %parallel_loop3A_115 : vector<16xi32>
        %parallel_loop3A_117 = arith.andi %parallel_loop3A_112, %parallel_loop3A_116 : vector<16xi1>
        %parallel_loop3A_118 = vector.broadcast %mul3A_8 : i32 to vector<16xi32>
        %parallel_loop3A_119 = arith.subi %parallel_loop3A_110, %parallel_loop3A_118 : vector<16xi32>
        tpu.vector_store_idx %arg12[%parallel_loop3A_119, %broadcast_in_dim3A_12], %broadcast_in_dim3A_0 masked %parallel_loop3A_117 : memref<512x16xf32, #tpu.memory_space<vmem>>[vector<16xi32>, vector<16xi32>], vector<16xf32>, vector<16xi1>
      } {sc.loop_unroll_factor = 4 : i64, sc.parallel_access}
      %broadcast_in_dim3A_16 = arith.constant 1 : i32
      %broadcast_in_dim3A_17 = vector.broadcast %broadcast_in_dim3A_16 : i32 to vector<16xi32>
      %run_scoped3A_18 = arith.constant 1 : i32
      "tpu.region"() ({
        %run_scoped3A_106 = tpu.sem_alloc : memref<!tpu.dma_semaphore, #tpu.memory_space<semaphore_mem>>
        %dma_start3A = arith.constant 0 : i32
        %dma_start3A_107 = tpu.memref_slice %arg3[%run_scoped3A_18, %dma_start3A] : memref<16x640xi32, #tpu.memory_space<hbm>> -> memref<1x640xi32, #tpu.memory_space<hbm>>
        %dma_start3A_108 = tpu.memref_squeeze %dma_start3A_107 : memref<1x640xi32, #tpu.memory_space<hbm>> -> memref<640xi32, #tpu.memory_space<hbm>>
        %dma_start3A_109 = arith.constant 0 : i32
        %dma_start3A_110 = tpu.memref_slice %arg3[%run_scoped3A_18, %dma_start3A_109] : memref<16x640xi32, #tpu.memory_space<hbm>> -> memref<1x640xi32, #tpu.memory_space<hbm>>
        %dma_start3A_111 = tpu.memref_squeeze %dma_start3A_110 : memref<1x640xi32, #tpu.memory_space<hbm>> -> memref<640xi32, #tpu.memory_space<hbm>>
        tpu.enqueue_dma source(%dma_start3A_111 : memref<640xi32, #tpu.memory_space<hbm>>) target(%arg13 : memref<640xi32, #tpu.memory_space<vmem>>) target_semaphore(%run_scoped3A_106 : memref<!tpu.dma_semaphore, #tpu.memory_space<semaphore_mem>>)
        %dma_wait3A = arith.constant 0 : i32
        %dma_wait3A_112 = tpu.memref_slice %arg3[%run_scoped3A_18, %dma_wait3A] : memref<16x640xi32, #tpu.memory_space<hbm>> -> memref<1x640xi32, #tpu.memory_space<hbm>>
        %dma_wait3A_113 = tpu.memref_squeeze %dma_wait3A_112 : memref<1x640xi32, #tpu.memory_space<hbm>> -> memref<640xi32, #tpu.memory_space<hbm>>
        %dma_wait3A_114 = arith.constant 0 : i32
        %dma_wait3A_115 = tpu.memref_slice %arg3[%run_scoped3A_18, %dma_wait3A_114] : memref<16x640xi32, #tpu.memory_space<hbm>> -> memref<1x640xi32, #tpu.memory_space<hbm>>
        %dma_wait3A_116 = tpu.memref_squeeze %dma_wait3A_115 : memref<1x640xi32, #tpu.memory_space<hbm>> -> memref<640xi32, #tpu.memory_space<hbm>>
        tpu.wait_dma2 semaphore(%run_scoped3A_106 : memref<!tpu.dma_semaphore, #tpu.memory_space<semaphore_mem>>) src(%dma_wait3A_116 : memref<640xi32, #tpu.memory_space<hbm>>) dst(%arg13 : memref<640xi32, #tpu.memory_space<vmem>>)
        tpu.yield
      }) : () -> ()
      %parallel_loop3A_19 = arith.constant 0 : i32
      %parallel_loop3A_20 = arith.constant 40 : i32
      %parallel_loop3A_21 = arith.constant 1 : i32
      scf.for %parallel_loop3A_106 = %parallel_loop3A_19 to %parallel_loop3A_20 step %parallel_loop3A_21  : i32 {
        %parallel_loop3A_107 = arith.constant 16 : i32
        %parallel_loop3A_108 = arith.muli %parallel_loop3A_106, %parallel_loop3A_107 : i32
        %parallel_loop3A_109 = arith.index_cast %parallel_loop3A_108 : i32 to index
        %parallel_loop3A_110 = tpu.vector_load %arg13[%parallel_loop3A_109] {strides = array<i32>} : memref<640xi32, #tpu.memory_space<vmem>>, vector<16xi32>,
        %parallel_loop3A_111 = vector.broadcast %mul3A_8 : i32 to vector<16xi32>
        %parallel_loop3A_112 = arith.cmpi sge, %parallel_loop3A_110, %parallel_loop3A_111 : vector<16xi32>
        %parallel_loop3A_113 = arith.constant 512 : i32
        %parallel_loop3A_114 = arith.addi %mul3A_8, %parallel_loop3A_113 : i32
        %parallel_loop3A_115 = vector.broadcast %parallel_loop3A_114 : i32 to vector<16xi32>
        %parallel_loop3A_116 = arith.cmpi slt, %parallel_loop3A_110, %parallel_loop3A_115 : vector<16xi32>
        %parallel_loop3A_117 = arith.andi %parallel_loop3A_112, %parallel_loop3A_116 : vector<16xi1>
        %parallel_loop3A_118 = vector.broadcast %mul3A_8 : i32 to vector<16xi32>
        %parallel_loop3A_119 = arith.subi %parallel_loop3A_110, %parallel_loop3A_118 : vector<16xi32>
        tpu.vector_store_idx %arg12[%parallel_loop3A_119, %broadcast_in_dim3A_17], %broadcast_in_dim3A_0 masked %parallel_loop3A_117 : memref<512x16xf32, #tpu.memory_space<vmem>>[vector<16xi32>, vector<16xi32>], vector<16xf32>, vector<16xi1>
      } {sc.loop_unroll_factor = 4 : i64, sc.parallel_access}
      %broadcast_in_dim3A_22 = arith.constant 2 : i32
      %broadcast_in_dim3A_23 = vector.broadcast %broadcast_in_dim3A_22 : i32 to vector<16xi32>
      %run_scoped3A_24 = arith.constant 2 : i32
      "tpu.region"() ({
        %run_scoped3A_106 = tpu.sem_alloc : memref<!tpu.dma_semaphore, #tpu.memory_space<semaphore_mem>>
        %dma_start3A = arith.constant 0 : i32
        %dma_start3A_107 = tpu.memref_slice %arg3[%run_scoped3A_24, %dma_start3A] : memref<16x640xi32, #tpu.memory_space<hbm>> -> memref<1x640xi32, #tpu.memory_space<hbm>>
        %dma_start3A_108 = tpu.memref_squeeze %dma_start3A_107 : memref<1x640xi32, #tpu.memory_space<hbm>> -> memref<640xi32, #tpu.memory_space<hbm>>
        %dma_start3A_109 = arith.constant 0 : i32
        %dma_start3A_110 = tpu.memref_slice %arg3[%run_scoped3A_24, %dma_start3A_109] : memref<16x640xi32, #tpu.memory_space<hbm>> -> memref<1x640xi32, #tpu.memory_space<hbm>>
        %dma_start3A_111 = tpu.memref_squeeze %dma_start3A_110 : memref<1x640xi32, #tpu.memory_space<hbm>> -> memref<640xi32, #tpu.memory_space<hbm>>
        tpu.enqueue_dma source(%dma_start3A_111 : memref<640xi32, #tpu.memory_space<hbm>>) target(%arg13 : memref<640xi32, #tpu.memory_space<vmem>>) target_semaphore(%run_scoped3A_106 : memref<!tpu.dma_semaphore, #tpu.memory_space<semaphore_mem>>)
        %dma_wait3A = arith.constant 0 : i32
        %dma_wait3A_112 = tpu.memref_slice %arg3[%run_scoped3A_24, %dma_wait3A] : memref<16x640xi32, #tpu.memory_space<hbm>> -> memref<1x640xi32, #tpu.memory_space<hbm>>
        %dma_wait3A_113 = tpu.memref_squeeze %dma_wait3A_112 : memref<1x640xi32, #tpu.memory_space<hbm>> -> memref<640xi32, #tpu.memory_space<hbm>>
        %dma_wait3A_114 = arith.constant 0 : i32
        %dma_wait3A_115 = tpu.memref_slice %arg3[%run_scoped3A_24, %dma_wait3A_114] : memref<16x640xi32, #tpu.memory_space<hbm>> -> memref<1x640xi32, #tpu.memory_space<hbm>>
        %dma_wait3A_116 = tpu.memref_squeeze %dma_wait3A_115 : memref<1x640xi32, #tpu.memory_space<hbm>> -> memref<640xi32, #tpu.memory_space<hbm>>
        tpu.wait_dma2 semaphore(%run_scoped3A_106 : memref<!tpu.dma_semaphore, #tpu.memory_space<semaphore_mem>>) src(%dma_wait3A_116 : memref<640xi32, #tpu.memory_space<hbm>>) dst(%arg13 : memref<640xi32, #tpu.memory_space<vmem>>)
        tpu.yield
      }) : () -> ()
      %parallel_loop3A_25 = arith.constant 0 : i32
      %parallel_loop3A_26 = arith.constant 40 : i32
      %parallel_loop3A_27 = arith.constant 1 : i32
      scf.for %parallel_loop3A_106 = %parallel_loop3A_25 to %parallel_loop3A_26 step %parallel_loop3A_27  : i32 {
        %parallel_loop3A_107 = arith.constant 16 : i32
        %parallel_loop3A_108 = arith.muli %parallel_loop3A_106, %parallel_loop3A_107 : i32
        %parallel_loop3A_109 = arith.index_cast %parallel_loop3A_108 : i32 to index
        %parallel_loop3A_110 = tpu.vector_load %arg13[%parallel_loop3A_109] {strides = array<i32>} : memref<640xi32, #tpu.memory_space<vmem>>, vector<16xi32>,
        %parallel_loop3A_111 = vector.broadcast %mul3A_8 : i32 to vector<16xi32>
        %parallel_loop3A_112 = arith.cmpi sge, %parallel_loop3A_110, %parallel_loop3A_111 : vector<16xi32>
        %parallel_loop3A_113 = arith.constant 512 : i32
        %parallel_loop3A_114 = arith.addi %mul3A_8, %parallel_loop3A_113 : i32
        %parallel_loop3A_115 = vector.broadcast %parallel_loop3A_114 : i32 to vector<16xi32>
        %parallel_loop3A_116 = arith.cmpi slt, %parallel_loop3A_110, %parallel_loop3A_115 : vector<16xi32>
        %parallel_loop3A_117 = arith.andi %parallel_loop3A_112, %parallel_loop3A_116 : vector<16xi1>
        %parallel_loop3A_118 = vector.broadcast %mul3A_8 : i32 to vector<16xi32>
        %parallel_loop3A_119 = arith.subi %parallel_loop3A_110, %parallel_loop3A_118 : vector<16xi32>
        tpu.vector_store_idx %arg12[%parallel_loop3A_119, %broadcast_in_dim3A_23], %broadcast_in_dim3A_0 masked %parallel_loop3A_117 : memref<512x16xf32, #tpu.memory_space<vmem>>[vector<16xi32>, vector<16xi32>], vector<16xf32>, vector<16xi1>
      } {sc.loop_unroll_factor = 4 : i64, sc.parallel_access}
      %broadcast_in_dim3A_28 = arith.constant 3 : i32
      %broadcast_in_dim3A_29 = vector.broadcast %broadcast_in_dim3A_28 : i32 to vector<16xi32>
      %run_scoped3A_30 = arith.constant 3 : i32
      "tpu.region"() ({
        %run_scoped3A_106 = tpu.sem_alloc : memref<!tpu.dma_semaphore, #tpu.memory_space<semaphore_mem>>
        %dma_start3A = arith.constant 0 : i32
        %dma_start3A_107 = tpu.memref_slice %arg3[%run_scoped3A_30, %dma_start3A] : memref<16x640xi32, #tpu.memory_space<hbm>> -> memref<1x640xi32, #tpu.memory_space<hbm>>
        %dma_start3A_108 = tpu.memref_squeeze %dma_start3A_107 : memref<1x640xi32, #tpu.memory_space<hbm>> -> memref<640xi32, #tpu.memory_space<hbm>>
        %dma_start3A_109 = arith.constant 0 : i32
        %dma_start3A_110 = tpu.memref_slice %arg3[%run_scoped3A_30, %dma_start3A_109] : memref<16x640xi32, #tpu.memory_space<hbm>> -> memref<1x640xi32, #tpu.memory_space<hbm>>
        %dma_start3A_111 = tpu.memref_squeeze %dma_start3A_110 : memref<1x640xi32, #tpu.memory_space<hbm>> -> memref<640xi32, #tpu.memory_space<hbm>>
        tpu.enqueue_dma source(%dma_start3A_111 : memref<640xi32, #tpu.memory_space<hbm>>) target(%arg13 : memref<640xi32, #tpu.memory_space<vmem>>) target_semaphore(%run_scoped3A_106 : memref<!tpu.dma_semaphore, #tpu.memory_space<semaphore_mem>>)
        %dma_wait3A = arith.constant 0 : i32
        %dma_wait3A_112 = tpu.memref_slice %arg3[%run_scoped3A_30, %dma_wait3A] : memref<16x640xi32, #tpu.memory_space<hbm>> -> memref<1x640xi32, #tpu.memory_space<hbm>>
        %dma_wait3A_113 = tpu.memref_squeeze %dma_wait3A_112 : memref<1x640xi32, #tpu.memory_space<hbm>> -> memref<640xi32, #tpu.memory_space<hbm>>
        %dma_wait3A_114 = arith.constant 0 : i32
        %dma_wait3A_115 = tpu.memref_slice %arg3[%run_scoped3A_30, %dma_wait3A_114] : memref<16x640xi32, #tpu.memory_space<hbm>> -> memref<1x640xi32, #tpu.memory_space<hbm>>
        %dma_wait3A_116 = tpu.memref_squeeze %dma_wait3A_115 : memref<1x640xi32, #tpu.memory_space<hbm>> -> memref<640xi32, #tpu.memory_space<hbm>>
        tpu.wait_dma2 semaphore(%run_scoped3A_106 : memref<!tpu.dma_semaphore, #tpu.memory_space<semaphore_mem>>) src(%dma_wait3A_116 : memref<640xi32, #tpu.memory_space<hbm>>) dst(%arg13 : memref<640xi32, #tpu.memory_space<vmem>>)
        tpu.yield
      }) : () -> ()
      %parallel_loop3A_31 = arith.constant 0 : i32
      %parallel_loop3A_32 = arith.constant 40 : i32
      %parallel_loop3A_33 = arith.constant 1 : i32
      scf.for %parallel_loop3A_106 = %parallel_loop3A_31 to %parallel_loop3A_32 step %parallel_loop3A_33  : i32 {
        %parallel_loop3A_107 = arith.constant 16 : i32
        %parallel_loop3A_108 = arith.muli %parallel_loop3A_106, %parallel_loop3A_107 : i32
        %parallel_loop3A_109 = arith.index_cast %parallel_loop3A_108 : i32 to index
        %parallel_loop3A_110 = tpu.vector_load %arg13[%parallel_loop3A_109] {strides = array<i32>} : memref<640xi32, #tpu.memory_space<vmem>>, vector<16xi32>,
        %parallel_loop3A_111 = vector.broadcast %mul3A_8 : i32 to vector<16xi32>
        %parallel_loop3A_112 = arith.cmpi sge, %parallel_loop3A_110, %parallel_loop3A_111 : vector<16xi32>
        %parallel_loop3A_113 = arith.constant 512 : i32
        %parallel_loop3A_114 = arith.addi %mul3A_8, %parallel_loop3A_113 : i32
        %parallel_loop3A_115 = vector.broadcast %parallel_loop3A_114 : i32 to vector<16xi32>
        %parallel_loop3A_116 = arith.cmpi slt, %parallel_loop3A_110, %parallel_loop3A_115 : vector<16xi32>
        %parallel_loop3A_117 = arith.andi %parallel_loop3A_112, %parallel_loop3A_116 : vector<16xi1>
        %parallel_loop3A_118 = vector.broadcast %mul3A_8 : i32 to vector<16xi32>
        %parallel_loop3A_119 = arith.subi %parallel_loop3A_110, %parallel_loop3A_118 : vector<16xi32>
        tpu.vector_store_idx %arg12[%parallel_loop3A_119, %broadcast_in_dim3A_29], %broadcast_in_dim3A_0 masked %parallel_loop3A_117 : memref<512x16xf32, #tpu.memory_space<vmem>>[vector<16xi32>, vector<16xi32>], vector<16xf32>, vector<16xi1>
      } {sc.loop_unroll_factor = 4 : i64, sc.parallel_access}
      %broadcast_in_dim3A_34 = arith.constant 4 : i32
      %broadcast_in_dim3A_35 = vector.broadcast %broadcast_in_dim3A_34 : i32 to vector<16xi32>
      %run_scoped3A_36 = arith.constant 4 : i32
      "tpu.region"() ({
        %run_scoped3A_106 = tpu.sem_alloc : memref<!tpu.dma_semaphore, #tpu.memory_space<semaphore_mem>>
        %dma_start3A = arith.constant 0 : i32
        %dma_start3A_107 = tpu.memref_slice %arg3[%run_scoped3A_36, %dma_start3A] : memref<16x640xi32, #tpu.memory_space<hbm>> -> memref<1x640xi32, #tpu.memory_space<hbm>>
        %dma_start3A_108 = tpu.memref_squeeze %dma_start3A_107 : memref<1x640xi32, #tpu.memory_space<hbm>> -> memref<640xi32, #tpu.memory_space<hbm>>
        %dma_start3A_109 = arith.constant 0 : i32
        %dma_start3A_110 = tpu.memref_slice %arg3[%run_scoped3A_36, %dma_start3A_109] : memref<16x640xi32, #tpu.memory_space<hbm>> -> memref<1x640xi32, #tpu.memory_space<hbm>>
        %dma_start3A_111 = tpu.memref_squeeze %dma_start3A_110 : memref<1x640xi32, #tpu.memory_space<hbm>> -> memref<640xi32, #tpu.memory_space<hbm>>
        tpu.enqueue_dma source(%dma_start3A_111 : memref<640xi32, #tpu.memory_space<hbm>>) target(%arg13 : memref<640xi32, #tpu.memory_space<vmem>>) target_semaphore(%run_scoped3A_106 : memref<!tpu.dma_semaphore, #tpu.memory_space<semaphore_mem>>)
        %dma_wait3A = arith.constant 0 : i32
        %dma_wait3A_112 = tpu.memref_slice %arg3[%run_scoped3A_36, %dma_wait3A] : memref<16x640xi32, #tpu.memory_space<hbm>> -> memref<1x640xi32, #tpu.memory_space<hbm>>
        %dma_wait3A_113 = tpu.memref_squeeze %dma_wait3A_112 : memref<1x640xi32, #tpu.memory_space<hbm>> -> memref<640xi32, #tpu.memory_space<hbm>>
        %dma_wait3A_114 = arith.constant 0 : i32
        %dma_wait3A_115 = tpu.memref_slice %arg3[%run_scoped3A_36, %dma_wait3A_114] : memref<16x640xi32, #tpu.memory_space<hbm>> -> memref<1x640xi32, #tpu.memory_space<hbm>>
        %dma_wait3A_116 = tpu.memref_squeeze %dma_wait3A_115 : memref<1x640xi32, #tpu.memory_space<hbm>> -> memref<640xi32, #tpu.memory_space<hbm>>
        tpu.wait_dma2 semaphore(%run_scoped3A_106 : memref<!tpu.dma_semaphore, #tpu.memory_space<semaphore_mem>>) src(%dma_wait3A_116 : memref<640xi32, #tpu.memory_space<hbm>>) dst(%arg13 : memref<640xi32, #tpu.memory_space<vmem>>)
        tpu.yield
      }) : () -> ()
      %parallel_loop3A_37 = arith.constant 0 : i32
      %parallel_loop3A_38 = arith.constant 40 : i32
      %parallel_loop3A_39 = arith.constant 1 : i32
      scf.for %parallel_loop3A_106 = %parallel_loop3A_37 to %parallel_loop3A_38 step %parallel_loop3A_39  : i32 {
        %parallel_loop3A_107 = arith.constant 16 : i32
        %parallel_loop3A_108 = arith.muli %parallel_loop3A_106, %parallel_loop3A_107 : i32
        %parallel_loop3A_109 = arith.index_cast %parallel_loop3A_108 : i32 to index
        %parallel_loop3A_110 = tpu.vector_load %arg13[%parallel_loop3A_109] {strides = array<i32>} : memref<640xi32, #tpu.memory_space<vmem>>, vector<16xi32>,
        %parallel_loop3A_111 = vector.broadcast %mul3A_8 : i32 to vector<16xi32>
        %parallel_loop3A_112 = arith.cmpi sge, %parallel_loop3A_110, %parallel_loop3A_111 : vector<16xi32>
        %parallel_loop3A_113 = arith.constant 512 : i32
        %parallel_loop3A_114 = arith.addi %mul3A_8, %parallel_loop3A_113 : i32
        %parallel_loop3A_115 = vector.broadcast %parallel_loop3A_114 : i32 to vector<16xi32>
        %parallel_loop3A_116 = arith.cmpi slt, %parallel_loop3A_110, %parallel_loop3A_115 : vector<16xi32>
        %parallel_loop3A_117 = arith.andi %parallel_loop3A_112, %parallel_loop3A_116 : vector<16xi1>
        %parallel_loop3A_118 = vector.broadcast %mul3A_8 : i32 to vector<16xi32>
        %parallel_loop3A_119 = arith.subi %parallel_loop3A_110, %parallel_loop3A_118 : vector<16xi32>
        tpu.vector_store_idx %arg12[%parallel_loop3A_119, %broadcast_in_dim3A_35], %broadcast_in_dim3A_0 masked %parallel_loop3A_117 : memref<512x16xf32, #tpu.memory_space<vmem>>[vector<16xi32>, vector<16xi32>], vector<16xf32>, vector<16xi1>
      } {sc.loop_unroll_factor = 4 : i64, sc.parallel_access}
      %broadcast_in_dim3A_40 = arith.constant 5 : i32
      %broadcast_in_dim3A_41 = vector.broadcast %broadcast_in_dim3A_40 : i32 to vector<16xi32>
      %run_scoped3A_42 = arith.constant 5 : i32
      "tpu.region"() ({
        %run_scoped3A_106 = tpu.sem_alloc : memref<!tpu.dma_semaphore, #tpu.memory_space<semaphore_mem>>
        %dma_start3A = arith.constant 0 : i32
        %dma_start3A_107 = tpu.memref_slice %arg3[%run_scoped3A_42, %dma_start3A] : memref<16x640xi32, #tpu.memory_space<hbm>> -> memref<1x640xi32, #tpu.memory_space<hbm>>
        %dma_start3A_108 = tpu.memref_squeeze %dma_start3A_107 : memref<1x640xi32, #tpu.memory_space<hbm>> -> memref<640xi32, #tpu.memory_space<hbm>>
        %dma_start3A_109 = arith.constant 0 : i32
        %dma_start3A_110 = tpu.memref_slice %arg3[%run_scoped3A_42, %dma_start3A_109] : memref<16x640xi32, #tpu.memory_space<hbm>> -> memref<1x640xi32, #tpu.memory_space<hbm>>
        %dma_start3A_111 = tpu.memref_squeeze %dma_start3A_110 : memref<1x640xi32, #tpu.memory_space<hbm>> -> memref<640xi32, #tpu.memory_space<hbm>>
        tpu.enqueue_dma source(%dma_start3A_111 : memref<640xi32, #tpu.memory_space<hbm>>) target(%arg13 : memref<640xi32, #tpu.memory_space<vmem>>) target_semaphore(%run_scoped3A_106 : memref<!tpu.dma_semaphore, #tpu.memory_space<semaphore_mem>>)
        %dma_wait3A = arith.constant 0 : i32
        %dma_wait3A_112 = tpu.memref_slice %arg3[%run_scoped3A_42, %dma_wait3A] : memref<16x640xi32, #tpu.memory_space<hbm>> -> memref<1x640xi32, #tpu.memory_space<hbm>>
        %dma_wait3A_113 = tpu.memref_squeeze %dma_wait3A_112 : memref<1x640xi32, #tpu.memory_space<hbm>> -> memref<640xi32, #tpu.memory_space<hbm>>
        %dma_wait3A_114 = arith.constant 0 : i32
        %dma_wait3A_115 = tpu.memref_slice %arg3[%run_scoped3A_42, %dma_wait3A_114] : memref<16x640xi32, #tpu.memory_space<hbm>> -> memref<1x640xi32, #tpu.memory_space<hbm>>
        %dma_wait3A_116 = tpu.memref_squeeze %dma_wait3A_115 : memref<1x640xi32, #tpu.memory_space<hbm>> -> memref<640xi32, #tpu.memory_space<hbm>>
        tpu.wait_dma2 semaphore(%run_scoped3A_106 : memref<!tpu.dma_semaphore, #tpu.memory_space<semaphore_mem>>) src(%dma_wait3A_116 : memref<640xi32, #tpu.memory_space<hbm>>) dst(%arg13 : memref<640xi32, #tpu.memory_space<vmem>>)
        tpu.yield
      }) : () -> ()
      %parallel_loop3A_43 = arith.constant 0 : i32
      %parallel_loop3A_44 = arith.constant 40 : i32
      %parallel_loop3A_45 = arith.constant 1 : i32
      scf.for %parallel_loop3A_106 = %parallel_loop3A_43 to %parallel_loop3A_44 step %parallel_loop3A_45  : i32 {
        %parallel_loop3A_107 = arith.constant 16 : i32
        %parallel_loop3A_108 = arith.muli %parallel_loop3A_106, %parallel_loop3A_107 : i32
        %parallel_loop3A_109 = arith.index_cast %parallel_loop3A_108 : i32 to index
        %parallel_loop3A_110 = tpu.vector_load %arg13[%parallel_loop3A_109] {strides = array<i32>} : memref<640xi32, #tpu.memory_space<vmem>>, vector<16xi32>,
        %parallel_loop3A_111 = vector.broadcast %mul3A_8 : i32 to vector<16xi32>
        %parallel_loop3A_112 = arith.cmpi sge, %parallel_loop3A_110, %parallel_loop3A_111 : vector<16xi32>
        %parallel_loop3A_113 = arith.constant 512 : i32
        %parallel_loop3A_114 = arith.addi %mul3A_8, %parallel_loop3A_113 : i32
        %parallel_loop3A_115 = vector.broadcast %parallel_loop3A_114 : i32 to vector<16xi32>
        %parallel_loop3A_116 = arith.cmpi slt, %parallel_loop3A_110, %parallel_loop3A_115 : vector<16xi32>
        %parallel_loop3A_117 = arith.andi %parallel_loop3A_112, %parallel_loop3A_116 : vector<16xi1>
        %parallel_loop3A_118 = vector.broadcast %mul3A_8 : i32 to vector<16xi32>
        %parallel_loop3A_119 = arith.subi %parallel_loop3A_110, %parallel_loop3A_118 : vector<16xi32>
        tpu.vector_store_idx %arg12[%parallel_loop3A_119, %broadcast_in_dim3A_41], %broadcast_in_dim3A_0 masked %parallel_loop3A_117 : memref<512x16xf32, #tpu.memory_space<vmem>>[vector<16xi32>, vector<16xi32>], vector<16xf32>, vector<16xi1>
      } {sc.loop_unroll_factor = 4 : i64, sc.parallel_access}
      %broadcast_in_dim3A_46 = arith.constant 6 : i32
      %broadcast_in_dim3A_47 = vector.broadcast %broadcast_in_dim3A_46 : i32 to vector<16xi32>
      %run_scoped3A_48 = arith.constant 6 : i32
      "tpu.region"() ({
        %run_scoped3A_106 = tpu.sem_alloc : memref<!tpu.dma_semaphore, #tpu.memory_space<semaphore_mem>>
        %dma_start3A = arith.constant 0 : i32
        %dma_start3A_107 = tpu.memref_slice %arg3[%run_scoped3A_48, %dma_start3A] : memref<16x640xi32, #tpu.memory_space<hbm>> -> memref<1x640xi32, #tpu.memory_space<hbm>>
        %dma_start3A_108 = tpu.memref_squeeze %dma_start3A_107 : memref<1x640xi32, #tpu.memory_space<hbm>> -> memref<640xi32, #tpu.memory_space<hbm>>
        %dma_start3A_109 = arith.constant 0 : i32
        %dma_start3A_110 = tpu.memref_slice %arg3[%run_scoped3A_48, %dma_start3A_109] : memref<16x640xi32, #tpu.memory_space<hbm>> -> memref<1x640xi32, #tpu.memory_space<hbm>>
        %dma_start3A_111 = tpu.memref_squeeze %dma_start3A_110 : memref<1x640xi32, #tpu.memory_space<hbm>> -> memref<640xi32, #tpu.memory_space<hbm>>
        tpu.enqueue_dma source(%dma_start3A_111 : memref<640xi32, #tpu.memory_space<hbm>>) target(%arg13 : memref<640xi32, #tpu.memory_space<vmem>>) target_semaphore(%run_scoped3A_106 : memref<!tpu.dma_semaphore, #tpu.memory_space<semaphore_mem>>)
        %dma_wait3A = arith.constant 0 : i32
        %dma_wait3A_112 = tpu.memref_slice %arg3[%run_scoped3A_48, %dma_wait3A] : memref<16x640xi32, #tpu.memory_space<hbm>> -> memref<1x640xi32, #tpu.memory_space<hbm>>
        %dma_wait3A_113 = tpu.memref_squeeze %dma_wait3A_112 : memref<1x640xi32, #tpu.memory_space<hbm>> -> memref<640xi32, #tpu.memory_space<hbm>>
        %dma_wait3A_114 = arith.constant 0 : i32
        %dma_wait3A_115 = tpu.memref_slice %arg3[%run_scoped3A_48, %dma_wait3A_114] : memref<16x640xi32, #tpu.memory_space<hbm>> -> memref<1x640xi32, #tpu.memory_space<hbm>>
        %dma_wait3A_116 = tpu.memref_squeeze %dma_wait3A_115 : memref<1x640xi32, #tpu.memory_space<hbm>> -> memref<640xi32, #tpu.memory_space<hbm>>
        tpu.wait_dma2 semaphore(%run_scoped3A_106 : memref<!tpu.dma_semaphore, #tpu.memory_space<semaphore_mem>>) src(%dma_wait3A_116 : memref<640xi32, #tpu.memory_space<hbm>>) dst(%arg13 : memref<640xi32, #tpu.memory_space<vmem>>)
        tpu.yield
      }) : () -> ()
      %parallel_loop3A_49 = arith.constant 0 : i32
      %parallel_loop3A_50 = arith.constant 40 : i32
      %parallel_loop3A_51 = arith.constant 1 : i32
      scf.for %parallel_loop3A_106 = %parallel_loop3A_49 to %parallel_loop3A_50 step %parallel_loop3A_51  : i32 {
        %parallel_loop3A_107 = arith.constant 16 : i32
        %parallel_loop3A_108 = arith.muli %parallel_loop3A_106, %parallel_loop3A_107 : i32
        %parallel_loop3A_109 = arith.index_cast %parallel_loop3A_108 : i32 to index
        %parallel_loop3A_110 = tpu.vector_load %arg13[%parallel_loop3A_109] {strides = array<i32>} : memref<640xi32, #tpu.memory_space<vmem>>, vector<16xi32>,
        %parallel_loop3A_111 = vector.broadcast %mul3A_8 : i32 to vector<16xi32>
        %parallel_loop3A_112 = arith.cmpi sge, %parallel_loop3A_110, %parallel_loop3A_111 : vector<16xi32>
        %parallel_loop3A_113 = arith.constant 512 : i32
        %parallel_loop3A_114 = arith.addi %mul3A_8, %parallel_loop3A_113 : i32
        %parallel_loop3A_115 = vector.broadcast %parallel_loop3A_114 : i32 to vector<16xi32>
        %parallel_loop3A_116 = arith.cmpi slt, %parallel_loop3A_110, %parallel_loop3A_115 : vector<16xi32>
        %parallel_loop3A_117 = arith.andi %parallel_loop3A_112, %parallel_loop3A_116 : vector<16xi1>
        %parallel_loop3A_118 = vector.broadcast %mul3A_8 : i32 to vector<16xi32>
        %parallel_loop3A_119 = arith.subi %parallel_loop3A_110, %parallel_loop3A_118 : vector<16xi32>
        tpu.vector_store_idx %arg12[%parallel_loop3A_119, %broadcast_in_dim3A_47], %broadcast_in_dim3A_0 masked %parallel_loop3A_117 : memref<512x16xf32, #tpu.memory_space<vmem>>[vector<16xi32>, vector<16xi32>], vector<16xf32>, vector<16xi1>
      } {sc.loop_unroll_factor = 4 : i64, sc.parallel_access}
      %broadcast_in_dim3A_52 = arith.constant 7 : i32
      %broadcast_in_dim3A_53 = vector.broadcast %broadcast_in_dim3A_52 : i32 to vector<16xi32>
      %run_scoped3A_54 = arith.constant 7 : i32
      "tpu.region"() ({
        %run_scoped3A_106 = tpu.sem_alloc : memref<!tpu.dma_semaphore, #tpu.memory_space<semaphore_mem>>
        %dma_start3A = arith.constant 0 : i32
        %dma_start3A_107 = tpu.memref_slice %arg3[%run_scoped3A_54, %dma_start3A] : memref<16x640xi32, #tpu.memory_space<hbm>> -> memref<1x640xi32, #tpu.memory_space<hbm>>
        %dma_start3A_108 = tpu.memref_squeeze %dma_start3A_107 : memref<1x640xi32, #tpu.memory_space<hbm>> -> memref<640xi32, #tpu.memory_space<hbm>>
        %dma_start3A_109 = arith.constant 0 : i32
        %dma_start3A_110 = tpu.memref_slice %arg3[%run_scoped3A_54, %dma_start3A_109] : memref<16x640xi32, #tpu.memory_space<hbm>> -> memref<1x640xi32, #tpu.memory_space<hbm>>
        %dma_start3A_111 = tpu.memref_squeeze %dma_start3A_110 : memref<1x640xi32, #tpu.memory_space<hbm>> -> memref<640xi32, #tpu.memory_space<hbm>>
        tpu.enqueue_dma source(%dma_start3A_111 : memref<640xi32, #tpu.memory_space<hbm>>) target(%arg13 : memref<640xi32, #tpu.memory_space<vmem>>) target_semaphore(%run_scoped3A_106 : memref<!tpu.dma_semaphore, #tpu.memory_space<semaphore_mem>>)
        %dma_wait3A = arith.constant 0 : i32
        %dma_wait3A_112 = tpu.memref_slice %arg3[%run_scoped3A_54, %dma_wait3A] : memref<16x640xi32, #tpu.memory_space<hbm>> -> memref<1x640xi32, #tpu.memory_space<hbm>>
        %dma_wait3A_113 = tpu.memref_squeeze %dma_wait3A_112 : memref<1x640xi32, #tpu.memory_space<hbm>> -> memref<640xi32, #tpu.memory_space<hbm>>
        %dma_wait3A_114 = arith.constant 0 : i32
        %dma_wait3A_115 = tpu.memref_slice %arg3[%run_scoped3A_54, %dma_wait3A_114] : memref<16x640xi32, #tpu.memory_space<hbm>> -> memref<1x640xi32, #tpu.memory_space<hbm>>
        %dma_wait3A_116 = tpu.memref_squeeze %dma_wait3A_115 : memref<1x640xi32, #tpu.memory_space<hbm>> -> memref<640xi32, #tpu.memory_space<hbm>>
        tpu.wait_dma2 semaphore(%run_scoped3A_106 : memref<!tpu.dma_semaphore, #tpu.memory_space<semaphore_mem>>) src(%dma_wait3A_116 : memref<640xi32, #tpu.memory_space<hbm>>) dst(%arg13 : memref<640xi32, #tpu.memory_space<vmem>>)
        tpu.yield
      }) : () -> ()
      %parallel_loop3A_55 = arith.constant 0 : i32
      %parallel_loop3A_56 = arith.constant 40 : i32
      %parallel_loop3A_57 = arith.constant 1 : i32
      scf.for %parallel_loop3A_106 = %parallel_loop3A_55 to %parallel_loop3A_56 step %parallel_loop3A_57  : i32 {
        %parallel_loop3A_107 = arith.constant 16 : i32
        %parallel_loop3A_108 = arith.muli %parallel_loop3A_106, %parallel_loop3A_107 : i32
        %parallel_loop3A_109 = arith.index_cast %parallel_loop3A_108 : i32 to index
        %parallel_loop3A_110 = tpu.vector_load %arg13[%parallel_loop3A_109] {strides = array<i32>} : memref<640xi32, #tpu.memory_space<vmem>>, vector<16xi32>,
        %parallel_loop3A_111 = vector.broadcast %mul3A_8 : i32 to vector<16xi32>
        %parallel_loop3A_112 = arith.cmpi sge, %parallel_loop3A_110, %parallel_loop3A_111 : vector<16xi32>
        %parallel_loop3A_113 = arith.constant 512 : i32
        %parallel_loop3A_114 = arith.addi %mul3A_8, %parallel_loop3A_113 : i32
        %parallel_loop3A_115 = vector.broadcast %parallel_loop3A_114 : i32 to vector<16xi32>
        %parallel_loop3A_116 = arith.cmpi slt, %parallel_loop3A_110, %parallel_loop3A_115 : vector<16xi32>
        %parallel_loop3A_117 = arith.andi %parallel_loop3A_112, %parallel_loop3A_116 : vector<16xi1>
        %parallel_loop3A_118 = vector.broadcast %mul3A_8 : i32 to vector<16xi32>
        %parallel_loop3A_119 = arith.subi %parallel_loop3A_110, %parallel_loop3A_118 : vector<16xi32>
        tpu.vector_store_idx %arg12[%parallel_loop3A_119, %broadcast_in_dim3A_53], %broadcast_in_dim3A_0 masked %parallel_loop3A_117 : memref<512x16xf32, #tpu.memory_space<vmem>>[vector<16xi32>, vector<16xi32>], vector<16xf32>, vector<16xi1>
      } {sc.loop_unroll_factor = 4 : i64, sc.parallel_access}
      %broadcast_in_dim3A_58 = arith.constant 8 : i32
      %broadcast_in_dim3A_59 = vector.broadcast %broadcast_in_dim3A_58 : i32 to vector<16xi32>
      %run_scoped3A_60 = arith.constant 8 : i32
      "tpu.region"() ({
        %run_scoped3A_106 = tpu.sem_alloc : memref<!tpu.dma_semaphore, #tpu.memory_space<semaphore_mem>>
        %dma_start3A = arith.constant 0 : i32
        %dma_start3A_107 = tpu.memref_slice %arg3[%run_scoped3A_60, %dma_start3A] : memref<16x640xi32, #tpu.memory_space<hbm>> -> memref<1x640xi32, #tpu.memory_space<hbm>>
        %dma_start3A_108 = tpu.memref_squeeze %dma_start3A_107 : memref<1x640xi32, #tpu.memory_space<hbm>> -> memref<640xi32, #tpu.memory_space<hbm>>
        %dma_start3A_109 = arith.constant 0 : i32
        %dma_start3A_110 = tpu.memref_slice %arg3[%run_scoped3A_60, %dma_start3A_109] : memref<16x640xi32, #tpu.memory_space<hbm>> -> memref<1x640xi32, #tpu.memory_space<hbm>>
        %dma_start3A_111 = tpu.memref_squeeze %dma_start3A_110 : memref<1x640xi32, #tpu.memory_space<hbm>> -> memref<640xi32, #tpu.memory_space<hbm>>
        tpu.enqueue_dma source(%dma_start3A_111 : memref<640xi32, #tpu.memory_space<hbm>>) target(%arg13 : memref<640xi32, #tpu.memory_space<vmem>>) target_semaphore(%run_scoped3A_106 : memref<!tpu.dma_semaphore, #tpu.memory_space<semaphore_mem>>)
        %dma_wait3A = arith.constant 0 : i32
        %dma_wait3A_112 = tpu.memref_slice %arg3[%run_scoped3A_60, %dma_wait3A] : memref<16x640xi32, #tpu.memory_space<hbm>> -> memref<1x640xi32, #tpu.memory_space<hbm>>
        %dma_wait3A_113 = tpu.memref_squeeze %dma_wait3A_112 : memref<1x640xi32, #tpu.memory_space<hbm>> -> memref<640xi32, #tpu.memory_space<hbm>>
        %dma_wait3A_114 = arith.constant 0 : i32
        %dma_wait3A_115 = tpu.memref_slice %arg3[%run_scoped3A_60, %dma_wait3A_114] : memref<16x640xi32, #tpu.memory_space<hbm>> -> memref<1x640xi32, #tpu.memory_space<hbm>>
        %dma_wait3A_116 = tpu.memref_squeeze %dma_wait3A_115 : memref<1x640xi32, #tpu.memory_space<hbm>> -> memref<640xi32, #tpu.memory_space<hbm>>
        tpu.wait_dma2 semaphore(%run_scoped3A_106 : memref<!tpu.dma_semaphore, #tpu.memory_space<semaphore_mem>>) src(%dma_wait3A_116 : memref<640xi32, #tpu.memory_space<hbm>>) dst(%arg13 : memref<640xi32, #tpu.memory_space<vmem>>)
        tpu.yield
      }) : () -> ()
      %parallel_loop3A_61 = arith.constant 0 : i32
      %parallel_loop3A_62 = arith.constant 40 : i32
      %parallel_loop3A_63 = arith.constant 1 : i32
      scf.for %parallel_loop3A_106 = %parallel_loop3A_61 to %parallel_loop3A_62 step %parallel_loop3A_63  : i32 {
        %parallel_loop3A_107 = arith.constant 16 : i32
        %parallel_loop3A_108 = arith.muli %parallel_loop3A_106, %parallel_loop3A_107 : i32
        %parallel_loop3A_109 = arith.index_cast %parallel_loop3A_108 : i32 to index
        %parallel_loop3A_110 = tpu.vector_load %arg13[%parallel_loop3A_109] {strides = array<i32>} : memref<640xi32, #tpu.memory_space<vmem>>, vector<16xi32>,
        %parallel_loop3A_111 = vector.broadcast %mul3A_8 : i32 to vector<16xi32>
        %parallel_loop3A_112 = arith.cmpi sge, %parallel_loop3A_110, %parallel_loop3A_111 : vector<16xi32>
        %parallel_loop3A_113 = arith.constant 512 : i32
        %parallel_loop3A_114 = arith.addi %mul3A_8, %parallel_loop3A_113 : i32
        %parallel_loop3A_115 = vector.broadcast %parallel_loop3A_114 : i32 to vector<16xi32>
        %parallel_loop3A_116 = arith.cmpi slt, %parallel_loop3A_110, %parallel_loop3A_115 : vector<16xi32>
        %parallel_loop3A_117 = arith.andi %parallel_loop3A_112, %parallel_loop3A_116 : vector<16xi1>
        %parallel_loop3A_118 = vector.broadcast %mul3A_8 : i32 to vector<16xi32>
        %parallel_loop3A_119 = arith.subi %parallel_loop3A_110, %parallel_loop3A_118 : vector<16xi32>
        tpu.vector_store_idx %arg12[%parallel_loop3A_119, %broadcast_in_dim3A_59], %broadcast_in_dim3A_0 masked %parallel_loop3A_117 : memref<512x16xf32, #tpu.memory_space<vmem>>[vector<16xi32>, vector<16xi32>], vector<16xf32>, vector<16xi1>
      } {sc.loop_unroll_factor = 4 : i64, sc.parallel_access}
      %broadcast_in_dim3A_64 = arith.constant 9 : i32
      %broadcast_in_dim3A_65 = vector.broadcast %broadcast_in_dim3A_64 : i32 to vector<16xi32>
      %run_scoped3A_66 = arith.constant 9 : i32
      "tpu.region"() ({
        %run_scoped3A_106 = tpu.sem_alloc : memref<!tpu.dma_semaphore, #tpu.memory_space<semaphore_mem>>
        %dma_start3A = arith.constant 0 : i32
        %dma_start3A_107 = tpu.memref_slice %arg3[%run_scoped3A_66, %dma_start3A] : memref<16x640xi32, #tpu.memory_space<hbm>> -> memref<1x640xi32, #tpu.memory_space<hbm>>
        %dma_start3A_108 = tpu.memref_squeeze %dma_start3A_107 : memref<1x640xi32, #tpu.memory_space<hbm>> -> memref<640xi32, #tpu.memory_space<hbm>>
        %dma_start3A_109 = arith.constant 0 : i32
        %dma_start3A_110 = tpu.memref_slice %arg3[%run_scoped3A_66, %dma_start3A_109] : memref<16x640xi32, #tpu.memory_space<hbm>> -> memref<1x640xi32, #tpu.memory_space<hbm>>
        %dma_start3A_111 = tpu.memref_squeeze %dma_start3A_110 : memref<1x640xi32, #tpu.memory_space<hbm>> -> memref<640xi32, #tpu.memory_space<hbm>>
        tpu.enqueue_dma source(%dma_start3A_111 : memref<640xi32, #tpu.memory_space<hbm>>) target(%arg13 : memref<640xi32, #tpu.memory_space<vmem>>) target_semaphore(%run_scoped3A_106 : memref<!tpu.dma_semaphore, #tpu.memory_space<semaphore_mem>>)
        %dma_wait3A = arith.constant 0 : i32
        %dma_wait3A_112 = tpu.memref_slice %arg3[%run_scoped3A_66, %dma_wait3A] : memref<16x640xi32, #tpu.memory_space<hbm>> -> memref<1x640xi32, #tpu.memory_space<hbm>>
        %dma_wait3A_113 = tpu.memref_squeeze %dma_wait3A_112 : memref<1x640xi32, #tpu.memory_space<hbm>> -> memref<640xi32, #tpu.memory_space<hbm>>
        %dma_wait3A_114 = arith.constant 0 : i32
        %dma_wait3A_115 = tpu.memref_slice %arg3[%run_scoped3A_66, %dma_wait3A_114] : memref<16x640xi32, #tpu.memory_space<hbm>> -> memref<1x640xi32, #tpu.memory_space<hbm>>
        %dma_wait3A_116 = tpu.memref_squeeze %dma_wait3A_115 : memref<1x640xi32, #tpu.memory_space<hbm>> -> memref<640xi32, #tpu.memory_space<hbm>>
        tpu.wait_dma2 semaphore(%run_scoped3A_106 : memref<!tpu.dma_semaphore, #tpu.memory_space<semaphore_mem>>) src(%dma_wait3A_116 : memref<640xi32, #tpu.memory_space<hbm>>) dst(%arg13 : memref<640xi32, #tpu.memory_space<vmem>>)
        tpu.yield
      }) : () -> ()
      %parallel_loop3A_67 = arith.constant 0 : i32
      %parallel_loop3A_68 = arith.constant 40 : i32
      %parallel_loop3A_69 = arith.constant 1 : i32
      scf.for %parallel_loop3A_106 = %parallel_loop3A_67 to %parallel_loop3A_68 step %parallel_loop3A_69  : i32 {
        %parallel_loop3A_107 = arith.constant 16 : i32
        %parallel_loop3A_108 = arith.muli %parallel_loop3A_106, %parallel_loop3A_107 : i32
        %parallel_loop3A_109 = arith.index_cast %parallel_loop3A_108 : i32 to index
        %parallel_loop3A_110 = tpu.vector_load %arg13[%parallel_loop3A_109] {strides = array<i32>} : memref<640xi32, #tpu.memory_space<vmem>>, vector<16xi32>,
        %parallel_loop3A_111 = vector.broadcast %mul3A_8 : i32 to vector<16xi32>
        %parallel_loop3A_112 = arith.cmpi sge, %parallel_loop3A_110, %parallel_loop3A_111 : vector<16xi32>
        %parallel_loop3A_113 = arith.constant 512 : i32
        %parallel_loop3A_114 = arith.addi %mul3A_8, %parallel_loop3A_113 : i32
        %parallel_loop3A_115 = vector.broadcast %parallel_loop3A_114 : i32 to vector<16xi32>
        %parallel_loop3A_116 = arith.cmpi slt, %parallel_loop3A_110, %parallel_loop3A_115 : vector<16xi32>
        %parallel_loop3A_117 = arith.andi %parallel_loop3A_112, %parallel_loop3A_116 : vector<16xi1>
        %parallel_loop3A_118 = vector.broadcast %mul3A_8 : i32 to vector<16xi32>
        %parallel_loop3A_119 = arith.subi %parallel_loop3A_110, %parallel_loop3A_118 : vector<16xi32>
        tpu.vector_store_idx %arg12[%parallel_loop3A_119, %broadcast_in_dim3A_65], %broadcast_in_dim3A_0 masked %parallel_loop3A_117 : memref<512x16xf32, #tpu.memory_space<vmem>>[vector<16xi32>, vector<16xi32>], vector<16xf32>, vector<16xi1>
      } {sc.loop_unroll_factor = 4 : i64, sc.parallel_access}
      %broadcast_in_dim3A_70 = arith.constant 10 : i32
      %broadcast_in_dim3A_71 = vector.broadcast %broadcast_in_dim3A_70 : i32 to vector<16xi32>
      %run_scoped3A_72 = arith.constant 10 : i32
      "tpu.region"() ({
        %run_scoped3A_106 = tpu.sem_alloc : memref<!tpu.dma_semaphore, #tpu.memory_space<semaphore_mem>>
        %dma_start3A = arith.constant 0 : i32
        %dma_start3A_107 = tpu.memref_slice %arg3[%run_scoped3A_72, %dma_start3A] : memref<16x640xi32, #tpu.memory_space<hbm>> -> memref<1x640xi32, #tpu.memory_space<hbm>>
        %dma_start3A_108 = tpu.memref_squeeze %dma_start3A_107 : memref<1x640xi32, #tpu.memory_space<hbm>> -> memref<640xi32, #tpu.memory_space<hbm>>
        %dma_start3A_109 = arith.constant 0 : i32
        %dma_start3A_110 = tpu.memref_slice %arg3[%run_scoped3A_72, %dma_start3A_109] : memref<16x640xi32, #tpu.memory_space<hbm>> -> memref<1x640xi32, #tpu.memory_space<hbm>>
        %dma_start3A_111 = tpu.memref_squeeze %dma_start3A_110 : memref<1x640xi32, #tpu.memory_space<hbm>> -> memref<640xi32, #tpu.memory_space<hbm>>
        tpu.enqueue_dma source(%dma_start3A_111 : memref<640xi32, #tpu.memory_space<hbm>>) target(%arg13 : memref<640xi32, #tpu.memory_space<vmem>>) target_semaphore(%run_scoped3A_106 : memref<!tpu.dma_semaphore, #tpu.memory_space<semaphore_mem>>)
        %dma_wait3A = arith.constant 0 : i32
        %dma_wait3A_112 = tpu.memref_slice %arg3[%run_scoped3A_72, %dma_wait3A] : memref<16x640xi32, #tpu.memory_space<hbm>> -> memref<1x640xi32, #tpu.memory_space<hbm>>
        %dma_wait3A_113 = tpu.memref_squeeze %dma_wait3A_112 : memref<1x640xi32, #tpu.memory_space<hbm>> -> memref<640xi32, #tpu.memory_space<hbm>>
        %dma_wait3A_114 = arith.constant 0 : i32
        %dma_wait3A_115 = tpu.memref_slice %arg3[%run_scoped3A_72, %dma_wait3A_114] : memref<16x640xi32, #tpu.memory_space<hbm>> -> memref<1x640xi32, #tpu.memory_space<hbm>>
        %dma_wait3A_116 = tpu.memref_squeeze %dma_wait3A_115 : memref<1x640xi32, #tpu.memory_space<hbm>> -> memref<640xi32, #tpu.memory_space<hbm>>
        tpu.wait_dma2 semaphore(%run_scoped3A_106 : memref<!tpu.dma_semaphore, #tpu.memory_space<semaphore_mem>>) src(%dma_wait3A_116 : memref<640xi32, #tpu.memory_space<hbm>>) dst(%arg13 : memref<640xi32, #tpu.memory_space<vmem>>)
        tpu.yield
      }) : () -> ()
      %parallel_loop3A_73 = arith.constant 0 : i32
      %parallel_loop3A_74 = arith.constant 40 : i32
      %parallel_loop3A_75 = arith.constant 1 : i32
      scf.for %parallel_loop3A_106 = %parallel_loop3A_73 to %parallel_loop3A_74 step %parallel_loop3A_75  : i32 {
        %parallel_loop3A_107 = arith.constant 16 : i32
        %parallel_loop3A_108 = arith.muli %parallel_loop3A_106, %parallel_loop3A_107 : i32
        %parallel_loop3A_109 = arith.index_cast %parallel_loop3A_108 : i32 to index
        %parallel_loop3A_110 = tpu.vector_load %arg13[%parallel_loop3A_109] {strides = array<i32>} : memref<640xi32, #tpu.memory_space<vmem>>, vector<16xi32>,
        %parallel_loop3A_111 = vector.broadcast %mul3A_8 : i32 to vector<16xi32>
        %parallel_loop3A_112 = arith.cmpi sge, %parallel_loop3A_110, %parallel_loop3A_111 : vector<16xi32>
        %parallel_loop3A_113 = arith.constant 512 : i32
        %parallel_loop3A_114 = arith.addi %mul3A_8, %parallel_loop3A_113 : i32
        %parallel_loop3A_115 = vector.broadcast %parallel_loop3A_114 : i32 to vector<16xi32>
        %parallel_loop3A_116 = arith.cmpi slt, %parallel_loop3A_110, %parallel_loop3A_115 : vector<16xi32>
        %parallel_loop3A_117 = arith.andi %parallel_loop3A_112, %parallel_loop3A_116 : vector<16xi1>
        %parallel_loop3A_118 = vector.broadcast %mul3A_8 : i32 to vector<16xi32>
        %parallel_loop3A_119 = arith.subi %parallel_loop3A_110, %parallel_loop3A_118 : vector<16xi32>
        tpu.vector_store_idx %arg12[%parallel_loop3A_119, %broadcast_in_dim3A_71], %broadcast_in_dim3A_0 masked %parallel_loop3A_117 : memref<512x16xf32, #tpu.memory_space<vmem>>[vector<16xi32>, vector<16xi32>], vector<16xf32>, vector<16xi1>
      } {sc.loop_unroll_factor = 4 : i64, sc.parallel_access}
      %broadcast_in_dim3A_76 = arith.constant 11 : i32
      %broadcast_in_dim3A_77 = vector.broadcast %broadcast_in_dim3A_76 : i32 to vector<16xi32>
      %run_scoped3A_78 = arith.constant 11 : i32
      "tpu.region"() ({
        %run_scoped3A_106 = tpu.sem_alloc : memref<!tpu.dma_semaphore, #tpu.memory_space<semaphore_mem>>
        %dma_start3A = arith.constant 0 : i32
        %dma_start3A_107 = tpu.memref_slice %arg3[%run_scoped3A_78, %dma_start3A] : memref<16x640xi32, #tpu.memory_space<hbm>> -> memref<1x640xi32, #tpu.memory_space<hbm>>
        %dma_start3A_108 = tpu.memref_squeeze %dma_start3A_107 : memref<1x640xi32, #tpu.memory_space<hbm>> -> memref<640xi32, #tpu.memory_space<hbm>>
        %dma_start3A_109 = arith.constant 0 : i32
        %dma_start3A_110 = tpu.memref_slice %arg3[%run_scoped3A_78, %dma_start3A_109] : memref<16x640xi32, #tpu.memory_space<hbm>> -> memref<1x640xi32, #tpu.memory_space<hbm>>
        %dma_start3A_111 = tpu.memref_squeeze %dma_start3A_110 : memref<1x640xi32, #tpu.memory_space<hbm>> -> memref<640xi32, #tpu.memory_space<hbm>>
        tpu.enqueue_dma source(%dma_start3A_111 : memref<640xi32, #tpu.memory_space<hbm>>) target(%arg13 : memref<640xi32, #tpu.memory_space<vmem>>) target_semaphore(%run_scoped3A_106 : memref<!tpu.dma_semaphore, #tpu.memory_space<semaphore_mem>>)
        %dma_wait3A = arith.constant 0 : i32
        %dma_wait3A_112 = tpu.memref_slice %arg3[%run_scoped3A_78, %dma_wait3A] : memref<16x640xi32, #tpu.memory_space<hbm>> -> memref<1x640xi32, #tpu.memory_space<hbm>>
        %dma_wait3A_113 = tpu.memref_squeeze %dma_wait3A_112 : memref<1x640xi32, #tpu.memory_space<hbm>> -> memref<640xi32, #tpu.memory_space<hbm>>
        %dma_wait3A_114 = arith.constant 0 : i32
        %dma_wait3A_115 = tpu.memref_slice %arg3[%run_scoped3A_78, %dma_wait3A_114] : memref<16x640xi32, #tpu.memory_space<hbm>> -> memref<1x640xi32, #tpu.memory_space<hbm>>
        %dma_wait3A_116 = tpu.memref_squeeze %dma_wait3A_115 : memref<1x640xi32, #tpu.memory_space<hbm>> -> memref<640xi32, #tpu.memory_space<hbm>>
        tpu.wait_dma2 semaphore(%run_scoped3A_106 : memref<!tpu.dma_semaphore, #tpu.memory_space<semaphore_mem>>) src(%dma_wait3A_116 : memref<640xi32, #tpu.memory_space<hbm>>) dst(%arg13 : memref<640xi32, #tpu.memory_space<vmem>>)
        tpu.yield
      }) : () -> ()
      %parallel_loop3A_79 = arith.constant 0 : i32
      %parallel_loop3A_80 = arith.constant 40 : i32
      %parallel_loop3A_81 = arith.constant 1 : i32
      scf.for %parallel_loop3A_106 = %parallel_loop3A_79 to %parallel_loop3A_80 step %parallel_loop3A_81  : i32 {
        %parallel_loop3A_107 = arith.constant 16 : i32
        %parallel_loop3A_108 = arith.muli %parallel_loop3A_106, %parallel_loop3A_107 : i32
        %parallel_loop3A_109 = arith.index_cast %parallel_loop3A_108 : i32 to index
        %parallel_loop3A_110 = tpu.vector_load %arg13[%parallel_loop3A_109] {strides = array<i32>} : memref<640xi32, #tpu.memory_space<vmem>>, vector<16xi32>,
        %parallel_loop3A_111 = vector.broadcast %mul3A_8 : i32 to vector<16xi32>
        %parallel_loop3A_112 = arith.cmpi sge, %parallel_loop3A_110, %parallel_loop3A_111 : vector<16xi32>
        %parallel_loop3A_113 = arith.constant 512 : i32
        %parallel_loop3A_114 = arith.addi %mul3A_8, %parallel_loop3A_113 : i32
        %parallel_loop3A_115 = vector.broadcast %parallel_loop3A_114 : i32 to vector<16xi32>
        %parallel_loop3A_116 = arith.cmpi slt, %parallel_loop3A_110, %parallel_loop3A_115 : vector<16xi32>
        %parallel_loop3A_117 = arith.andi %parallel_loop3A_112, %parallel_loop3A_116 : vector<16xi1>
        %parallel_loop3A_118 = vector.broadcast %mul3A_8 : i32 to vector<16xi32>
        %parallel_loop3A_119 = arith.subi %parallel_loop3A_110, %parallel_loop3A_118 : vector<16xi32>
        tpu.vector_store_idx %arg12[%parallel_loop3A_119, %broadcast_in_dim3A_77], %broadcast_in_dim3A_0 masked %parallel_loop3A_117 : memref<512x16xf32, #tpu.memory_space<vmem>>[vector<16xi32>, vector<16xi32>], vector<16xf32>, vector<16xi1>
      } {sc.loop_unroll_factor = 4 : i64, sc.parallel_access}
      %broadcast_in_dim3A_82 = arith.constant 12 : i32
      %broadcast_in_dim3A_83 = vector.broadcast %broadcast_in_dim3A_82 : i32 to vector<16xi32>
      %run_scoped3A_84 = arith.constant 12 : i32
      "tpu.region"() ({
        %run_scoped3A_106 = tpu.sem_alloc : memref<!tpu.dma_semaphore, #tpu.memory_space<semaphore_mem>>
        %dma_start3A = arith.constant 0 : i32
        %dma_start3A_107 = tpu.memref_slice %arg3[%run_scoped3A_84, %dma_start3A] : memref<16x640xi32, #tpu.memory_space<hbm>> -> memref<1x640xi32, #tpu.memory_space<hbm>>
        %dma_start3A_108 = tpu.memref_squeeze %dma_start3A_107 : memref<1x640xi32, #tpu.memory_space<hbm>> -> memref<640xi32, #tpu.memory_space<hbm>>
        %dma_start3A_109 = arith.constant 0 : i32
        %dma_start3A_110 = tpu.memref_slice %arg3[%run_scoped3A_84, %dma_start3A_109] : memref<16x640xi32, #tpu.memory_space<hbm>> -> memref<1x640xi32, #tpu.memory_space<hbm>>
        %dma_start3A_111 = tpu.memref_squeeze %dma_start3A_110 : memref<1x640xi32, #tpu.memory_space<hbm>> -> memref<640xi32, #tpu.memory_space<hbm>>
        tpu.enqueue_dma source(%dma_start3A_111 : memref<640xi32, #tpu.memory_space<hbm>>) target(%arg13 : memref<640xi32, #tpu.memory_space<vmem>>) target_semaphore(%run_scoped3A_106 : memref<!tpu.dma_semaphore, #tpu.memory_space<semaphore_mem>>)
        %dma_wait3A = arith.constant 0 : i32
        %dma_wait3A_112 = tpu.memref_slice %arg3[%run_scoped3A_84, %dma_wait3A] : memref<16x640xi32, #tpu.memory_space<hbm>> -> memref<1x640xi32, #tpu.memory_space<hbm>>
        %dma_wait3A_113 = tpu.memref_squeeze %dma_wait3A_112 : memref<1x640xi32, #tpu.memory_space<hbm>> -> memref<640xi32, #tpu.memory_space<hbm>>
        %dma_wait3A_114 = arith.constant 0 : i32
        %dma_wait3A_115 = tpu.memref_slice %arg3[%run_scoped3A_84, %dma_wait3A_114] : memref<16x640xi32, #tpu.memory_space<hbm>> -> memref<1x640xi32, #tpu.memory_space<hbm>>
        %dma_wait3A_116 = tpu.memref_squeeze %dma_wait3A_115 : memref<1x640xi32, #tpu.memory_space<hbm>> -> memref<640xi32, #tpu.memory_space<hbm>>
        tpu.wait_dma2 semaphore(%run_scoped3A_106 : memref<!tpu.dma_semaphore, #tpu.memory_space<semaphore_mem>>) src(%dma_wait3A_116 : memref<640xi32, #tpu.memory_space<hbm>>) dst(%arg13 : memref<640xi32, #tpu.memory_space<vmem>>)
        tpu.yield
      }) : () -> ()
      %parallel_loop3A_85 = arith.constant 0 : i32
      %parallel_loop3A_86 = arith.constant 40 : i32
      %parallel_loop3A_87 = arith.constant 1 : i32
      scf.for %parallel_loop3A_106 = %parallel_loop3A_85 to %parallel_loop3A_86 step %parallel_loop3A_87  : i32 {
        %parallel_loop3A_107 = arith.constant 16 : i32
        %parallel_loop3A_108 = arith.muli %parallel_loop3A_106, %parallel_loop3A_107 : i32
        %parallel_loop3A_109 = arith.index_cast %parallel_loop3A_108 : i32 to index
        %parallel_loop3A_110 = tpu.vector_load %arg13[%parallel_loop3A_109] {strides = array<i32>} : memref<640xi32, #tpu.memory_space<vmem>>, vector<16xi32>,
        %parallel_loop3A_111 = vector.broadcast %mul3A_8 : i32 to vector<16xi32>
        %parallel_loop3A_112 = arith.cmpi sge, %parallel_loop3A_110, %parallel_loop3A_111 : vector<16xi32>
        %parallel_loop3A_113 = arith.constant 512 : i32
        %parallel_loop3A_114 = arith.addi %mul3A_8, %parallel_loop3A_113 : i32
        %parallel_loop3A_115 = vector.broadcast %parallel_loop3A_114 : i32 to vector<16xi32>
        %parallel_loop3A_116 = arith.cmpi slt, %parallel_loop3A_110, %parallel_loop3A_115 : vector<16xi32>
        %parallel_loop3A_117 = arith.andi %parallel_loop3A_112, %parallel_loop3A_116 : vector<16xi1>
        %parallel_loop3A_118 = vector.broadcast %mul3A_8 : i32 to vector<16xi32>
        %parallel_loop3A_119 = arith.subi %parallel_loop3A_110, %parallel_loop3A_118 : vector<16xi32>
        tpu.vector_store_idx %arg12[%parallel_loop3A_119, %broadcast_in_dim3A_83], %broadcast_in_dim3A_0 masked %parallel_loop3A_117 : memref<512x16xf32, #tpu.memory_space<vmem>>[vector<16xi32>, vector<16xi32>], vector<16xf32>, vector<16xi1>
      } {sc.loop_unroll_factor = 4 : i64, sc.parallel_access}
      %broadcast_in_dim3A_88 = arith.constant 13 : i32
      %broadcast_in_dim3A_89 = vector.broadcast %broadcast_in_dim3A_88 : i32 to vector<16xi32>
      %run_scoped3A_90 = arith.constant 13 : i32
      "tpu.region"() ({
        %run_scoped3A_106 = tpu.sem_alloc : memref<!tpu.dma_semaphore, #tpu.memory_space<semaphore_mem>>
        %dma_start3A = arith.constant 0 : i32
        %dma_start3A_107 = tpu.memref_slice %arg3[%run_scoped3A_90, %dma_start3A] : memref<16x640xi32, #tpu.memory_space<hbm>> -> memref<1x640xi32, #tpu.memory_space<hbm>>
        %dma_start3A_108 = tpu.memref_squeeze %dma_start3A_107 : memref<1x640xi32, #tpu.memory_space<hbm>> -> memref<640xi32, #tpu.memory_space<hbm>>
        %dma_start3A_109 = arith.constant 0 : i32
        %dma_start3A_110 = tpu.memref_slice %arg3[%run_scoped3A_90, %dma_start3A_109] : memref<16x640xi32, #tpu.memory_space<hbm>> -> memref<1x640xi32, #tpu.memory_space<hbm>>
        %dma_start3A_111 = tpu.memref_squeeze %dma_start3A_110 : memref<1x640xi32, #tpu.memory_space<hbm>> -> memref<640xi32, #tpu.memory_space<hbm>>
        tpu.enqueue_dma source(%dma_start3A_111 : memref<640xi32, #tpu.memory_space<hbm>>) target(%arg13 : memref<640xi32, #tpu.memory_space<vmem>>) target_semaphore(%run_scoped3A_106 : memref<!tpu.dma_semaphore, #tpu.memory_space<semaphore_mem>>)
        %dma_wait3A = arith.constant 0 : i32
        %dma_wait3A_112 = tpu.memref_slice %arg3[%run_scoped3A_90, %dma_wait3A] : memref<16x640xi32, #tpu.memory_space<hbm>> -> memref<1x640xi32, #tpu.memory_space<hbm>>
        %dma_wait3A_113 = tpu.memref_squeeze %dma_wait3A_112 : memref<1x640xi32, #tpu.memory_space<hbm>> -> memref<640xi32, #tpu.memory_space<hbm>>
        %dma_wait3A_114 = arith.constant 0 : i32
        %dma_wait3A_115 = tpu.memref_slice %arg3[%run_scoped3A_90, %dma_wait3A_114] : memref<16x640xi32, #tpu.memory_space<hbm>> -> memref<1x640xi32, #tpu.memory_space<hbm>>
        %dma_wait3A_116 = tpu.memref_squeeze %dma_wait3A_115 : memref<1x640xi32, #tpu.memory_space<hbm>> -> memref<640xi32, #tpu.memory_space<hbm>>
        tpu.wait_dma2 semaphore(%run_scoped3A_106 : memref<!tpu.dma_semaphore, #tpu.memory_space<semaphore_mem>>) src(%dma_wait3A_116 : memref<640xi32, #tpu.memory_space<hbm>>) dst(%arg13 : memref<640xi32, #tpu.memory_space<vmem>>)
        tpu.yield
      }) : () -> ()
      %parallel_loop3A_91 = arith.constant 0 : i32
      %parallel_loop3A_92 = arith.constant 40 : i32
      %parallel_loop3A_93 = arith.constant 1 : i32
      scf.for %parallel_loop3A_106 = %parallel_loop3A_91 to %parallel_loop3A_92 step %parallel_loop3A_93  : i32 {
        %parallel_loop3A_107 = arith.constant 16 : i32
        %parallel_loop3A_108 = arith.muli %parallel_loop3A_106, %parallel_loop3A_107 : i32
        %parallel_loop3A_109 = arith.index_cast %parallel_loop3A_108 : i32 to index
        %parallel_loop3A_110 = tpu.vector_load %arg13[%parallel_loop3A_109] {strides = array<i32>} : memref<640xi32, #tpu.memory_space<vmem>>, vector<16xi32>,
        %parallel_loop3A_111 = vector.broadcast %mul3A_8 : i32 to vector<16xi32>
        %parallel_loop3A_112 = arith.cmpi sge, %parallel_loop3A_110, %parallel_loop3A_111 : vector<16xi32>
        %parallel_loop3A_113 = arith.constant 512 : i32
        %parallel_loop3A_114 = arith.addi %mul3A_8, %parallel_loop3A_113 : i32
        %parallel_loop3A_115 = vector.broadcast %parallel_loop3A_114 : i32 to vector<16xi32>
        %parallel_loop3A_116 = arith.cmpi slt, %parallel_loop3A_110, %parallel_loop3A_115 : vector<16xi32>
        %parallel_loop3A_117 = arith.andi %parallel_loop3A_112, %parallel_loop3A_116 : vector<16xi1>
        %parallel_loop3A_118 = vector.broadcast %mul3A_8 : i32 to vector<16xi32>
        %parallel_loop3A_119 = arith.subi %parallel_loop3A_110, %parallel_loop3A_118 : vector<16xi32>
        tpu.vector_store_idx %arg12[%parallel_loop3A_119, %broadcast_in_dim3A_89], %broadcast_in_dim3A_0 masked %parallel_loop3A_117 : memref<512x16xf32, #tpu.memory_space<vmem>>[vector<16xi32>, vector<16xi32>], vector<16xf32>, vector<16xi1>
      } {sc.loop_unroll_factor = 4 : i64, sc.parallel_access}
      %broadcast_in_dim3A_94 = arith.constant 14 : i32
      %broadcast_in_dim3A_95 = vector.broadcast %broadcast_in_dim3A_94 : i32 to vector<16xi32>
      %run_scoped3A_96 = arith.constant 14 : i32
      "tpu.region"() ({
        %run_scoped3A_106 = tpu.sem_alloc : memref<!tpu.dma_semaphore, #tpu.memory_space<semaphore_mem>>
        %dma_start3A = arith.constant 0 : i32
        %dma_start3A_107 = tpu.memref_slice %arg3[%run_scoped3A_96, %dma_start3A] : memref<16x640xi32, #tpu.memory_space<hbm>> -> memref<1x640xi32, #tpu.memory_space<hbm>>
        %dma_start3A_108 = tpu.memref_squeeze %dma_start3A_107 : memref<1x640xi32, #tpu.memory_space<hbm>> -> memref<640xi32, #tpu.memory_space<hbm>>
        %dma_start3A_109 = arith.constant 0 : i32
        %dma_start3A_110 = tpu.memref_slice %arg3[%run_scoped3A_96, %dma_start3A_109] : memref<16x640xi32, #tpu.memory_space<hbm>> -> memref<1x640xi32, #tpu.memory_space<hbm>>
        %dma_start3A_111 = tpu.memref_squeeze %dma_start3A_110 : memref<1x640xi32, #tpu.memory_space<hbm>> -> memref<640xi32, #tpu.memory_space<hbm>>
        tpu.enqueue_dma source(%dma_start3A_111 : memref<640xi32, #tpu.memory_space<hbm>>) target(%arg13 : memref<640xi32, #tpu.memory_space<vmem>>) target_semaphore(%run_scoped3A_106 : memref<!tpu.dma_semaphore, #tpu.memory_space<semaphore_mem>>)
        %dma_wait3A = arith.constant 0 : i32
        %dma_wait3A_112 = tpu.memref_slice %arg3[%run_scoped3A_96, %dma_wait3A] : memref<16x640xi32, #tpu.memory_space<hbm>> -> memref<1x640xi32, #tpu.memory_space<hbm>>
        %dma_wait3A_113 = tpu.memref_squeeze %dma_wait3A_112 : memref<1x640xi32, #tpu.memory_space<hbm>> -> memref<640xi32, #tpu.memory_space<hbm>>
        %dma_wait3A_114 = arith.constant 0 : i32
        %dma_wait3A_115 = tpu.memref_slice %arg3[%run_scoped3A_96, %dma_wait3A_114] : memref<16x640xi32, #tpu.memory_space<hbm>> -> memref<1x640xi32, #tpu.memory_space<hbm>>
        %dma_wait3A_116 = tpu.memref_squeeze %dma_wait3A_115 : memref<1x640xi32, #tpu.memory_space<hbm>> -> memref<640xi32, #tpu.memory_space<hbm>>
        tpu.wait_dma2 semaphore(%run_scoped3A_106 : memref<!tpu.dma_semaphore, #tpu.memory_space<semaphore_mem>>) src(%dma_wait3A_116 : memref<640xi32, #tpu.memory_space<hbm>>) dst(%arg13 : memref<640xi32, #tpu.memory_space<vmem>>)
        tpu.yield
      }) : () -> ()
      %parallel_loop3A_97 = arith.constant 0 : i32
      %parallel_loop3A_98 = arith.constant 40 : i32
      %parallel_loop3A_99 = arith.constant 1 : i32
      scf.for %parallel_loop3A_106 = %parallel_loop3A_97 to %parallel_loop3A_98 step %parallel_loop3A_99  : i32 {
        %parallel_loop3A_107 = arith.constant 16 : i32
        %parallel_loop3A_108 = arith.muli %parallel_loop3A_106, %parallel_loop3A_107 : i32
        %parallel_loop3A_109 = arith.index_cast %parallel_loop3A_108 : i32 to index
        %parallel_loop3A_110 = tpu.vector_load %arg13[%parallel_loop3A_109] {strides = array<i32>} : memref<640xi32, #tpu.memory_space<vmem>>, vector<16xi32>,
        %parallel_loop3A_111 = vector.broadcast %mul3A_8 : i32 to vector<16xi32>
        %parallel_loop3A_112 = arith.cmpi sge, %parallel_loop3A_110, %parallel_loop3A_111 : vector<16xi32>
        %parallel_loop3A_113 = arith.constant 512 : i32
        %parallel_loop3A_114 = arith.addi %mul3A_8, %parallel_loop3A_113 : i32
        %parallel_loop3A_115 = vector.broadcast %parallel_loop3A_114 : i32 to vector<16xi32>
        %parallel_loop3A_116 = arith.cmpi slt, %parallel_loop3A_110, %parallel_loop3A_115 : vector<16xi32>
        %parallel_loop3A_117 = arith.andi %parallel_loop3A_112, %parallel_loop3A_116 : vector<16xi1>
        %parallel_loop3A_118 = vector.broadcast %mul3A_8 : i32 to vector<16xi32>
        %parallel_loop3A_119 = arith.subi %parallel_loop3A_110, %parallel_loop3A_118 : vector<16xi32>
        tpu.vector_store_idx %arg12[%parallel_loop3A_119, %broadcast_in_dim3A_95], %broadcast_in_dim3A_0 masked %parallel_loop3A_117 : memref<512x16xf32, #tpu.memory_space<vmem>>[vector<16xi32>, vector<16xi32>], vector<16xf32>, vector<16xi1>
      } {sc.loop_unroll_factor = 4 : i64, sc.parallel_access}
      %broadcast_in_dim3A_100 = arith.constant 15 : i32
      %broadcast_in_dim3A_101 = vector.broadcast %broadcast_in_dim3A_100 : i32 to vector<16xi32>
      %run_scoped3A_102 = arith.constant 15 : i32
      "tpu.region"() ({
        %run_scoped3A_106 = tpu.sem_alloc : memref<!tpu.dma_semaphore, #tpu.memory_space<semaphore_mem>>
        %dma_start3A = arith.constant 0 : i32
        %dma_start3A_107 = tpu.memref_slice %arg3[%run_scoped3A_102, %dma_start3A] : memref<16x640xi32, #tpu.memory_space<hbm>> -> memref<1x640xi32, #tpu.memory_space<hbm>>
        %dma_start3A_108 = tpu.memref_squeeze %dma_start3A_107 : memref<1x640xi32, #tpu.memory_space<hbm>> -> memref<640xi32, #tpu.memory_space<hbm>>
        %dma_start3A_109 = arith.constant 0 : i32
        %dma_start3A_110 = tpu.memref_slice %arg3[%run_scoped3A_102, %dma_start3A_109] : memref<16x640xi32, #tpu.memory_space<hbm>> -> memref<1x640xi32, #tpu.memory_space<hbm>>
        %dma_start3A_111 = tpu.memref_squeeze %dma_start3A_110 : memref<1x640xi32, #tpu.memory_space<hbm>> -> memref<640xi32, #tpu.memory_space<hbm>>
        tpu.enqueue_dma source(%dma_start3A_111 : memref<640xi32, #tpu.memory_space<hbm>>) target(%arg13 : memref<640xi32, #tpu.memory_space<vmem>>) target_semaphore(%run_scoped3A_106 : memref<!tpu.dma_semaphore, #tpu.memory_space<semaphore_mem>>)
        %dma_wait3A = arith.constant 0 : i32
        %dma_wait3A_112 = tpu.memref_slice %arg3[%run_scoped3A_102, %dma_wait3A] : memref<16x640xi32, #tpu.memory_space<hbm>> -> memref<1x640xi32, #tpu.memory_space<hbm>>
        %dma_wait3A_113 = tpu.memref_squeeze %dma_wait3A_112 : memref<1x640xi32, #tpu.memory_space<hbm>> -> memref<640xi32, #tpu.memory_space<hbm>>
        %dma_wait3A_114 = arith.constant 0 : i32
        %dma_wait3A_115 = tpu.memref_slice %arg3[%run_scoped3A_102, %dma_wait3A_114] : memref<16x640xi32, #tpu.memory_space<hbm>> -> memref<1x640xi32, #tpu.memory_space<hbm>>
        %dma_wait3A_116 = tpu.memref_squeeze %dma_wait3A_115 : memref<1x640xi32, #tpu.memory_space<hbm>> -> memref<640xi32, #tpu.memory_space<hbm>>
        tpu.wait_dma2 semaphore(%run_scoped3A_106 : memref<!tpu.dma_semaphore, #tpu.memory_space<semaphore_mem>>) src(%dma_wait3A_116 : memref<640xi32, #tpu.memory_space<hbm>>) dst(%arg13 : memref<640xi32, #tpu.memory_space<vmem>>)
        tpu.yield
      }) : () -> ()
      %parallel_loop3A_103 = arith.constant 0 : i32
      %parallel_loop3A_104 = arith.constant 40 : i32
      %parallel_loop3A_105 = arith.constant 1 : i32
      scf.for %parallel_loop3A_106 = %parallel_loop3A_103 to %parallel_loop3A_104 step %parallel_loop3A_105  : i32 {
        %parallel_loop3A_107 = arith.constant 16 : i32
        %parallel_loop3A_108 = arith.muli %parallel_loop3A_106, %parallel_loop3A_107 : i32
        %parallel_loop3A_109 = arith.index_cast %parallel_loop3A_108 : i32 to index
        %parallel_loop3A_110 = tpu.vector_load %arg13[%parallel_loop3A_109] {strides = array<i32>} : memref<640xi32, #tpu.memory_space<vmem>>, vector<16xi32>,
        %parallel_loop3A_111 = vector.broadcast %mul3A_8 : i32 to vector<16xi32>
        %parallel_loop3A_112 = arith.cmpi sge, %parallel_loop3A_110, %parallel_loop3A_111 : vector<16xi32>
        %parallel_loop3A_113 = arith.constant 512 : i32
        %parallel_loop3A_114 = arith.addi %mul3A_8, %parallel_loop3A_113 : i32
        %parallel_loop3A_115 = vector.broadcast %parallel_loop3A_114 : i32 to vector<16xi32>
        %parallel_loop3A_116 = arith.cmpi slt, %parallel_loop3A_110, %parallel_loop3A_115 : vector<16xi32>
        %parallel_loop3A_117 = arith.andi %parallel_loop3A_112, %parallel_loop3A_116 : vector<16xi1>
        %parallel_loop3A_118 = vector.broadcast %mul3A_8 : i32 to vector<16xi32>
        %parallel_loop3A_119 = arith.subi %parallel_loop3A_110, %parallel_loop3A_118 : vector<16xi32>
        tpu.vector_store_idx %arg12[%parallel_loop3A_119, %broadcast_in_dim3A_101], %broadcast_in_dim3A_0 masked %parallel_loop3A_117 : memref<512x16xf32, #tpu.memory_space<vmem>>[vector<16xi32>, vector<16xi32>], vector<16xf32>, vector<16xi1>
      } {sc.loop_unroll_factor = 4 : i64, sc.parallel_access}
      "tpu.region"() ({
        %run_scoped3A_106 = tpu.sem_alloc : memref<!tpu.dma_semaphore, #tpu.memory_space<semaphore_mem>>
        %dma_start3A = arith.constant 0 : i32
        %dma_start3A_107 = tpu.memref_slice %arg4[%mul3A_8, %dma_start3A] : memref<8192x16xf32, #tpu.memory_space<hbm>> -> memref<512x16xf32, #tpu.memory_space<hbm>>
        %dma_start3A_108 = arith.constant 0 : i32
        %dma_start3A_109 = tpu.memref_slice %arg4[%mul3A_8, %dma_start3A_108] : memref<8192x16xf32, #tpu.memory_space<hbm>> -> memref<512x16xf32, #tpu.memory_space<hbm>>
        tpu.enqueue_dma source(%arg12 : memref<512x16xf32, #tpu.memory_space<vmem>>) target(%dma_start3A_109 : memref<512x16xf32, #tpu.memory_space<hbm>>) target_semaphore(%run_scoped3A_106 : memref<!tpu.dma_semaphore, #tpu.memory_space<semaphore_mem>>)
        %dma_wait3A = arith.constant 0 : i32
        %dma_wait3A_110 = tpu.memref_slice %arg4[%mul3A_8, %dma_wait3A] : memref<8192x16xf32, #tpu.memory_space<hbm>> -> memref<512x16xf32, #tpu.memory_space<hbm>>
        %dma_wait3A_111 = arith.constant 0 : i32
        %dma_wait3A_112 = tpu.memref_slice %arg4[%mul3A_8, %dma_wait3A_111] : memref<8192x16xf32, #tpu.memory_space<hbm>> -> memref<512x16xf32, #tpu.memory_space<hbm>>
        tpu.wait_dma2 semaphore(%run_scoped3A_106 : memref<!tpu.dma_semaphore, #tpu.memory_space<semaphore_mem>>) src(%arg12 : memref<512x16xf32, #tpu.memory_space<vmem>>) dst(%dma_wait3A_112 : memref<512x16xf32, #tpu.memory_space<hbm>>)
        tpu.yield
      }) : () -> ()
    } else {
    }
    return
  }
}

module attributes {stable_mosaic.version = 14 : i64} {
  func.func @_loss_body(%arg0: memref<8192x16xf32, #tpu.memory_space<vmem>>, %arg1: memref<1x1xf32, #tpu.memory_space<vmem>>) attributes {dimension_semantics = [], scalar_prefetch = 0 : i64, scratch_operands = 0 : i64, tpu.core_type = #tpu.core_type<tc>} {
    %get3A = arith.constant 0 : index
    %get3A_0 = arith.constant 0 : index
    %get3A_1 = vector.load %arg0[%get3A, %get3A_0] : memref<8192x16xf32, #tpu.memory_space<vmem>>, vector<8192x16xf32>
    %reduce_sum3A = arith.constant dense<0.000000e+00> : vector<16xf32>
    %reduce_sum3A_2 = vector.multi_reduction <add>, %get3A_1, %reduce_sum3A [0] : vector<8192x16xf32> to vector<16xf32>
    %reduce_sum3A_3 = vector.shape_cast %reduce_sum3A_2 : vector<16xf32> to vector<1x16xf32>
    %reduce_sum3A_4 = arith.constant dense<0.000000e+00> : vector<1xf32>
    %reduce_sum3A_5 = vector.multi_reduction <add>, %reduce_sum3A_3, %reduce_sum3A_4 [1] : vector<1x16xf32> to vector<1xf32>
    %reduce_sum3A_6 = vector.shape_cast %reduce_sum3A_5 : vector<1xf32> to vector<1x1xf32>
    %reduce_sum3A_7 = vector.extract %reduce_sum3A_6[0, 0] : f32 from vector<1x1xf32>
    %div3A = arith.constant 1.600000e+01 : f32
    %div3A_8 = arith.divf %reduce_sum3A_7, %div3A : f32
    %div3A_9 = vector.broadcast %div3A_8 : f32 to vector<16xf32>
    %div3A_10 = arith.divf %reduce_sum3A_2, %div3A_9 : vector<16xf32>
    %log3A = math.log %div3A_10 : vector<16xf32>
    %mul3A = arith.mulf %reduce_sum3A_2, %log3A : vector<16xf32>
    %reduce_sum3A_11 = vector.shape_cast %mul3A : vector<16xf32> to vector<1x16xf32>
    %reduce_sum3A_12 = arith.constant dense<0.000000e+00> : vector<1xf32>
    %reduce_sum3A_13 = vector.multi_reduction <add>, %reduce_sum3A_11, %reduce_sum3A_12 [1] : vector<1x16xf32> to vector<1xf32>
    %reduce_sum3A_14 = vector.shape_cast %reduce_sum3A_13 : vector<1xf32> to vector<1x1xf32>
    %reduce_sum3A_15 = vector.extract %reduce_sum3A_14[0, 0] : f32 from vector<1x1xf32>
    %div3A_16 = arith.constant 1.600000e+01 : f32
    %div3A_17 = arith.divf %reduce_sum3A_15, %div3A_16 : f32
    %reshape3A = vector.broadcast %div3A_17 : f32 to vector<1x1xf32>
    %swap3A = arith.constant 0 : index
    %swap3A_18 = arith.constant 0 : index
    %swap3A_19 = vector.load %arg1[%swap3A, %swap3A_18] : memref<1x1xf32, #tpu.memory_space<vmem>>, vector<1x1xf32>
    tpu.vector_store %arg1[%swap3A, %swap3A_18], %reshape3A {strides = array<i32>} : memref<1x1xf32, #tpu.memory_space<vmem>>, vector<1x1xf32>,
    return
  }
}

module attributes {stable_mosaic.version = 14 : i64} {
  func.func @_logits_t_body(%arg0: i32, %arg1: memref<16x2048xf32, #tpu.memory_space<vmem>>, %arg2: memref<1024x2048xf32, #tpu.memory_space<vmem>>, %arg3: memref<16x1024xf32, #tpu.memory_space<vmem>>) attributes {dimension_semantics = [#tpu.dimension_semantics<arbitrary>], iteration_bounds = array<i64: 8>, scalar_prefetch = 0 : i64, scratch_operands = 0 : i64, tpu.core_type = #tpu.core_type<tc>, window_params = [{pipeline_mode = #tpu.pipeline_mode<synchronous>, transform_indices = @transform_0, window_bounds = array<i64: 16, 2048>}, {transform_indices = @transform_1, window_bounds = array<i64: 1024, 2048>}, {transform_indices = @transform_2, window_bounds = array<i64: 16, 1024>}]} {
    %get3A = arith.constant 0 : index
    %get3A_0 = arith.constant 0 : index
    %get3A_1 = vector.load %arg1[%get3A, %get3A_0] : memref<16x2048xf32, #tpu.memory_space<vmem>>, vector<16x2048xf32>
    %get3A_2 = arith.constant 0 : index
    %get3A_3 = arith.constant 0 : index
    %get3A_4 = vector.load %arg2[%get3A_2, %get3A_3] : memref<1024x2048xf32, #tpu.memory_space<vmem>>, vector<1024x2048xf32>
    %dot_general3A = arith.constant dense<0.000000e+00> : vector<16x1024xf32>
    %dot_general3A_5 = tpu.matmul %get3A_1, %get3A_4, %dot_general3A {dimension_numbers = #tpu.dot_dimension_numbers<[1], [1], [0], [0], [0, 0, 1, 0], [], []>, transpose_lhs_hint = false} : vector<16x2048xf32>, vector<1024x2048xf32>, vector<16x1024xf32> -> vector<16x1024xf32>
    %swap3A = arith.constant 0 : index
    %swap3A_6 = arith.constant 0 : index
    %swap3A_7 = vector.load %arg3[%swap3A, %swap3A_6] : memref<16x1024xf32, #tpu.memory_space<vmem>>, vector<16x1024xf32>
    tpu.vector_store %arg3[%swap3A, %swap3A_6], %dot_general3A_5 {strides = array<i32>} : memref<16x1024xf32, #tpu.memory_space<vmem>>, vector<16x1024xf32>,
    return
  }
  func.func @transform_0(%arg0: i32) -> (i32, i32) {
    %c0_i32 = arith.constant 0 : i32
    %c0_i32_0 = arith.constant 0 : i32
    %c0_i32_1 = arith.constant 0 : i32
    return %c0_i32, %c0_i32_0 : i32, i32
  }
  func.func @transform_1(%arg0: i32) -> (i32, i32) {
    %c0_i32 = arith.constant 0 : i32
    %c0_i32_0 = arith.constant 0 : i32
    return %arg0, %c0_i32 : i32, i32
  }
  func.func @transform_2(%arg0: i32) -> (i32, i32) {
    %c0_i32 = arith.constant 0 : i32
    %c0_i32_0 = arith.constant 0 : i32
    return %c0_i32, %arg0 : i32, i32
  }
}

</mosaic_0001>

<sc_bundles>
// kernel: kernel.5.cloned.1.call-start
scs
__scs_entry_jumppad:
0x0: {  	(pc) =	sbr.rel $0x88, $3  }
0x1: {  	(tag) =	ssettag $0x0;
	lr =	simm.s32 $0x1  }
0x2: {  	[smem:$0x3F9F] =	sst lr;
	_ =	strace $0xD0000000  }
0x3: {  	_ = 	snop  }
0x4: {  	_ = 	snop  }
0x5: {  	_ = 	snop  }
0x6: {  	_ = 	snop  }
0x7: {  	_ = 	snop  }
__scs_overlays_trampoline_lowered:
0x8: {  	[smem:$0x3FAE] =	sst s0  }
0x9: {  	[smem:$0x3FAF] =	sst s1  }
0xa: {  	[smem:$0x3FB0] =	sst s2  }
0xb: {  	[smem:$0x3FB1] =	sst s3  }
0xc: {  	[smem:$0x3FB2] =	sst s4  }
0xd: {  	[smem:$0x3FB3] =	sst s5  }
0xe: {  	[smem:$0x3FB4] =	sst s6  }
0xf: {  	[smem:$0x3FB5] =	sst s7  }
0x10: {  	[smem:$0x3FB6] =	sst s8  }
0x11: {  	[smem:$0x3FB7] =	sst s9;
	s0 =	simm.s32 @!p0 $0x0  }
0x12: {  	s1 =	sld [smem:$0x3F9D];
	s0 =	simm.s32 @p0 $0x1  }
0x13: {  	[smem:$0x3FB8] =	sst s0;
	s0 =	simm.s32 @!p1 $0x0  }
0x14: {  	s2 =	sld [smem:$0x3F9C];
	s0 =	simm.s32 @p1 $0x1  }
0x15: {  	[smem:$0x3FB9] =	sst s0;
	s0 =	simm.s32 @!p2 $0x0  }
0x16: {  	s3 =	sld [smem:$0x3FDB];
	s0 =	simm.s32 @p2 $0x1  }
0x17: {  	s4 =	simm.s32 $0x1BF5;
	[smem:$0x3FBB] =	sst s0  }
0x18: {  	s0 =	sld [smem:$0x3F9E];
	_ =	swait.ge [sflag:s4], $0x0  }
0x19: {  	s7 =	sld [smem:$0x3F9F]  }
0x1a: {  	s8 =	sadd.s32 $0xFFFFE003, lr  }
0x1b: {  	s9 =	sadd.s32 $0xFFFFFEF7, lr;
	s5 =	simm.s32 $0xFFFFFFFF;
	p2 =	slt.u32 s8, $0xFFFFF086  }
0x1c: {  	p1 =	slt.u32 s9, $0xF7A;
	s5 =	simm.s32 @!p2 $0x0  }
0x1d: {  	s5 =	simm.s32 @p1 $0x1;
	p0 =	seq.s32 s7, s2  }
0x1e: {  	s7 =	smul.u32 @!p0 $0xF7A, s2;
	p2 =	seq.s32 @!p0 s5, $0x0  }
0x1f: {  	s9 =	smul.u32 $0xF7A, s1;
	s8 =	simm.s32 @!p0 $0x1BF5;
	p2 =	por !p2, p0  }
0x20: {  	[sflag:s8] =	ssyncset.s32 @!p0 $0xFFFFF086;
	s6 =	sadd.s32 @!p0 s3, s7;
	s7 =	simm.s32 @!p0 $0x108  }
0x21: {  	s3 =	sadd.s32 s3, s9;
	s6 =	sadd.s32 @!p0 $0x88, s6;
	s7 =	simm.s32 @p2 $0x1082  }
0x22: {  	[simem:s7], [sflag:s8] =	dma.local @!p0 [hbm:s6], $0xF7A  }
0x23: {  	s9 =	sor.u32 $0xD0000000, s2;
	s6 =	simm.s32 $0x108;
	_ =	swait.ge @!p0 [sflag:s8], $0x0  }
0x24: {  	s3 =	sadd.s32 $0x88, s3;
	s6 =	simm.s32 @!p1 $0x1082;
	[sflag:s4] =	ssyncset.s32 $0xFFFFF086  }
0x25: {  	[simem:s6], [sflag:s4] =	dma.local [hbm:s3], $0xF7A  }
0x26: {  	[smem:$0x3F9F] =	sst s1;
	(tag) =	ssettag s2;
	_ =	strace s9  }
0x27: {  	s1 =	sld [smem:$0x3FAF]  }
0x28: {  	s2 =	sld [smem:$0x3FB0]  }
0x29: {  	s4 =	sld [smem:$0x3FB2]  }
0x2a: {  	p0 =	seq.s32 s5, $0x0;
	s5 =	sld [smem:$0x3FB3]  }
0x2b: {  	s6 =	sld [smem:$0x3FB4]  }
0x2c: {  	s7 =	sld [smem:$0x3FB5]  }
0x2d: {  	s3 =	simm.s32 $0x108;
	s8 =	sld [smem:$0x3FB6]  }
0x2e: {  	s3 =	simm.s32 @!p0 $0x1082;
	s9 =	sld [smem:$0x3FB7]  }
0x2f: {  	lr =	sadd.s32 s0, s3;
	s0 =	sld [smem:$0x3FAE]  }
0x30: {  	s3 =	sld [smem:$0x3FB1]  }
0x31: {  	[smem:$0x3FBA] =	sst s10  }
0x32: {  	s10 =	sld [smem:$0x3FB8];
	_ =	sdelay $0x3  }
0x33: {  	p0 =	seq.s32 s10, $0x1;
	s10 =	sld [smem:$0x3FBA];
	_ =	sdelay $0x3  }
0x34: {  	[smem:$0x3FBA] =	sst s10  }
0x35: {  	s10 =	sld [smem:$0x3FB9];
	_ =	sdelay $0x3  }
0x36: {  	p1 =	seq.s32 s10, $0x1;
	s10 =	sld [smem:$0x3FBA];
	_ =	sdelay $0x3  }
0x37: {  	[smem:$0x3FBA] =	sst s10  }
0x38: {  	s10 =	sld [smem:$0x3FBB]  }
0x39: {  	_ = 	snop;
	(pc) =	sbr.ind lr, $3  }
0x3a: {  	_ = 	snop  }
0x3b: {  	_ = 	snop  }
0x3c: {  	p2 =	seq.s32 s10, $0x1;
	s10 =	sld [smem:$0x3FBA]  }
0x3d: {  	_ =	shalt  }
0x3e: {  	_ =	shalt  }
0x3f: {  	_ =	shalt  }
0x40: {  	_ =	shalt  }
0x41: {  	_ =	shalt  }
0x42: {  	_ =	shalt  }
0x43: {  	_ =	shalt  }
0x44: {  	_ =	shalt  }
0x45: {  	_ =	shalt  }
0x46: {  	_ =	shalt  }
0x47: {  	_ =	shalt  }
0x48: {  	_ =	shalt  }
0x49: {  	_ =	shalt  }
0x4a: {  	_ =	shalt  }
0x4b: {  	_ =	shalt  }
0x4c: {  	_ =	shalt  }
0x4d: {  	_ =	shalt  }
0x4e: {  	_ =	shalt  }
0x4f: {  	_ =	shalt  }
0x50: {  	_ =	shalt  }
0x51: {  	_ =	shalt  }
0x52: {  	_ =	shalt  }
0x53: {  	_ =	shalt  }
0x54: {  	_ =	shalt  }
0x55: {  	_ =	shalt  }
0x56: {  	_ =	shalt  }
0x57: {  	_ =	shalt  }
0x58: {  	_ =	shalt  }
0x59: {  	_ =	shalt  }
0x5a: {  	_ =	shalt  }
0x5b: {  	_ =	shalt  }
0x5c: {  	_ =	shalt  }
0x5d: {  	_ =	shalt  }
0x5e: {  	_ =	shalt  }
0x5f: {  	_ =	shalt  }
0x60: {  	_ =	shalt  }
0x61: {  	_ =	shalt  }
0x62: {  	_ =	shalt  }
0x63: {  	_ =	shalt  }
0x64: {  	_ =	shalt  }
0x65: {  	_ =	shalt  }
0x66: {  	_ =	shalt  }
0x67: {  	_ =	shalt  }
0x68: {  	_ =	shalt  }
0x69: {  	_ =	shalt  }
0x6a: {  	_ =	shalt  }
0x6b: {  	_ =	shalt  }
0x6c: {  	_ =	shalt  }
0x6d: {  	_ =	shalt  }
0x6e: {  	_ =	shalt  }
0x6f: {  	_ =	shalt  }
0x70: {  	_ =	shalt  }
0x71: {  	_ =	shalt  }
0x72: {  	_ =	shalt  }
0x73: {  	_ =	shalt  }
0x74: {  	_ =	shalt  }
0x75: {  	_ =	shalt  }
0x76: {  	_ =	shalt  }
0x77: {  	_ =	shalt  }
0x78: {  	_ =	shalt  }
0x79: {  	_ =	shalt  }
0x7a: {  	_ =	shalt  }
0x7b: {  	_ =	shalt  }
0x7c: {  	_ =	shalt  }
0x7d: {  	_ =	shalt  }
0x7e: {  	_ =	shalt  }
0x7f: {  	_ =	shalt  }
0x80: {  	_ =	shalt  }
0x81: {  	_ =	shalt  }
0x82: {  	_ =	shalt  }
0x83: {  	_ =	shalt  }
0x84: {  	_ =	shalt  }
0x85: {  	_ =	shalt  }
0x86: {  	_ =	shalt  }
0x87: {  	_ =	shalt  }
.Lfunc_end0:
.L_simem_size_0:
called_computation_lowered:
.L_overlay_start_0:
0x88: {  	s2 =	sld [smem:$0x3FD9]  }
0x89: {  	s3 =	sld [smem:$0x3FFE];
	_ =	sdelay $0x1  }
0x8a: {  	s1 =	srdreg.scid  }
0x8b: {  	s0 =	sand.u32 $0x1, s1  }
0x8c: {  	s14 =	sshll.u32 s0, $0xA;
	s2 =	sadd.s32 s3, s2  }
0x8d: {  	s2 =	sadd.s32 s2, s14  }
0x8e: {  	[smem:$0x3FC6] =	sst s2  }
0x8f: {  	_ = 	snop  }
0x90: {  	s2 =	sld [smem:$0x3FD0];
	_ =	sdelay $0x2  }
0x91: {  	s15 =	simm.s32 $0xA;
	s4 =	simm.s32 $0x10  }
0x92: {  	[smem:s4], [sflag:s15] =	dma.local [hbm:s2], $0x1  }
0x93: {  	_ =	swait.eq [sflag:s15], $0x1  }
0x94: {  	[sflag:s15] =	ssyncset.done $0x0  }
0x95: {  	s16 =	sld [smem:$0x10];
	[sflag:s15] =	ssyncadd.s32 $0xFFFFFFFF  }
0x96: {  	s17 =	sld [smem:$0x11];
	(tm) =	ssettm $0x1  }
0x97: {  	s18 =	sld [smem:$0x3FFB];
	_ =	sdelay $0x3  }
0x98: {  	_ =	strace s18  }
0x99: {  	s4 =	sld [smem:$0x3FFC];
	_ =	sdelay $0x3  }
0x9a: {  	_ =	strace s4  }
0x9b: {  	s4 =	sld [smem:$0x3FFD];
	_ =	sdelay $0x3  }
0x9c: {  	_ =	strace s4  }
0x9d: {  	_ =	strace $0x8FFFFFFF  }
0x9e: {  	s19 =	sld [smem:$0x3FDB];
	_ =	sdelay $0x1  }
0x9f: {  	s5 =	simm.s32 $_scs_section_size  }
0xa0: {  	s6 =	simm.s32 $_size__tile_overlayer_lowered;
	s7 =	simm.s32 $_tile_overlayer_lowered  }
0xa1: {  	s22 =	simm.s32 $0x1BFF;
	s21 =	sshll.u32 s7, $0x1;
	s4 =	sadd.s32 s5, s19  }
0xa2: {  	s8 =	simm.s32 $0x0;
	s20 =	sshll.u32 s6, $0x1;
	s6 =	sadd.s32 s21, s4  }
0xa3: {  	[timem:s8], [sflag:s22] =	dma.local [hbm:s6], s20  }
0xa4: {  	_ =	swait.ge [sflag:s22], s20  }
0xa5: {  	s5 =	ssub.s32 $0x0, s20;
	[sflag:s22] =	ssyncset.done $0x0  }
0xa6: {  	[sflag:s22] =	ssyncadd.s32 s5;
	_ =	sdelay $0x1  }
0xa7: {  	s23 =	simm.s32 $0x1B8B  }
0xa8: {  	_ =	swait.ge [sflag:s23], $0x1  }
0xa9: {  	[sflag:s23] =	ssyncset.done $0x0  }
0xaa: {  	s25 =	simm.s32 $0x1B8E;
	s24 =	sld [smem:$0x3FFE];
	[sflag:s23] =	ssyncadd.s32 $0xFFFFFFFF  }
0xab: {  	s26 =	simm.s32 $execute0_lowered;
	[smem:$0x3FD2] =	sst s25  }
0xac: {  	s6 =	sshll.u32 s26, $0x1;
	_ =	strace $0x80000046;
	[dreg:$0x1] =	wrdreg $0xFFFFFFFF  }
0xad: {  	s28 =	simm.s32 $_size_execute0_lowered;
	s4 =	sadd.s32 s4, s6;
	[dreg:$0x0] =	wrdreg $0x0  }
0xae: {  	s6 =	sshll.u32 s28, $0x1;
	[dreg:$0x2] =	wrdreg s4  }
0xaf: {  	[dreg:$0x3] =	wrdreg s6  }
0xb0: {  	[dreg:$0x4] =	wrdreg $0xC0  }
0xb1: {  	_ =	task [dreg:s8], $0x5FFFF  }
0xb2: {  	[dreg:$0x1] =	wrdreg $0xFFFFFFFF  }
0xb3: {  	[dreg:$0x0] =	wrdreg $0x60  }
0xb4: {  	[dreg:$0x2] =	wrdreg s17  }
0xb5: {  	[dreg:$0x3] =	wrdreg s16  }
0xb6: {  	[dreg:$0x4] =	wrdreg s24  }
0xb7: {  	[dreg:$0x5] =	wrdreg $0x9  }
0xb8: {  	_ =	task.clear_ibuf [dreg:s8], $0x6FFFF;
	_ =	strace $0x90000046  }
0xb9: {  	s29 =	simm.s32 $0x9;
	_ =	strace $0x80000048  }
0xba: {  	_ =	swait.ge [sflag:s29], $0x1  }
0xbb: {  	[sflag:s29] =	ssyncadd.s32 $0xFFFFFFFF  }
0xbc: {  	_ =	strace $0x90000048  }
0xbd: {  	_ =	sfence  }
0xbe: {  	s30 =	sld [smem:$0x0];
	_ =	sdelay $0x2  }
0xbf: {  	s31 =	sshll.u32 s1, $0xD;
	s1 =	sshrl.u32 s1, $0x2  }
0xc0: {  	s3 =	sand.u32 $0x4000, s31;
	s1 =	sadd.s32 s1, s30  }
0xc1: {  	s0 =	sor.u32 s3, s0;
	s1 =	sshll.u32 s1, $0x11  }
0xc2: {  	s0 =	sor.u32 s1, s0  }
0xc3: {  	s0 =	sadd.s32 $0x8F2B, s0  }
0xc4: {  	[sflag:s0] =	ssyncadd.remote.s32 $0x1  }
0xc5: {  	_ =	sfence.sel $0xFFFF  }
0xc6: {  	[dreg:$0x0] =	wrdreg $0xFFFFFFFF;
	(pc) =	sbr.abs _section_cstart, $3  }
0xc7: {  	[dreg:$0x1] =	wrdreg $0xFFFFFFFF  }
0xc8: {  	_ =	task.clear_ibuf [dreg:s8], $0x2FFFF;
	_ =	strace $0x9FFFFFFF  }
0xc9: {  	(tm) =	ssettm $0x7FFFFFFF  }
tec
execute0_lowered:
.L_overlay_start_1:
0x0: {  	(tag) =	ssettag $0x1  }
0x1: {  	s0 =	rddreg [dreg:$0x0]  }
0x2: {  	s9 =	rddreg [dreg:$0x1]  }
0x3: {  	s1 =	rddreg [dreg:$0x2];
	s3 =	simm.s32 $0x0  }
0x4: {  	s10 =	stileid.u32;
	s6 =	srdreg.scid;
	s28 =	simm.s32 $0x4000  }
0x5: {  	s29 =	simm.s32 $0x8000;
	s30 =	simm.s32 $0x2000;
	s31 =	simm.s32 $0x6000  }
0x6: {  	[smem:$0x7FF] =	sst s3;
	s2 =	sshll.u32 s10, $0xD;
	s4 =	sshrl.u32 s10, $0x3  }
0x7: {  	s5 =	sshll.u32 s10, $0x7;
	s22 =	sadd.s32 $0x10, s9;
	s23 =	sadd.s32 $0x20, s9  }
0x8: {  	s24 =	sadd.s32 $0x30, s9;
	s25 =	sadd.s32 $0x40, s9;
	s26 =	sadd.s32 $0x50, s9  }
0x9: {  	s11 =	sadd.s32 $0x60, s9;
	s12 =	sadd.s32 $0x70, s9;
	s13 =	sadd.s32 $0x280, s9  }
0xa: {  	s14 =	sadd.s32 $0x290, s9;
	s15 =	sadd.s32 $0x2A0, s9;
	s16 =	sadd.s32 $0x2B0, s9  }
0xb: {  	s17 =	sadd.s32 $0x2C0, s9;
	_ =	strace $0x80000047;
	[dreg:$0x6] =	wrdreg s22  }
0xc: {  	s18 =	sadd.s32 $0x2D0, s9;
	s19 =	sadd.s32 $0x2E0, s9;
	[dreg:$0x7] =	wrdreg s23  }
0xd: {  	s20 =	sadd.s32 $0x2F0, s9;
	s1 =	sadd.s32 s2, s1;
	[dreg:$0x8] =	wrdreg s24  }
0xe: {  	s2 =	sand.u32 $0x1, s6;
	s6 =	smul.u32 $0x1400, s4;
	[dreg:$0x9] =	wrdreg s25  }
0xf: {  	s5 =	sand.u32 $0x380, s5;
	s4 =	sshll.u32 s4, $0x10;
	[dreg:$0xa] =	wrdreg s26  }
0x10: {  	s23 =	simm.s32 $0x80;
	s24 =	simm.s32 $0x400;
	s25 =	simm.s32 $0x1  }
0x11: {  	s26 =	simm.s32 $0xC000;
	s7 =	ssub.s32 $0x2, s2;
	s4 =	sor.u32 s5, s4  }
0x12: {  	s21 =	sadd.s32 $0xE00, s1;
	p0 =	sne.s32 s2, $0x0;
	s2 =	simm.s32 $0xD000  }
.Ltmp0:
0x13: {  	s1 =	simm.s32 $0x0;
	s8 =	sshrl.u32 s7, $0x1;
	(pc) =	sbr.rel .LBB2_1-.Ltmp0, $4  }
0x14: {  	s5 =	sor.u32 s5, s6;
	s4 =	sshrl.u32 s4, $0x3;
	s6 =	ssub.s32 s7, s8  }
0x15: {  	v1 =	vlaneseq.u32;
	v4 =	vimm.s32 $0x0;
	s5 =	sshrl.u32 s5, $0x3;
	s0 =	sadd.s32 s0, s4;
	s8 =	sshll.u32 s10, $0x9  }
0x16: {  	v5 =	vimm.s32 $0x1;
	v6 =	vimm.f32 $0.0e+00;
	v7 =	vimm.f32 $1.000000000e+00;
	[dreg:$0x4] =	wrdreg s0;
	s7 =	sadd.s32 s9, s5;
	s10 =	sadd.s32 $0x200, s8  }
0x17: {  	v3 =	vmul.u32 $0x200, v1;
	s22 =	smax.u32 s6, $0x1;
	v0 =	vmov s8;
	s0 =	simm.s32 $0x1D000;
	[dreg:$0x5] =	wrdreg s7;
	v2 =	vmov s10  }
.LBB2_83:
0x18: {  	[bflag:$0x0] =	sbarrier.arrive $0xFFFF  }
.LBB2_84:
0x19: {  	s1 =	sadd.s32 $0x1, s1  }
0x1a: {  	p1 =	sne.s32 s1, s22  }
.Ltmp1:
0x1b: {  	_ = 	snop;
	(pc) =	sbr.rel @!p1 .LBB2_85-.Ltmp1, $1  }
0x1c: {  	_ =	sdelay $0x3  }
.LBB2_1:
.Ltmp2:
0x1d: {  	(pc) =	sbr.rel @p0 .LBB2_83-.Ltmp2, $1  }
0x1e: {  	_ =	sdelay $0x3  }
0x1f: {  	s5 =	simm.s32 $0x3  }
0x20: {  	s4 =	simm.s32 $0x0;
	s6 =	rddreg [dreg:$0x4];
	s10 =	simm.s32 $0x1;
	v22 =	vor.u32 s5, v3  }
0x21: {  	[tilespmem:s4], [sflag:$0x1] =	stream.strided.gather [hbm4b:s6+s23], $0x2000, s24, s23, $0x38;
	[tilespmem:$0x1D280] =	vst v63  }
0x22: {  	v15 =	vor.u32 s10, v3;
	_ =	swait.ge [sflag:s25], $0x2000  }
0x23: {  	s6 =	simm.s32 $0x2;
	[sflag:s25] =	ssyncset.done $0x0  }
0x24: {  	v14 =	vor.u32 s6, v3;
	[sflag:s25] =	ssyncadd.s32 $0xFFFFE000  }
0x25: {  	v10 =	vld.idx.msk [tilespmem:v22+s3+$0x0], $0xffff  }
0x26: {  	v13 =	vor.u32 s4, v3  }
0x27: {  	s7 =	simm.s32 $0x7;
	v20 =	vld.idx.msk [tilespmem:v15+s3+$0x0], $0xffff  }
0x28: {  	v12 =	vor.u32 s7, v3  }
0x29: {  	s8 =	simm.s32 $0x5;
	v19 =	vld.idx.msk [tilespmem:v14+s3+$0x0], $0xffff  }
0x2a: {  	s9 =	simm.s32 $0x6;
	v11 =	vor.u32 s8, v3;
	v9 =	vand.u32 $0x7FFFFFFF, v10  }
0x2b: {  	v8 =	vor.u32 s9, v3;
	v18 =	vld.idx.msk [tilespmem:v13+s3+$0x0], $0xffff;
	v9 =	vxor.u32 $0x80000000, v9  }
0x2c: {  	s10 =	simm.s32 $0x4;
	v16 =	vand.u32 $0x7FFFFFFF, v20;
	vm0 =	vlt.s32 v10, $0x0;
	v17 =	vxor.u32 $0xFFFFFFFF, v9  }
0x2d: {  	s4 =	simm.s32 $0x2020;
	v21 =	vxor.u32 $0x80000000, v16;
	v16 =	vld.idx.msk [tilespmem:v12+s3+$0x0], $0xffff;
	v9 =	vor.u32 s10, v3;
	v10 =	vsel vm0, v10, v17  }
0x2e: {  	s5 =	simm.s32 $0x6020;
	s7 =	simm.s32 $0xB;
	vm15 =	vlt.s32 v20, $0x0;
	v23 =	vand.u32 $0x7FFFFFFF, v19;
	v21 =	vxor.u32 $0xFFFFFFFF, v21;
	[tilespmem:s4+$0x10] =	vst v10  }
0x2f: {  	s6 =	simm.s32 $0x8;
	v17 =	vld.idx.msk [tilespmem:v11+s3+$0x0], $0xffff;
	v21 =	vsel vm15, v20, v21;
	v20 =	vxor.u32 $0x80000000, v23;
	v10 =	vor.u32 s7, v3;
	s7 =	simm.s32 $0xC;
	[tilespmem:s5+$0x10] =	vst v22  }
.LBB2_3:
0x30: {  	p1 =	slt.u32 s7, $0x1FC;
	s8 =	sadd.s32 $0x1, s6;
	v22 =	vld.idx.msk [tilespmem:v8+s3+$0x0], $0xffff;
	v23 =	vand.u32 $0x7FFFFFFF, v18;
	[tilespmem:s4+$0xFFFFFFF0] =	vst v21;
	vm0 =	vlt.s32 v19, $0x0;
	v20 =	vxor.u32 $0xFFFFFFFF, v20;
	v21 =	vmovc v18  }
0x31: {  	v23 =	vxor.u32 $0x80000000, v23;
	[tilespmem:s5+$0xFFFFFFF0] =	vst v15;
	v24 =	vsel vm0, v19, v20;
	v15 =	vmovc v11;
	v11 =	vor.u32 s8, v3  }
0x32: {  	s8 =	sadd.s32 $0x2, s6;
	v20 =	vand.u32 $0x7FFFFFFF, v16;
	vm0 =	vlt.s32 v21, $0x0;
	v19 =	vmovc v16;
	v18 =	vld.idx.msk [tilespmem:v9+s3+$0x0], $0xffff;
	v23 =	vxor.u32 $0xFFFFFFFF, v23;
	[tilespmem:s4+$0x0] =	vst v24  }
.Ltmp3:
0x33: {  	v20 =	vxor.u32 $0x80000000, v20;
	v24 =	vsel vm0, v21, v23;
	[tilespmem:s5+$0x0] =	vst v14;
	v14 =	vmovc v8;
	v8 =	vor.u32 s8, v3;
	(pc) =	sbr.rel @p1 .LBB2_3-.Ltmp3, $4  }
0x34: {  	v23 =	vand.u32 $0x7FFFFFFF, v17;
	vm0 =	vlt.s32 v19, $0x0;
	v20 =	vxor.u32 $0xFFFFFFFF, v20;
	v21 =	vmovc v17;
	v16 =	vld.idx.msk [tilespmem:v10+s3+$0x0], $0xffff;
	[tilespmem:s4+$0xFFFFFFE0] =	vst v24  }
0x35: {  	v23 =	vxor.u32 $0x80000000, v23;
	v24 =	vsel vm0, v19, v20;
	s4 =	sadd.s32 $0x40, s4;
	[tilespmem:s5+$0xFFFFFFE0] =	vst v13;
	v13 =	vmovc v9;
	v9 =	vor.u32 s6, v3;
	s6 =	smov.u32 s7  }
0x36: {  	s8 =	sadd.s32 $0x3, s7;
	vm0 =	vlt.s32 v21, $0x0;
	v20 =	vxor.u32 $0xFFFFFFFF, v23;
	v23 =	vand.u32 $0x7FFFFFFF, v22;
	s5 =	sadd.s32 $0x40, s5;
	v19 =	vmovc v22;
	v17 =	vld.idx.msk [tilespmem:v11+s3+$0x0], $0xffff;
	[tilespmem:s4+$0x10] =	vst v24  }
0x37: {  	s7 =	sadd.s32 $0x4, s7;
	v21 =	vsel vm0, v21, v20;
	v20 =	vxor.u32 $0x80000000, v23;
	[tilespmem:s5+$0x10] =	vst v12;
	v12 =	vmovc v10;
	v10 =	vor.u32 s8, v3  }
0x38: {  	_ =	sdelay $0x2  }
0x39: {  	v22 =	vand.u32 $0x7FFFFFFF, v18;
	[tilespmem:s4+$0xFFFFFFF0] =	vst v21;
	vm0 =	vlt.s32 v19, $0x0;
	v20 =	vxor.u32 $0xFFFFFFFF, v20  }
0x3a: {  	s7 =	sadd.s32 $0x1, s6;
	v42 =	vld.idx.msk [tilespmem:v8+s3+$0x0], $0xffff;
	vm7 =	vlt.s32 v18, $0x0;
	v22 =	vxor.u32 $0x80000000, v22;
	[tilespmem:s5+$0xFFFFFFF0] =	vst v15;
	v43 =	vsel vm0, v19, v20  }
0x3b: {  	s8 =	sadd.s32 $0x2, s6;
	v46 =	vld.idx.msk [tilespmem:v9+s3+$0x0], $0xffff;
	v23 =	vor.u32 s7, v3;
	v44 =	vand.u32 $0x7FFFFFFF, v16;
	v45 =	vxor.u32 $0xFFFFFFFF, v22;
	[tilespmem:s4+$0x0] =	vst v43  }
0x3c: {  	v47 =	vor.u32 s8, v3;
	v19 =	vxor.u32 $0x80000000, v44;
	v18 =	vsel vm7, v18, v45;
	[tilespmem:s5+$0x0] =	vst v14  }
0x3d: {  	vm8 =	vlt.s32 v16, $0x0;
	v48 =	vand.u32 $0x7FFFFFFF, v17;
	v19 =	vxor.u32 $0xFFFFFFFF, v19;
	[tilespmem:s4+$0xFFFFFFE0] =	vst v18  }
0x3e: {  	v49 =	vld.idx.msk [tilespmem:v10+s3+$0x0], $0xffff;
	v50 =	vor.u32 s6, v3;
	s9 =	sadd.s32 $0x40, s4;
	v14 =	vxor.u32 $0x80000000, v48;
	v16 =	vsel vm8, v16, v19;
	[tilespmem:s5+$0xFFFFFFE0] =	vst v13  }
0x3f: {  	s10 =	sadd.s32 $0x40, s5;
	vm9 =	vlt.s32 v17, $0x0;
	v51 =	vxor.u32 $0xFFFFFFFF, v14;
	v52 =	vand.u32 $0x7FFFFFFF, v42;
	[tilespmem:s9+$0x10] =	vst v16  }
0x40: {  	v54 =	vand.u32 $0x7FFFFFFF, v46;
	v53 =	vld.idx.msk [tilespmem:v23+s3+$0x0], $0xffff;
	v13 =	vsel vm9, v17, v51;
	v14 =	vxor.u32 $0x80000000, v52;
	[tilespmem:s10+$0x10] =	vst v12  }
0x41: {  	vm10 =	vlt.s32 v42, $0x0;
	v12 =	vxor.u32 $0x80000000, v54;
	[tilespmem:s9+$0xFFFFFFF0] =	vst v13;
	v55 =	vxor.u32 $0xFFFFFFFF, v14  }
0x42: {  	vm11 =	vlt.s32 v46, $0x0;
	v56 =	vld.idx.msk [tilespmem:v47+s3+$0x0], $0xffff;
	v12 =	vxor.u32 $0xFFFFFFFF, v12;
	[tilespmem:s10+$0xFFFFFFF0] =	vst v11;
	v57 =	vsel vm10, v42, v55  }
0x43: {  	v58 =	vand.u32 $0x7FFFFFFF, v49;
	v12 =	vsel vm11, v46, v12;
	[tilespmem:s9+$0x0] =	vst v57  }
0x44: {  	v59 =	vld.idx.msk [tilespmem:v50+s3+$0x0], $0xffff;
	v13 =	vxor.u32 $0x80000000, v58;
	[tilespmem:s9+$0xFFFFFFE0] =	vst v12  }
0x45: {  	vm12 =	vlt.s32 v49, $0x0;
	v13 =	vxor.u32 $0xFFFFFFFF, v13;
	[tilespmem:s10+$0x0] =	vst v8;
	v8 =	vand.u32 $0x7FFFFFFF, v53  }
0x46: {  	s4 =	sadd.s32 $0x40, s9;
	v60 =	vsel vm12, v49, v13;
	[tilespmem:s10+$0xFFFFFFE0] =	vst v9;
	v8 =	vxor.u32 $0x80000000, v8  }
0x47: {  	s5 =	sadd.s32 $0x40, s10;
	[tilespmem:s4+$0x10] =	vst v60;
	vm13 =	vlt.s32 v53, $0x0;
	v61 =	vand.u32 $0x7FFFFFFF, v56;
	v8 =	vxor.u32 $0xFFFFFFFF, v8  }
0x48: {  	[tilespmem:s5+$0x10] =	vst v10;
	v9 =	vxor.u32 $0x80000000, v61;
	v8 =	vsel vm13, v53, v8  }
0x49: {  	v62 =	vand.u32 $0x7FFFFFFF, v59;
	vm14 =	vlt.s32 v56, $0x0;
	[tilespmem:s4+$0xFFFFFFF0] =	vst v8;
	v8 =	vxor.u32 $0xFFFFFFFF, v9  }
0x4a: {  	v63 =	vxor.u32 $0x80000000, v62;
	[tilespmem:s5+$0xFFFFFFF0] =	vst v23;
	v8 =	vsel vm14, v56, v8  }
0x4b: {  	vm15 =	vlt.s32 v59, $0x0;
	v9 =	vxor.u32 $0xFFFFFFFF, v63;
	[tilespmem:s4+$0x0] =	vst v8  }
0x4c: {  	v8 =	vsel vm15, v59, v9;
	[tilespmem:s5+$0x0] =	vst v47  }
0x4d: {  	[tilespmem:s4+$0xFFFFFFE0] =	vst v8  }
0x4e: {  	s4 =	simm.s32 $0xC040;
	[tilespmem:s5+$0xFFFFFFE0] =	vst v50  }
0x4f: {  	[tilespmem:s4+$0xFFFFFFC0] =	vst v4  }
0x50: {  	p1 =	por $0x1, $0x1;
	[tilespmem:s4+$0x30] =	vst v4  }
.Ltmp4:
0x51: {  	[tilespmem:s4+$0x20] =	vst v4;
	(pc) =	sbr.rel @!p1 .LBB2_6-.Ltmp4, $4  }
0x52: {  	[tilespmem:s4+$0x10] =	vst v4  }
0x53: {  	[tilespmem:s4+$0x0] =	vst v4  }
0x54: {  	[tilespmem:s4+$0xFFFFFFF0] =	vst v4  }
0x55: {  	s5 =	simm.s32 $0x0;
	[tilespmem:s4+$0xFFFFFFE0] =	vst v4  }
.LBB2_5:
0x56: {  	s5 =	sadd.s32 $0x8, s5;
	[tilespmem:s4+$0xFFFFFFD0] =	vst v4;
	s4 =	sadd.s32 $0x80, s4  }
0x57: {  	[tilespmem:s4+$0xFFFFFFC0] =	vst v4;
	p1 =	slt.u32 s5, $0xF8  }
0x58: {  	[tilespmem:s4+$0x30] =	vst v4  }
.Ltmp5:
0x59: {  	[tilespmem:s4+$0x20] =	vst v4;
	(pc) =	sbr.rel @p1 .LBB2_5-.Ltmp5, $4  }
0x5a: {  	[tilespmem:s4+$0x10] =	vst v4  }
0x5b: {  	[tilespmem:s4+$0x0] =	vst v4  }
0x5c: {  	[tilespmem:s4+$0xFFFFFFF0] =	vst v4  }
0x5d: {  	[tilespmem:s4+$0xFFFFFFE0] =	vst v4  }
.LBB2_6:
0x5e: {  	[tilespmem:s4+$0xFFFFFFD0] =	vst v4;
	s10 =	simm.s32 $0x2040  }
0x5f: {  	v8 =	vld [tilespmem:s10+$0x30]  }
0x60: {  	v9 =	vld [tilespmem:s10+$0xFFFFFFD0]  }
0x61: {  	v10 =	vld [tilespmem:s10+$0xFFFFFFE0]  }
0x62: {  	v11 =	vld [tilespmem:s10+$0xFFFFFFF0]  }
0x63: {  	v12 =	vld [tilespmem:s10+$0x0]  }
0x64: {  	v13 =	vld [tilespmem:s10+$0x10];
	v8 =	vshll.u32 v8, $0x4  }
0x65: {  	v14 =	vld [tilespmem:s10+$0x20];
	v9 =	vshll.u32 v9, $0x4;
	v8 =	vor.u32 v1, v8  }
0x66: {  	v16 =	vld [tilespmem:s10+$0xFFFFFFC0];
	v10 =	vshll.u32 v10, $0x4;
	v9 =	vor.u32 v1, v9;
	v15 =	vand.u32 $0xFFF, v8  }
0x67: {  	v9 =	vand.u32 $0xFFF, v9;
	v8 =	vor.u32 v1, v10;
	v10 =	vshll.u32 v11, $0x4  }
0x68: {  	v11 =	vand.u32 $0xFFF, v8;
	v8 =	vor.u32 v1, v10  }
0x69: {  	p1 =	por $0x1, $0x1;
	v17 =	vand.u32 $0xFFF, v8  }
.Ltmp6:
0x6a: {  	v10 =	vshll.u32 v12, $0x4;
	(pc) =	sbr.rel @!p1 .LBB2_8-.Ltmp6, $4  }
0x6b: {  	v12 =	vshll.u32 v13, $0x4;
	v13 =	vshll.u32 v14, $0x4;
	v14 =	vshll.u32 v16, $0x4;
	[tilespmem:v15+s26+$0x0] =	vst.idx.add.s32.msk $0xffff, v5  }
0x6c: {  	v8 =	vimm.s32 $0x0;
	v10 =	vor.u32 v1, v10;
	v12 =	vor.u32 v1, v12;
	[tilespmem:v9+s26+$0x0] =	vst.idx.add.s32.msk $0xffff, v5  }
0x6d: {  	s6 =	simm.s32 $0x0;
	v13 =	vor.u32 v1, v13;
	v14 =	vor.u32 v1, v14;
	v9 =	vand.u32 $0xFFF, v10;
	[tilespmem:v11+s26+$0x0] =	vst.idx.add.s32.msk $0xffff, v5  }
0x6e: {  	s4 =	simm.s32 $0xFFFFFFFC;
	s5 =	simm.s32 $0xC020;
	s7 =	simm.s32 $0x20C0;
	v10 =	vand.u32 $0xFFF, v12;
	v12 =	vand.u32 $0xFFF, v14;
	v11 =	vand.u32 $0xFFF, v13;
	[tilespmem:v17+s26+$0x0] =	vst.idx.add.s32.msk $0xffff, v5  }
.LBB2_7:
0x6f: {  	v13 =	vld [tilespmem:s7+$0x30];
	s6 =	sadd.s32 $0x8, s6  }
0x70: {  	v14 =	vld [tilespmem:s7+$0xFFFFFFD0];
	p1 =	slt.u32 s6, $0x1F8  }
0x71: {  	v15 =	vld [tilespmem:s7+$0xFFFFFFE0]  }
0x72: {  	v16 =	vld [tilespmem:s7+$0xFFFFFFF0]  }
0x73: {  	v17 =	vld [tilespmem:s7+$0x0]  }
0x74: {  	v18 =	vld [tilespmem:s7+$0x10];
	v13 =	vshll.u32 v13, $0x4  }
0x75: {  	v14 =	vshll.u32 v14, $0x4;
	v19 =	vld [tilespmem:s7+$0x20];
	v13 =	vor.u32 v1, v13  }
0x76: {  	v20 =	vld [tilespmem:s7+$0xFFFFFFC0];
	v14 =	vor.u32 v1, v14;
	v15 =	vshll.u32 v15, $0x4;
	v13 =	vand.u32 $0xFFF, v13  }
0x77: {  	v14 =	vand.u32 $0xFFF, v14;
	v15 =	vor.u32 v1, v15;
	v16 =	vshll.u32 v16, $0x4;
	[tilespmem:v12+s26+$0x0] =	vst.idx.add.s32.msk $0xffff, v5  }
0x78: {  	v15 =	vand.u32 $0xFFF, v15;
	v12 =	vor.u32 v1, v16;
	v16 =	vshll.u32 v17, $0x4;
	[tilespmem:v9+s26+$0x0] =	vst.idx.add.s32.msk $0xffff, v5  }
0x79: {  	v17 =	vand.u32 $0xFFF, v12;
	v9 =	vor.u32 v1, v16;
	v12 =	vshll.u32 v18, $0x4;
	[tilespmem:v10+s26+$0x0] =	vst.idx.add.s32.msk $0xffff, v5  }
.Ltmp7:
0x7a: {  	v9 =	vand.u32 $0xFFF, v9;
	v10 =	vor.u32 v1, v12;
	v12 =	vshll.u32 v19, $0x4;
	[tilespmem:v11+s26+$0x0] =	vst.idx.add.s32.msk $0xffff, v5;
	(pc) =	sbr.rel @p1 .LBB2_7-.Ltmp7, $4  }
0x7b: {  	v11 =	vshll.u32 v20, $0x4;
	v10 =	vand.u32 $0xFFF, v10;
	v12 =	vor.u32 v1, v12;
	[tilespmem:v13+s26+$0x0] =	vst.idx.add.s32.msk $0xffff, v5  }
0x7c: {  	v13 =	vor.u32 v1, v11;
	[tilespmem:v14+s26+$0x0] =	vst.idx.add.s32.msk $0xffff, v5;
	v11 =	vand.u32 $0xFFF, v12  }
0x7d: {  	v12 =	vand.u32 $0xFFF, v13;
	[tilespmem:v15+s26+$0x0] =	vst.idx.add.s32.msk $0xffff, v5  }
0x7e: {  	s7 =	sadd.s32 $0x80, s7;
	[tilespmem:v17+s26+$0x0] =	vst.idx.add.s32.msk $0xffff, v5  }
.LBB2_8:
0x7f: {  	_ =	sdelay $0x3  }
0x80: {  	[tilespmem:v12+s26+$0x0] =	vst.idx.add.s32.msk $0xffff, v5;
	s7 =	sadd.s32 $0x4, s4  }
0x81: {  	[tilespmem:v9+s26+$0x0] =	vst.idx.add.s32.msk $0xffff, v5;
	p2 =	slt.u32 s7, $0xFC  }
.Ltmp8:
0x82: {  	[tilespmem:v10+s26+$0x0] =	vst.idx.add.s32.msk $0xffff, v5;
	(pc) =	sbr.rel @!p2 .LBB2_9-.Ltmp8, $4  }
0x83: {  	[tilespmem:v11+s26+$0x0] =	vst.idx.add.s32.msk $0xffff, v5  }
0x84: {  	v11 =	vld [tilespmem:s5+$0xFFFFFFE0]  }
0x85: {  	v9 =	vld [tilespmem:s5+$0xFFFFFFF0]  }
0x86: {  	p1 =	por $0x0, $0x0;
	v10 =	vld [tilespmem:s5+$0x0]  }
0x87: {  	_ =	sdelay $0x1  }
0x88: {  	v13 =	vld [tilespmem:s5+$0x10];
	(xrf0) =	vadd.scan.msk.s32 $0xffff, v11  }
0x89: {  	(xrf0) =	vadd.scan.msk.s32 $0xffff, v9;
	_ =	sdelay $0x1  }
0x8a: {  	(xrf0) =	vadd.scan.msk.s32 $0xffff, v10;
	_ =	sdelay $0x1  }
0x8b: {  	(xrf0) =	vadd.scan.msk.s32 $0xffff, v13  }
0x8c: {  	v12, _, _ =	vpop (xrf0)  }
0x8d: {  	s7 =	sadd.s32 $0x4, s7;
	v11 =	vsub.s32 v8, v11;
	v14 =	vbroadcast v12, $0xF;
	v15, _, _ =	vpop (xrf0)  }
0x8e: {  	p2 =	slt.u32 s7, $0xFC;
	v11 =	vadd.s32 v12, v11;
	v12 =	vbroadcast v15, $0xF  }
.Ltmp9:
0x8f: {  	s6 =	sadd.s32 $0x40, s5;
	[tilespmem:s5+$0xFFFFFFE0] =	vst v11;
	v16, _, _ =	vpop (xrf0);
	v15 =	vsub.s32 v15, v9;
	v14 =	vadd.s32 v8, v14;
	(pc) =	sbr.rel @!p2 .LBB2_11-.Ltmp9, $4  }
0x90: {  	v11 =	vld [tilespmem:s6+$0xFFFFFFE0];
	v10 =	vsub.s32 v16, v10;
	v16 =	vbroadcast v16, $0xF;
	v12 =	vadd.s32 v14, v12  }
0x91: {  	v9 =	vld [tilespmem:s6+$0xFFFFFFF0];
	v17, _, _ =	vpop (xrf0);
	v14 =	vadd.s32 v14, v15;
	v10 =	vadd.s32 v12, v10  }
0x92: {  	v15 =	vsub.s32 v17, v13;
	v13 =	vbroadcast v17, $0xF;
	v12 =	vadd.s32 v12, v16;
	[tilespmem:s5+$0x0] =	vst v10  }
0x93: {  	p1 =	por $0x1, $0x1;
	v10 =	vld [tilespmem:s6+$0x0];
	[tilespmem:s5+$0xFFFFFFF0] =	vst v14;
	v14 =	vadd.s32 v12, v15  }
.LBB2_12:
0x94: {  	s7 =	sadd.s32 $0x4, s7;
	[tilespmem:s5+$0x10] =	vst v14;
	v12 =	vadd.s32 v12, v13  }
0x95: {  	s5 =	smov.u32 s6;
	p2 =	slt.u32 s7, $0xFC;
	v13 =	vld [tilespmem:s6+$0x10];
	(xrf0) =	vadd.scan.msk.s32 $0xffff, v11  }
0x96: {  	(xrf0) =	vadd.scan.msk.s32 $0xffff, v9;
	_ =	sdelay $0x1  }
0x97: {  	(xrf0) =	vadd.scan.msk.s32 $0xffff, v10;
	_ =	sdelay $0x1  }
0x98: {  	(xrf0) =	vadd.scan.msk.s32 $0xffff, v13  }
0x99: {  	v11 =	vsub.s32 v12, v11;
	v14, _, _ =	vpop (xrf0)  }
0x9a: {  	v11 =	vadd.s32 v14, v11;
	v17 =	vbroadcast v14, $0xF;
	v15, _, _ =	vpop (xrf0)  }
0x9b: {  	[tilespmem:s6+$0xFFFFFFE0] =	vst v11;
	v16 =	vsub.s32 v15, v9;
	v9 =	vbroadcast v15, $0xF  }
.Ltmp10:
0x9c: {  	s6 =	sadd.s32 $0x40, s6;
	v12 =	vadd.s32 v12, v17;
	v14, _, _ =	vpop (xrf0);
	(pc) =	sbr.rel @p2 .LBB2_12-.Ltmp10, $4  }
0x9d: {  	v11 =	vld [tilespmem:s6+$0xFFFFFFE0];
	v15 =	vadd.s32 v12, v9;
	v10 =	vsub.s32 v14, v10;
	v14 =	vbroadcast v14, $0xF  }
0x9e: {  	v16 =	vadd.s32 v12, v16;
	v9 =	vld [tilespmem:s6+$0xFFFFFFF0];
	v10 =	vadd.s32 v15, v10;
	v17, _, _ =	vpop (xrf0)  }
0x9f: {  	[tilespmem:s5+$0x0] =	vst v10;
	v12 =	vadd.s32 v15, v14;
	v14 =	vsub.s32 v17, v13;
	v13 =	vbroadcast v17, $0xF  }
0xa0: {  	v10 =	vld [tilespmem:s6+$0x0];
	[tilespmem:s5+$0xFFFFFFF0] =	vst v16;
	v14 =	vadd.s32 v12, v14  }
0xa1: {  	s7 =	smov.u32 s5;
	s5 =	smov.u32 s6  }
.LBB2_14:
0xa2: {  	[tilespmem:s7+$0x10] =	vst @p1 v14  }
0xa3: {  	v14 =	vld [tilespmem:s5+$0x10]  }
0xa4: {  	(xrf0) =	vadd.scan.msk.s32 $0xffff, v11  }
0xa5: {  	(xrf0) =	vadd.scan.msk.s32 $0xffff, v9  }
0xa6: {  	(xrf0) =	vadd.scan.msk.s32 $0xffff, v10;
	_ =	sdelay $0x1  }
0xa7: {  	(xrf0) =	vadd.scan.msk.s32 $0xffff, v14  }
0xa8: {  	v12 =	vadd.s32 @p1 v12, v13  }
0xa9: {  	v8 =	vpsel p1, v12, v8;
	v54, _, _ =	vpop (xrf0)  }
0xaa: {  	v56 =	vsub.s32 v8, v11;
	v55 =	vbroadcast v54, $0xF;
	v15, _, _ =	vpop (xrf0)  }
0xab: {  	v11 =	vadd.s32 v54, v56;
	v16 =	vbroadcast v15, $0xF;
	v57, _, _ =	vpop (xrf0)  }
0xac: {  	v60 =	vsub.s32 v15, v9;
	v8 =	vadd.s32 v8, v55;
	v12 =	vbroadcast v57, $0xF  }
0xad: {  	[tilespmem:s5+$0xFFFFFFE0] =	vst v11;
	v58 =	vadd.s32 v8, v16;
	v59 =	vsub.s32 v57, v10;
	v8 =	vadd.s32 v8, v60;
	v61, _, _ =	vpop (xrf0)  }
0xae: {  	v10 =	vadd.s32 v58, v59;
	[tilespmem:s5+$0xFFFFFFF0] =	vst v8;
	v62 =	vadd.s32 v58, v12;
	v63 =	vsub.s32 v61, v14  }
0xaf: {  	[tilespmem:s5+$0x0] =	vst v10;
	v8 =	vadd.s32 v62, v63  }
0xb0: {  	s9 =	simm.s32 $0xA020;
	s10 =	simm.s32 $0x2020;
	[tilespmem:s5+$0x10] =	vst v8  }
.LBB2_15:
0xb1: {  	v8 =	vld [tilespmem:s10+$0xFFFFFFE0];
	_ =	sdelay $0x4  }
0xb2: {  	v8 =	vshll.u32 v8, $0x4  }
0xb3: {  	v8 =	vor.u32 v1, v8  }
0xb4: {  	v8 =	vand.u32 $0xFFF, v8;
	_ =	sdelay $0x4  }
0xb5: {  	v9 =	vld.idx.msk [tilespmem:v8+s26+$0x0], $0xffff;
	_ =	sdelay $0x4  }
0xb6: {  	v10 =	vadd.s32 $0x1, v9  }
0xb7: {  	[tilespmem:v8+s26+$0x0] =	vst.idx.msk $0xffff, v10  }
0xb8: {  	[tilespmem:s9+$0xFFFFFFE0] =	vst v9  }
0xb9: {  	v8 =	vld [tilespmem:s10+$0xFFFFFFF0];
	_ =	sdelay $0x4  }
0xba: {  	v8 =	vshll.u32 v8, $0x4  }
0xbb: {  	v8 =	vor.u32 v1, v8  }
0xbc: {  	v8 =	vand.u32 $0xFFF, v8;
	_ =	sdelay $0x4  }
0xbd: {  	v9 =	vld.idx.msk [tilespmem:v8+s26+$0x0], $0xffff;
	_ =	sdelay $0x4  }
0xbe: {  	v61 =	vadd.s32 $0x1, v9  }
0xbf: {  	[tilespmem:v8+s26+$0x0] =	vst.idx.msk $0xffff, v61  }
0xc0: {  	[tilespmem:s9+$0xFFFFFFF0] =	vst v9  }
0xc1: {  	v8 =	vld [tilespmem:s10+$0x0];
	_ =	sdelay $0x4  }
0xc2: {  	v8 =	vshll.u32 v8, $0x4  }
0xc3: {  	v8 =	vor.u32 v1, v8  }
0xc4: {  	v8 =	vand.u32 $0xFFF, v8;
	_ =	sdelay $0x4  }
0xc5: {  	v9 =	vld.idx.msk [tilespmem:v8+s26+$0x0], $0xffff;
	_ =	sdelay $0x4  }
0xc6: {  	v62 =	vadd.s32 $0x1, v9  }
0xc7: {  	[tilespmem:v8+s26+$0x0] =	vst.idx.msk $0xffff, v62  }
0xc8: {  	[tilespmem:s9+$0x0] =	vst v9  }
0xc9: {  	v8 =	vld [tilespmem:s10+$0x10];
	_ =	sdelay $0x4  }
0xca: {  	v8 =	vshll.u32 v8, $0x4  }
0xcb: {  	v8 =	vor.u32 v1, v8  }
0xcc: {  	v8 =	vand.u32 $0xFFF, v8;
	_ =	sdelay $0x4  }
0xcd: {  	v9 =	vld.idx.msk [tilespmem:v8+s26+$0x0], $0xffff  }
0xce: {  	s4 =	sadd.s32 $0x4, s4  }
0xcf: {  	p1 =	slt.u32 s4, $0x1FC  }
.Ltmp11:
0xd0: {  	_ = 	snop;
	(pc) =	sbr.rel @p1 .LBB2_15-.Ltmp11, $4  }
0xd1: {  	_ = 	snop  }
0xd2: {  	v63 =	vadd.s32 $0x1, v9  }
0xd3: {  	s8 =	simm.s32 $0xFFFFFFF8;
	s5 =	simm.s32 $0x6040;
	s7 =	simm.s32 $0xA040;
	[tilespmem:v8+s26+$0x0] =	vst.idx.msk $0xffff, v63  }
0xd4: {  	s6 =	simm.s32 $0x2040;
	s10 =	sadd.s32 $0x40, s10;
	[tilespmem:s9+$0x10] =	vst v9;
	s9 =	sadd.s32 $0x40, s9  }
0xd5: {  	v8 =	vld [tilespmem:s7+$0x30]  }
0xd6: {  	v10 =	vld [tilespmem:s7+$0xFFFFFFC0]  }
0xd7: {  	v9 =	vld [tilespmem:s7+$0xFFFFFFD0]  }
0xd8: {  	v11 =	vld [tilespmem:s7+$0xFFFFFFE0]  }
0xd9: {  	v12 =	vld [tilespmem:s7+$0xFFFFFFF0]  }
0xda: {  	v13 =	vld [tilespmem:s7+$0x0]  }
0xdb: {  	v15 =	vld [tilespmem:s7+$0x10]  }
0xdc: {  	v14 =	vld [tilespmem:s6+$0x30]  }
0xdd: {  	v16 =	vld [tilespmem:s5+$0x30]  }
0xde: {  	v19 =	vld [tilespmem:s7+$0x20];
	v17 =	vshll.u32 v8, $0x4  }
0xdf: {  	v21 =	vld [tilespmem:s6+$0xFFFFFFC0];
	v8 =	vshrl.u32 v8, $0x9;
	v18 =	vshll.u32 v9, $0x4;
	v17 =	vand.u32 $0x1FF0, v17  }
0xe0: {  	v20 =	vld [tilespmem:s6+$0xFFFFFFD0];
	v9 =	vshrl.u32 v9, $0x9;
	v18 =	vand.u32 $0x1FF0, v18;
	v8 =	vadd.s32 v8, v17  }
0xe1: {  	v23 =	vld [tilespmem:s5+$0xFFFFFFE0];
	v18 =	vadd.s32 v9, v18  }
0xe2: {  	v26 =	vld [tilespmem:s6+$0xFFFFFFF0];
	v22 =	vshll.u32 v11, $0x4  }
0xe3: {  	v11 =	vshrl.u32 v11, $0x9;
	v17 =	vld [tilespmem:s5+$0xFFFFFFD0];
	v9 =	vand.u32 $0x1FF0, v22  }
0xe4: {  	v24 =	vshll.u32 v12, $0x4;
	v22 =	vld [tilespmem:s6+$0xFFFFFFE0];
	v25 =	vadd.s32 v11, v9  }
0xe5: {  	v12 =	vshrl.u32 v12, $0x9;
	v24 =	vand.u32 $0x1FF0, v24;
	v9 =	vld [tilespmem:s5+$0xFFFFFFF0];
	v11 =	vshll.u32 v10, $0x4;
	[tilespmem:v8+s28+$0x0] =	vst.idx.msk $0xffff, v14  }
0xe6: {  	v10 =	vshrl.u32 v10, $0x9;
	v11 =	vand.u32 $0x1FF0, v11;
	v14 =	vadd.s32 v12, v24;
	v12 =	vld [tilespmem:s5+$0x0];
	[tilespmem:v18+s28+$0x0] =	vst.idx.msk $0xffff, v20  }
0xe7: {  	[tilespmem:v8+s29+$0x0] =	vst.idx.msk $0xffff, v16;
	v8 =	vadd.s32 v10, v11;
	v16 =	vld [tilespmem:s6+$0x0];
	v10 =	vshll.u32 v13, $0x4  }
0xe8: {  	v20 =	vshrl.u32 v13, $0x9;
	[tilespmem:v18+s29+$0x0] =	vst.idx.msk $0xffff, v17;
	v11 =	vld [tilespmem:s5+$0x10];
	v17 =	vshll.u32 v15, $0x4;
	v10 =	vand.u32 $0x1FF0, v10  }
0xe9: {  	[tilespmem:v25+s28+$0x0] =	vst.idx.msk $0xffff, v22;
	v18 =	vld [tilespmem:s6+$0x10];
	v22 =	vand.u32 $0x1FF0, v17;
	v17 =	vadd.s32 v20, v10  }
0xea: {  	v63 =	vshll.u32 v19, $0x4;
	v15 =	vshrl.u32 v15, $0x9;
	v13 =	vld [tilespmem:s5+$0x20];
	[tilespmem:v25+s29+$0x0] =	vst.idx.msk $0xffff, v23  }
0xeb: {  	v19 =	vshrl.u32 v19, $0x9;
	v10 =	vand.u32 $0x1FF0, v63;
	v20 =	vld [tilespmem:s5+$0xFFFFFFC0];
	v15 =	vadd.s32 v15, v22;
	[tilespmem:v14+s28+$0x0] =	vst.idx.msk $0xffff, v26  }
0xec: {  	s4 =	sadd.s32 $0x8, s8;
	s7 =	sadd.s32 $0x80, s7;
	v10 =	vadd.s32 v19, v10;
	v19 =	vld [tilespmem:s6+$0x20];
	[tilespmem:v8+s28+$0x0] =	vst.idx.msk $0xffff, v21  }
.LBB2_17:
0xed: {  	v21 =	vld [tilespmem:s7+$0x30];
	[tilespmem:v14+s29+$0x0] =	vst.idx.msk $0xffff, v9  }
0xee: {  	s4 =	sadd.s32 $0x8, s4;
	v9 =	vld [tilespmem:s7+$0xFFFFFFC0];
	[tilespmem:v17+s28+$0x0] =	vst.idx.msk $0xffff, v16  }
0xef: {  	p1 =	slt.u32 s4, $0x1F8;
	v14 =	vld [tilespmem:s7+$0xFFFFFFD0];
	[tilespmem:v17+s29+$0x0] =	vst.idx.msk $0xffff, v12  }
0xf0: {  	v12 =	vld [tilespmem:s7+$0xFFFFFFE0];
	[tilespmem:v15+s28+$0x0] =	vst.idx.msk $0xffff, v18  }
0xf1: {  	v16 =	vld [tilespmem:s7+$0xFFFFFFF0];
	[tilespmem:v8+s29+$0x0] =	vst.idx.msk $0xffff, v20  }
0xf2: {  	v8 =	vld [tilespmem:s7+$0x0];
	v17 =	vshll.u32 v21, $0x4;
	[tilespmem:v15+s29+$0x0] =	vst.idx.msk $0xffff, v11  }
0xf3: {  	s6 =	sadd.s32 $0x80, s6;
	v18 =	vshrl.u32 v21, $0x9;
	v11 =	vshll.u32 v9, $0x4;
	v15 =	vld [tilespmem:s7+$0x10];
	v17 =	vand.u32 $0x1FF0, v17;
	[tilespmem:v10+s28+$0x0] =	vst.idx.msk $0xffff, v19  }
0xf4: {  	s5 =	sadd.s32 $0x80, s5;
	v11 =	vand.u32 $0x1FF0, v11;
	v19 =	vshll.u32 v14, $0x4;
	v20 =	vld [tilespmem:s6+$0x30];
	v17 =	vadd.s32 v18, v17;
	[tilespmem:v10+s29+$0x0] =	vst.idx.msk $0xffff, v13  }
0xf5: {  	v9 =	vshrl.u32 v9, $0x9;
	v10 =	vand.u32 $0x1FF0, v19;
	v13 =	vshll.u32 v12, $0x4;
	v18 =	vld [tilespmem:s5+$0x30]  }
0xf6: {  	v14 =	vshrl.u32 v14, $0x9;
	v13 =	vand.u32 $0x1FF0, v13;
	v19 =	vshll.u32 v16, $0x4;
	v21 =	vld [tilespmem:s7+$0x20]  }
0xf7: {  	v12 =	vshrl.u32 v12, $0x9;
	v22 =	vld [tilespmem:s6+$0xFFFFFFC0];
	v19 =	vand.u32 $0x1FF0, v19;
	v23 =	vshll.u32 v8, $0x4  }
0xf8: {  	v16 =	vshrl.u32 v16, $0x9;
	v24 =	vld [tilespmem:s5+$0xFFFFFFD0];
	v23 =	vand.u32 $0x1FF0, v23;
	v25 =	vshll.u32 v15, $0x4  }
0xf9: {  	v27 =	vshrl.u32 v8, $0x9;
	v15 =	vshrl.u32 v15, $0x9;
	v26 =	vld [tilespmem:s6+$0xFFFFFFD0];
	v25 =	vand.u32 $0x1FF0, v25;
	[tilespmem:v17+s28+$0x0] =	vst.idx.msk $0xffff, v20  }
0xfa: {  	s8 =	simm.s32 $0xC040;
	v8 =	vadd.s32 v9, v11;
	v11 =	vadd.s32 v14, v10;
	v20 =	vld [tilespmem:s5+$0xFFFFFFE0];
	[tilespmem:v17+s29+$0x0] =	vst.idx.msk $0xffff, v18  }
0xfb: {  	v13 =	vadd.s32 v12, v13;
	v18 =	vld [tilespmem:s6+$0xFFFFFFE0];
	v10 =	vshll.u32 v21, $0x4;
	v12 =	vshrl.u32 v21, $0x9  }
0xfc: {  	v14 =	vadd.s32 v16, v19;
	v17 =	vadd.s32 v27, v23;
	v9 =	vld [tilespmem:s5+$0xFFFFFFF0];
	v10 =	vand.u32 $0x1FF0, v10  }
0xfd: {  	v15 =	vadd.s32 v15, v25;
	v19 =	vld [tilespmem:s6+$0xFFFFFFF0];
	v10 =	vadd.s32 v12, v10  }
0xfe: {  	v12 =	vld [tilespmem:s5+$0x0]  }
0xff: {  	[tilespmem:v11+s28+$0x0] =	vst.idx.msk $0xffff, v26;
	v16 =	vld [tilespmem:s6+$0x0]  }
.Ltmp12:
0x100: {  	[tilespmem:v11+s29+$0x0] =	vst.idx.msk $0xffff, v24;
	v11 =	vld [tilespmem:s5+$0x10];
	(pc) =	sbr.rel @p1 .LBB2_17-.Ltmp12, $4  }
0x101: {  	[tilespmem:v13+s28+$0x0] =	vst.idx.msk $0xffff, v18;
	v18 =	vld [tilespmem:s6+$0x10]  }
0x102: {  	[tilespmem:v13+s29+$0x0] =	vst.idx.msk $0xffff, v20;
	v13 =	vld [tilespmem:s5+$0x20]  }
0x103: {  	[tilespmem:v14+s28+$0x0] =	vst.idx.msk $0xffff, v19;
	v19 =	vld [tilespmem:s6+$0x20]  }
0x104: {  	s7 =	sadd.s32 $0x80, s7;
	v20 =	vld [tilespmem:s5+$0xFFFFFFC0];
	[tilespmem:v8+s28+$0x0] =	vst.idx.msk $0xffff, v22  }
0x105: {  	_ =	sdelay $0x3  }
0x106: {  	[tilespmem:v14+s29+$0x0] =	vst.idx.msk $0xffff, v9  }
0x107: {  	[tilespmem:v17+s28+$0x0] =	vst.idx.msk $0xffff, v16  }
0x108: {  	[tilespmem:v17+s29+$0x0] =	vst.idx.msk $0xffff, v12  }
0x109: {  	[tilespmem:v15+s28+$0x0] =	vst.idx.msk $0xffff, v18  }
0x10a: {  	[tilespmem:v15+s29+$0x0] =	vst.idx.msk $0xffff, v11  }
0x10b: {  	[tilespmem:v10+s28+$0x0] =	vst.idx.msk $0xffff, v19  }
0x10c: {  	[tilespmem:v8+s29+$0x0] =	vst.idx.msk $0xffff, v20  }
0x10d: {  	[tilespmem:v10+s29+$0x0] =	vst.idx.msk $0xffff, v13  }
0x10e: {  	[tilespmem:s8+$0xFFFFFFC0] =	vst v4  }
0x10f: {  	[tilespmem:s8+$0x30] =	vst v4  }
0x110: {  	[tilespmem:s8+$0x20] =	vst v4  }
0x111: {  	[tilespmem:s8+$0x10] =	vst v4  }
0x112: {  	[tilespmem:s8+$0x0] =	vst v4  }
0x113: {  	[tilespmem:s8+$0xFFFFFFF0] =	vst v4  }
0x114: {  	s5 =	simm.s32 $0x0;
	s4 =	simm.s32 $0x4040;
	[tilespmem:s8+$0xFFFFFFE0] =	vst v4  }
.LBB2_19:
0x115: {  	s5 =	sadd.s32 $0x8, s5;
	[tilespmem:s8+$0xFFFFFFD0] =	vst v4;
	s8 =	sadd.s32 $0x80, s8  }
0x116: {  	[tilespmem:s8+$0xFFFFFFC0] =	vst v4;
	p1 =	slt.u32 s5, $0xF8  }
0x117: {  	[tilespmem:s8+$0x30] =	vst v4  }
.Ltmp13:
0x118: {  	[tilespmem:s8+$0x20] =	vst v4;
	(pc) =	sbr.rel @p1 .LBB2_19-.Ltmp13, $4  }
0x119: {  	[tilespmem:s8+$0x10] =	vst v4  }
0x11a: {  	[tilespmem:s8+$0x0] =	vst v4  }
0x11b: {  	[tilespmem:s8+$0xFFFFFFF0] =	vst v4  }
0x11c: {  	[tilespmem:s8+$0xFFFFFFE0] =	vst v4  }
0x11d: {  	[tilespmem:s8+$0xFFFFFFD0] =	vst v4  }
0x11e: {  	v8 =	vld [tilespmem:s4+$0x30]  }
0x11f: {  	v9 =	vld [tilespmem:s4+$0xFFFFFFD0]  }
0x120: {  	v10 =	vld [tilespmem:s4+$0xFFFFFFE0]  }
0x121: {  	v11 =	vld [tilespmem:s4+$0xFFFFFFF0];
	_ =	sdelay $0x1  }
0x122: {  	v12 =	vld [tilespmem:s4+$0x0];
	v8 =	vshrl.u32 v8, $0x4  }
0x123: {  	v13 =	vld [tilespmem:s4+$0x10];
	v9 =	vshrl.u32 v9, $0x4;
	v8 =	vand.u32 $0xFF0, v8  }
0x124: {  	v14 =	vld [tilespmem:s4+$0x20];
	v10 =	vshrl.u32 v10, $0x4;
	v9 =	vand.u32 $0xFF0, v9;
	v15 =	vor.u32 v1, v8  }
0x125: {  	v16 =	vld [tilespmem:s4+$0xFFFFFFC0];
	v9 =	vor.u32 v1, v9;
	v8 =	vand.u32 $0xFF0, v10;
	v10 =	vshrl.u32 v11, $0x4  }
0x126: {  	v11 =	vor.u32 v1, v8;
	v8 =	vand.u32 $0xFF0, v10  }
0x127: {  	v17 =	vor.u32 v1, v8  }
0x128: {  	v10 =	vshrl.u32 v12, $0x4  }
0x129: {  	v12 =	vshrl.u32 v14, $0x4;
	v8 =	vand.u32 $0xFF0, v10;
	v10 =	vshrl.u32 v13, $0x4;
	[tilespmem:v15+s26+$0x0] =	vst.idx.add.s32.msk $0xffff, v5  }
0x12a: {  	v13 =	vshrl.u32 v16, $0x4;
	v8 =	vor.u32 v1, v8;
	v10 =	vand.u32 $0xFF0, v10;
	[tilespmem:v9+s26+$0x0] =	vst.idx.add.s32.msk $0xffff, v5  }
0x12b: {  	v9 =	vor.u32 v1, v10;
	v10 =	vand.u32 $0xFF0, v12;
	v12 =	vand.u32 $0xFF0, v13;
	[tilespmem:v11+s26+$0x0] =	vst.idx.add.s32.msk $0xffff, v5  }
0x12c: {  	s5 =	simm.s32 $0x0;
	s7 =	simm.s32 $0x40C0;
	v11 =	vor.u32 v1, v10;
	v12 =	vor.u32 v1, v12;
	[tilespmem:v17+s26+$0x0] =	vst.idx.add.s32.msk $0xffff, v5  }
.LBB2_21:
0x12d: {  	v10 =	vld [tilespmem:s7+$0x30];
	s5 =	sadd.s32 $0x8, s5  }
0x12e: {  	v13 =	vld [tilespmem:s7+$0xFFFFFFD0];
	p1 =	slt.u32 s5, $0x1F8  }
0x12f: {  	v14 =	vld [tilespmem:s7+$0xFFFFFFE0]  }
0x130: {  	v15 =	vld [tilespmem:s7+$0xFFFFFFF0]  }
0x131: {  	v16 =	vld [tilespmem:s7+$0x0]  }
0x132: {  	v17 =	vld [tilespmem:s7+$0x10];
	v10 =	vshrl.u32 v10, $0x4  }
0x133: {  	v13 =	vshrl.u32 v13, $0x4;
	v18 =	vld [tilespmem:s7+$0x20];
	v19 =	vand.u32 $0xFF0, v10;
	v10 =	vimm.s32 $0x0  }
0x134: {  	v20 =	vld [tilespmem:s7+$0xFFFFFFC0];
	v13 =	vand.u32 $0xFF0, v13;
	v14 =	vshrl.u32 v14, $0x4;
	v19 =	vor.u32 v1, v19  }
0x135: {  	v13 =	vor.u32 v1, v13;
	v14 =	vand.u32 $0xFF0, v14;
	v15 =	vshrl.u32 v15, $0x4;
	[tilespmem:v12+s26+$0x0] =	vst.idx.add.s32.msk $0xffff, v5  }
0x136: {  	v14 =	vor.u32 v1, v14;
	v12 =	vand.u32 $0xFF0, v15;
	v15 =	vshrl.u32 v16, $0x4;
	[tilespmem:v8+s26+$0x0] =	vst.idx.add.s32.msk $0xffff, v5  }
0x137: {  	v16 =	vor.u32 v1, v12;
	v8 =	vand.u32 $0xFF0, v15;
	v12 =	vshrl.u32 v17, $0x4;
	[tilespmem:v9+s26+$0x0] =	vst.idx.add.s32.msk $0xffff, v5  }
.Ltmp14:
0x138: {  	v8 =	vor.u32 v1, v8;
	v9 =	vand.u32 $0xFF0, v12;
	v12 =	vshrl.u32 v18, $0x4;
	[tilespmem:v11+s26+$0x0] =	vst.idx.add.s32.msk $0xffff, v5;
	(pc) =	sbr.rel @p1 .LBB2_21-.Ltmp14, $4  }
0x139: {  	s4 =	simm.s32 $0xFFFFFFFC;
	s6 =	simm.s32 $0xC020;
	v11 =	vshrl.u32 v20, $0x4;
	v9 =	vor.u32 v1, v9;
	v12 =	vand.u32 $0xFF0, v12;
	[tilespmem:v19+s26+$0x0] =	vst.idx.add.s32.msk $0xffff, v5  }
0x13a: {  	v15 =	vand.u32 $0xFF0, v11;
	[tilespmem:v13+s26+$0x0] =	vst.idx.add.s32.msk $0xffff, v5;
	v11 =	vor.u32 v1, v12  }
0x13b: {  	v12 =	vor.u32 v1, v15;
	[tilespmem:v14+s26+$0x0] =	vst.idx.add.s32.msk $0xffff, v5  }
0x13c: {  	s7 =	sadd.s32 $0x80, s7;
	[tilespmem:v16+s26+$0x0] =	vst.idx.add.s32.msk $0xffff, v5  }
0x13d: {  	_ =	sdelay $0x3  }
0x13e: {  	[tilespmem:v12+s26+$0x0] =	vst.idx.add.s32.msk $0xffff, v5  }
0x13f: {  	[tilespmem:v8+s26+$0x0] =	vst.idx.add.s32.msk $0xffff, v5  }
0x140: {  	[tilespmem:v9+s26+$0x0] =	vst.idx.add.s32.msk $0xffff, v5  }
0x141: {  	[tilespmem:v11+s26+$0x0] =	vst.idx.add.s32.msk $0xffff, v5  }
0x142: {  	v8 =	vld [tilespmem:s6+$0xFFFFFFE0];
	_ =	sdelay $0x1  }
0x143: {  	v11 =	vld [tilespmem:s6+$0xFFFFFFF0];
	_ =	sdelay $0x1  }
0x144: {  	v12 =	vld [tilespmem:s6+$0x0]  }
0x145: {  	(xrf0) =	vadd.scan.msk.s32 $0xffff, v8;
	_ =	sdelay $0x1  }
0x146: {  	(xrf0) =	vadd.scan.msk.s32 $0xffff, v11;
	_ =	sdelay $0x1  }
0x147: {  	v13 =	vld [tilespmem:s6+$0x10];
	(xrf0) =	vadd.scan.msk.s32 $0xffff, v12;
	_ =	sdelay $0x1  }
0x148: {  	v8 =	vsub.s32 v10, v8;
	v9, _, _ =	vpop (xrf0)  }
0x149: {  	v8 =	vadd.s32 v9, v8  }
0x14a: {  	v14 =	vbroadcast v9, $0xF;
	v15, _, _ =	vpop (xrf0)  }
0x14b: {  	(xrf0) =	vadd.scan.msk.s32 $0xffff, v13;
	v16 =	vbroadcast v15, $0xF  }
0x14c: {  	[tilespmem:s6+$0xFFFFFFE0] =	vst v8;
	v10 =	vadd.s32 v10, v14;
	v8, _, _ =	vpop (xrf0)  }
0x14d: {  	v14 =	vadd.s32 v10, v16;
	v12 =	vsub.s32 v8, v12  }
0x14e: {  	v12 =	vadd.s32 v14, v12  }
0x14f: {  	s5 =	simm.s32 $0xC060  }
0x150: {  	v11 =	vsub.s32 v15, v11;
	v9 =	vld [tilespmem:s5+$0xFFFFFFE0];
	v63 =	vbroadcast v8, $0xF  }
0x151: {  	v15 =	vadd.s32 v10, v11;
	v8 =	vld [tilespmem:s5+$0xFFFFFFF0];
	[tilespmem:s6+$0x0] =	vst v12;
	v12, _, _ =	vpop (xrf0)  }
0x152: {  	v11 =	vadd.s32 v14, v63;
	v13 =	vsub.s32 v12, v13;
	v12 =	vbroadcast v12, $0xF  }
0x153: {  	s8 =	simm.s32 $0x4;
	v10 =	vld [tilespmem:s5+$0x0];
	[tilespmem:s6+$0xFFFFFFF0] =	vst v15;
	v13 =	vadd.s32 v11, v13  }
.LBB2_23:
0x154: {  	s8 =	sadd.s32 $0x4, s8;
	[tilespmem:s6+$0x10] =	vst v13;
	v11 =	vadd.s32 v11, v12;
	s7 =	simm.s32 $0x4020  }
0x155: {  	s6 =	smov.u32 s5;
	p1 =	slt.u32 s8, $0xFC;
	v12 =	vld [tilespmem:s5+$0x10];
	(xrf0) =	vadd.scan.msk.s32 $0xffff, v9  }
0x156: {  	(xrf0) =	vadd.scan.msk.s32 $0xffff, v8;
	_ =	sdelay $0x1  }
0x157: {  	(xrf0) =	vadd.scan.msk.s32 $0xffff, v10;
	_ =	sdelay $0x1  }
0x158: {  	(xrf0) =	vadd.scan.msk.s32 $0xffff, v12  }
0x159: {  	v9 =	vsub.s32 v11, v9;
	v13, _, _ =	vpop (xrf0)  }
0x15a: {  	v9 =	vadd.s32 v13, v9;
	v16 =	vbroadcast v13, $0xF;
	v14, _, _ =	vpop (xrf0)  }
0x15b: {  	[tilespmem:s5+$0xFFFFFFE0] =	vst v9;
	v15 =	vsub.s32 v14, v8;
	v8 =	vbroadcast v14, $0xF  }
.Ltmp15:
0x15c: {  	s5 =	sadd.s32 $0x40, s5;
	v11 =	vadd.s32 v11, v16;
	v13, _, _ =	vpop (xrf0);
	(pc) =	sbr.rel @p1 .LBB2_23-.Ltmp15, $4  }
0x15d: {  	v9 =	vld [tilespmem:s5+$0xFFFFFFE0];
	v14 =	vadd.s32 v11, v8;
	v10 =	vsub.s32 v13, v10;
	v13 =	vbroadcast v13, $0xF  }
0x15e: {  	v15 =	vadd.s32 v11, v15;
	v8 =	vld [tilespmem:s5+$0xFFFFFFF0];
	v10 =	vadd.s32 v14, v10;
	v16, _, _ =	vpop (xrf0)  }
0x15f: {  	[tilespmem:s6+$0x0] =	vst v10;
	v11 =	vadd.s32 v14, v13;
	v13 =	vsub.s32 v16, v12;
	v12 =	vbroadcast v16, $0xF  }
0x160: {  	v10 =	vld [tilespmem:s5+$0x0];
	[tilespmem:s6+$0xFFFFFFF0] =	vst v15;
	v13 =	vadd.s32 v11, v13  }
0x161: {  	[tilespmem:s6+$0x10] =	vst v13  }
0x162: {  	v13 =	vld [tilespmem:s5+$0x10]  }
0x163: {  	(xrf0) =	vadd.scan.msk.s32 $0xffff, v9  }
0x164: {  	(xrf0) =	vadd.scan.msk.s32 $0xffff, v8  }
0x165: {  	(xrf0) =	vadd.scan.msk.s32 $0xffff, v10;
	_ =	sdelay $0x1  }
0x166: {  	(xrf0) =	vadd.scan.msk.s32 $0xffff, v13;
	_ =	sdelay $0x1  }
0x167: {  	v11 =	vadd.s32 v11, v12;
	v14, _, _ =	vpop (xrf0)  }
0x168: {  	v57 =	vsub.s32 v11, v9;
	v56 =	vbroadcast v14, $0xF;
	v15, _, _ =	vpop (xrf0)  }
0x169: {  	v9 =	vadd.s32 v14, v57;
	v16 =	vbroadcast v15, $0xF;
	v58, _, _ =	vpop (xrf0)  }
0x16a: {  	v8 =	vsub.s32 v15, v8;
	v11 =	vadd.s32 v11, v56;
	v12 =	vbroadcast v58, $0xF  }
0x16b: {  	[tilespmem:s5+$0xFFFFFFE0] =	vst v9;
	v59 =	vadd.s32 v11, v16;
	v60 =	vsub.s32 v58, v10;
	v8 =	vadd.s32 v11, v8;
	v62, _, _ =	vpop (xrf0)  }
0x16c: {  	v61 =	vadd.s32 v59, v60;
	[tilespmem:s5+$0xFFFFFFF0] =	vst v8;
	v63 =	vadd.s32 v59, v12;
	v10 =	vsub.s32 v62, v13  }
0x16d: {  	[tilespmem:s5+$0x0] =	vst v61;
	v8 =	vadd.s32 v63, v10  }
0x16e: {  	s10 =	simm.s32 $0xA020;
	[tilespmem:s5+$0x10] =	vst v8  }
.LBB2_25:
0x16f: {  	v8 =	vld [tilespmem:s7+$0xFFFFFFE0];
	_ =	sdelay $0x4  }
0x170: {  	v8 =	vshrl.u32 v8, $0x4  }
0x171: {  	v8 =	vand.u32 $0xFF0, v8  }
0x172: {  	v8 =	vor.u32 v1, v8;
	_ =	sdelay $0x4  }
0x173: {  	v9 =	vld.idx.msk [tilespmem:v8+s26+$0x0], $0xffff;
	_ =	sdelay $0x4  }
0x174: {  	v10 =	vadd.s32 $0x1, v9  }
0x175: {  	[tilespmem:v8+s26+$0x0] =	vst.idx.msk $0xffff, v10  }
0x176: {  	[tilespmem:s10+$0xFFFFFFE0] =	vst v9  }
0x177: {  	v8 =	vld [tilespmem:s7+$0xFFFFFFF0];
	_ =	sdelay $0x4  }
0x178: {  	v8 =	vshrl.u32 v8, $0x4  }
0x179: {  	v8 =	vand.u32 $0xFF0, v8  }
0x17a: {  	v8 =	vor.u32 v1, v8;
	_ =	sdelay $0x4  }
0x17b: {  	v9 =	vld.idx.msk [tilespmem:v8+s26+$0x0], $0xffff;
	_ =	sdelay $0x4  }
0x17c: {  	v61 =	vadd.s32 $0x1, v9  }
0x17d: {  	[tilespmem:v8+s26+$0x0] =	vst.idx.msk $0xffff, v61  }
0x17e: {  	[tilespmem:s10+$0xFFFFFFF0] =	vst v9  }
0x17f: {  	v8 =	vld [tilespmem:s7+$0x0];
	_ =	sdelay $0x4  }
0x180: {  	v8 =	vshrl.u32 v8, $0x4  }
0x181: {  	v8 =	vand.u32 $0xFF0, v8  }
0x182: {  	v8 =	vor.u32 v1, v8;
	_ =	sdelay $0x4  }
0x183: {  	v9 =	vld.idx.msk [tilespmem:v8+s26+$0x0], $0xffff;
	_ =	sdelay $0x4  }
0x184: {  	v62 =	vadd.s32 $0x1, v9  }
0x185: {  	[tilespmem:v8+s26+$0x0] =	vst.idx.msk $0xffff, v62  }
0x186: {  	[tilespmem:s10+$0x0] =	vst v9  }
0x187: {  	v8 =	vld [tilespmem:s7+$0x10];
	_ =	sdelay $0x4  }
0x188: {  	v8 =	vshrl.u32 v8, $0x4  }
0x189: {  	v8 =	vand.u32 $0xFF0, v8  }
0x18a: {  	v8 =	vor.u32 v1, v8;
	_ =	sdelay $0x4  }
0x18b: {  	v9 =	vld.idx.msk [tilespmem:v8+s26+$0x0], $0xffff  }
0x18c: {  	s4 =	sadd.s32 $0x4, s4  }
0x18d: {  	p1 =	slt.u32 s4, $0x1FC  }
.Ltmp16:
0x18e: {  	_ = 	snop;
	(pc) =	sbr.rel @p1 .LBB2_25-.Ltmp16, $4  }
0x18f: {  	_ = 	snop  }
0x190: {  	v63 =	vadd.s32 $0x1, v9  }
0x191: {  	s9 =	simm.s32 $0xFFFFFFF8;
	s5 =	simm.s32 $0x8040;
	s8 =	simm.s32 $0xA040;
	[tilespmem:v8+s26+$0x0] =	vst.idx.msk $0xffff, v63  }
0x192: {  	s6 =	simm.s32 $0x4040;
	s7 =	sadd.s32 $0x40, s7;
	[tilespmem:s10+$0x10] =	vst v9;
	s10 =	sadd.s32 $0x40, s10  }
0x193: {  	v8 =	vld [tilespmem:s8+$0x30]  }
0x194: {  	v10 =	vld [tilespmem:s8+$0xFFFFFFC0]  }
0x195: {  	v9 =	vld [tilespmem:s8+$0xFFFFFFD0]  }
0x196: {  	v11 =	vld [tilespmem:s8+$0xFFFFFFE0]  }
0x197: {  	v12 =	vld [tilespmem:s8+$0xFFFFFFF0]  }
0x198: {  	v13 =	vld [tilespmem:s8+$0x0]  }
0x199: {  	v15 =	vld [tilespmem:s8+$0x10]  }
0x19a: {  	v14 =	vld [tilespmem:s6+$0x30]  }
0x19b: {  	v16 =	vld [tilespmem:s5+$0x30]  }
0x19c: {  	v19 =	vld [tilespmem:s8+$0x20];
	v17 =	vshll.u32 v8, $0x4  }
0x19d: {  	v21 =	vld [tilespmem:s6+$0xFFFFFFC0];
	v8 =	vshrl.u32 v8, $0x9;
	v18 =	vshll.u32 v9, $0x4;
	v17 =	vand.u32 $0x1FF0, v17  }
0x19e: {  	v20 =	vld [tilespmem:s6+$0xFFFFFFD0];
	v9 =	vshrl.u32 v9, $0x9;
	v18 =	vand.u32 $0x1FF0, v18;
	v8 =	vadd.s32 v8, v17  }
0x19f: {  	v23 =	vld [tilespmem:s5+$0xFFFFFFE0];
	v18 =	vadd.s32 v9, v18  }
0x1a0: {  	v26 =	vld [tilespmem:s6+$0xFFFFFFF0];
	v22 =	vshll.u32 v11, $0x4  }
0x1a1: {  	v11 =	vshrl.u32 v11, $0x9;
	v17 =	vld [tilespmem:s5+$0xFFFFFFD0];
	v9 =	vand.u32 $0x1FF0, v22  }
0x1a2: {  	v24 =	vshll.u32 v12, $0x4;
	v22 =	vld [tilespmem:s6+$0xFFFFFFE0];
	v25 =	vadd.s32 v11, v9  }
0x1a3: {  	v12 =	vshrl.u32 v12, $0x9;
	v24 =	vand.u32 $0x1FF0, v24;
	v9 =	vld [tilespmem:s5+$0xFFFFFFF0];
	v11 =	vshll.u32 v10, $0x4;
	[tilespmem:v8+s30+$0x0] =	vst.idx.msk $0xffff, v14  }
0x1a4: {  	v10 =	vshrl.u32 v10, $0x9;
	v11 =	vand.u32 $0x1FF0, v11;
	v14 =	vadd.s32 v12, v24;
	v12 =	vld [tilespmem:s5+$0x0];
	[tilespmem:v18+s30+$0x0] =	vst.idx.msk $0xffff, v20  }
0x1a5: {  	[tilespmem:v8+s31+$0x0] =	vst.idx.msk $0xffff, v16;
	v8 =	vadd.s32 v10, v11;
	v16 =	vld [tilespmem:s6+$0x0];
	v10 =	vshll.u32 v13, $0x4  }
0x1a6: {  	v20 =	vshrl.u32 v13, $0x9;
	[tilespmem:v18+s31+$0x0] =	vst.idx.msk $0xffff, v17;
	v11 =	vld [tilespmem:s5+$0x10];
	v17 =	vshll.u32 v15, $0x4;
	v10 =	vand.u32 $0x1FF0, v10  }
0x1a7: {  	[tilespmem:v25+s30+$0x0] =	vst.idx.msk $0xffff, v22;
	v18 =	vld [tilespmem:s6+$0x10];
	v22 =	vand.u32 $0x1FF0, v17;
	v17 =	vadd.s32 v20, v10  }
0x1a8: {  	v63 =	vshll.u32 v19, $0x4;
	v15 =	vshrl.u32 v15, $0x9;
	v13 =	vld [tilespmem:s5+$0x20];
	[tilespmem:v25+s31+$0x0] =	vst.idx.msk $0xffff, v23  }
0x1a9: {  	v19 =	vshrl.u32 v19, $0x9;
	v10 =	vand.u32 $0x1FF0, v63;
	v20 =	vld [tilespmem:s5+$0xFFFFFFC0];
	v15 =	vadd.s32 v15, v22;
	[tilespmem:v14+s30+$0x0] =	vst.idx.msk $0xffff, v26  }
0x1aa: {  	s4 =	sadd.s32 $0x8, s9;
	s7 =	sadd.s32 $0x80, s8;
	v10 =	vadd.s32 v19, v10;
	v19 =	vld [tilespmem:s6+$0x20];
	[tilespmem:v8+s30+$0x0] =	vst.idx.msk $0xffff, v21  }
.LBB2_27:
0x1ab: {  	v21 =	vld [tilespmem:s7+$0x30];
	[tilespmem:v14+s31+$0x0] =	vst.idx.msk $0xffff, v9  }
0x1ac: {  	s4 =	sadd.s32 $0x8, s4;
	v9 =	vld [tilespmem:s7+$0xFFFFFFC0];
	[tilespmem:v17+s30+$0x0] =	vst.idx.msk $0xffff, v16  }
0x1ad: {  	p1 =	slt.u32 s4, $0x1F8;
	v14 =	vld [tilespmem:s7+$0xFFFFFFD0];
	[tilespmem:v17+s31+$0x0] =	vst.idx.msk $0xffff, v12  }
0x1ae: {  	v12 =	vld [tilespmem:s7+$0xFFFFFFE0];
	[tilespmem:v15+s30+$0x0] =	vst.idx.msk $0xffff, v18  }
0x1af: {  	v16 =	vld [tilespmem:s7+$0xFFFFFFF0];
	[tilespmem:v8+s31+$0x0] =	vst.idx.msk $0xffff, v20  }
0x1b0: {  	v8 =	vld [tilespmem:s7+$0x0];
	v17 =	vshll.u32 v21, $0x4;
	[tilespmem:v15+s31+$0x0] =	vst.idx.msk $0xffff, v11  }
0x1b1: {  	s6 =	sadd.s32 $0x80, s6;
	v18 =	vshrl.u32 v21, $0x9;
	v11 =	vshll.u32 v9, $0x4;
	v15 =	vld [tilespmem:s7+$0x10];
	v17 =	vand.u32 $0x1FF0, v17;
	[tilespmem:v10+s30+$0x0] =	vst.idx.msk $0xffff, v19  }
0x1b2: {  	s5 =	sadd.s32 $0x80, s5;
	v11 =	vand.u32 $0x1FF0, v11;
	v19 =	vshll.u32 v14, $0x4;
	v20 =	vld [tilespmem:s6+$0x30];
	v17 =	vadd.s32 v18, v17;
	[tilespmem:v10+s31+$0x0] =	vst.idx.msk $0xffff, v13  }
0x1b3: {  	v9 =	vshrl.u32 v9, $0x9;
	v10 =	vand.u32 $0x1FF0, v19;
	v13 =	vshll.u32 v12, $0x4;
	v18 =	vld [tilespmem:s5+$0x30]  }
0x1b4: {  	v14 =	vshrl.u32 v14, $0x9;
	v13 =	vand.u32 $0x1FF0, v13;
	v19 =	vshll.u32 v16, $0x4;
	v21 =	vld [tilespmem:s7+$0x20]  }
0x1b5: {  	v12 =	vshrl.u32 v12, $0x9;
	v22 =	vld [tilespmem:s6+$0xFFFFFFC0];
	v19 =	vand.u32 $0x1FF0, v19;
	v23 =	vshll.u32 v8, $0x4  }
0x1b6: {  	v16 =	vshrl.u32 v16, $0x9;
	v24 =	vld [tilespmem:s5+$0xFFFFFFD0];
	v23 =	vand.u32 $0x1FF0, v23;
	v25 =	vshll.u32 v15, $0x4  }
0x1b7: {  	v27 =	vshrl.u32 v8, $0x9;
	v15 =	vshrl.u32 v15, $0x9;
	v26 =	vld [tilespmem:s6+$0xFFFFFFD0];
	v25 =	vand.u32 $0x1FF0, v25;
	[tilespmem:v17+s30+$0x0] =	vst.idx.msk $0xffff, v20  }
0x1b8: {  	s8 =	simm.s32 $0xC040;
	v8 =	vadd.s32 v9, v11;
	v11 =	vadd.s32 v14, v10;
	v20 =	vld [tilespmem:s5+$0xFFFFFFE0];
	[tilespmem:v17+s31+$0x0] =	vst.idx.msk $0xffff, v18  }
0x1b9: {  	v13 =	vadd.s32 v12, v13;
	v18 =	vld [tilespmem:s6+$0xFFFFFFE0];
	v10 =	vshll.u32 v21, $0x4;
	v12 =	vshrl.u32 v21, $0x9  }
0x1ba: {  	v14 =	vadd.s32 v16, v19;
	v17 =	vadd.s32 v27, v23;
	v9 =	vld [tilespmem:s5+$0xFFFFFFF0];
	v10 =	vand.u32 $0x1FF0, v10  }
0x1bb: {  	v15 =	vadd.s32 v15, v25;
	v19 =	vld [tilespmem:s6+$0xFFFFFFF0];
	v10 =	vadd.s32 v12, v10  }
0x1bc: {  	v12 =	vld [tilespmem:s5+$0x0]  }
0x1bd: {  	[tilespmem:v11+s30+$0x0] =	vst.idx.msk $0xffff, v26;
	v16 =	vld [tilespmem:s6+$0x0]  }
.Ltmp17:
0x1be: {  	[tilespmem:v11+s31+$0x0] =	vst.idx.msk $0xffff, v24;
	v11 =	vld [tilespmem:s5+$0x10];
	(pc) =	sbr.rel @p1 .LBB2_27-.Ltmp17, $4  }
0x1bf: {  	[tilespmem:v13+s30+$0x0] =	vst.idx.msk $0xffff, v18;
	v18 =	vld [tilespmem:s6+$0x10]  }
0x1c0: {  	[tilespmem:v13+s31+$0x0] =	vst.idx.msk $0xffff, v20;
	v13 =	vld [tilespmem:s5+$0x20]  }
0x1c1: {  	[tilespmem:v14+s30+$0x0] =	vst.idx.msk $0xffff, v19;
	v19 =	vld [tilespmem:s6+$0x20]  }
0x1c2: {  	s7 =	sadd.s32 $0x80, s7;
	v20 =	vld [tilespmem:s5+$0xFFFFFFC0];
	[tilespmem:v8+s30+$0x0] =	vst.idx.msk $0xffff, v22  }
0x1c3: {  	_ =	sdelay $0x3  }
0x1c4: {  	[tilespmem:v14+s31+$0x0] =	vst.idx.msk $0xffff, v9  }
0x1c5: {  	[tilespmem:v17+s30+$0x0] =	vst.idx.msk $0xffff, v16  }
0x1c6: {  	[tilespmem:v17+s31+$0x0] =	vst.idx.msk $0xffff, v12  }
0x1c7: {  	[tilespmem:v15+s30+$0x0] =	vst.idx.msk $0xffff, v18  }
0x1c8: {  	[tilespmem:v15+s31+$0x0] =	vst.idx.msk $0xffff, v11  }
0x1c9: {  	[tilespmem:v10+s30+$0x0] =	vst.idx.msk $0xffff, v19  }
0x1ca: {  	[tilespmem:v8+s31+$0x0] =	vst.idx.msk $0xffff, v20  }
0x1cb: {  	[tilespmem:v10+s31+$0x0] =	vst.idx.msk $0xffff, v13  }
0x1cc: {  	[tilespmem:s8+$0xFFFFFFC0] =	vst v4  }
0x1cd: {  	[tilespmem:s8+$0x30] =	vst v4  }
0x1ce: {  	[tilespmem:s8+$0x20] =	vst v4  }
0x1cf: {  	[tilespmem:s8+$0x10] =	vst v4  }
0x1d0: {  	[tilespmem:s8+$0x0] =	vst v4  }
0x1d1: {  	[tilespmem:s8+$0xFFFFFFF0] =	vst v4  }
0x1d2: {  	s4 =	simm.s32 $0x0;
	[tilespmem:s8+$0xFFFFFFE0] =	vst v4  }
.LBB2_29:
0x1d3: {  	s4 =	sadd.s32 $0x8, s4;
	[tilespmem:s8+$0xFFFFFFD0] =	vst v4;
	s8 =	sadd.s32 $0x80, s8  }
0x1d4: {  	[tilespmem:s8+$0xFFFFFFC0] =	vst v4;
	p1 =	slt.u32 s4, $0xF8  }
0x1d5: {  	[tilespmem:s8+$0x30] =	vst v4  }
.Ltmp18:
0x1d6: {  	[tilespmem:s8+$0x20] =	vst v4;
	(pc) =	sbr.rel @p1 .LBB2_29-.Ltmp18, $4  }
0x1d7: {  	[tilespmem:s8+$0x10] =	vst v4  }
0x1d8: {  	[tilespmem:s8+$0x0] =	vst v4  }
0x1d9: {  	[tilespmem:s8+$0xFFFFFFF0] =	vst v4  }
0x1da: {  	s5 =	simm.s32 $0x2040;
	[tilespmem:s8+$0xFFFFFFE0] =	vst v4  }
0x1db: {  	[tilespmem:s8+$0xFFFFFFD0] =	vst v4  }
0x1dc: {  	v8 =	vld [tilespmem:s5+$0x30]  }
0x1dd: {  	v9 =	vld [tilespmem:s5+$0xFFFFFFD0]  }
0x1de: {  	v10 =	vld [tilespmem:s5+$0xFFFFFFE0]  }
0x1df: {  	v11 =	vld [tilespmem:s5+$0xFFFFFFF0];
	_ =	sdelay $0x1  }
0x1e0: {  	v12 =	vld [tilespmem:s5+$0x0];
	v8 =	vshrl.u32 v8, $0xC  }
0x1e1: {  	v13 =	vld [tilespmem:s5+$0x10];
	v9 =	vshrl.u32 v9, $0xC;
	v8 =	vand.u32 $0xFF0, v8  }
0x1e2: {  	v14 =	vld [tilespmem:s5+$0x20];
	v10 =	vshrl.u32 v10, $0xC;
	v9 =	vand.u32 $0xFF0, v9;
	v15 =	vor.u32 v1, v8  }
0x1e3: {  	v16 =	vld [tilespmem:s5+$0xFFFFFFC0];
	v9 =	vor.u32 v1, v9;
	v8 =	vand.u32 $0xFF0, v10;
	v10 =	vshrl.u32 v11, $0xC  }
0x1e4: {  	v11 =	vor.u32 v1, v8;
	v8 =	vand.u32 $0xFF0, v10  }
0x1e5: {  	v17 =	vor.u32 v1, v8  }
0x1e6: {  	v10 =	vshrl.u32 v12, $0xC  }
0x1e7: {  	v12 =	vshrl.u32 v14, $0xC;
	v8 =	vand.u32 $0xFF0, v10;
	v10 =	vshrl.u32 v13, $0xC;
	[tilespmem:v15+s26+$0x0] =	vst.idx.add.s32.msk $0xffff, v5  }
0x1e8: {  	v13 =	vshrl.u32 v16, $0xC;
	v8 =	vor.u32 v1, v8;
	v10 =	vand.u32 $0xFF0, v10;
	[tilespmem:v9+s26+$0x0] =	vst.idx.add.s32.msk $0xffff, v5  }
0x1e9: {  	v9 =	vor.u32 v1, v10;
	v10 =	vand.u32 $0xFF0, v12;
	v12 =	vand.u32 $0xFF0, v13;
	[tilespmem:v11+s26+$0x0] =	vst.idx.add.s32.msk $0xffff, v5  }
0x1ea: {  	s6 =	simm.s32 $0x0;
	s7 =	simm.s32 $0x20C0;
	v11 =	vor.u32 v1, v10;
	v12 =	vor.u32 v1, v12;
	[tilespmem:v17+s26+$0x0] =	vst.idx.add.s32.msk $0xffff, v5  }
.LBB2_31:
0x1eb: {  	v10 =	vld [tilespmem:s7+$0x30];
	s6 =	sadd.s32 $0x8, s6  }
0x1ec: {  	v13 =	vld [tilespmem:s7+$0xFFFFFFD0];
	p1 =	slt.u32 s6, $0x1F8  }
0x1ed: {  	v14 =	vld [tilespmem:s7+$0xFFFFFFE0]  }
0x1ee: {  	v15 =	vld [tilespmem:s7+$0xFFFFFFF0]  }
0x1ef: {  	v16 =	vld [tilespmem:s7+$0x0]  }
0x1f0: {  	v17 =	vld [tilespmem:s7+$0x10];
	v10 =	vshrl.u32 v10, $0xC  }
0x1f1: {  	v13 =	vshrl.u32 v13, $0xC;
	v18 =	vld [tilespmem:s7+$0x20];
	v19 =	vand.u32 $0xFF0, v10;
	v10 =	vimm.s32 $0x0  }
0x1f2: {  	v20 =	vld [tilespmem:s7+$0xFFFFFFC0];
	v13 =	vand.u32 $0xFF0, v13;
	v14 =	vshrl.u32 v14, $0xC;
	v19 =	vor.u32 v1, v19  }
0x1f3: {  	v13 =	vor.u32 v1, v13;
	v14 =	vand.u32 $0xFF0, v14;
	v15 =	vshrl.u32 v15, $0xC;
	[tilespmem:v12+s26+$0x0] =	vst.idx.add.s32.msk $0xffff, v5  }
0x1f4: {  	v14 =	vor.u32 v1, v14;
	v12 =	vand.u32 $0xFF0, v15;
	v15 =	vshrl.u32 v16, $0xC;
	[tilespmem:v8+s26+$0x0] =	vst.idx.add.s32.msk $0xffff, v5  }
0x1f5: {  	v16 =	vor.u32 v1, v12;
	v8 =	vand.u32 $0xFF0, v15;
	v12 =	vshrl.u32 v17, $0xC;
	[tilespmem:v9+s26+$0x0] =	vst.idx.add.s32.msk $0xffff, v5  }
.Ltmp19:
0x1f6: {  	v8 =	vor.u32 v1, v8;
	v9 =	vand.u32 $0xFF0, v12;
	v12 =	vshrl.u32 v18, $0xC;
	[tilespmem:v11+s26+$0x0] =	vst.idx.add.s32.msk $0xffff, v5;
	(pc) =	sbr.rel @p1 .LBB2_31-.Ltmp19, $4  }
0x1f7: {  	s4 =	simm.s32 $0xFFFFFFFC;
	s5 =	simm.s32 $0xC020;
	v11 =	vshrl.u32 v20, $0xC;
	v9 =	vor.u32 v1, v9;
	v12 =	vand.u32 $0xFF0, v12;
	[tilespmem:v19+s26+$0x0] =	vst.idx.add.s32.msk $0xffff, v5  }
0x1f8: {  	v15 =	vand.u32 $0xFF0, v11;
	[tilespmem:v13+s26+$0x0] =	vst.idx.add.s32.msk $0xffff, v5;
	v11 =	vor.u32 v1, v12  }
0x1f9: {  	v12 =	vor.u32 v1, v15;
	[tilespmem:v14+s26+$0x0] =	vst.idx.add.s32.msk $0xffff, v5  }
0x1fa: {  	s7 =	sadd.s32 $0x80, s7;
	[tilespmem:v16+s26+$0x0] =	vst.idx.add.s32.msk $0xffff, v5  }
0x1fb: {  	_ =	sdelay $0x3  }
0x1fc: {  	[tilespmem:v12+s26+$0x0] =	vst.idx.add.s32.msk $0xffff, v5  }
0x1fd: {  	[tilespmem:v8+s26+$0x0] =	vst.idx.add.s32.msk $0xffff, v5  }
0x1fe: {  	[tilespmem:v9+s26+$0x0] =	vst.idx.add.s32.msk $0xffff, v5  }
0x1ff: {  	[tilespmem:v11+s26+$0x0] =	vst.idx.add.s32.msk $0xffff, v5  }
0x200: {  	v8 =	vld [tilespmem:s5+$0xFFFFFFE0];
	_ =	sdelay $0x1  }
0x201: {  	v11 =	vld [tilespmem:s5+$0xFFFFFFF0];
	_ =	sdelay $0x1  }
0x202: {  	v12 =	vld [tilespmem:s5+$0x0]  }
0x203: {  	(xrf0) =	vadd.scan.msk.s32 $0xffff, v8;
	_ =	sdelay $0x1  }
0x204: {  	(xrf0) =	vadd.scan.msk.s32 $0xffff, v11;
	_ =	sdelay $0x1  }
0x205: {  	v13 =	vld [tilespmem:s5+$0x10];
	(xrf0) =	vadd.scan.msk.s32 $0xffff, v12;
	_ =	sdelay $0x1  }
0x206: {  	v8 =	vsub.s32 v10, v8;
	v9, _, _ =	vpop (xrf0)  }
0x207: {  	v8 =	vadd.s32 v9, v8  }
0x208: {  	v14 =	vbroadcast v9, $0xF;
	v15, _, _ =	vpop (xrf0)  }
0x209: {  	(xrf0) =	vadd.scan.msk.s32 $0xffff, v13;
	v16 =	vbroadcast v15, $0xF  }
0x20a: {  	[tilespmem:s5+$0xFFFFFFE0] =	vst v8;
	v10 =	vadd.s32 v10, v14;
	v8, _, _ =	vpop (xrf0)  }
0x20b: {  	v14 =	vadd.s32 v10, v16;
	v12 =	vsub.s32 v8, v12  }
0x20c: {  	v12 =	vadd.s32 v14, v12  }
0x20d: {  	s6 =	simm.s32 $0xC060  }
0x20e: {  	v11 =	vsub.s32 v15, v11;
	v9 =	vld [tilespmem:s6+$0xFFFFFFE0];
	v63 =	vbroadcast v8, $0xF  }
0x20f: {  	v15 =	vadd.s32 v10, v11;
	v8 =	vld [tilespmem:s6+$0xFFFFFFF0];
	[tilespmem:s5+$0x0] =	vst v12;
	v12, _, _ =	vpop (xrf0)  }
0x210: {  	v11 =	vadd.s32 v14, v63;
	v13 =	vsub.s32 v12, v13;
	v12 =	vbroadcast v12, $0xF  }
0x211: {  	s7 =	simm.s32 $0x4;
	v10 =	vld [tilespmem:s6+$0x0];
	[tilespmem:s5+$0xFFFFFFF0] =	vst v15;
	v13 =	vadd.s32 v11, v13  }
.LBB2_33:
0x212: {  	s7 =	sadd.s32 $0x4, s7;
	[tilespmem:s5+$0x10] =	vst v13;
	v11 =	vadd.s32 v11, v12  }
0x213: {  	s5 =	smov.u32 s6;
	p1 =	slt.u32 s7, $0xFC;
	v12 =	vld [tilespmem:s6+$0x10];
	(xrf0) =	vadd.scan.msk.s32 $0xffff, v9  }
0x214: {  	(xrf0) =	vadd.scan.msk.s32 $0xffff, v8;
	_ =	sdelay $0x1  }
0x215: {  	(xrf0) =	vadd.scan.msk.s32 $0xffff, v10;
	_ =	sdelay $0x1  }
0x216: {  	(xrf0) =	vadd.scan.msk.s32 $0xffff, v12  }
0x217: {  	v9 =	vsub.s32 v11, v9;
	v13, _, _ =	vpop (xrf0)  }
0x218: {  	v9 =	vadd.s32 v13, v9;
	v16 =	vbroadcast v13, $0xF;
	v14, _, _ =	vpop (xrf0)  }
0x219: {  	[tilespmem:s6+$0xFFFFFFE0] =	vst v9;
	v15 =	vsub.s32 v14, v8;
	v8 =	vbroadcast v14, $0xF  }
.Ltmp20:
0x21a: {  	s6 =	sadd.s32 $0x40, s6;
	v11 =	vadd.s32 v11, v16;
	v13, _, _ =	vpop (xrf0);
	(pc) =	sbr.rel @p1 .LBB2_33-.Ltmp20, $4  }
0x21b: {  	v9 =	vld [tilespmem:s6+$0xFFFFFFE0];
	v14 =	vadd.s32 v11, v8;
	v10 =	vsub.s32 v13, v10;
	v13 =	vbroadcast v13, $0xF  }
0x21c: {  	v15 =	vadd.s32 v11, v15;
	v8 =	vld [tilespmem:s6+$0xFFFFFFF0];
	v10 =	vadd.s32 v14, v10;
	v16, _, _ =	vpop (xrf0)  }
0x21d: {  	[tilespmem:s5+$0x0] =	vst v10;
	v11 =	vadd.s32 v14, v13;
	v13 =	vsub.s32 v16, v12;
	v12 =	vbroadcast v16, $0xF  }
0x21e: {  	v10 =	vld [tilespmem:s6+$0x0];
	[tilespmem:s5+$0xFFFFFFF0] =	vst v15;
	v13 =	vadd.s32 v11, v13  }
0x21f: {  	[tilespmem:s5+$0x10] =	vst v13  }
0x220: {  	v13 =	vld [tilespmem:s6+$0x10]  }
0x221: {  	(xrf0) =	vadd.scan.msk.s32 $0xffff, v9  }
0x222: {  	(xrf0) =	vadd.scan.msk.s32 $0xffff, v8  }
0x223: {  	(xrf0) =	vadd.scan.msk.s32 $0xffff, v10;
	_ =	sdelay $0x1  }
0x224: {  	(xrf0) =	vadd.scan.msk.s32 $0xffff, v13;
	_ =	sdelay $0x1  }
0x225: {  	v11 =	vadd.s32 v11, v12;
	v14, _, _ =	vpop (xrf0)  }
0x226: {  	v57 =	vsub.s32 v11, v9;
	v56 =	vbroadcast v14, $0xF;
	v15, _, _ =	vpop (xrf0)  }
0x227: {  	v9 =	vadd.s32 v14, v57;
	v16 =	vbroadcast v15, $0xF;
	v58, _, _ =	vpop (xrf0)  }
0x228: {  	v8 =	vsub.s32 v15, v8;
	v11 =	vadd.s32 v11, v56;
	v12 =	vbroadcast v58, $0xF  }
0x229: {  	[tilespmem:s6+$0xFFFFFFE0] =	vst v9;
	v59 =	vadd.s32 v11, v16;
	v60 =	vsub.s32 v58, v10;
	v8 =	vadd.s32 v11, v8;
	v62, _, _ =	vpop (xrf0)  }
0x22a: {  	v61 =	vadd.s32 v59, v60;
	[tilespmem:s6+$0xFFFFFFF0] =	vst v8;
	v63 =	vadd.s32 v59, v12;
	v10 =	vsub.s32 v62, v13  }
0x22b: {  	[tilespmem:s6+$0x0] =	vst v61;
	v8 =	vadd.s32 v63, v10  }
0x22c: {  	s9 =	simm.s32 $0xA020;
	s10 =	simm.s32 $0x2020;
	[tilespmem:s6+$0x10] =	vst v8  }
.LBB2_35:
0x22d: {  	v8 =	vld [tilespmem:s10+$0xFFFFFFE0];
	_ =	sdelay $0x4  }
0x22e: {  	v8 =	vshrl.u32 v8, $0xC  }
0x22f: {  	v8 =	vand.u32 $0xFF0, v8  }
0x230: {  	v8 =	vor.u32 v1, v8;
	_ =	sdelay $0x4  }
0x231: {  	v9 =	vld.idx.msk [tilespmem:v8+s26+$0x0], $0xffff;
	_ =	sdelay $0x4  }
0x232: {  	v10 =	vadd.s32 $0x1, v9  }
0x233: {  	[tilespmem:v8+s26+$0x0] =	vst.idx.msk $0xffff, v10  }
0x234: {  	[tilespmem:s9+$0xFFFFFFE0] =	vst v9  }
0x235: {  	v8 =	vld [tilespmem:s10+$0xFFFFFFF0];
	_ =	sdelay $0x4  }
0x236: {  	v8 =	vshrl.u32 v8, $0xC  }
0x237: {  	v8 =	vand.u32 $0xFF0, v8  }
0x238: {  	v8 =	vor.u32 v1, v8;
	_ =	sdelay $0x4  }
0x239: {  	v9 =	vld.idx.msk [tilespmem:v8+s26+$0x0], $0xffff;
	_ =	sdelay $0x4  }
0x23a: {  	v61 =	vadd.s32 $0x1, v9  }
0x23b: {  	[tilespmem:v8+s26+$0x0] =	vst.idx.msk $0xffff, v61  }
0x23c: {  	[tilespmem:s9+$0xFFFFFFF0] =	vst v9  }
0x23d: {  	v8 =	vld [tilespmem:s10+$0x0];
	_ =	sdelay $0x4  }
0x23e: {  	v8 =	vshrl.u32 v8, $0xC  }
0x23f: {  	v8 =	vand.u32 $0xFF0, v8  }
0x240: {  	v8 =	vor.u32 v1, v8;
	_ =	sdelay $0x4  }
0x241: {  	v9 =	vld.idx.msk [tilespmem:v8+s26+$0x0], $0xffff;
	_ =	sdelay $0x4  }
0x242: {  	v62 =	vadd.s32 $0x1, v9  }
0x243: {  	[tilespmem:v8+s26+$0x0] =	vst.idx.msk $0xffff, v62  }
0x244: {  	[tilespmem:s9+$0x0] =	vst v9  }
0x245: {  	v8 =	vld [tilespmem:s10+$0x10];
	_ =	sdelay $0x4  }
0x246: {  	v8 =	vshrl.u32 v8, $0xC  }
0x247: {  	v8 =	vand.u32 $0xFF0, v8  }
0x248: {  	v8 =	vor.u32 v1, v8;
	_ =	sdelay $0x4  }
0x249: {  	v9 =	vld.idx.msk [tilespmem:v8+s26+$0x0], $0xffff  }
0x24a: {  	s4 =	sadd.s32 $0x4, s4  }
0x24b: {  	p1 =	slt.u32 s4, $0x1FC  }
.Ltmp21:
0x24c: {  	_ = 	snop;
	(pc) =	sbr.rel @p1 .LBB2_35-.Ltmp21, $4  }
0x24d: {  	_ = 	snop  }
0x24e: {  	v63 =	vadd.s32 $0x1, v9  }
0x24f: {  	s8 =	simm.s32 $0xFFFFFFF8;
	s5 =	simm.s32 $0x6040;
	s7 =	simm.s32 $0xA040;
	[tilespmem:v8+s26+$0x0] =	vst.idx.msk $0xffff, v63  }
0x250: {  	s6 =	simm.s32 $0x2040;
	s10 =	sadd.s32 $0x40, s10;
	[tilespmem:s9+$0x10] =	vst v9;
	s9 =	sadd.s32 $0x40, s9  }
0x251: {  	v8 =	vld [tilespmem:s7+$0x30]  }
0x252: {  	v10 =	vld [tilespmem:s7+$0xFFFFFFC0]  }
0x253: {  	v9 =	vld [tilespmem:s7+$0xFFFFFFD0]  }
0x254: {  	v11 =	vld [tilespmem:s7+$0xFFFFFFE0]  }
0x255: {  	v12 =	vld [tilespmem:s7+$0xFFFFFFF0]  }
0x256: {  	v13 =	vld [tilespmem:s7+$0x0]  }
0x257: {  	v15 =	vld [tilespmem:s7+$0x10]  }
0x258: {  	v14 =	vld [tilespmem:s6+$0x30]  }
0x259: {  	v16 =	vld [tilespmem:s5+$0x30]  }
0x25a: {  	v19 =	vld [tilespmem:s7+$0x20];
	v17 =	vshll.u32 v8, $0x4  }
0x25b: {  	v21 =	vld [tilespmem:s6+$0xFFFFFFC0];
	v8 =	vshrl.u32 v8, $0x9;
	v18 =	vshll.u32 v9, $0x4;
	v17 =	vand.u32 $0x1FF0, v17  }
0x25c: {  	v20 =	vld [tilespmem:s6+$0xFFFFFFD0];
	v9 =	vshrl.u32 v9, $0x9;
	v18 =	vand.u32 $0x1FF0, v18;
	v8 =	vadd.s32 v8, v17  }
0x25d: {  	v23 =	vld [tilespmem:s5+$0xFFFFFFE0];
	v18 =	vadd.s32 v9, v18  }
0x25e: {  	v26 =	vld [tilespmem:s6+$0xFFFFFFF0];
	v22 =	vshll.u32 v11, $0x4  }
0x25f: {  	v11 =	vshrl.u32 v11, $0x9;
	v17 =	vld [tilespmem:s5+$0xFFFFFFD0];
	v9 =	vand.u32 $0x1FF0, v22  }
0x260: {  	v24 =	vshll.u32 v12, $0x4;
	v22 =	vld [tilespmem:s6+$0xFFFFFFE0];
	v25 =	vadd.s32 v11, v9  }
0x261: {  	v12 =	vshrl.u32 v12, $0x9;
	v24 =	vand.u32 $0x1FF0, v24;
	v9 =	vld [tilespmem:s5+$0xFFFFFFF0];
	v11 =	vshll.u32 v10, $0x4;
	[tilespmem:v8+s28+$0x0] =	vst.idx.msk $0xffff, v14  }
0x262: {  	v10 =	vshrl.u32 v10, $0x9;
	v11 =	vand.u32 $0x1FF0, v11;
	v14 =	vadd.s32 v12, v24;
	v12 =	vld [tilespmem:s5+$0x0];
	[tilespmem:v18+s28+$0x0] =	vst.idx.msk $0xffff, v20  }
0x263: {  	[tilespmem:v8+s29+$0x0] =	vst.idx.msk $0xffff, v16;
	v8 =	vadd.s32 v10, v11;
	v16 =	vld [tilespmem:s6+$0x0];
	v10 =	vshll.u32 v13, $0x4  }
0x264: {  	v20 =	vshrl.u32 v13, $0x9;
	[tilespmem:v18+s29+$0x0] =	vst.idx.msk $0xffff, v17;
	v11 =	vld [tilespmem:s5+$0x10];
	v17 =	vshll.u32 v15, $0x4;
	v10 =	vand.u32 $0x1FF0, v10  }
0x265: {  	[tilespmem:v25+s28+$0x0] =	vst.idx.msk $0xffff, v22;
	v18 =	vld [tilespmem:s6+$0x10];
	v22 =	vand.u32 $0x1FF0, v17;
	v17 =	vadd.s32 v20, v10  }
0x266: {  	v63 =	vshll.u32 v19, $0x4;
	v15 =	vshrl.u32 v15, $0x9;
	v13 =	vld [tilespmem:s5+$0x20];
	[tilespmem:v25+s29+$0x0] =	vst.idx.msk $0xffff, v23  }
0x267: {  	v19 =	vshrl.u32 v19, $0x9;
	v10 =	vand.u32 $0x1FF0, v63;
	v20 =	vld [tilespmem:s5+$0xFFFFFFC0];
	v15 =	vadd.s32 v15, v22;
	[tilespmem:v14+s28+$0x0] =	vst.idx.msk $0xffff, v26  }
0x268: {  	s4 =	sadd.s32 $0x8, s8;
	s7 =	sadd.s32 $0x80, s7;
	v10 =	vadd.s32 v19, v10;
	v19 =	vld [tilespmem:s6+$0x20];
	[tilespmem:v8+s28+$0x0] =	vst.idx.msk $0xffff, v21  }
.LBB2_37:
0x269: {  	v21 =	vld [tilespmem:s7+$0x30];
	[tilespmem:v14+s29+$0x0] =	vst.idx.msk $0xffff, v9  }
0x26a: {  	s4 =	sadd.s32 $0x8, s4;
	v9 =	vld [tilespmem:s7+$0xFFFFFFC0];
	[tilespmem:v17+s28+$0x0] =	vst.idx.msk $0xffff, v16  }
0x26b: {  	p1 =	slt.u32 s4, $0x1F8;
	v14 =	vld [tilespmem:s7+$0xFFFFFFD0];
	[tilespmem:v17+s29+$0x0] =	vst.idx.msk $0xffff, v12  }
0x26c: {  	v12 =	vld [tilespmem:s7+$0xFFFFFFE0];
	[tilespmem:v15+s28+$0x0] =	vst.idx.msk $0xffff, v18  }
0x26d: {  	v16 =	vld [tilespmem:s7+$0xFFFFFFF0];
	[tilespmem:v8+s29+$0x0] =	vst.idx.msk $0xffff, v20  }
0x26e: {  	v8 =	vld [tilespmem:s7+$0x0];
	v17 =	vshll.u32 v21, $0x4;
	[tilespmem:v15+s29+$0x0] =	vst.idx.msk $0xffff, v11  }
0x26f: {  	s6 =	sadd.s32 $0x80, s6;
	v18 =	vshrl.u32 v21, $0x9;
	v11 =	vshll.u32 v9, $0x4;
	v15 =	vld [tilespmem:s7+$0x10];
	v17 =	vand.u32 $0x1FF0, v17;
	[tilespmem:v10+s28+$0x0] =	vst.idx.msk $0xffff, v19  }
0x270: {  	s5 =	sadd.s32 $0x80, s5;
	v11 =	vand.u32 $0x1FF0, v11;
	v19 =	vshll.u32 v14, $0x4;
	v20 =	vld [tilespmem:s6+$0x30];
	v17 =	vadd.s32 v18, v17;
	[tilespmem:v10+s29+$0x0] =	vst.idx.msk $0xffff, v13  }
0x271: {  	v9 =	vshrl.u32 v9, $0x9;
	v10 =	vand.u32 $0x1FF0, v19;
	v13 =	vshll.u32 v12, $0x4;
	v18 =	vld [tilespmem:s5+$0x30]  }
0x272: {  	v14 =	vshrl.u32 v14, $0x9;
	v13 =	vand.u32 $0x1FF0, v13;
	v19 =	vshll.u32 v16, $0x4;
	v21 =	vld [tilespmem:s7+$0x20]  }
0x273: {  	v12 =	vshrl.u32 v12, $0x9;
	v22 =	vld [tilespmem:s6+$0xFFFFFFC0];
	v19 =	vand.u32 $0x1FF0, v19;
	v23 =	vshll.u32 v8, $0x4  }
0x274: {  	v16 =	vshrl.u32 v16, $0x9;
	v24 =	vld [tilespmem:s5+$0xFFFFFFD0];
	v23 =	vand.u32 $0x1FF0, v23;
	v25 =	vshll.u32 v15, $0x4  }
0x275: {  	v27 =	vshrl.u32 v8, $0x9;
	v15 =	vshrl.u32 v15, $0x9;
	v26 =	vld [tilespmem:s6+$0xFFFFFFD0];
	v25 =	vand.u32 $0x1FF0, v25;
	[tilespmem:v17+s28+$0x0] =	vst.idx.msk $0xffff, v20  }
0x276: {  	s8 =	simm.s32 $0xC040;
	v8 =	vadd.s32 v9, v11;
	v11 =	vadd.s32 v14, v10;
	v20 =	vld [tilespmem:s5+$0xFFFFFFE0];
	[tilespmem:v17+s29+$0x0] =	vst.idx.msk $0xffff, v18  }
0x277: {  	v13 =	vadd.s32 v12, v13;
	v18 =	vld [tilespmem:s6+$0xFFFFFFE0];
	v10 =	vshll.u32 v21, $0x4;
	v12 =	vshrl.u32 v21, $0x9  }
0x278: {  	v14 =	vadd.s32 v16, v19;
	v17 =	vadd.s32 v27, v23;
	v9 =	vld [tilespmem:s5+$0xFFFFFFF0];
	v10 =	vand.u32 $0x1FF0, v10  }
0x279: {  	v15 =	vadd.s32 v15, v25;
	v19 =	vld [tilespmem:s6+$0xFFFFFFF0];
	v10 =	vadd.s32 v12, v10  }
0x27a: {  	v12 =	vld [tilespmem:s5+$0x0]  }
0x27b: {  	[tilespmem:v11+s28+$0x0] =	vst.idx.msk $0xffff, v26;
	v16 =	vld [tilespmem:s6+$0x0]  }
.Ltmp22:
0x27c: {  	[tilespmem:v11+s29+$0x0] =	vst.idx.msk $0xffff, v24;
	v11 =	vld [tilespmem:s5+$0x10];
	(pc) =	sbr.rel @p1 .LBB2_37-.Ltmp22, $4  }
0x27d: {  	[tilespmem:v13+s28+$0x0] =	vst.idx.msk $0xffff, v18;
	v18 =	vld [tilespmem:s6+$0x10]  }
0x27e: {  	[tilespmem:v13+s29+$0x0] =	vst.idx.msk $0xffff, v20;
	v13 =	vld [tilespmem:s5+$0x20]  }
0x27f: {  	[tilespmem:v14+s28+$0x0] =	vst.idx.msk $0xffff, v19;
	v19 =	vld [tilespmem:s6+$0x20]  }
0x280: {  	s7 =	sadd.s32 $0x80, s7;
	v20 =	vld [tilespmem:s5+$0xFFFFFFC0];
	[tilespmem:v8+s28+$0x0] =	vst.idx.msk $0xffff, v22  }
0x281: {  	_ =	sdelay $0x3  }
0x282: {  	[tilespmem:v14+s29+$0x0] =	vst.idx.msk $0xffff, v9  }
0x283: {  	[tilespmem:v17+s28+$0x0] =	vst.idx.msk $0xffff, v16  }
0x284: {  	[tilespmem:v17+s29+$0x0] =	vst.idx.msk $0xffff, v12  }
0x285: {  	[tilespmem:v15+s28+$0x0] =	vst.idx.msk $0xffff, v18  }
0x286: {  	[tilespmem:v15+s29+$0x0] =	vst.idx.msk $0xffff, v11  }
0x287: {  	[tilespmem:v10+s28+$0x0] =	vst.idx.msk $0xffff, v19  }
0x288: {  	[tilespmem:v8+s29+$0x0] =	vst.idx.msk $0xffff, v20  }
0x289: {  	[tilespmem:v10+s29+$0x0] =	vst.idx.msk $0xffff, v13  }
0x28a: {  	[tilespmem:s8+$0xFFFFFFC0] =	vst v4  }
0x28b: {  	[tilespmem:s8+$0x30] =	vst v4  }
0x28c: {  	[tilespmem:s8+$0x20] =	vst v4  }
0x28d: {  	[tilespmem:s8+$0x10] =	vst v4  }
0x28e: {  	[tilespmem:s8+$0x0] =	vst v4  }
0x28f: {  	[tilespmem:s8+$0xFFFFFFF0] =	vst v4  }
0x290: {  	s4 =	simm.s32 $0x0;
	[tilespmem:s8+$0xFFFFFFE0] =	vst v4  }
.LBB2_39:
0x291: {  	s4 =	sadd.s32 $0x8, s4;
	[tilespmem:s8+$0xFFFFFFD0] =	vst v4;
	s8 =	sadd.s32 $0x80, s8  }
0x292: {  	[tilespmem:s8+$0xFFFFFFC0] =	vst v4;
	p1 =	slt.u32 s4, $0xF8  }
0x293: {  	[tilespmem:s8+$0x30] =	vst v4  }
.Ltmp23:
0x294: {  	[tilespmem:s8+$0x20] =	vst v4;
	(pc) =	sbr.rel @p1 .LBB2_39-.Ltmp23, $4  }
0x295: {  	[tilespmem:s8+$0x10] =	vst v4  }
0x296: {  	[tilespmem:s8+$0x0] =	vst v4  }
0x297: {  	[tilespmem:s8+$0xFFFFFFF0] =	vst v4  }
0x298: {  	s5 =	simm.s32 $0x4040;
	[tilespmem:s8+$0xFFFFFFE0] =	vst v4  }
0x299: {  	[tilespmem:s8+$0xFFFFFFD0] =	vst v4  }
0x29a: {  	v8 =	vld [tilespmem:s5+$0x30]  }
0x29b: {  	v9 =	vld [tilespmem:s5+$0xFFFFFFD0]  }
0x29c: {  	v10 =	vld [tilespmem:s5+$0xFFFFFFE0]  }
0x29d: {  	v11 =	vld [tilespmem:s5+$0xFFFFFFF0];
	_ =	sdelay $0x1  }
0x29e: {  	v12 =	vld [tilespmem:s5+$0x0];
	v8 =	vshrl.u32 v8, $0x14  }
0x29f: {  	v13 =	vld [tilespmem:s5+$0x10];
	v9 =	vshrl.u32 v9, $0x14;
	v8 =	vand.u32 $0xFF0, v8  }
0x2a0: {  	v14 =	vld [tilespmem:s5+$0x20];
	v10 =	vshrl.u32 v10, $0x14;
	v9 =	vand.u32 $0xFF0, v9;
	v15 =	vor.u32 v1, v8  }
0x2a1: {  	v16 =	vld [tilespmem:s5+$0xFFFFFFC0];
	v9 =	vor.u32 v1, v9;
	v8 =	vand.u32 $0xFF0, v10;
	v10 =	vshrl.u32 v11, $0x14  }
0x2a2: {  	v11 =	vor.u32 v1, v8;
	v8 =	vand.u32 $0xFF0, v10  }
0x2a3: {  	v17 =	vor.u32 v1, v8  }
0x2a4: {  	v10 =	vshrl.u32 v12, $0x14  }
0x2a5: {  	v12 =	vshrl.u32 v14, $0x14;
	v8 =	vand.u32 $0xFF0, v10;
	v10 =	vshrl.u32 v13, $0x14;
	[tilespmem:v15+s26+$0x0] =	vst.idx.add.s32.msk $0xffff, v5  }
0x2a6: {  	v13 =	vshrl.u32 v16, $0x14;
	v8 =	vor.u32 v1, v8;
	v10 =	vand.u32 $0xFF0, v10;
	[tilespmem:v9+s26+$0x0] =	vst.idx.add.s32.msk $0xffff, v5  }
0x2a7: {  	v9 =	vor.u32 v1, v10;
	v10 =	vand.u32 $0xFF0, v12;
	v12 =	vand.u32 $0xFF0, v13;
	[tilespmem:v11+s26+$0x0] =	vst.idx.add.s32.msk $0xffff, v5  }
0x2a8: {  	s6 =	simm.s32 $0x0;
	s7 =	simm.s32 $0x40C0;
	v11 =	vor.u32 v1, v10;
	v12 =	vor.u32 v1, v12;
	[tilespmem:v17+s26+$0x0] =	vst.idx.add.s32.msk $0xffff, v5  }
.LBB2_41:
0x2a9: {  	v10 =	vld [tilespmem:s7+$0x30];
	s6 =	sadd.s32 $0x8, s6  }
0x2aa: {  	v13 =	vld [tilespmem:s7+$0xFFFFFFD0];
	p1 =	slt.u32 s6, $0x1F8  }
0x2ab: {  	v14 =	vld [tilespmem:s7+$0xFFFFFFE0]  }
0x2ac: {  	v15 =	vld [tilespmem:s7+$0xFFFFFFF0]  }
0x2ad: {  	v16 =	vld [tilespmem:s7+$0x0]  }
0x2ae: {  	v17 =	vld [tilespmem:s7+$0x10];
	v10 =	vshrl.u32 v10, $0x14  }
0x2af: {  	v13 =	vshrl.u32 v13, $0x14;
	v18 =	vld [tilespmem:s7+$0x20];
	v19 =	vand.u32 $0xFF0, v10;
	v10 =	vimm.s32 $0x0  }
0x2b0: {  	v20 =	vld [tilespmem:s7+$0xFFFFFFC0];
	v13 =	vand.u32 $0xFF0, v13;
	v14 =	vshrl.u32 v14, $0x14;
	v19 =	vor.u32 v1, v19  }
0x2b1: {  	v13 =	vor.u32 v1, v13;
	v14 =	vand.u32 $0xFF0, v14;
	v15 =	vshrl.u32 v15, $0x14;
	[tilespmem:v12+s26+$0x0] =	vst.idx.add.s32.msk $0xffff, v5  }
0x2b2: {  	v14 =	vor.u32 v1, v14;
	v12 =	vand.u32 $0xFF0, v15;
	v15 =	vshrl.u32 v16, $0x14;
	[tilespmem:v8+s26+$0x0] =	vst.idx.add.s32.msk $0xffff, v5  }
0x2b3: {  	v16 =	vor.u32 v1, v12;
	v8 =	vand.u32 $0xFF0, v15;
	v12 =	vshrl.u32 v17, $0x14;
	[tilespmem:v9+s26+$0x0] =	vst.idx.add.s32.msk $0xffff, v5  }
.Ltmp24:
0x2b4: {  	v8 =	vor.u32 v1, v8;
	v9 =	vand.u32 $0xFF0, v12;
	v12 =	vshrl.u32 v18, $0x14;
	[tilespmem:v11+s26+$0x0] =	vst.idx.add.s32.msk $0xffff, v5;
	(pc) =	sbr.rel @p1 .LBB2_41-.Ltmp24, $4  }
0x2b5: {  	s4 =	simm.s32 $0xFFFFFFFC;
	s5 =	simm.s32 $0xC020;
	v11 =	vshrl.u32 v20, $0x14;
	v9 =	vor.u32 v1, v9;
	v12 =	vand.u32 $0xFF0, v12;
	[tilespmem:v19+s26+$0x0] =	vst.idx.add.s32.msk $0xffff, v5  }
0x2b6: {  	v15 =	vand.u32 $0xFF0, v11;
	[tilespmem:v13+s26+$0x0] =	vst.idx.add.s32.msk $0xffff, v5;
	v11 =	vor.u32 v1, v12  }
0x2b7: {  	v12 =	vor.u32 v1, v15;
	[tilespmem:v14+s26+$0x0] =	vst.idx.add.s32.msk $0xffff, v5  }
0x2b8: {  	s7 =	sadd.s32 $0x80, s7;
	[tilespmem:v16+s26+$0x0] =	vst.idx.add.s32.msk $0xffff, v5  }
0x2b9: {  	_ =	sdelay $0x3  }
0x2ba: {  	[tilespmem:v12+s26+$0x0] =	vst.idx.add.s32.msk $0xffff, v5  }
0x2bb: {  	[tilespmem:v8+s26+$0x0] =	vst.idx.add.s32.msk $0xffff, v5  }
0x2bc: {  	[tilespmem:v9+s26+$0x0] =	vst.idx.add.s32.msk $0xffff, v5  }
0x2bd: {  	[tilespmem:v11+s26+$0x0] =	vst.idx.add.s32.msk $0xffff, v5  }
0x2be: {  	v8 =	vld [tilespmem:s5+$0xFFFFFFE0];
	_ =	sdelay $0x1  }
0x2bf: {  	v11 =	vld [tilespmem:s5+$0xFFFFFFF0];
	_ =	sdelay $0x1  }
0x2c0: {  	v12 =	vld [tilespmem:s5+$0x0]  }
0x2c1: {  	(xrf0) =	vadd.scan.msk.s32 $0xffff, v8;
	_ =	sdelay $0x1  }
0x2c2: {  	(xrf0) =	vadd.scan.msk.s32 $0xffff, v11;
	_ =	sdelay $0x1  }
0x2c3: {  	v13 =	vld [tilespmem:s5+$0x10];
	(xrf0) =	vadd.scan.msk.s32 $0xffff, v12;
	_ =	sdelay $0x1  }
0x2c4: {  	v8 =	vsub.s32 v10, v8;
	v9, _, _ =	vpop (xrf0)  }
0x2c5: {  	v8 =	vadd.s32 v9, v8  }
0x2c6: {  	v14 =	vbroadcast v9, $0xF;
	v15, _, _ =	vpop (xrf0)  }
0x2c7: {  	(xrf0) =	vadd.scan.msk.s32 $0xffff, v13;
	v16 =	vbroadcast v15, $0xF  }
0x2c8: {  	[tilespmem:s5+$0xFFFFFFE0] =	vst v8;
	v10 =	vadd.s32 v10, v14;
	v8, _, _ =	vpop (xrf0)  }
0x2c9: {  	v14 =	vadd.s32 v10, v16;
	v12 =	vsub.s32 v8, v12  }
0x2ca: {  	v12 =	vadd.s32 v14, v12  }
0x2cb: {  	s6 =	simm.s32 $0xC060  }
0x2cc: {  	v11 =	vsub.s32 v15, v11;
	v9 =	vld [tilespmem:s6+$0xFFFFFFE0];
	v63 =	vbroadcast v8, $0xF  }
0x2cd: {  	v15 =	vadd.s32 v10, v11;
	v8 =	vld [tilespmem:s6+$0xFFFFFFF0];
	[tilespmem:s5+$0x0] =	vst v12;
	v12, _, _ =	vpop (xrf0)  }
0x2ce: {  	v11 =	vadd.s32 v14, v63;
	v13 =	vsub.s32 v12, v13;
	v12 =	vbroadcast v12, $0xF  }
0x2cf: {  	s7 =	simm.s32 $0x4;
	v10 =	vld [tilespmem:s6+$0x0];
	[tilespmem:s5+$0xFFFFFFF0] =	vst v15;
	v13 =	vadd.s32 v11, v13  }
.LBB2_43:
0x2d0: {  	s7 =	sadd.s32 $0x4, s7;
	[tilespmem:s5+$0x10] =	vst v13;
	v11 =	vadd.s32 v11, v12  }
0x2d1: {  	s5 =	smov.u32 s6;
	p1 =	slt.u32 s7, $0xFC;
	v12 =	vld [tilespmem:s6+$0x10];
	(xrf0) =	vadd.scan.msk.s32 $0xffff, v9  }
0x2d2: {  	(xrf0) =	vadd.scan.msk.s32 $0xffff, v8;
	_ =	sdelay $0x1  }
0x2d3: {  	(xrf0) =	vadd.scan.msk.s32 $0xffff, v10;
	_ =	sdelay $0x1  }
0x2d4: {  	(xrf0) =	vadd.scan.msk.s32 $0xffff, v12  }
0x2d5: {  	v9 =	vsub.s32 v11, v9;
	v13, _, _ =	vpop (xrf0)  }
0x2d6: {  	v9 =	vadd.s32 v13, v9;
	v16 =	vbroadcast v13, $0xF;
	v14, _, _ =	vpop (xrf0)  }
0x2d7: {  	[tilespmem:s6+$0xFFFFFFE0] =	vst v9;
	v15 =	vsub.s32 v14, v8;
	v8 =	vbroadcast v14, $0xF  }
.Ltmp25:
0x2d8: {  	s6 =	sadd.s32 $0x40, s6;
	v11 =	vadd.s32 v11, v16;
	v13, _, _ =	vpop (xrf0);
	(pc) =	sbr.rel @p1 .LBB2_43-.Ltmp25, $4  }
0x2d9: {  	v9 =	vld [tilespmem:s6+$0xFFFFFFE0];
	v14 =	vadd.s32 v11, v8;
	v10 =	vsub.s32 v13, v10;
	v13 =	vbroadcast v13, $0xF  }
0x2da: {  	v15 =	vadd.s32 v11, v15;
	v8 =	vld [tilespmem:s6+$0xFFFFFFF0];
	v10 =	vadd.s32 v14, v10;
	v16, _, _ =	vpop (xrf0)  }
0x2db: {  	[tilespmem:s5+$0x0] =	vst v10;
	v11 =	vadd.s32 v14, v13;
	v13 =	vsub.s32 v16, v12;
	v12 =	vbroadcast v16, $0xF  }
0x2dc: {  	v10 =	vld [tilespmem:s6+$0x0];
	[tilespmem:s5+$0xFFFFFFF0] =	vst v15;
	v13 =	vadd.s32 v11, v13  }
0x2dd: {  	[tilespmem:s5+$0x10] =	vst v13  }
0x2de: {  	v13 =	vld [tilespmem:s6+$0x10]  }
0x2df: {  	(xrf0) =	vadd.scan.msk.s32 $0xffff, v9  }
0x2e0: {  	(xrf0) =	vadd.scan.msk.s32 $0xffff, v8  }
0x2e1: {  	(xrf0) =	vadd.scan.msk.s32 $0xffff, v10;
	_ =	sdelay $0x1  }
0x2e2: {  	(xrf0) =	vadd.scan.msk.s32 $0xffff, v13;
	_ =	sdelay $0x1  }
0x2e3: {  	v11 =	vadd.s32 v11, v12;
	v14, _, _ =	vpop (xrf0)  }
0x2e4: {  	v57 =	vsub.s32 v11, v9;
	v56 =	vbroadcast v14, $0xF;
	v15, _, _ =	vpop (xrf0)  }
0x2e5: {  	v9 =	vadd.s32 v14, v57;
	v16 =	vbroadcast v15, $0xF;
	v58, _, _ =	vpop (xrf0)  }
0x2e6: {  	v8 =	vsub.s32 v15, v8;
	v11 =	vadd.s32 v11, v56;
	v12 =	vbroadcast v58, $0xF  }
0x2e7: {  	[tilespmem:s6+$0xFFFFFFE0] =	vst v9;
	v59 =	vadd.s32 v11, v16;
	v60 =	vsub.s32 v58, v10;
	v8 =	vadd.s32 v11, v8;
	v62, _, _ =	vpop (xrf0)  }
0x2e8: {  	v61 =	vadd.s32 v59, v60;
	[tilespmem:s6+$0xFFFFFFF0] =	vst v8;
	v63 =	vadd.s32 v59, v12;
	v10 =	vsub.s32 v62, v13  }
0x2e9: {  	[tilespmem:s6+$0x0] =	vst v61;
	v8 =	vadd.s32 v63, v10  }
0x2ea: {  	s7 =	simm.s32 $0x4020;
	[tilespmem:s6+$0x10] =	vst v8;
	s6 =	simm.s32 $0xA020  }
.LBB2_45:
0x2eb: {  	v8 =	vld [tilespmem:s7+$0xFFFFFFE0];
	_ =	sdelay $0x4  }
0x2ec: {  	v8 =	vshrl.u32 v8, $0x14  }
0x2ed: {  	v8 =	vand.u32 $0xFF0, v8  }
0x2ee: {  	v8 =	vor.u32 v1, v8;
	_ =	sdelay $0x4  }
0x2ef: {  	v9 =	vld.idx.msk [tilespmem:v8+s26+$0x0], $0xffff;
	_ =	sdelay $0x4  }
0x2f0: {  	v10 =	vadd.s32 $0x1, v9  }
0x2f1: {  	[tilespmem:v8+s26+$0x0] =	vst.idx.msk $0xffff, v10  }
0x2f2: {  	[tilespmem:s6+$0xFFFFFFE0] =	vst v9  }
0x2f3: {  	v8 =	vld [tilespmem:s7+$0xFFFFFFF0];
	_ =	sdelay $0x4  }
0x2f4: {  	v8 =	vshrl.u32 v8, $0x14  }
0x2f5: {  	v8 =	vand.u32 $0xFF0, v8  }
0x2f6: {  	v8 =	vor.u32 v1, v8;
	_ =	sdelay $0x4  }
0x2f7: {  	v9 =	vld.idx.msk [tilespmem:v8+s26+$0x0], $0xffff;
	_ =	sdelay $0x4  }
0x2f8: {  	v61 =	vadd.s32 $0x1, v9  }
0x2f9: {  	[tilespmem:v8+s26+$0x0] =	vst.idx.msk $0xffff, v61  }
0x2fa: {  	[tilespmem:s6+$0xFFFFFFF0] =	vst v9  }
0x2fb: {  	v8 =	vld [tilespmem:s7+$0x0];
	_ =	sdelay $0x4  }
0x2fc: {  	v8 =	vshrl.u32 v8, $0x14  }
0x2fd: {  	v8 =	vand.u32 $0xFF0, v8  }
0x2fe: {  	v8 =	vor.u32 v1, v8;
	_ =	sdelay $0x4  }
0x2ff: {  	v9 =	vld.idx.msk [tilespmem:v8+s26+$0x0], $0xffff;
	_ =	sdelay $0x4  }
0x300: {  	v62 =	vadd.s32 $0x1, v9  }
0x301: {  	[tilespmem:v8+s26+$0x0] =	vst.idx.msk $0xffff, v62  }
0x302: {  	[tilespmem:s6+$0x0] =	vst v9  }
0x303: {  	v8 =	vld [tilespmem:s7+$0x10];
	_ =	sdelay $0x4  }
0x304: {  	v8 =	vshrl.u32 v8, $0x14  }
0x305: {  	v8 =	vand.u32 $0xFF0, v8  }
0x306: {  	v8 =	vor.u32 v1, v8;
	_ =	sdelay $0x4  }
0x307: {  	v9 =	vld.idx.msk [tilespmem:v8+s26+$0x0], $0xffff  }
0x308: {  	s4 =	sadd.s32 $0x4, s4  }
0x309: {  	p1 =	slt.u32 s4, $0x1FC  }
.Ltmp26:
0x30a: {  	_ = 	snop;
	(pc) =	sbr.rel @p1 .LBB2_45-.Ltmp26, $4  }
0x30b: {  	_ = 	snop  }
0x30c: {  	v63 =	vadd.s32 $0x1, v9  }
0x30d: {  	s5 =	simm.s32 $0x8040;
	[tilespmem:v8+s26+$0x0] =	vst.idx.msk $0xffff, v63  }
0x30e: {  	s8 =	simm.s32 $0xA040;
	s7 =	sadd.s32 $0x40, s7;
	[tilespmem:s6+$0x10] =	vst v9;
	s6 =	sadd.s32 $0x40, s6  }
0x30f: {  	v14 =	vld [tilespmem:s8+$0x30]  }
0x310: {  	v8 =	vld [tilespmem:s8+$0xFFFFFFC0]  }
0x311: {  	v15 =	vld [tilespmem:s8+$0xFFFFFFD0]  }
0x312: {  	v16 =	vld [tilespmem:s5+$0x30]  }
0x313: {  	v18 =	vld [tilespmem:s8+$0xFFFFFFE0]  }
0x314: {  	v12 =	vld [tilespmem:s8+$0xFFFFFFF0]  }
0x315: {  	v10 =	vld [tilespmem:s8+$0x0]  }
0x316: {  	v11 =	vld [tilespmem:s8+$0x10]  }
0x317: {  	v9 =	vld [tilespmem:s8+$0x20]  }
0x318: {  	v19 =	vld [tilespmem:s5+$0xFFFFFFD0]  }
0x319: {  	v20 =	vld [tilespmem:s5+$0xFFFFFFE0]  }
0x31a: {  	v17 =	vld [tilespmem:s5+$0xFFFFFFF0]  }
0x31b: {  	v13 =	vld [tilespmem:s5+$0x0]  }
0x31c: {  	[tilespmem:v14+s31+$0x0] =	vst.idx.msk $0xffff, v16;
	v14 =	vld [tilespmem:s5+$0x10]  }
0x31d: {  	[tilespmem:v15+s31+$0x0] =	vst.idx.msk $0xffff, v19;
	v15 =	vld [tilespmem:s5+$0x20]  }
0x31e: {  	s4 =	simm.s32 $0x0;
	s6 =	simm.s32 $0xA0C0;
	v16 =	vld [tilespmem:s5+$0xFFFFFFC0];
	[tilespmem:v18+s31+$0x0] =	vst.idx.msk $0xffff, v20  }
.LBB2_47:
0x31f: {  	v18 =	vld [tilespmem:s6+$0x30];
	s4 =	sadd.s32 $0x8, s4;
	[tilespmem:v12+s31+$0x0] =	vst.idx.msk $0xffff, v17  }
0x320: {  	v17 =	vld [tilespmem:s6+$0xFFFFFFC0];
	p1 =	slt.u32 s4, $0x1F8;
	[tilespmem:v10+s31+$0x0] =	vst.idx.msk $0xffff, v13  }
0x321: {  	s5 =	sadd.s32 $0x80, s5;
	v19 =	vld [tilespmem:s6+$0xFFFFFFD0];
	[tilespmem:v11+s31+$0x0] =	vst.idx.msk $0xffff, v14  }
0x322: {  	v13 =	vld [tilespmem:s5+$0x30];
	[tilespmem:v9+s31+$0x0] =	vst.idx.msk $0xffff, v15  }
0x323: {  	v20 =	vld [tilespmem:s6+$0xFFFFFFE0];
	[tilespmem:v8+s31+$0x0] =	vst.idx.msk $0xffff, v16  }
0x324: {  	v12 =	vld [tilespmem:s6+$0xFFFFFFF0]  }
0x325: {  	v10 =	vld [tilespmem:s6+$0x0];
	v8 =	vmov v17  }
0x326: {  	v11 =	vld [tilespmem:s6+$0x10]  }
0x327: {  	v9 =	vld [tilespmem:s6+$0x20];
	[tilespmem:v18+s31+$0x0] =	vst.idx.msk $0xffff, v13  }
0x328: {  	v15 =	vld [tilespmem:s5+$0xFFFFFFD0]  }
0x329: {  	v18 =	vld [tilespmem:s5+$0xFFFFFFE0]  }
.Ltmp27:
0x32a: {  	v17 =	vld [tilespmem:s5+$0xFFFFFFF0];
	(pc) =	sbr.rel @p1 .LBB2_47-.Ltmp27, $4  }
0x32b: {  	v13 =	vld [tilespmem:s5+$0x0]  }
0x32c: {  	v14 =	vld [tilespmem:s5+$0x10]  }
0x32d: {  	[tilespmem:v19+s31+$0x0] =	vst.idx.msk $0xffff, v15;
	v15 =	vld [tilespmem:s5+$0x20]  }
0x32e: {  	s6 =	sadd.s32 $0x80, s6;
	v16 =	vld [tilespmem:s5+$0xFFFFFFC0];
	[tilespmem:v20+s31+$0x0] =	vst.idx.msk $0xffff, v18  }
0x32f: {  	_ =	sdelay $0x3  }
0x330: {  	[tilespmem:v12+s31+$0x0] =	vst.idx.msk $0xffff, v17  }
0x331: {  	[tilespmem:v10+s31+$0x0] =	vst.idx.msk $0xffff, v13  }
0x332: {  	[tilespmem:v11+s31+$0x0] =	vst.idx.msk $0xffff, v14  }
0x333: {  	[tilespmem:v9+s31+$0x0] =	vst.idx.msk $0xffff, v15  }
0x334: {  	[tilespmem:v8+s31+$0x0] =	vst.idx.msk $0xffff, v16  }
0x335: {  	s4 =	rddreg [dreg:$0x5]  }
0x336: {  	[hbm4b:s4+s23] =	stream.strided.scatter [tilespmem:s31], [sflag:$0x1], $0x280, s24, s23, $0x38;
	[tilespmem:$0x1D280] =	vst v63  }
0x337: {  	_ =	swait.ge [sflag:s25], $0x280  }
0x338: {  	[sflag:s25] =	ssyncset.done $0x0  }
0x339: {  	[sflag:s25] =	ssyncadd.s32 $0xFFFFFD80  }
0x33a: {  	s4 =	simm.s32 $0xD200;
	[bflag:$0x0] =	sbarrier.arrive $0xFFFF  }
0x33b: {  	[tilespmem:s4+$0xFFFFFE00] =	vst v6  }
0x33c: {  	[tilespmem:s4+$0x180] =	vst v6  }
0x33d: {  	[tilespmem:s4+$0x100] =	vst v6  }
0x33e: {  	[tilespmem:s4+$0x80] =	vst v6  }
0x33f: {  	[tilespmem:s4+$0x0] =	vst v6  }
0x340: {  	[tilespmem:s4+$0xFFFFFF80] =	vst v6  }
0x341: {  	s5 =	simm.s32 $0x0;
	[tilespmem:s4+$0xFFFFFF00] =	vst v6  }
.LBB2_49:
0x342: {  	s5 =	sadd.s32 $0x8, s5;
	[tilespmem:s4+$0xFFFFFE80] =	vst v6;
	s4 =	sadd.s32 $0x400, s4  }
0x343: {  	[tilespmem:s4+$0xFFFFFE00] =	vst v6;
	p1 =	slt.u32 s5, $0x1F8  }
0x344: {  	[tilespmem:s4+$0x180] =	vst v6  }
.Ltmp28:
0x345: {  	[tilespmem:s4+$0x100] =	vst v6;
	(pc) =	sbr.rel @p1 .LBB2_49-.Ltmp28, $4  }
0x346: {  	[tilespmem:s4+$0x80] =	vst v6  }
0x347: {  	[tilespmem:s4+$0x0] =	vst v6  }
0x348: {  	[tilespmem:s4+$0xFFFFFF80] =	vst v6  }
0x349: {  	[tilespmem:s4+$0xFFFFFF00] =	vst v6  }
0x34a: {  	[tilespmem:s4+$0xFFFFFE80] =	vst v6;
	s9 =	rddreg [dreg:$0x1]  }
0x34b: {  	[tilespmem:s0], [sflag:$0x1] =	stream.strided.gather [hbm4b:s9+s23], $0x280, s24, s23, $0x38;
	[tilespmem:$0x1D280] =	vst v63  }
0x34c: {  	_ =	swait.ge [sflag:s25], $0x280  }
0x34d: {  	[sflag:s25] =	ssyncset.done $0x0  }
0x34e: {  	s10 =	simm.s32 $0x1D020;
	[sflag:s25] =	ssyncadd.s32 $0xFFFFFD80  }
0x34f: {  	v8 =	vld [tilespmem:s10+$0x10]  }
0x350: {  	v10 =	vld [tilespmem:s10+$0xFFFFFFF0]  }
0x351: {  	v11 =	vld [tilespmem:s10+$0x0]  }
0x352: {  	v12 =	vld [tilespmem:s10+$0xFFFFFFE0];
	_ =	sdelay $0x2  }
0x353: {  	vm0 =	vge.s32 v8, v0;
	vm1 =	vlt.s32 v8, v2  }
0x354: {  	s5 =	simm.s32 $0x1D060;
	vm2 =	vge.s32 v10, v0;
	v8 =	vsub.s32 v8, v0;
	vm3 =	vge.s32 v11, v0  }
0x355: {  	v14 =	vld [tilespmem:s5+$0x10];
	vm5 =	vlt.s32 v12, v2;
	vm6 =	vlt.s32 v11, v2;
	vm4 =	vmand vm0, vm1  }
0x356: {  	v9 =	vld [tilespmem:s5+$0xFFFFFFF0];
	v11 =	vsub.s32 v11, v0;
	vm1 =	vlt.s32 v10, v2;
	v15 =	vshll.u32 v8, $0x7  }
0x357: {  	vm0 =	vge.s32 v12, v0;
	v8 =	vsub.s32 v12, v0;
	v12 =	vsub.s32 v10, v0  }
0x358: {  	v10 =	vshll.u32 v8, $0x7;
	v8 =	vshll.u32 v12, $0x7;
	v12 =	vshll.u32 v11, $0x7;
	v11 =	vld [tilespmem:s5+$0x0]  }
0x359: {  	v13 =	vld [tilespmem:s5+$0xFFFFFFE0];
	vm3 =	vmand vm3, vm6;
	vm0 =	vmand vm0, vm5;
	vm1 =	vmand vm2, vm1  }
0x35a: {  	vm2 =	vge.s32 v14, v0;
	vm5 =	vlt.s32 v14, v2;
	v14 =	vsub.s32 v14, v0  }
0x35b: {  	s4 =	simm.s32 $0x4;
	s5 =	simm.s32 $0x1D0A0;
	vm1 =	vmmov vm1;
	vm2 =	vmand vm2, vm5;
	[tilespmem:v15+s2+$0x0] =	vst.idx.msk vm4, v7;
	vm4 =	vge.s32 v9, v0  }
.LBB2_51:
0x35c: {  	vm6 =	vlt.s32 v9, v2  }
0x35d: {  	v15 =	vld [tilespmem:s5+$0x10];
	s4 =	sadd.s32 $0x4, s4;
	vm7 =	vge.s32 v11, v0;
	v14 =	vshll.u32 v14, $0x7;
	v16 =	vmovc v9;
	v17 =	vmovc v12;
	vm5 =	vmmov vm3  }
0x35e: {  	vm3 =	vlt.s32 v11, v2;
	v9 =	vld [tilespmem:s5+$0xFFFFFFF0];
	p1 =	slt.u32 s4, $0x24;
	vm8 =	vge.s32 v13, v0;
	vm9 =	vlt.s32 v13, v2  }
.Ltmp29:
0x35f: {  	v18 =	vsub.s32 v11, v0;
	v12 =	vsub.s32 v13, v0;
	v16 =	vsub.s32 v16, v0;
	v11 =	vld [tilespmem:s5+$0x0];
	(pc) =	sbr.rel @p1 .LBB2_51-.Ltmp29, $4  }
0x360: {  	vm4 =	vmand vm4, vm6;
	vm3 =	vmand vm7, vm3;
	v13 =	vld [tilespmem:s5+$0xFFFFFFE0];
	[tilespmem:v10+s2+$0x0] =	vst.idx.msk vm0, v7;
	vm0 =	vmand vm8, vm9  }
0x361: {  	v10 =	vshll.u32 v12, $0x7;
	v12 =	vshll.u32 v18, $0x7;
	[tilespmem:v8+s2+$0x0] =	vst.idx.msk vm1, v7;
	v8 =	vshll.u32 v16, $0x7  }
0x362: {  	vm1 =	vmmov vm4;
	vm6 =	vge.s32 v15, v0;
	vm7 =	vlt.s32 v15, v2;
	[tilespmem:v14+s2+$0x0] =	vst.idx.msk vm2, v7  }
0x363: {  	s5 =	sadd.s32 $0x40, s5;
	v14 =	vsub.s32 v15, v0;
	vm4 =	vge.s32 v9, v0;
	vm2 =	vmand vm6, vm7;
	[tilespmem:v17+s2+$0x0] =	vst.idx.msk vm5, v7  }
0x364: {  	_ = 	snop  }
0x365: {  	vm5 =	vlt.s32 v9, v2  }
0x366: {  	vm6 =	vge.s32 v11, v0;
	v14 =	vshll.u32 v14, $0x7;
	vm3 =	vmmov vm3  }
0x367: {  	vm9 =	vlt.s32 v11, v2;
	v11 =	vsub.s32 v11, v0;
	vm7 =	vge.s32 v13, v0  }
0x368: {  	vm8 =	vlt.s32 v13, v2;
	vm4 =	vmand vm4, vm5;
	vm5 =	vmand vm6, vm9  }
0x369: {  	[tilespmem:v10+s2+$0x0] =	vst.idx.msk vm0, v7;
	v13 =	vsub.s32 v13, v0;
	v10 =	vshll.u32 v11, $0x7;
	vm7 =	vmand vm7, vm8  }
0x36a: {  	v9 =	vsub.s32 v9, v0;
	v13 =	vshll.u32 v13, $0x7;
	vm4 =	vmmov vm4  }
0x36b: {  	[tilespmem:v8+s2+$0x0] =	vst.idx.msk vm1, v7;
	v9 =	vshll.u32 v9, $0x7  }
0x36c: {  	[tilespmem:v14+s2+$0x0] =	vst.idx.msk vm2, v7  }
0x36d: {  	[tilespmem:v12+s2+$0x0] =	vst.idx.msk vm3, v7  }
0x36e: {  	[tilespmem:v10+s2+$0x0] =	vst.idx.msk vm5, v7  }
0x36f: {  	[tilespmem:v13+s2+$0x0] =	vst.idx.msk vm7, v7  }
0x370: {  	[tilespmem:v9+s2+$0x0] =	vst.idx.msk vm4, v7  }
0x371: {  	s4 =	rddreg [dreg:$0x6]  }
0x372: {  	[tilespmem:s0], [sflag:$0x1] =	stream.strided.gather [hbm4b:s4+s23], $0x280, s24, s23, $0x38;
	[tilespmem:$0x1D280] =	vst v63  }
0x373: {  	_ =	swait.ge [sflag:s25], $0x280  }
0x374: {  	[sflag:s25] =	ssyncset.done $0x0  }
0x375: {  	s10 =	simm.s32 $0x1D020;
	[sflag:s25] =	ssyncadd.s32 $0xFFFFFD80  }
0x376: {  	v8 =	vld [tilespmem:s10+$0x10]  }
0x377: {  	v9 =	vld [tilespmem:s10+$0xFFFFFFF0]  }
0x378: {  	v10 =	vld [tilespmem:s10+$0x0]  }
0x379: {  	v11 =	vld [tilespmem:s10+$0xFFFFFFE0];
	_ =	sdelay $0x1  }
0x37a: {  	s5 =	simm.s32 $0x1D060;
	vm0 =	vmmov vm5  }
0x37b: {  	v14 =	vld [tilespmem:s5+$0x10];
	vm0 =	vge.s32 v8, v0;
	vm1 =	vlt.s32 v8, v2  }
0x37c: {  	v8 =	vsub.s32 v8, v0;
	v12 =	vsub.s32 v9, v0;
	v13 =	vsub.s32 v10, v0  }
0x37d: {  	vm2 =	vlt.s32 v11, v2;
	vm3 =	vlt.s32 v9, v2;
	vm5 =	vge.s32 v10, v0  }
0x37e: {  	vm6 =	vlt.s32 v10, v2;
	vm4 =	vmand vm0, vm1;
	v8 =	vshll.u32 v8, $0x7  }
0x37f: {  	vm0 =	vge.s32 v9, v0;
	vm1 =	vge.s32 v11, v0;
	v11 =	vsub.s32 v11, v0  }
0x380: {  	v10 =	vshll.u32 v13, $0x7;
	v13 =	vsub.s32 v14, v0;
	v15 =	vor.u32 $0x1, v8;
	v8 =	vld [tilespmem:s5+$0xFFFFFFF0]  }
0x381: {  	v9 =	vld [tilespmem:s5+$0x0];
	v11 =	vshll.u32 v11, $0x7;
	vm2 =	vmand vm1, vm2;
	vm1 =	vmand vm0, vm3  }
0x382: {  	vm0 =	vmand vm5, vm6;
	vm3 =	vge.s32 v14, v0;
	vm5 =	vlt.s32 v14, v2;
	v14 =	vld [tilespmem:s5+$0xFFFFFFE0]  }
0x383: {  	v16 =	vshll.u32 v12, $0x7;
	v12 =	vor.u32 $0x1, v11  }
0x384: {  	v10 =	vor.u32 $0x1, v10;
	v11 =	vor.u32 $0x1, v16  }
0x385: {  	v13 =	vshll.u32 v13, $0x7;
	vm3 =	vmand vm3, vm5;
	v16 =	vsub.s32 v8, v0  }
0x386: {  	s4 =	simm.s32 $0x4;
	s5 =	simm.s32 $0x1D0A0;
	v13 =	vor.u32 $0x1, v13;
	[tilespmem:v15+s2+$0x0] =	vst.idx.msk vm4, v7;
	vm4 =	vge.s32 v8, v0;
	v15 =	vsub.s32 v9, v0  }
.LBB2_53:
0x387: {  	v17 =	vld [tilespmem:s5+$0x10];
	s4 =	sadd.s32 $0x4, s4;
	vm5 =	vge.s32 v14, v0;
	vm6 =	vlt.s32 v14, v2;
	v14 =	vsub.s32 v14, v0  }
0x388: {  	vm7 =	vlt.s32 v8, v2;
	v16 =	vshll.u32 v16, $0x7;
	p1 =	slt.u32 s4, $0x24;
	v18 =	vshll.u32 v14, $0x7;
	v8 =	vld [tilespmem:s5+$0xFFFFFFF0];
	[tilespmem:v12+s2+$0x0] =	vst.idx.msk vm2, v7  }
0x389: {  	vm8 =	vge.s32 v9, v0;
	vm9 =	vlt.s32 v9, v2;
	v15 =	vshll.u32 v15, $0x7;
	v9 =	vld [tilespmem:s5+$0x0];
	[tilespmem:v11+s2+$0x0] =	vst.idx.msk vm1, v7  }
.Ltmp30:
0x38a: {  	vm2 =	vmand vm5, vm6;
	v12 =	vor.u32 $0x1, v18;
	vm1 =	vmand vm4, vm7;
	v14 =	vld [tilespmem:s5+$0xFFFFFFE0];
	[tilespmem:v10+s2+$0x0] =	vst.idx.msk vm0, v7;
	(pc) =	sbr.rel @p1 .LBB2_53-.Ltmp30, $4  }
0x38b: {  	v11 =	vor.u32 $0x1, v16;
	vm0 =	vmand vm8, vm9;
	v10 =	vor.u32 $0x1, v15;
	[tilespmem:v13+s2+$0x0] =	vst.idx.msk vm3, v7  }
0x38c: {  	vm3 =	vge.s32 v17, v0;
	vm4 =	vlt.s32 v17, v2;
	v13 =	vsub.s32 v17, v0  }
0x38d: {  	v16 =	vsub.s32 v8, v0;
	vm3 =	vmand vm3, vm4;
	v13 =	vshll.u32 v13, $0x7  }
0x38e: {  	s5 =	sadd.s32 $0x40, s5;
	vm4 =	vge.s32 v8, v0;
	v15 =	vsub.s32 v9, v0;
	v13 =	vor.u32 $0x1, v13  }
0x38f: {  	_ = 	snop  }
0x390: {  	vm5 =	vge.s32 v14, v0;
	v17 =	vsub.s32 v14, v0  }
0x391: {  	vm6 =	vlt.s32 v14, v2;
	vm7 =	vlt.s32 v8, v2;
	v8 =	vshll.u32 v16, $0x7  }
0x392: {  	vm8 =	vlt.s32 v9, v2;
	v14 =	vshll.u32 v17, $0x7;
	vm5 =	vmand vm5, vm6  }
0x393: {  	vm6 =	vge.s32 v9, v0;
	vm4 =	vmand vm4, vm7;
	v9 =	vor.u32 $0x1, v14  }
0x394: {  	[tilespmem:v12+s2+$0x0] =	vst.idx.msk vm2, v7;
	v12 =	vshll.u32 v15, $0x7;
	v8 =	vor.u32 $0x1, v8;
	vm2 =	vmand vm6, vm8  }
0x395: {  	[tilespmem:v11+s2+$0x0] =	vst.idx.msk vm1, v7;
	v11 =	vor.u32 $0x1, v12  }
0x396: {  	[tilespmem:v10+s2+$0x0] =	vst.idx.msk vm0, v7  }
0x397: {  	[tilespmem:v13+s2+$0x0] =	vst.idx.msk vm3, v7  }
0x398: {  	[tilespmem:v9+s2+$0x0] =	vst.idx.msk vm5, v7  }
0x399: {  	[tilespmem:v8+s2+$0x0] =	vst.idx.msk vm4, v7  }
0x39a: {  	[tilespmem:v11+s2+$0x0] =	vst.idx.msk vm2, v7  }
0x39b: {  	s4 =	rddreg [dreg:$0x7]  }
0x39c: {  	[tilespmem:s0], [sflag:$0x1] =	stream.strided.gather [hbm4b:s4+s23], $0x280, s24, s23, $0x38;
	[tilespmem:$0x1D280] =	vst v63  }
0x39d: {  	_ =	swait.ge [sflag:s25], $0x280  }
0x39e: {  	[sflag:s25] =	ssyncset.done $0x0  }
0x39f: {  	s10 =	simm.s32 $0x1D020;
	[sflag:s25] =	ssyncadd.s32 $0xFFFFFD80  }
0x3a0: {  	v8 =	vld [tilespmem:s10+$0x10]  }
0x3a1: {  	v9 =	vld [tilespmem:s10+$0xFFFFFFF0]  }
0x3a2: {  	v10 =	vld [tilespmem:s10+$0x0]  }
0x3a3: {  	v11 =	vld [tilespmem:s10+$0xFFFFFFE0];
	_ =	sdelay $0x1  }
0x3a4: {  	s5 =	simm.s32 $0x1D060  }
0x3a5: {  	v14 =	vld [tilespmem:s5+$0x10];
	vm0 =	vge.s32 v8, v0;
	vm1 =	vlt.s32 v8, v2  }
0x3a6: {  	v8 =	vsub.s32 v8, v0;
	v12 =	vsub.s32 v9, v0;
	v13 =	vsub.s32 v10, v0  }
0x3a7: {  	vm2 =	vlt.s32 v11, v2;
	vm3 =	vlt.s32 v9, v2;
	vm5 =	vge.s32 v10, v0  }
0x3a8: {  	vm6 =	vlt.s32 v10, v2;
	vm4 =	vmand vm0, vm1;
	v8 =	vshll.u32 v8, $0x7  }
0x3a9: {  	vm0 =	vge.s32 v9, v0;
	vm1 =	vge.s32 v11, v0;
	v11 =	vsub.s32 v11, v0  }
0x3aa: {  	v10 =	vshll.u32 v13, $0x7;
	v13 =	vsub.s32 v14, v0;
	v15 =	vor.u32 $0x2, v8;
	v8 =	vld [tilespmem:s5+$0xFFFFFFF0]  }
0x3ab: {  	v9 =	vld [tilespmem:s5+$0x0];
	v11 =	vshll.u32 v11, $0x7;
	vm2 =	vmand vm1, vm2;
	vm1 =	vmand vm0, vm3  }
0x3ac: {  	vm0 =	vmand vm5, vm6;
	vm3 =	vge.s32 v14, v0;
	vm5 =	vlt.s32 v14, v2;
	v14 =	vld [tilespmem:s5+$0xFFFFFFE0]  }
0x3ad: {  	v16 =	vshll.u32 v12, $0x7;
	v12 =	vor.u32 $0x2, v11  }
0x3ae: {  	v10 =	vor.u32 $0x2, v10;
	v11 =	vor.u32 $0x2, v16  }
0x3af: {  	v13 =	vshll.u32 v13, $0x7;
	vm3 =	vmand vm3, vm5;
	v16 =	vsub.s32 v8, v0  }
0x3b0: {  	s4 =	simm.s32 $0x4;
	s5 =	simm.s32 $0x1D0A0;
	v13 =	vor.u32 $0x2, v13;
	[tilespmem:v15+s2+$0x0] =	vst.idx.msk vm4, v7;
	vm4 =	vge.s32 v8, v0;
	v15 =	vsub.s32 v9, v0  }
.LBB2_55:
0x3b1: {  	v17 =	vld [tilespmem:s5+$0x10];
	s4 =	sadd.s32 $0x4, s4;
	vm5 =	vge.s32 v14, v0;
	vm6 =	vlt.s32 v14, v2;
	v14 =	vsub.s32 v14, v0  }
0x3b2: {  	vm7 =	vlt.s32 v8, v2;
	v16 =	vshll.u32 v16, $0x7;
	p1 =	slt.u32 s4, $0x24;
	v18 =	vshll.u32 v14, $0x7;
	v8 =	vld [tilespmem:s5+$0xFFFFFFF0];
	[tilespmem:v12+s2+$0x0] =	vst.idx.msk vm2, v7  }
0x3b3: {  	vm8 =	vge.s32 v9, v0;
	vm9 =	vlt.s32 v9, v2;
	v15 =	vshll.u32 v15, $0x7;
	v9 =	vld [tilespmem:s5+$0x0];
	[tilespmem:v11+s2+$0x0] =	vst.idx.msk vm1, v7  }
.Ltmp31:
0x3b4: {  	vm2 =	vmand vm5, vm6;
	v12 =	vor.u32 $0x2, v18;
	vm1 =	vmand vm4, vm7;
	v14 =	vld [tilespmem:s5+$0xFFFFFFE0];
	[tilespmem:v10+s2+$0x0] =	vst.idx.msk vm0, v7;
	(pc) =	sbr.rel @p1 .LBB2_55-.Ltmp31, $4  }
0x3b5: {  	v11 =	vor.u32 $0x2, v16;
	vm0 =	vmand vm8, vm9;
	v10 =	vor.u32 $0x2, v15;
	[tilespmem:v13+s2+$0x0] =	vst.idx.msk vm3, v7  }
0x3b6: {  	vm3 =	vge.s32 v17, v0;
	vm4 =	vlt.s32 v17, v2;
	v13 =	vsub.s32 v17, v0  }
0x3b7: {  	v16 =	vsub.s32 v8, v0;
	vm3 =	vmand vm3, vm4;
	v13 =	vshll.u32 v13, $0x7  }
0x3b8: {  	s5 =	sadd.s32 $0x40, s5;
	vm4 =	vge.s32 v8, v0;
	v15 =	vsub.s32 v9, v0;
	v13 =	vor.u32 $0x2, v13  }
0x3b9: {  	_ = 	snop  }
0x3ba: {  	vm5 =	vge.s32 v14, v0;
	v17 =	vsub.s32 v14, v0  }
0x3bb: {  	vm6 =	vlt.s32 v14, v2;
	vm7 =	vlt.s32 v8, v2;
	v8 =	vshll.u32 v16, $0x7  }
0x3bc: {  	vm8 =	vlt.s32 v9, v2;
	v14 =	vshll.u32 v17, $0x7;
	vm5 =	vmand vm5, vm6  }
0x3bd: {  	vm6 =	vge.s32 v9, v0;
	vm4 =	vmand vm4, vm7;
	v9 =	vor.u32 $0x2, v14  }
0x3be: {  	[tilespmem:v12+s2+$0x0] =	vst.idx.msk vm2, v7;
	v12 =	vshll.u32 v15, $0x7;
	v8 =	vor.u32 $0x2, v8;
	vm2 =	vmand vm6, vm8  }
0x3bf: {  	[tilespmem:v11+s2+$0x0] =	vst.idx.msk vm1, v7;
	v11 =	vor.u32 $0x2, v12  }
0x3c0: {  	[tilespmem:v10+s2+$0x0] =	vst.idx.msk vm0, v7  }
0x3c1: {  	[tilespmem:v13+s2+$0x0] =	vst.idx.msk vm3, v7  }
0x3c2: {  	[tilespmem:v9+s2+$0x0] =	vst.idx.msk vm5, v7  }
0x3c3: {  	[tilespmem:v8+s2+$0x0] =	vst.idx.msk vm4, v7  }
0x3c4: {  	[tilespmem:v11+s2+$0x0] =	vst.idx.msk vm2, v7  }
0x3c5: {  	s4 =	rddreg [dreg:$0x8]  }
0x3c6: {  	[tilespmem:s0], [sflag:$0x1] =	stream.strided.gather [hbm4b:s4+s23], $0x280, s24, s23, $0x38;
	[tilespmem:$0x1D280] =	vst v63  }
0x3c7: {  	_ =	swait.ge [sflag:s25], $0x280  }
0x3c8: {  	[sflag:s25] =	ssyncset.done $0x0  }
0x3c9: {  	s10 =	simm.s32 $0x1D020;
	[sflag:s25] =	ssyncadd.s32 $0xFFFFFD80  }
0x3ca: {  	v8 =	vld [tilespmem:s10+$0x10]  }
0x3cb: {  	v9 =	vld [tilespmem:s10+$0xFFFFFFF0]  }
0x3cc: {  	v10 =	vld [tilespmem:s10+$0x0]  }
0x3cd: {  	v11 =	vld [tilespmem:s10+$0xFFFFFFE0];
	_ =	sdelay $0x1  }
0x3ce: {  	s5 =	simm.s32 $0x1D060  }
0x3cf: {  	v14 =	vld [tilespmem:s5+$0x10];
	vm0 =	vge.s32 v8, v0;
	vm1 =	vlt.s32 v8, v2  }
0x3d0: {  	v8 =	vsub.s32 v8, v0;
	v12 =	vsub.s32 v9, v0;
	v13 =	vsub.s32 v10, v0  }
0x3d1: {  	vm2 =	vlt.s32 v11, v2;
	vm3 =	vlt.s32 v9, v2;
	vm5 =	vge.s32 v10, v0  }
0x3d2: {  	vm6 =	vlt.s32 v10, v2;
	vm4 =	vmand vm0, vm1;
	v8 =	vshll.u32 v8, $0x7  }
0x3d3: {  	vm0 =	vge.s32 v9, v0;
	vm1 =	vge.s32 v11, v0;
	v11 =	vsub.s32 v11, v0  }
0x3d4: {  	v10 =	vshll.u32 v13, $0x7;
	v13 =	vsub.s32 v14, v0;
	v15 =	vor.u32 $0x3, v8;
	v8 =	vld [tilespmem:s5+$0xFFFFFFF0]  }
0x3d5: {  	v9 =	vld [tilespmem:s5+$0x0];
	v11 =	vshll.u32 v11, $0x7;
	vm2 =	vmand vm1, vm2;
	vm1 =	vmand vm0, vm3  }
0x3d6: {  	vm0 =	vmand vm5, vm6;
	vm3 =	vge.s32 v14, v0;
	vm5 =	vlt.s32 v14, v2;
	v14 =	vld [tilespmem:s5+$0xFFFFFFE0]  }
0x3d7: {  	v16 =	vshll.u32 v12, $0x7;
	v12 =	vor.u32 $0x3, v11  }
0x3d8: {  	v10 =	vor.u32 $0x3, v10;
	v11 =	vor.u32 $0x3, v16  }
0x3d9: {  	v13 =	vshll.u32 v13, $0x7;
	vm3 =	vmand vm3, vm5;
	v16 =	vsub.s32 v8, v0  }
0x3da: {  	s4 =	simm.s32 $0x4;
	s5 =	simm.s32 $0x1D0A0;
	v13 =	vor.u32 $0x3, v13;
	[tilespmem:v15+s2+$0x0] =	vst.idx.msk vm4, v7;
	vm4 =	vge.s32 v8, v0;
	v15 =	vsub.s32 v9, v0  }
.LBB2_57:
0x3db: {  	v17 =	vld [tilespmem:s5+$0x10];
	s4 =	sadd.s32 $0x4, s4;
	vm5 =	vge.s32 v14, v0;
	vm6 =	vlt.s32 v14, v2;
	v14 =	vsub.s32 v14, v0  }
0x3dc: {  	vm7 =	vlt.s32 v8, v2;
	v16 =	vshll.u32 v16, $0x7;
	p1 =	slt.u32 s4, $0x24;
	v18 =	vshll.u32 v14, $0x7;
	v8 =	vld [tilespmem:s5+$0xFFFFFFF0];
	[tilespmem:v12+s2+$0x0] =	vst.idx.msk vm2, v7  }
0x3dd: {  	vm8 =	vge.s32 v9, v0;
	vm9 =	vlt.s32 v9, v2;
	v15 =	vshll.u32 v15, $0x7;
	v9 =	vld [tilespmem:s5+$0x0];
	[tilespmem:v11+s2+$0x0] =	vst.idx.msk vm1, v7  }
.Ltmp32:
0x3de: {  	vm2 =	vmand vm5, vm6;
	v12 =	vor.u32 $0x3, v18;
	vm1 =	vmand vm4, vm7;
	v14 =	vld [tilespmem:s5+$0xFFFFFFE0];
	[tilespmem:v10+s2+$0x0] =	vst.idx.msk vm0, v7;
	(pc) =	sbr.rel @p1 .LBB2_57-.Ltmp32, $4  }
0x3df: {  	v11 =	vor.u32 $0x3, v16;
	vm0 =	vmand vm8, vm9;
	v10 =	vor.u32 $0x3, v15;
	[tilespmem:v13+s2+$0x0] =	vst.idx.msk vm3, v7  }
0x3e0: {  	vm3 =	vge.s32 v17, v0;
	vm4 =	vlt.s32 v17, v2;
	v13 =	vsub.s32 v17, v0  }
0x3e1: {  	v16 =	vsub.s32 v8, v0;
	vm3 =	vmand vm3, vm4;
	v13 =	vshll.u32 v13, $0x7  }
0x3e2: {  	s5 =	sadd.s32 $0x40, s5;
	vm4 =	vge.s32 v8, v0;
	v15 =	vsub.s32 v9, v0;
	v13 =	vor.u32 $0x3, v13  }
0x3e3: {  	_ = 	snop  }
0x3e4: {  	vm5 =	vge.s32 v14, v0;
	v17 =	vsub.s32 v14, v0  }
0x3e5: {  	vm6 =	vlt.s32 v14, v2;
	vm7 =	vlt.s32 v8, v2;
	v8 =	vshll.u32 v16, $0x7  }
0x3e6: {  	vm8 =	vlt.s32 v9, v2;
	v14 =	vshll.u32 v17, $0x7;
	vm5 =	vmand vm5, vm6  }
0x3e7: {  	vm6 =	vge.s32 v9, v0;
	vm4 =	vmand vm4, vm7;
	v9 =	vor.u32 $0x3, v14  }
0x3e8: {  	[tilespmem:v12+s2+$0x0] =	vst.idx.msk vm2, v7;
	v12 =	vshll.u32 v15, $0x7;
	v8 =	vor.u32 $0x3, v8;
	vm2 =	vmand vm6, vm8  }
0x3e9: {  	[tilespmem:v11+s2+$0x0] =	vst.idx.msk vm1, v7;
	v11 =	vor.u32 $0x3, v12  }
0x3ea: {  	[tilespmem:v10+s2+$0x0] =	vst.idx.msk vm0, v7  }
0x3eb: {  	[tilespmem:v13+s2+$0x0] =	vst.idx.msk vm3, v7  }
0x3ec: {  	[tilespmem:v9+s2+$0x0] =	vst.idx.msk vm5, v7  }
0x3ed: {  	[tilespmem:v8+s2+$0x0] =	vst.idx.msk vm4, v7  }
0x3ee: {  	[tilespmem:v11+s2+$0x0] =	vst.idx.msk vm2, v7  }
0x3ef: {  	s4 =	rddreg [dreg:$0x9]  }
0x3f0: {  	[tilespmem:s0], [sflag:$0x1] =	stream.strided.gather [hbm4b:s4+s23], $0x280, s24, s23, $0x38;
	[tilespmem:$0x1D280] =	vst v63  }
0x3f1: {  	_ =	swait.ge [sflag:s25], $0x280  }
0x3f2: {  	[sflag:s25] =	ssyncset.done $0x0  }
0x3f3: {  	s10 =	simm.s32 $0x1D020;
	[sflag:s25] =	ssyncadd.s32 $0xFFFFFD80  }
0x3f4: {  	v8 =	vld [tilespmem:s10+$0x10]  }
0x3f5: {  	v9 =	vld [tilespmem:s10+$0xFFFFFFF0]  }
0x3f6: {  	v10 =	vld [tilespmem:s10+$0x0]  }
0x3f7: {  	v11 =	vld [tilespmem:s10+$0xFFFFFFE0];
	_ =	sdelay $0x1  }
0x3f8: {  	s5 =	simm.s32 $0x1D060  }
0x3f9: {  	v14 =	vld [tilespmem:s5+$0x10];
	vm0 =	vge.s32 v8, v0;
	vm1 =	vlt.s32 v8, v2  }
0x3fa: {  	v8 =	vsub.s32 v8, v0;
	v12 =	vsub.s32 v9, v0;
	v13 =	vsub.s32 v10, v0  }
0x3fb: {  	vm2 =	vlt.s32 v11, v2;
	vm3 =	vlt.s32 v9, v2;
	vm5 =	vge.s32 v10, v0  }
0x3fc: {  	vm6 =	vlt.s32 v10, v2;
	vm4 =	vmand vm0, vm1;
	v8 =	vshll.u32 v8, $0x7  }
0x3fd: {  	vm0 =	vge.s32 v9, v0;
	vm1 =	vge.s32 v11, v0;
	v11 =	vsub.s32 v11, v0  }
0x3fe: {  	v10 =	vshll.u32 v13, $0x7;
	v13 =	vsub.s32 v14, v0;
	v15 =	vor.u32 $0x4, v8;
	v8 =	vld [tilespmem:s5+$0xFFFFFFF0]  }
0x3ff: {  	v9 =	vld [tilespmem:s5+$0x0];
	v11 =	vshll.u32 v11, $0x7;
	vm2 =	vmand vm1, vm2;
	vm1 =	vmand vm0, vm3  }
0x400: {  	vm0 =	vmand vm5, vm6;
	vm3 =	vge.s32 v14, v0;
	vm5 =	vlt.s32 v14, v2;
	v14 =	vld [tilespmem:s5+$0xFFFFFFE0]  }
0x401: {  	v16 =	vshll.u32 v12, $0x7;
	v12 =	vor.u32 $0x4, v11  }
0x402: {  	v10 =	vor.u32 $0x4, v10;
	v11 =	vor.u32 $0x4, v16  }
0x403: {  	v13 =	vshll.u32 v13, $0x7;
	vm3 =	vmand vm3, vm5;
	v16 =	vsub.s32 v8, v0  }
0x404: {  	s4 =	simm.s32 $0x4;
	s5 =	simm.s32 $0x1D0A0;
	v13 =	vor.u32 $0x4, v13;
	[tilespmem:v15+s2+$0x0] =	vst.idx.msk vm4, v7;
	vm4 =	vge.s32 v8, v0;
	v15 =	vsub.s32 v9, v0  }
.LBB2_59:
0x405: {  	v17 =	vld [tilespmem:s5+$0x10];
	s4 =	sadd.s32 $0x4, s4;
	vm5 =	vge.s32 v14, v0;
	vm6 =	vlt.s32 v14, v2;
	v14 =	vsub.s32 v14, v0  }
0x406: {  	vm7 =	vlt.s32 v8, v2;
	v16 =	vshll.u32 v16, $0x7;
	p1 =	slt.u32 s4, $0x24;
	v18 =	vshll.u32 v14, $0x7;
	v8 =	vld [tilespmem:s5+$0xFFFFFFF0];
	[tilespmem:v12+s2+$0x0] =	vst.idx.msk vm2, v7  }
0x407: {  	vm8 =	vge.s32 v9, v0;
	vm9 =	vlt.s32 v9, v2;
	v15 =	vshll.u32 v15, $0x7;
	v9 =	vld [tilespmem:s5+$0x0];
	[tilespmem:v11+s2+$0x0] =	vst.idx.msk vm1, v7  }
.Ltmp33:
0x408: {  	vm2 =	vmand vm5, vm6;
	v12 =	vor.u32 $0x4, v18;
	vm1 =	vmand vm4, vm7;
	v14 =	vld [tilespmem:s5+$0xFFFFFFE0];
	[tilespmem:v10+s2+$0x0] =	vst.idx.msk vm0, v7;
	(pc) =	sbr.rel @p1 .LBB2_59-.Ltmp33, $4  }
0x409: {  	v11 =	vor.u32 $0x4, v16;
	vm0 =	vmand vm8, vm9;
	v10 =	vor.u32 $0x4, v15;
	[tilespmem:v13+s2+$0x0] =	vst.idx.msk vm3, v7  }
0x40a: {  	vm3 =	vge.s32 v17, v0;
	vm4 =	vlt.s32 v17, v2;
	v13 =	vsub.s32 v17, v0  }
0x40b: {  	v16 =	vsub.s32 v8, v0;
	vm3 =	vmand vm3, vm4;
	v13 =	vshll.u32 v13, $0x7  }
0x40c: {  	s5 =	sadd.s32 $0x40, s5;
	vm4 =	vge.s32 v8, v0;
	v15 =	vsub.s32 v9, v0;
	v13 =	vor.u32 $0x4, v13  }
0x40d: {  	_ = 	snop  }
0x40e: {  	vm5 =	vge.s32 v14, v0;
	v17 =	vsub.s32 v14, v0  }
0x40f: {  	vm6 =	vlt.s32 v14, v2;
	vm7 =	vlt.s32 v8, v2;
	v8 =	vshll.u32 v16, $0x7  }
0x410: {  	vm8 =	vlt.s32 v9, v2;
	v14 =	vshll.u32 v17, $0x7;
	vm5 =	vmand vm5, vm6  }
0x411: {  	vm6 =	vge.s32 v9, v0;
	vm4 =	vmand vm4, vm7;
	v9 =	vor.u32 $0x4, v14  }
0x412: {  	[tilespmem:v12+s2+$0x0] =	vst.idx.msk vm2, v7;
	v12 =	vshll.u32 v15, $0x7;
	v8 =	vor.u32 $0x4, v8;
	vm2 =	vmand vm6, vm8  }
0x413: {  	[tilespmem:v11+s2+$0x0] =	vst.idx.msk vm1, v7;
	v11 =	vor.u32 $0x4, v12  }
0x414: {  	[tilespmem:v10+s2+$0x0] =	vst.idx.msk vm0, v7  }
0x415: {  	[tilespmem:v13+s2+$0x0] =	vst.idx.msk vm3, v7  }
0x416: {  	[tilespmem:v9+s2+$0x0] =	vst.idx.msk vm5, v7  }
0x417: {  	[tilespmem:v8+s2+$0x0] =	vst.idx.msk vm4, v7  }
0x418: {  	[tilespmem:v11+s2+$0x0] =	vst.idx.msk vm2, v7  }
0x419: {  	s4 =	rddreg [dreg:$0xa]  }
0x41a: {  	[tilespmem:s0], [sflag:$0x1] =	stream.strided.gather [hbm4b:s4+s23], $0x280, s24, s23, $0x38;
	[tilespmem:$0x1D280] =	vst v63  }
0x41b: {  	_ =	swait.ge [sflag:s25], $0x280  }
0x41c: {  	[sflag:s25] =	ssyncset.done $0x0  }
0x41d: {  	s10 =	simm.s32 $0x1D020;
	[sflag:s25] =	ssyncadd.s32 $0xFFFFFD80  }
0x41e: {  	v8 =	vld [tilespmem:s10+$0x10]  }
0x41f: {  	v9 =	vld [tilespmem:s10+$0xFFFFFFF0]  }
0x420: {  	v10 =	vld [tilespmem:s10+$0x0]  }
0x421: {  	v11 =	vld [tilespmem:s10+$0xFFFFFFE0];
	_ =	sdelay $0x1  }
0x422: {  	s5 =	simm.s32 $0x1D060  }
0x423: {  	v14 =	vld [tilespmem:s5+$0x10];
	vm0 =	vge.s32 v8, v0;
	vm1 =	vlt.s32 v8, v2  }
0x424: {  	v8 =	vsub.s32 v8, v0;
	v12 =	vsub.s32 v9, v0;
	v13 =	vsub.s32 v10, v0  }
0x425: {  	vm2 =	vlt.s32 v11, v2;
	vm3 =	vlt.s32 v9, v2;
	vm5 =	vge.s32 v10, v0  }
0x426: {  	vm6 =	vlt.s32 v10, v2;
	vm4 =	vmand vm0, vm1;
	v8 =	vshll.u32 v8, $0x7  }
0x427: {  	vm0 =	vge.s32 v9, v0;
	vm1 =	vge.s32 v11, v0;
	v11 =	vsub.s32 v11, v0  }
0x428: {  	v10 =	vshll.u32 v13, $0x7;
	v13 =	vsub.s32 v14, v0;
	v15 =	vor.u32 $0x5, v8;
	v8 =	vld [tilespmem:s5+$0xFFFFFFF0]  }
0x429: {  	v9 =	vld [tilespmem:s5+$0x0];
	v11 =	vshll.u32 v11, $0x7;
	vm2 =	vmand vm1, vm2;
	vm1 =	vmand vm0, vm3  }
0x42a: {  	vm0 =	vmand vm5, vm6;
	vm3 =	vge.s32 v14, v0;
	vm5 =	vlt.s32 v14, v2;
	v14 =	vld [tilespmem:s5+$0xFFFFFFE0]  }
0x42b: {  	v16 =	vshll.u32 v12, $0x7;
	v12 =	vor.u32 $0x5, v11  }
0x42c: {  	v10 =	vor.u32 $0x5, v10;
	v11 =	vor.u32 $0x5, v16  }
0x42d: {  	v13 =	vshll.u32 v13, $0x7;
	vm3 =	vmand vm3, vm5;
	v16 =	vsub.s32 v8, v0  }
0x42e: {  	s4 =	simm.s32 $0x4;
	s5 =	simm.s32 $0x1D0A0;
	v13 =	vor.u32 $0x5, v13;
	[tilespmem:v15+s2+$0x0] =	vst.idx.msk vm4, v7;
	vm4 =	vge.s32 v8, v0;
	v15 =	vsub.s32 v9, v0  }
.LBB2_61:
0x42f: {  	v17 =	vld [tilespmem:s5+$0x10];
	s4 =	sadd.s32 $0x4, s4;
	vm5 =	vge.s32 v14, v0;
	vm6 =	vlt.s32 v14, v2;
	v14 =	vsub.s32 v14, v0  }
0x430: {  	vm7 =	vlt.s32 v8, v2;
	v16 =	vshll.u32 v16, $0x7;
	p1 =	slt.u32 s4, $0x24;
	v18 =	vshll.u32 v14, $0x7;
	v8 =	vld [tilespmem:s5+$0xFFFFFFF0];
	[tilespmem:v12+s2+$0x0] =	vst.idx.msk vm2, v7  }
0x431: {  	vm8 =	vge.s32 v9, v0;
	vm9 =	vlt.s32 v9, v2;
	v15 =	vshll.u32 v15, $0x7;
	v9 =	vld [tilespmem:s5+$0x0];
	[tilespmem:v11+s2+$0x0] =	vst.idx.msk vm1, v7  }
.Ltmp34:
0x432: {  	vm2 =	vmand vm5, vm6;
	v12 =	vor.u32 $0x5, v18;
	vm1 =	vmand vm4, vm7;
	v14 =	vld [tilespmem:s5+$0xFFFFFFE0];
	[tilespmem:v10+s2+$0x0] =	vst.idx.msk vm0, v7;
	(pc) =	sbr.rel @p1 .LBB2_61-.Ltmp34, $4  }
0x433: {  	v11 =	vor.u32 $0x5, v16;
	vm0 =	vmand vm8, vm9;
	v10 =	vor.u32 $0x5, v15;
	[tilespmem:v13+s2+$0x0] =	vst.idx.msk vm3, v7  }
0x434: {  	vm3 =	vge.s32 v17, v0;
	vm4 =	vlt.s32 v17, v2;
	v13 =	vsub.s32 v17, v0  }
0x435: {  	v16 =	vsub.s32 v8, v0;
	vm3 =	vmand vm3, vm4;
	v13 =	vshll.u32 v13, $0x7  }
0x436: {  	s5 =	sadd.s32 $0x40, s5;
	vm4 =	vge.s32 v8, v0;
	v15 =	vsub.s32 v9, v0;
	v13 =	vor.u32 $0x5, v13  }
0x437: {  	_ = 	snop  }
0x438: {  	vm5 =	vge.s32 v14, v0;
	v17 =	vsub.s32 v14, v0  }
0x439: {  	vm6 =	vlt.s32 v14, v2;
	vm7 =	vlt.s32 v8, v2;
	v8 =	vshll.u32 v16, $0x7  }
0x43a: {  	vm8 =	vlt.s32 v9, v2;
	v14 =	vshll.u32 v17, $0x7;
	vm5 =	vmand vm5, vm6  }
0x43b: {  	vm6 =	vge.s32 v9, v0;
	vm4 =	vmand vm4, vm7;
	v9 =	vor.u32 $0x5, v14  }
0x43c: {  	[tilespmem:v12+s2+$0x0] =	vst.idx.msk vm2, v7;
	v12 =	vshll.u32 v15, $0x7;
	v8 =	vor.u32 $0x5, v8;
	vm2 =	vmand vm6, vm8  }
0x43d: {  	[tilespmem:v11+s2+$0x0] =	vst.idx.msk vm1, v7;
	v11 =	vor.u32 $0x5, v12  }
0x43e: {  	[tilespmem:v10+s2+$0x0] =	vst.idx.msk vm0, v7  }
0x43f: {  	[tilespmem:v13+s2+$0x0] =	vst.idx.msk vm3, v7  }
0x440: {  	[tilespmem:v9+s2+$0x0] =	vst.idx.msk vm5, v7  }
0x441: {  	[tilespmem:v8+s2+$0x0] =	vst.idx.msk vm4, v7  }
0x442: {  	[tilespmem:v11+s2+$0x0] =	vst.idx.msk vm2, v7  }
0x443: {  	[tilespmem:s0], [sflag:$0x1] =	stream.strided.gather [hbm4b:s11+s23], $0x280, s24, s23, $0x38;
	[tilespmem:$0x1D280] =	vst v63  }
0x444: {  	_ =	swait.ge [sflag:s25], $0x280  }
0x445: {  	[sflag:s25] =	ssyncset.done $0x0  }
0x446: {  	s4 =	simm.s32 $0x1D020;
	[sflag:s25] =	ssyncadd.s32 $0xFFFFFD80  }
0x447: {  	v8 =	vld [tilespmem:s4+$0x10]  }
0x448: {  	v9 =	vld [tilespmem:s4+$0xFFFFFFF0]  }
0x449: {  	v10 =	vld [tilespmem:s4+$0x0]  }
0x44a: {  	v11 =	vld [tilespmem:s4+$0xFFFFFFE0];
	_ =	sdelay $0x1  }
0x44b: {  	s5 =	simm.s32 $0x1D060  }
0x44c: {  	v14 =	vld [tilespmem:s5+$0x10];
	vm0 =	vge.s32 v8, v0;
	vm1 =	vlt.s32 v8, v2  }
0x44d: {  	v8 =	vsub.s32 v8, v0;
	v12 =	vsub.s32 v9, v0;
	v13 =	vsub.s32 v10, v0  }
0x44e: {  	vm2 =	vlt.s32 v11, v2;
	vm3 =	vlt.s32 v9, v2;
	vm5 =	vge.s32 v10, v0  }
0x44f: {  	vm6 =	vlt.s32 v10, v2;
	vm4 =	vmand vm0, vm1;
	v8 =	vshll.u32 v8, $0x7  }
0x450: {  	vm0 =	vge.s32 v9, v0;
	vm1 =	vge.s32 v11, v0;
	v11 =	vsub.s32 v11, v0  }
0x451: {  	v10 =	vshll.u32 v13, $0x7;
	v13 =	vsub.s32 v14, v0;
	v15 =	vor.u32 $0x6, v8;
	v8 =	vld [tilespmem:s5+$0xFFFFFFF0]  }
0x452: {  	v9 =	vld [tilespmem:s5+$0x0];
	v11 =	vshll.u32 v11, $0x7;
	vm2 =	vmand vm1, vm2;
	vm1 =	vmand vm0, vm3  }
0x453: {  	vm0 =	vmand vm5, vm6;
	vm3 =	vge.s32 v14, v0;
	vm5 =	vlt.s32 v14, v2;
	v14 =	vld [tilespmem:s5+$0xFFFFFFE0]  }
0x454: {  	v16 =	vshll.u32 v12, $0x7;
	v12 =	vor.u32 $0x6, v11  }
0x455: {  	v10 =	vor.u32 $0x6, v10;
	v11 =	vor.u32 $0x6, v16  }
0x456: {  	v13 =	vshll.u32 v13, $0x7;
	vm3 =	vmand vm3, vm5;
	v16 =	vsub.s32 v8, v0  }
0x457: {  	s4 =	simm.s32 $0x4;
	s5 =	simm.s32 $0x1D0A0;
	v13 =	vor.u32 $0x6, v13;
	[tilespmem:v15+s2+$0x0] =	vst.idx.msk vm4, v7;
	vm4 =	vge.s32 v8, v0;
	v15 =	vsub.s32 v9, v0  }
.LBB2_63:
0x458: {  	v17 =	vld [tilespmem:s5+$0x10];
	s4 =	sadd.s32 $0x4, s4;
	vm5 =	vge.s32 v14, v0;
	vm6 =	vlt.s32 v14, v2;
	v14 =	vsub.s32 v14, v0  }
0x459: {  	vm7 =	vlt.s32 v8, v2;
	v16 =	vshll.u32 v16, $0x7;
	p1 =	slt.u32 s4, $0x24;
	v18 =	vshll.u32 v14, $0x7;
	v8 =	vld [tilespmem:s5+$0xFFFFFFF0];
	[tilespmem:v12+s2+$0x0] =	vst.idx.msk vm2, v7  }
0x45a: {  	vm8 =	vge.s32 v9, v0;
	vm9 =	vlt.s32 v9, v2;
	v15 =	vshll.u32 v15, $0x7;
	v9 =	vld [tilespmem:s5+$0x0];
	[tilespmem:v11+s2+$0x0] =	vst.idx.msk vm1, v7  }
.Ltmp35:
0x45b: {  	vm2 =	vmand vm5, vm6;
	v12 =	vor.u32 $0x6, v18;
	vm1 =	vmand vm4, vm7;
	v14 =	vld [tilespmem:s5+$0xFFFFFFE0];
	[tilespmem:v10+s2+$0x0] =	vst.idx.msk vm0, v7;
	(pc) =	sbr.rel @p1 .LBB2_63-.Ltmp35, $4  }
0x45c: {  	v11 =	vor.u32 $0x6, v16;
	vm0 =	vmand vm8, vm9;
	v10 =	vor.u32 $0x6, v15;
	[tilespmem:v13+s2+$0x0] =	vst.idx.msk vm3, v7  }
0x45d: {  	vm3 =	vge.s32 v17, v0;
	vm4 =	vlt.s32 v17, v2;
	v13 =	vsub.s32 v17, v0  }
0x45e: {  	v16 =	vsub.s32 v8, v0;
	vm3 =	vmand vm3, vm4;
	v13 =	vshll.u32 v13, $0x7  }
0x45f: {  	s5 =	sadd.s32 $0x40, s5;
	vm4 =	vge.s32 v8, v0;
	v15 =	vsub.s32 v9, v0;
	v13 =	vor.u32 $0x6, v13  }
0x460: {  	_ = 	snop  }
0x461: {  	vm5 =	vge.s32 v14, v0;
	v17 =	vsub.s32 v14, v0  }
0x462: {  	vm6 =	vlt.s32 v14, v2;
	vm7 =	vlt.s32 v8, v2;
	v8 =	vshll.u32 v16, $0x7  }
0x463: {  	vm8 =	vlt.s32 v9, v2;
	v14 =	vshll.u32 v17, $0x7;
	vm5 =	vmand vm5, vm6  }
0x464: {  	vm6 =	vge.s32 v9, v0;
	vm4 =	vmand vm4, vm7;
	v9 =	vor.u32 $0x6, v14  }
0x465: {  	[tilespmem:v12+s2+$0x0] =	vst.idx.msk vm2, v7;
	v12 =	vshll.u32 v15, $0x7;
	v8 =	vor.u32 $0x6, v8;
	vm2 =	vmand vm6, vm8  }
0x466: {  	[tilespmem:v11+s2+$0x0] =	vst.idx.msk vm1, v7;
	v11 =	vor.u32 $0x6, v12  }
0x467: {  	[tilespmem:v10+s2+$0x0] =	vst.idx.msk vm0, v7  }
0x468: {  	[tilespmem:v13+s2+$0x0] =	vst.idx.msk vm3, v7  }
0x469: {  	[tilespmem:v9+s2+$0x0] =	vst.idx.msk vm5, v7  }
0x46a: {  	[tilespmem:v8+s2+$0x0] =	vst.idx.msk vm4, v7  }
0x46b: {  	[tilespmem:v11+s2+$0x0] =	vst.idx.msk vm2, v7  }
0x46c: {  	[tilespmem:s0], [sflag:$0x1] =	stream.strided.gather [hbm4b:s12+s23], $0x280, s24, s23, $0x38;
	[tilespmem:$0x1D280] =	vst v63  }
0x46d: {  	_ =	swait.ge [sflag:s25], $0x280  }
0x46e: {  	[sflag:s25] =	ssyncset.done $0x0  }
0x46f: {  	s4 =	simm.s32 $0x1D020;
	[sflag:s25] =	ssyncadd.s32 $0xFFFFFD80  }
0x470: {  	v8 =	vld [tilespmem:s4+$0x10]  }
0x471: {  	v9 =	vld [tilespmem:s4+$0xFFFFFFF0]  }
0x472: {  	v10 =	vld [tilespmem:s4+$0x0]  }
0x473: {  	v11 =	vld [tilespmem:s4+$0xFFFFFFE0];
	_ =	sdelay $0x1  }
0x474: {  	s5 =	simm.s32 $0x1D060  }
0x475: {  	v14 =	vld [tilespmem:s5+$0x10];
	vm0 =	vge.s32 v8, v0;
	vm1 =	vlt.s32 v8, v2  }
0x476: {  	v8 =	vsub.s32 v8, v0;
	v12 =	vsub.s32 v9, v0;
	v13 =	vsub.s32 v10, v0  }
0x477: {  	vm2 =	vlt.s32 v11, v2;
	vm3 =	vlt.s32 v9, v2;
	vm5 =	vge.s32 v10, v0  }
0x478: {  	vm6 =	vlt.s32 v10, v2;
	vm4 =	vmand vm0, vm1;
	v8 =	vshll.u32 v8, $0x7  }
0x479: {  	vm0 =	vge.s32 v9, v0;
	vm1 =	vge.s32 v11, v0;
	v11 =	vsub.s32 v11, v0  }
0x47a: {  	v10 =	vshll.u32 v13, $0x7;
	v13 =	vsub.s32 v14, v0;
	v15 =	vor.u32 $0x7, v8;
	v8 =	vld [tilespmem:s5+$0xFFFFFFF0]  }
0x47b: {  	v9 =	vld [tilespmem:s5+$0x0];
	v11 =	vshll.u32 v11, $0x7;
	vm2 =	vmand vm1, vm2;
	vm1 =	vmand vm0, vm3  }
0x47c: {  	vm0 =	vmand vm5, vm6;
	vm3 =	vge.s32 v14, v0;
	vm5 =	vlt.s32 v14, v2;
	v14 =	vld [tilespmem:s5+$0xFFFFFFE0]  }
0x47d: {  	v16 =	vshll.u32 v12, $0x7;
	v12 =	vor.u32 $0x7, v11  }
0x47e: {  	v10 =	vor.u32 $0x7, v10;
	v11 =	vor.u32 $0x7, v16  }
0x47f: {  	v13 =	vshll.u32 v13, $0x7;
	vm3 =	vmand vm3, vm5;
	v16 =	vsub.s32 v8, v0  }
0x480: {  	s4 =	simm.s32 $0x4;
	s5 =	simm.s32 $0x1D0A0;
	v13 =	vor.u32 $0x7, v13;
	[tilespmem:v15+s2+$0x0] =	vst.idx.msk vm4, v7;
	vm4 =	vge.s32 v8, v0;
	v15 =	vsub.s32 v9, v0  }
.LBB2_65:
0x481: {  	v17 =	vld [tilespmem:s5+$0x10];
	s4 =	sadd.s32 $0x4, s4;
	vm5 =	vge.s32 v14, v0;
	vm6 =	vlt.s32 v14, v2;
	v14 =	vsub.s32 v14, v0  }
0x482: {  	vm7 =	vlt.s32 v8, v2;
	v16 =	vshll.u32 v16, $0x7;
	p1 =	slt.u32 s4, $0x24;
	v18 =	vshll.u32 v14, $0x7;
	v8 =	vld [tilespmem:s5+$0xFFFFFFF0];
	[tilespmem:v12+s2+$0x0] =	vst.idx.msk vm2, v7  }
0x483: {  	vm8 =	vge.s32 v9, v0;
	vm9 =	vlt.s32 v9, v2;
	v15 =	vshll.u32 v15, $0x7;
	v9 =	vld [tilespmem:s5+$0x0];
	[tilespmem:v11+s2+$0x0] =	vst.idx.msk vm1, v7  }
.Ltmp36:
0x484: {  	vm2 =	vmand vm5, vm6;
	v12 =	vor.u32 $0x7, v18;
	vm1 =	vmand vm4, vm7;
	v14 =	vld [tilespmem:s5+$0xFFFFFFE0];
	[tilespmem:v10+s2+$0x0] =	vst.idx.msk vm0, v7;
	(pc) =	sbr.rel @p1 .LBB2_65-.Ltmp36, $4  }
0x485: {  	v11 =	vor.u32 $0x7, v16;
	vm0 =	vmand vm8, vm9;
	v10 =	vor.u32 $0x7, v15;
	[tilespmem:v13+s2+$0x0] =	vst.idx.msk vm3, v7  }
0x486: {  	vm3 =	vge.s32 v17, v0;
	vm4 =	vlt.s32 v17, v2;
	v13 =	vsub.s32 v17, v0  }
0x487: {  	v16 =	vsub.s32 v8, v0;
	vm3 =	vmand vm3, vm4;
	v13 =	vshll.u32 v13, $0x7  }
0x488: {  	s5 =	sadd.s32 $0x40, s5;
	vm4 =	vge.s32 v8, v0;
	v15 =	vsub.s32 v9, v0;
	v13 =	vor.u32 $0x7, v13  }
0x489: {  	_ = 	snop  }
0x48a: {  	vm5 =	vge.s32 v14, v0;
	v17 =	vsub.s32 v14, v0  }
0x48b: {  	vm6 =	vlt.s32 v14, v2;
	vm7 =	vlt.s32 v8, v2;
	v8 =	vshll.u32 v16, $0x7  }
0x48c: {  	vm8 =	vlt.s32 v9, v2;
	v14 =	vshll.u32 v17, $0x7;
	vm5 =	vmand vm5, vm6  }
0x48d: {  	vm6 =	vge.s32 v9, v0;
	vm4 =	vmand vm4, vm7;
	v9 =	vor.u32 $0x7, v14  }
0x48e: {  	[tilespmem:v12+s2+$0x0] =	vst.idx.msk vm2, v7;
	v12 =	vshll.u32 v15, $0x7;
	v8 =	vor.u32 $0x7, v8;
	vm2 =	vmand vm6, vm8  }
0x48f: {  	[tilespmem:v11+s2+$0x0] =	vst.idx.msk vm1, v7;
	v11 =	vor.u32 $0x7, v12  }
0x490: {  	[tilespmem:v10+s2+$0x0] =	vst.idx.msk vm0, v7  }
0x491: {  	[tilespmem:v13+s2+$0x0] =	vst.idx.msk vm3, v7  }
0x492: {  	[tilespmem:v9+s2+$0x0] =	vst.idx.msk vm5, v7  }
0x493: {  	[tilespmem:v8+s2+$0x0] =	vst.idx.msk vm4, v7  }
0x494: {  	[tilespmem:v11+s2+$0x0] =	vst.idx.msk vm2, v7  }
0x495: {  	[tilespmem:s0], [sflag:$0x1] =	stream.strided.gather [hbm4b:s13+s23], $0x280, s24, s23, $0x38;
	[tilespmem:$0x1D280] =	vst v63  }
0x496: {  	_ =	swait.ge [sflag:s25], $0x280  }
0x497: {  	[sflag:s25] =	ssyncset.done $0x0  }
0x498: {  	s4 =	simm.s32 $0x1D020;
	[sflag:s25] =	ssyncadd.s32 $0xFFFFFD80  }
0x499: {  	v8 =	vld [tilespmem:s4+$0x10]  }
0x49a: {  	v9 =	vld [tilespmem:s4+$0xFFFFFFF0]  }
0x49b: {  	v10 =	vld [tilespmem:s4+$0x0]  }
0x49c: {  	v11 =	vld [tilespmem:s4+$0xFFFFFFE0];
	_ =	sdelay $0x1  }
0x49d: {  	s5 =	simm.s32 $0x1D060  }
0x49e: {  	v14 =	vld [tilespmem:s5+$0x10];
	vm0 =	vge.s32 v8, v0;
	vm1 =	vlt.s32 v8, v2  }
0x49f: {  	v8 =	vsub.s32 v8, v0;
	v12 =	vsub.s32 v9, v0;
	v13 =	vsub.s32 v10, v0  }
0x4a0: {  	vm2 =	vlt.s32 v11, v2;
	vm3 =	vlt.s32 v9, v2;
	vm5 =	vge.s32 v10, v0  }
0x4a1: {  	vm6 =	vlt.s32 v10, v2;
	vm4 =	vmand vm0, vm1;
	v8 =	vshll.u32 v8, $0x7  }
0x4a2: {  	vm0 =	vge.s32 v9, v0;
	vm1 =	vge.s32 v11, v0;
	v11 =	vsub.s32 v11, v0  }
0x4a3: {  	v10 =	vshll.u32 v13, $0x7;
	v13 =	vsub.s32 v14, v0;
	v15 =	vor.u32 $0x8, v8;
	v8 =	vld [tilespmem:s5+$0xFFFFFFF0]  }
0x4a4: {  	v9 =	vld [tilespmem:s5+$0x0];
	v11 =	vshll.u32 v11, $0x7;
	vm2 =	vmand vm1, vm2;
	vm1 =	vmand vm0, vm3  }
0x4a5: {  	vm0 =	vmand vm5, vm6;
	vm3 =	vge.s32 v14, v0;
	vm5 =	vlt.s32 v14, v2;
	v14 =	vld [tilespmem:s5+$0xFFFFFFE0]  }
0x4a6: {  	v16 =	vshll.u32 v12, $0x7;
	v12 =	vor.u32 $0x8, v11  }
0x4a7: {  	v10 =	vor.u32 $0x8, v10;
	v11 =	vor.u32 $0x8, v16  }
0x4a8: {  	v13 =	vshll.u32 v13, $0x7;
	vm3 =	vmand vm3, vm5;
	v16 =	vsub.s32 v8, v0  }
0x4a9: {  	s4 =	simm.s32 $0x4;
	s5 =	simm.s32 $0x1D0A0;
	v13 =	vor.u32 $0x8, v13;
	[tilespmem:v15+s2+$0x0] =	vst.idx.msk vm4, v7;
	vm4 =	vge.s32 v8, v0;
	v15 =	vsub.s32 v9, v0  }
.LBB2_67:
0x4aa: {  	v17 =	vld [tilespmem:s5+$0x10];
	s4 =	sadd.s32 $0x4, s4;
	vm5 =	vge.s32 v14, v0;
	vm6 =	vlt.s32 v14, v2;
	v14 =	vsub.s32 v14, v0  }
0x4ab: {  	vm7 =	vlt.s32 v8, v2;
	v16 =	vshll.u32 v16, $0x7;
	p1 =	slt.u32 s4, $0x24;
	v18 =	vshll.u32 v14, $0x7;
	v8 =	vld [tilespmem:s5+$0xFFFFFFF0];
	[tilespmem:v12+s2+$0x0] =	vst.idx.msk vm2, v7  }
0x4ac: {  	vm8 =	vge.s32 v9, v0;
	vm9 =	vlt.s32 v9, v2;
	v15 =	vshll.u32 v15, $0x7;
	v9 =	vld [tilespmem:s5+$0x0];
	[tilespmem:v11+s2+$0x0] =	vst.idx.msk vm1, v7  }
.Ltmp37:
0x4ad: {  	vm2 =	vmand vm5, vm6;
	v12 =	vor.u32 $0x8, v18;
	vm1 =	vmand vm4, vm7;
	v14 =	vld [tilespmem:s5+$0xFFFFFFE0];
	[tilespmem:v10+s2+$0x0] =	vst.idx.msk vm0, v7;
	(pc) =	sbr.rel @p1 .LBB2_67-.Ltmp37, $4  }
0x4ae: {  	v11 =	vor.u32 $0x8, v16;
	vm0 =	vmand vm8, vm9;
	v10 =	vor.u32 $0x8, v15;
	[tilespmem:v13+s2+$0x0] =	vst.idx.msk vm3, v7  }
0x4af: {  	vm3 =	vge.s32 v17, v0;
	vm4 =	vlt.s32 v17, v2;
	v13 =	vsub.s32 v17, v0  }
0x4b0: {  	v16 =	vsub.s32 v8, v0;
	vm3 =	vmand vm3, vm4;
	v13 =	vshll.u32 v13, $0x7  }
0x4b1: {  	s5 =	sadd.s32 $0x40, s5;
	vm4 =	vge.s32 v8, v0;
	v15 =	vsub.s32 v9, v0;
	v13 =	vor.u32 $0x8, v13  }
0x4b2: {  	_ = 	snop  }
0x4b3: {  	vm5 =	vge.s32 v14, v0;
	v17 =	vsub.s32 v14, v0  }
0x4b4: {  	vm6 =	vlt.s32 v14, v2;
	vm7 =	vlt.s32 v8, v2;
	v8 =	vshll.u32 v16, $0x7  }
0x4b5: {  	vm8 =	vlt.s32 v9, v2;
	v14 =	vshll.u32 v17, $0x7;
	vm5 =	vmand vm5, vm6  }
0x4b6: {  	vm6 =	vge.s32 v9, v0;
	vm4 =	vmand vm4, vm7;
	v9 =	vor.u32 $0x8, v14  }
0x4b7: {  	[tilespmem:v12+s2+$0x0] =	vst.idx.msk vm2, v7;
	v12 =	vshll.u32 v15, $0x7;
	v8 =	vor.u32 $0x8, v8;
	vm2 =	vmand vm6, vm8  }
0x4b8: {  	[tilespmem:v11+s2+$0x0] =	vst.idx.msk vm1, v7;
	v11 =	vor.u32 $0x8, v12  }
0x4b9: {  	[tilespmem:v10+s2+$0x0] =	vst.idx.msk vm0, v7  }
0x4ba: {  	[tilespmem:v13+s2+$0x0] =	vst.idx.msk vm3, v7  }
0x4bb: {  	[tilespmem:v9+s2+$0x0] =	vst.idx.msk vm5, v7  }
0x4bc: {  	[tilespmem:v8+s2+$0x0] =	vst.idx.msk vm4, v7  }
0x4bd: {  	[tilespmem:v11+s2+$0x0] =	vst.idx.msk vm2, v7  }
0x4be: {  	[tilespmem:s0], [sflag:$0x1] =	stream.strided.gather [hbm4b:s14+s23], $0x280, s24, s23, $0x38;
	[tilespmem:$0x1D280] =	vst v63  }
0x4bf: {  	_ =	swait.ge [sflag:s25], $0x280  }
0x4c0: {  	[sflag:s25] =	ssyncset.done $0x0  }
0x4c1: {  	s4 =	simm.s32 $0x1D020;
	[sflag:s25] =	ssyncadd.s32 $0xFFFFFD80  }
0x4c2: {  	v8 =	vld [tilespmem:s4+$0x10]  }
0x4c3: {  	v9 =	vld [tilespmem:s4+$0xFFFFFFF0]  }
0x4c4: {  	v10 =	vld [tilespmem:s4+$0x0]  }
0x4c5: {  	v11 =	vld [tilespmem:s4+$0xFFFFFFE0];
	_ =	sdelay $0x1  }
0x4c6: {  	s5 =	simm.s32 $0x1D060  }
0x4c7: {  	v14 =	vld [tilespmem:s5+$0x10];
	vm0 =	vge.s32 v8, v0;
	vm1 =	vlt.s32 v8, v2  }
0x4c8: {  	v8 =	vsub.s32 v8, v0;
	v12 =	vsub.s32 v9, v0;
	v13 =	vsub.s32 v10, v0  }
0x4c9: {  	vm2 =	vlt.s32 v11, v2;
	vm3 =	vlt.s32 v9, v2;
	vm5 =	vge.s32 v10, v0  }
0x4ca: {  	vm6 =	vlt.s32 v10, v2;
	vm4 =	vmand vm0, vm1;
	v8 =	vshll.u32 v8, $0x7  }
0x4cb: {  	vm0 =	vge.s32 v9, v0;
	vm1 =	vge.s32 v11, v0;
	v11 =	vsub.s32 v11, v0  }
0x4cc: {  	v10 =	vshll.u32 v13, $0x7;
	v13 =	vsub.s32 v14, v0;
	v15 =	vor.u32 $0x9, v8;
	v8 =	vld [tilespmem:s5+$0xFFFFFFF0]  }
0x4cd: {  	v9 =	vld [tilespmem:s5+$0x0];
	v11 =	vshll.u32 v11, $0x7;
	vm2 =	vmand vm1, vm2;
	vm1 =	vmand vm0, vm3  }
0x4ce: {  	vm0 =	vmand vm5, vm6;
	vm3 =	vge.s32 v14, v0;
	vm5 =	vlt.s32 v14, v2;
	v14 =	vld [tilespmem:s5+$0xFFFFFFE0]  }
0x4cf: {  	v16 =	vshll.u32 v12, $0x7;
	v12 =	vor.u32 $0x9, v11  }
0x4d0: {  	v10 =	vor.u32 $0x9, v10;
	v11 =	vor.u32 $0x9, v16  }
0x4d1: {  	v13 =	vshll.u32 v13, $0x7;
	vm3 =	vmand vm3, vm5;
	v16 =	vsub.s32 v8, v0  }
0x4d2: {  	s4 =	simm.s32 $0x4;
	s5 =	simm.s32 $0x1D0A0;
	v13 =	vor.u32 $0x9, v13;
	[tilespmem:v15+s2+$0x0] =	vst.idx.msk vm4, v7;
	vm4 =	vge.s32 v8, v0;
	v15 =	vsub.s32 v9, v0  }
.LBB2_69:
0x4d3: {  	v17 =	vld [tilespmem:s5+$0x10];
	s4 =	sadd.s32 $0x4, s4;
	vm5 =	vge.s32 v14, v0;
	vm6 =	vlt.s32 v14, v2;
	v14 =	vsub.s32 v14, v0  }
0x4d4: {  	vm7 =	vlt.s32 v8, v2;
	v16 =	vshll.u32 v16, $0x7;
	p1 =	slt.u32 s4, $0x24;
	v18 =	vshll.u32 v14, $0x7;
	v8 =	vld [tilespmem:s5+$0xFFFFFFF0];
	[tilespmem:v12+s2+$0x0] =	vst.idx.msk vm2, v7  }
0x4d5: {  	vm8 =	vge.s32 v9, v0;
	vm9 =	vlt.s32 v9, v2;
	v15 =	vshll.u32 v15, $0x7;
	v9 =	vld [tilespmem:s5+$0x0];
	[tilespmem:v11+s2+$0x0] =	vst.idx.msk vm1, v7  }
.Ltmp38:
0x4d6: {  	vm2 =	vmand vm5, vm6;
	v12 =	vor.u32 $0x9, v18;
	vm1 =	vmand vm4, vm7;
	v14 =	vld [tilespmem:s5+$0xFFFFFFE0];
	[tilespmem:v10+s2+$0x0] =	vst.idx.msk vm0, v7;
	(pc) =	sbr.rel @p1 .LBB2_69-.Ltmp38, $4  }
0x4d7: {  	v11 =	vor.u32 $0x9, v16;
	vm0 =	vmand vm8, vm9;
	v10 =	vor.u32 $0x9, v15;
	[tilespmem:v13+s2+$0x0] =	vst.idx.msk vm3, v7  }
0x4d8: {  	vm3 =	vge.s32 v17, v0;
	vm4 =	vlt.s32 v17, v2;
	v13 =	vsub.s32 v17, v0  }
0x4d9: {  	v16 =	vsub.s32 v8, v0;
	vm3 =	vmand vm3, vm4;
	v13 =	vshll.u32 v13, $0x7  }
0x4da: {  	s5 =	sadd.s32 $0x40, s5;
	vm4 =	vge.s32 v8, v0;
	v15 =	vsub.s32 v9, v0;
	v13 =	vor.u32 $0x9, v13  }
0x4db: {  	_ = 	snop  }
0x4dc: {  	vm5 =	vge.s32 v14, v0;
	v17 =	vsub.s32 v14, v0  }
0x4dd: {  	vm6 =	vlt.s32 v14, v2;
	vm7 =	vlt.s32 v8, v2;
	v8 =	vshll.u32 v16, $0x7  }
0x4de: {  	vm8 =	vlt.s32 v9, v2;
	v14 =	vshll.u32 v17, $0x7;
	vm5 =	vmand vm5, vm6  }
0x4df: {  	vm6 =	vge.s32 v9, v0;
	vm4 =	vmand vm4, vm7;
	v9 =	vor.u32 $0x9, v14  }
0x4e0: {  	[tilespmem:v12+s2+$0x0] =	vst.idx.msk vm2, v7;
	v12 =	vshll.u32 v15, $0x7;
	v8 =	vor.u32 $0x9, v8;
	vm2 =	vmand vm6, vm8  }
0x4e1: {  	[tilespmem:v11+s2+$0x0] =	vst.idx.msk vm1, v7;
	v11 =	vor.u32 $0x9, v12  }
0x4e2: {  	[tilespmem:v10+s2+$0x0] =	vst.idx.msk vm0, v7  }
0x4e3: {  	[tilespmem:v13+s2+$0x0] =	vst.idx.msk vm3, v7  }
0x4e4: {  	[tilespmem:v9+s2+$0x0] =	vst.idx.msk vm5, v7  }
0x4e5: {  	[tilespmem:v8+s2+$0x0] =	vst.idx.msk vm4, v7  }
0x4e6: {  	[tilespmem:v11+s2+$0x0] =	vst.idx.msk vm2, v7  }
0x4e7: {  	[tilespmem:s0], [sflag:$0x1] =	stream.strided.gather [hbm4b:s15+s23], $0x280, s24, s23, $0x38;
	[tilespmem:$0x1D280] =	vst v63  }
0x4e8: {  	_ =	swait.ge [sflag:s25], $0x280  }
0x4e9: {  	[sflag:s25] =	ssyncset.done $0x0  }
0x4ea: {  	s4 =	simm.s32 $0x1D020;
	[sflag:s25] =	ssyncadd.s32 $0xFFFFFD80  }
0x4eb: {  	v8 =	vld [tilespmem:s4+$0x10]  }
0x4ec: {  	v9 =	vld [tilespmem:s4+$0xFFFFFFF0]  }
0x4ed: {  	v10 =	vld [tilespmem:s4+$0x0]  }
0x4ee: {  	v11 =	vld [tilespmem:s4+$0xFFFFFFE0];
	_ =	sdelay $0x1  }
0x4ef: {  	s5 =	simm.s32 $0x1D060  }
0x4f0: {  	v14 =	vld [tilespmem:s5+$0x10];
	vm0 =	vge.s32 v8, v0;
	vm1 =	vlt.s32 v8, v2  }
0x4f1: {  	v8 =	vsub.s32 v8, v0;
	v12 =	vsub.s32 v9, v0;
	v13 =	vsub.s32 v10, v0  }
0x4f2: {  	vm2 =	vlt.s32 v11, v2;
	vm3 =	vlt.s32 v9, v2;
	vm5 =	vge.s32 v10, v0  }
0x4f3: {  	vm6 =	vlt.s32 v10, v2;
	vm4 =	vmand vm0, vm1;
	v8 =	vshll.u32 v8, $0x7  }
0x4f4: {  	vm0 =	vge.s32 v9, v0;
	vm1 =	vge.s32 v11, v0;
	v11 =	vsub.s32 v11, v0  }
0x4f5: {  	v10 =	vshll.u32 v13, $0x7;
	v13 =	vsub.s32 v14, v0;
	v15 =	vor.u32 $0xA, v8;
	v8 =	vld [tilespmem:s5+$0xFFFFFFF0]  }
0x4f6: {  	v9 =	vld [tilespmem:s5+$0x0];
	v11 =	vshll.u32 v11, $0x7;
	vm2 =	vmand vm1, vm2;
	vm1 =	vmand vm0, vm3  }
0x4f7: {  	vm0 =	vmand vm5, vm6;
	vm3 =	vge.s32 v14, v0;
	vm5 =	vlt.s32 v14, v2;
	v14 =	vld [tilespmem:s5+$0xFFFFFFE0]  }
0x4f8: {  	v16 =	vshll.u32 v12, $0x7;
	v12 =	vor.u32 $0xA, v11  }
0x4f9: {  	v10 =	vor.u32 $0xA, v10;
	v11 =	vor.u32 $0xA, v16  }
0x4fa: {  	v13 =	vshll.u32 v13, $0x7;
	vm3 =	vmand vm3, vm5;
	v16 =	vsub.s32 v8, v0  }
0x4fb: {  	s4 =	simm.s32 $0x4;
	s5 =	simm.s32 $0x1D0A0;
	v13 =	vor.u32 $0xA, v13;
	[tilespmem:v15+s2+$0x0] =	vst.idx.msk vm4, v7;
	vm4 =	vge.s32 v8, v0;
	v15 =	vsub.s32 v9, v0  }
.LBB2_71:
0x4fc: {  	v17 =	vld [tilespmem:s5+$0x10];
	s4 =	sadd.s32 $0x4, s4;
	vm5 =	vge.s32 v14, v0;
	vm6 =	vlt.s32 v14, v2;
	v14 =	vsub.s32 v14, v0  }
0x4fd: {  	vm7 =	vlt.s32 v8, v2;
	v16 =	vshll.u32 v16, $0x7;
	p1 =	slt.u32 s4, $0x24;
	v18 =	vshll.u32 v14, $0x7;
	v8 =	vld [tilespmem:s5+$0xFFFFFFF0];
	[tilespmem:v12+s2+$0x0] =	vst.idx.msk vm2, v7  }
0x4fe: {  	vm8 =	vge.s32 v9, v0;
	vm9 =	vlt.s32 v9, v2;
	v15 =	vshll.u32 v15, $0x7;
	v9 =	vld [tilespmem:s5+$0x0];
	[tilespmem:v11+s2+$0x0] =	vst.idx.msk vm1, v7  }
.Ltmp39:
0x4ff: {  	vm2 =	vmand vm5, vm6;
	v12 =	vor.u32 $0xA, v18;
	vm1 =	vmand vm4, vm7;
	v14 =	vld [tilespmem:s5+$0xFFFFFFE0];
	[tilespmem:v10+s2+$0x0] =	vst.idx.msk vm0, v7;
	(pc) =	sbr.rel @p1 .LBB2_71-.Ltmp39, $4  }
0x500: {  	v11 =	vor.u32 $0xA, v16;
	vm0 =	vmand vm8, vm9;
	v10 =	vor.u32 $0xA, v15;
	[tilespmem:v13+s2+$0x0] =	vst.idx.msk vm3, v7  }
0x501: {  	vm3 =	vge.s32 v17, v0;
	vm4 =	vlt.s32 v17, v2;
	v13 =	vsub.s32 v17, v0  }
0x502: {  	v16 =	vsub.s32 v8, v0;
	vm3 =	vmand vm3, vm4;
	v13 =	vshll.u32 v13, $0x7  }
0x503: {  	s5 =	sadd.s32 $0x40, s5;
	vm4 =	vge.s32 v8, v0;
	v15 =	vsub.s32 v9, v0;
	v13 =	vor.u32 $0xA, v13  }
0x504: {  	_ = 	snop  }
0x505: {  	vm5 =	vge.s32 v14, v0;
	v17 =	vsub.s32 v14, v0  }
0x506: {  	vm6 =	vlt.s32 v14, v2;
	vm7 =	vlt.s32 v8, v2;
	v8 =	vshll.u32 v16, $0x7  }
0x507: {  	vm8 =	vlt.s32 v9, v2;
	v14 =	vshll.u32 v17, $0x7;
	vm5 =	vmand vm5, vm6  }
0x508: {  	vm6 =	vge.s32 v9, v0;
	vm4 =	vmand vm4, vm7;
	v9 =	vor.u32 $0xA, v14  }
0x509: {  	[tilespmem:v12+s2+$0x0] =	vst.idx.msk vm2, v7;
	v12 =	vshll.u32 v15, $0x7;
	v8 =	vor.u32 $0xA, v8;
	vm2 =	vmand vm6, vm8  }
0x50a: {  	[tilespmem:v11+s2+$0x0] =	vst.idx.msk vm1, v7;
	v11 =	vor.u32 $0xA, v12  }
0x50b: {  	[tilespmem:v10+s2+$0x0] =	vst.idx.msk vm0, v7  }
0x50c: {  	[tilespmem:v13+s2+$0x0] =	vst.idx.msk vm3, v7  }
0x50d: {  	[tilespmem:v9+s2+$0x0] =	vst.idx.msk vm5, v7  }
0x50e: {  	[tilespmem:v8+s2+$0x0] =	vst.idx.msk vm4, v7  }
0x50f: {  	[tilespmem:v11+s2+$0x0] =	vst.idx.msk vm2, v7  }
0x510: {  	[tilespmem:s0], [sflag:$0x1] =	stream.strided.gather [hbm4b:s16+s23], $0x280, s24, s23, $0x38;
	[tilespmem:$0x1D280] =	vst v63  }
0x511: {  	_ =	swait.ge [sflag:s25], $0x280  }
0x512: {  	[sflag:s25] =	ssyncset.done $0x0  }
0x513: {  	s4 =	simm.s32 $0x1D020;
	[sflag:s25] =	ssyncadd.s32 $0xFFFFFD80  }
0x514: {  	v8 =	vld [tilespmem:s4+$0x10]  }
0x515: {  	v9 =	vld [tilespmem:s4+$0xFFFFFFF0]  }
0x516: {  	v10 =	vld [tilespmem:s4+$0x0]  }
0x517: {  	v11 =	vld [tilespmem:s4+$0xFFFFFFE0];
	_ =	sdelay $0x1  }
0x518: {  	s5 =	simm.s32 $0x1D060  }
0x519: {  	v14 =	vld [tilespmem:s5+$0x10];
	vm0 =	vge.s32 v8, v0;
	vm1 =	vlt.s32 v8, v2  }
0x51a: {  	v8 =	vsub.s32 v8, v0;
	v12 =	vsub.s32 v9, v0;
	v13 =	vsub.s32 v10, v0  }
0x51b: {  	vm2 =	vlt.s32 v11, v2;
	vm3 =	vlt.s32 v9, v2;
	vm5 =	vge.s32 v10, v0  }
0x51c: {  	vm6 =	vlt.s32 v10, v2;
	vm4 =	vmand vm0, vm1;
	v8 =	vshll.u32 v8, $0x7  }
0x51d: {  	vm0 =	vge.s32 v9, v0;
	vm1 =	vge.s32 v11, v0;
	v11 =	vsub.s32 v11, v0  }
0x51e: {  	v10 =	vshll.u32 v13, $0x7;
	v13 =	vsub.s32 v14, v0;
	v15 =	vor.u32 $0xB, v8;
	v8 =	vld [tilespmem:s5+$0xFFFFFFF0]  }
0x51f: {  	v9 =	vld [tilespmem:s5+$0x0];
	v11 =	vshll.u32 v11, $0x7;
	vm2 =	vmand vm1, vm2;
	vm1 =	vmand vm0, vm3  }
0x520: {  	vm0 =	vmand vm5, vm6;
	vm3 =	vge.s32 v14, v0;
	vm5 =	vlt.s32 v14, v2;
	v14 =	vld [tilespmem:s5+$0xFFFFFFE0]  }
0x521: {  	v16 =	vshll.u32 v12, $0x7;
	v12 =	vor.u32 $0xB, v11  }
0x522: {  	v10 =	vor.u32 $0xB, v10;
	v11 =	vor.u32 $0xB, v16  }
0x523: {  	v13 =	vshll.u32 v13, $0x7;
	vm3 =	vmand vm3, vm5;
	v16 =	vsub.s32 v8, v0  }
0x524: {  	s4 =	simm.s32 $0x4;
	s5 =	simm.s32 $0x1D0A0;
	v13 =	vor.u32 $0xB, v13;
	[tilespmem:v15+s2+$0x0] =	vst.idx.msk vm4, v7;
	vm4 =	vge.s32 v8, v0;
	v15 =	vsub.s32 v9, v0  }
.LBB2_73:
0x525: {  	v17 =	vld [tilespmem:s5+$0x10];
	s4 =	sadd.s32 $0x4, s4;
	vm5 =	vge.s32 v14, v0;
	vm6 =	vlt.s32 v14, v2;
	v14 =	vsub.s32 v14, v0  }
0x526: {  	vm7 =	vlt.s32 v8, v2;
	v16 =	vshll.u32 v16, $0x7;
	p1 =	slt.u32 s4, $0x24;
	v18 =	vshll.u32 v14, $0x7;
	v8 =	vld [tilespmem:s5+$0xFFFFFFF0];
	[tilespmem:v12+s2+$0x0] =	vst.idx.msk vm2, v7  }
0x527: {  	vm8 =	vge.s32 v9, v0;
	vm9 =	vlt.s32 v9, v2;
	v15 =	vshll.u32 v15, $0x7;
	v9 =	vld [tilespmem:s5+$0x0];
	[tilespmem:v11+s2+$0x0] =	vst.idx.msk vm1, v7  }
.Ltmp40:
0x528: {  	vm2 =	vmand vm5, vm6;
	v12 =	vor.u32 $0xB, v18;
	vm1 =	vmand vm4, vm7;
	v14 =	vld [tilespmem:s5+$0xFFFFFFE0];
	[tilespmem:v10+s2+$0x0] =	vst.idx.msk vm0, v7;
	(pc) =	sbr.rel @p1 .LBB2_73-.Ltmp40, $4  }
0x529: {  	v11 =	vor.u32 $0xB, v16;
	vm0 =	vmand vm8, vm9;
	v10 =	vor.u32 $0xB, v15;
	[tilespmem:v13+s2+$0x0] =	vst.idx.msk vm3, v7  }
0x52a: {  	vm3 =	vge.s32 v17, v0;
	vm4 =	vlt.s32 v17, v2;
	v13 =	vsub.s32 v17, v0  }
0x52b: {  	v16 =	vsub.s32 v8, v0;
	vm3 =	vmand vm3, vm4;
	v13 =	vshll.u32 v13, $0x7  }
0x52c: {  	s5 =	sadd.s32 $0x40, s5;
	vm4 =	vge.s32 v8, v0;
	v15 =	vsub.s32 v9, v0;
	v13 =	vor.u32 $0xB, v13  }
0x52d: {  	_ = 	snop  }
0x52e: {  	vm5 =	vge.s32 v14, v0;
	v17 =	vsub.s32 v14, v0  }
0x52f: {  	vm6 =	vlt.s32 v14, v2;
	vm7 =	vlt.s32 v8, v2;
	v8 =	vshll.u32 v16, $0x7  }
0x530: {  	vm8 =	vlt.s32 v9, v2;
	v14 =	vshll.u32 v17, $0x7;
	vm5 =	vmand vm5, vm6  }
0x531: {  	vm6 =	vge.s32 v9, v0;
	vm4 =	vmand vm4, vm7;
	v9 =	vor.u32 $0xB, v14  }
0x532: {  	[tilespmem:v12+s2+$0x0] =	vst.idx.msk vm2, v7;
	v12 =	vshll.u32 v15, $0x7;
	v8 =	vor.u32 $0xB, v8;
	vm2 =	vmand vm6, vm8  }
0x533: {  	[tilespmem:v11+s2+$0x0] =	vst.idx.msk vm1, v7;
	v11 =	vor.u32 $0xB, v12  }
0x534: {  	[tilespmem:v10+s2+$0x0] =	vst.idx.msk vm0, v7  }
0x535: {  	[tilespmem:v13+s2+$0x0] =	vst.idx.msk vm3, v7  }
0x536: {  	[tilespmem:v9+s2+$0x0] =	vst.idx.msk vm5, v7  }
0x537: {  	[tilespmem:v8+s2+$0x0] =	vst.idx.msk vm4, v7  }
0x538: {  	[tilespmem:v11+s2+$0x0] =	vst.idx.msk vm2, v7  }
0x539: {  	[tilespmem:s0], [sflag:$0x1] =	stream.strided.gather [hbm4b:s17+s23], $0x280, s24, s23, $0x38;
	[tilespmem:$0x1D280] =	vst v63  }
0x53a: {  	_ =	swait.ge [sflag:s25], $0x280  }
0x53b: {  	[sflag:s25] =	ssyncset.done $0x0  }
0x53c: {  	s4 =	simm.s32 $0x1D020;
	[sflag:s25] =	ssyncadd.s32 $0xFFFFFD80  }
0x53d: {  	v8 =	vld [tilespmem:s4+$0x10]  }
0x53e: {  	v9 =	vld [tilespmem:s4+$0xFFFFFFF0]  }
0x53f: {  	v10 =	vld [tilespmem:s4+$0x0]  }
0x540: {  	v11 =	vld [tilespmem:s4+$0xFFFFFFE0];
	_ =	sdelay $0x1  }
0x541: {  	s5 =	simm.s32 $0x1D060  }
0x542: {  	v14 =	vld [tilespmem:s5+$0x10];
	vm0 =	vge.s32 v8, v0;
	vm1 =	vlt.s32 v8, v2  }
0x543: {  	v8 =	vsub.s32 v8, v0;
	v12 =	vsub.s32 v9, v0;
	v13 =	vsub.s32 v10, v0  }
0x544: {  	vm2 =	vlt.s32 v11, v2;
	vm3 =	vlt.s32 v9, v2;
	vm5 =	vge.s32 v10, v0  }
0x545: {  	vm6 =	vlt.s32 v10, v2;
	vm4 =	vmand vm0, vm1;
	v8 =	vshll.u32 v8, $0x7  }
0x546: {  	vm0 =	vge.s32 v9, v0;
	vm1 =	vge.s32 v11, v0;
	v11 =	vsub.s32 v11, v0  }
0x547: {  	v10 =	vshll.u32 v13, $0x7;
	v13 =	vsub.s32 v14, v0;
	v15 =	vor.u32 $0xC, v8;
	v8 =	vld [tilespmem:s5+$0xFFFFFFF0]  }
0x548: {  	v9 =	vld [tilespmem:s5+$0x0];
	v11 =	vshll.u32 v11, $0x7;
	vm2 =	vmand vm1, vm2;
	vm1 =	vmand vm0, vm3  }
0x549: {  	vm0 =	vmand vm5, vm6;
	vm3 =	vge.s32 v14, v0;
	vm5 =	vlt.s32 v14, v2;
	v14 =	vld [tilespmem:s5+$0xFFFFFFE0]  }
0x54a: {  	v16 =	vshll.u32 v12, $0x7;
	v12 =	vor.u32 $0xC, v11  }
0x54b: {  	v10 =	vor.u32 $0xC, v10;
	v11 =	vor.u32 $0xC, v16  }
0x54c: {  	v13 =	vshll.u32 v13, $0x7;
	vm3 =	vmand vm3, vm5;
	v16 =	vsub.s32 v8, v0  }
0x54d: {  	s4 =	simm.s32 $0x4;
	s5 =	simm.s32 $0x1D0A0;
	v13 =	vor.u32 $0xC, v13;
	[tilespmem:v15+s2+$0x0] =	vst.idx.msk vm4, v7;
	vm4 =	vge.s32 v8, v0;
	v15 =	vsub.s32 v9, v0  }
.LBB2_75:
0x54e: {  	v17 =	vld [tilespmem:s5+$0x10];
	s4 =	sadd.s32 $0x4, s4;
	vm5 =	vge.s32 v14, v0;
	vm6 =	vlt.s32 v14, v2;
	v14 =	vsub.s32 v14, v0  }
0x54f: {  	vm7 =	vlt.s32 v8, v2;
	v16 =	vshll.u32 v16, $0x7;
	p1 =	slt.u32 s4, $0x24;
	v18 =	vshll.u32 v14, $0x7;
	v8 =	vld [tilespmem:s5+$0xFFFFFFF0];
	[tilespmem:v12+s2+$0x0] =	vst.idx.msk vm2, v7  }
0x550: {  	vm8 =	vge.s32 v9, v0;
	vm9 =	vlt.s32 v9, v2;
	v15 =	vshll.u32 v15, $0x7;
	v9 =	vld [tilespmem:s5+$0x0];
	[tilespmem:v11+s2+$0x0] =	vst.idx.msk vm1, v7  }
.Ltmp41:
0x551: {  	vm2 =	vmand vm5, vm6;
	v12 =	vor.u32 $0xC, v18;
	vm1 =	vmand vm4, vm7;
	v14 =	vld [tilespmem:s5+$0xFFFFFFE0];
	[tilespmem:v10+s2+$0x0] =	vst.idx.msk vm0, v7;
	(pc) =	sbr.rel @p1 .LBB2_75-.Ltmp41, $4  }
0x552: {  	v11 =	vor.u32 $0xC, v16;
	vm0 =	vmand vm8, vm9;
	v10 =	vor.u32 $0xC, v15;
	[tilespmem:v13+s2+$0x0] =	vst.idx.msk vm3, v7  }
0x553: {  	vm3 =	vge.s32 v17, v0;
	vm4 =	vlt.s32 v17, v2;
	v13 =	vsub.s32 v17, v0  }
0x554: {  	v16 =	vsub.s32 v8, v0;
	vm3 =	vmand vm3, vm4;
	v13 =	vshll.u32 v13, $0x7  }
0x555: {  	s5 =	sadd.s32 $0x40, s5;
	vm4 =	vge.s32 v8, v0;
	v15 =	vsub.s32 v9, v0;
	v13 =	vor.u32 $0xC, v13  }
0x556: {  	_ = 	snop  }
0x557: {  	vm5 =	vge.s32 v14, v0;
	v17 =	vsub.s32 v14, v0  }
0x558: {  	vm6 =	vlt.s32 v14, v2;
	vm7 =	vlt.s32 v8, v2;
	v8 =	vshll.u32 v16, $0x7  }
0x559: {  	vm8 =	vlt.s32 v9, v2;
	v14 =	vshll.u32 v17, $0x7;
	vm5 =	vmand vm5, vm6  }
0x55a: {  	vm6 =	vge.s32 v9, v0;
	vm4 =	vmand vm4, vm7;
	v9 =	vor.u32 $0xC, v14  }
0x55b: {  	[tilespmem:v12+s2+$0x0] =	vst.idx.msk vm2, v7;
	v12 =	vshll.u32 v15, $0x7;
	v8 =	vor.u32 $0xC, v8;
	vm2 =	vmand vm6, vm8  }
0x55c: {  	[tilespmem:v11+s2+$0x0] =	vst.idx.msk vm1, v7;
	v11 =	vor.u32 $0xC, v12  }
0x55d: {  	[tilespmem:v10+s2+$0x0] =	vst.idx.msk vm0, v7  }
0x55e: {  	[tilespmem:v13+s2+$0x0] =	vst.idx.msk vm3, v7  }
0x55f: {  	[tilespmem:v9+s2+$0x0] =	vst.idx.msk vm5, v7  }
0x560: {  	[tilespmem:v8+s2+$0x0] =	vst.idx.msk vm4, v7  }
0x561: {  	[tilespmem:v11+s2+$0x0] =	vst.idx.msk vm2, v7  }
0x562: {  	[tilespmem:s0], [sflag:$0x1] =	stream.strided.gather [hbm4b:s18+s23], $0x280, s24, s23, $0x38;
	[tilespmem:$0x1D280] =	vst v63  }
0x563: {  	_ =	swait.ge [sflag:s25], $0x280  }
0x564: {  	[sflag:s25] =	ssyncset.done $0x0  }
0x565: {  	s4 =	simm.s32 $0x1D020;
	[sflag:s25] =	ssyncadd.s32 $0xFFFFFD80  }
0x566: {  	v8 =	vld [tilespmem:s4+$0x10]  }
0x567: {  	v9 =	vld [tilespmem:s4+$0xFFFFFFF0]  }
0x568: {  	v10 =	vld [tilespmem:s4+$0x0]  }
0x569: {  	v11 =	vld [tilespmem:s4+$0xFFFFFFE0];
	_ =	sdelay $0x1  }
0x56a: {  	s5 =	simm.s32 $0x1D060  }
0x56b: {  	v14 =	vld [tilespmem:s5+$0x10];
	vm0 =	vge.s32 v8, v0;
	vm1 =	vlt.s32 v8, v2  }
0x56c: {  	v8 =	vsub.s32 v8, v0;
	v12 =	vsub.s32 v9, v0;
	v13 =	vsub.s32 v10, v0  }
0x56d: {  	vm2 =	vlt.s32 v11, v2;
	vm3 =	vlt.s32 v9, v2;
	vm5 =	vge.s32 v10, v0  }
0x56e: {  	vm6 =	vlt.s32 v10, v2;
	vm4 =	vmand vm0, vm1;
	v8 =	vshll.u32 v8, $0x7  }
0x56f: {  	vm0 =	vge.s32 v9, v0;
	vm1 =	vge.s32 v11, v0;
	v11 =	vsub.s32 v11, v0  }
0x570: {  	v10 =	vshll.u32 v13, $0x7;
	v13 =	vsub.s32 v14, v0;
	v15 =	vor.u32 $0xD, v8;
	v8 =	vld [tilespmem:s5+$0xFFFFFFF0]  }
0x571: {  	v9 =	vld [tilespmem:s5+$0x0];
	v11 =	vshll.u32 v11, $0x7;
	vm2 =	vmand vm1, vm2;
	vm1 =	vmand vm0, vm3  }
0x572: {  	vm0 =	vmand vm5, vm6;
	vm3 =	vge.s32 v14, v0;
	vm5 =	vlt.s32 v14, v2;
	v14 =	vld [tilespmem:s5+$0xFFFFFFE0]  }
0x573: {  	v16 =	vshll.u32 v12, $0x7;
	v12 =	vor.u32 $0xD, v11  }
0x574: {  	v10 =	vor.u32 $0xD, v10;
	v11 =	vor.u32 $0xD, v16  }
0x575: {  	v13 =	vshll.u32 v13, $0x7;
	vm3 =	vmand vm3, vm5;
	v16 =	vsub.s32 v8, v0  }
0x576: {  	s4 =	simm.s32 $0x4;
	s5 =	simm.s32 $0x1D0A0;
	v13 =	vor.u32 $0xD, v13;
	[tilespmem:v15+s2+$0x0] =	vst.idx.msk vm4, v7;
	vm4 =	vge.s32 v8, v0;
	v15 =	vsub.s32 v9, v0  }
.LBB2_77:
0x577: {  	v17 =	vld [tilespmem:s5+$0x10];
	s4 =	sadd.s32 $0x4, s4;
	vm5 =	vge.s32 v14, v0;
	vm6 =	vlt.s32 v14, v2;
	v14 =	vsub.s32 v14, v0  }
0x578: {  	vm7 =	vlt.s32 v8, v2;
	v16 =	vshll.u32 v16, $0x7;
	p1 =	slt.u32 s4, $0x24;
	v18 =	vshll.u32 v14, $0x7;
	v8 =	vld [tilespmem:s5+$0xFFFFFFF0];
	[tilespmem:v12+s2+$0x0] =	vst.idx.msk vm2, v7  }
0x579: {  	vm8 =	vge.s32 v9, v0;
	vm9 =	vlt.s32 v9, v2;
	v15 =	vshll.u32 v15, $0x7;
	v9 =	vld [tilespmem:s5+$0x0];
	[tilespmem:v11+s2+$0x0] =	vst.idx.msk vm1, v7  }
.Ltmp42:
0x57a: {  	vm2 =	vmand vm5, vm6;
	v12 =	vor.u32 $0xD, v18;
	vm1 =	vmand vm4, vm7;
	v14 =	vld [tilespmem:s5+$0xFFFFFFE0];
	[tilespmem:v10+s2+$0x0] =	vst.idx.msk vm0, v7;
	(pc) =	sbr.rel @p1 .LBB2_77-.Ltmp42, $4  }
0x57b: {  	v11 =	vor.u32 $0xD, v16;
	vm0 =	vmand vm8, vm9;
	v10 =	vor.u32 $0xD, v15;
	[tilespmem:v13+s2+$0x0] =	vst.idx.msk vm3, v7  }
0x57c: {  	vm3 =	vge.s32 v17, v0;
	vm4 =	vlt.s32 v17, v2;
	v13 =	vsub.s32 v17, v0  }
0x57d: {  	v16 =	vsub.s32 v8, v0;
	vm3 =	vmand vm3, vm4;
	v13 =	vshll.u32 v13, $0x7  }
0x57e: {  	s5 =	sadd.s32 $0x40, s5;
	vm4 =	vge.s32 v8, v0;
	v15 =	vsub.s32 v9, v0;
	v13 =	vor.u32 $0xD, v13  }
0x57f: {  	_ = 	snop  }
0x580: {  	vm5 =	vge.s32 v14, v0;
	v17 =	vsub.s32 v14, v0  }
0x581: {  	vm6 =	vlt.s32 v14, v2;
	vm7 =	vlt.s32 v8, v2;
	v8 =	vshll.u32 v16, $0x7  }
0x582: {  	vm8 =	vlt.s32 v9, v2;
	v14 =	vshll.u32 v17, $0x7;
	vm5 =	vmand vm5, vm6  }
0x583: {  	vm6 =	vge.s32 v9, v0;
	vm4 =	vmand vm4, vm7;
	v9 =	vor.u32 $0xD, v14  }
0x584: {  	[tilespmem:v12+s2+$0x0] =	vst.idx.msk vm2, v7;
	v12 =	vshll.u32 v15, $0x7;
	v8 =	vor.u32 $0xD, v8;
	vm2 =	vmand vm6, vm8  }
0x585: {  	[tilespmem:v11+s2+$0x0] =	vst.idx.msk vm1, v7;
	v11 =	vor.u32 $0xD, v12  }
0x586: {  	[tilespmem:v10+s2+$0x0] =	vst.idx.msk vm0, v7  }
0x587: {  	[tilespmem:v13+s2+$0x0] =	vst.idx.msk vm3, v7  }
0x588: {  	[tilespmem:v9+s2+$0x0] =	vst.idx.msk vm5, v7  }
0x589: {  	[tilespmem:v8+s2+$0x0] =	vst.idx.msk vm4, v7  }
0x58a: {  	[tilespmem:v11+s2+$0x0] =	vst.idx.msk vm2, v7  }
0x58b: {  	[tilespmem:s0], [sflag:$0x1] =	stream.strided.gather [hbm4b:s19+s23], $0x280, s24, s23, $0x38;
	[tilespmem:$0x1D280] =	vst v63  }
0x58c: {  	_ =	swait.ge [sflag:s25], $0x280  }
0x58d: {  	[sflag:s25] =	ssyncset.done $0x0  }
0x58e: {  	s4 =	simm.s32 $0x1D020;
	[sflag:s25] =	ssyncadd.s32 $0xFFFFFD80  }
0x58f: {  	v8 =	vld [tilespmem:s4+$0x10]  }
0x590: {  	v9 =	vld [tilespmem:s4+$0xFFFFFFF0]  }
0x591: {  	v10 =	vld [tilespmem:s4+$0x0]  }
0x592: {  	v11 =	vld [tilespmem:s4+$0xFFFFFFE0];
	_ =	sdelay $0x1  }
0x593: {  	s5 =	simm.s32 $0x1D060  }
0x594: {  	v14 =	vld [tilespmem:s5+$0x10];
	vm0 =	vge.s32 v8, v0;
	vm1 =	vlt.s32 v8, v2  }
0x595: {  	v8 =	vsub.s32 v8, v0;
	v12 =	vsub.s32 v9, v0;
	v13 =	vsub.s32 v10, v0  }
0x596: {  	vm2 =	vlt.s32 v11, v2;
	vm3 =	vlt.s32 v9, v2;
	vm5 =	vge.s32 v10, v0  }
0x597: {  	vm6 =	vlt.s32 v10, v2;
	vm4 =	vmand vm0, vm1;
	v8 =	vshll.u32 v8, $0x7  }
0x598: {  	vm0 =	vge.s32 v9, v0;
	vm1 =	vge.s32 v11, v0;
	v11 =	vsub.s32 v11, v0  }
0x599: {  	v10 =	vshll.u32 v13, $0x7;
	v13 =	vsub.s32 v14, v0;
	v15 =	vor.u32 $0xE, v8;
	v8 =	vld [tilespmem:s5+$0xFFFFFFF0]  }
0x59a: {  	v9 =	vld [tilespmem:s5+$0x0];
	v11 =	vshll.u32 v11, $0x7;
	vm2 =	vmand vm1, vm2;
	vm1 =	vmand vm0, vm3  }
0x59b: {  	vm0 =	vmand vm5, vm6;
	vm3 =	vge.s32 v14, v0;
	vm5 =	vlt.s32 v14, v2;
	v14 =	vld [tilespmem:s5+$0xFFFFFFE0]  }
0x59c: {  	v16 =	vshll.u32 v12, $0x7;
	v12 =	vor.u32 $0xE, v11  }
0x59d: {  	v10 =	vor.u32 $0xE, v10;
	v11 =	vor.u32 $0xE, v16  }
0x59e: {  	v13 =	vshll.u32 v13, $0x7;
	vm3 =	vmand vm3, vm5;
	v16 =	vsub.s32 v8, v0  }
0x59f: {  	s4 =	simm.s32 $0x4;
	s5 =	simm.s32 $0x1D0A0;
	v13 =	vor.u32 $0xE, v13;
	[tilespmem:v15+s2+$0x0] =	vst.idx.msk vm4, v7;
	vm4 =	vge.s32 v8, v0;
	v15 =	vsub.s32 v9, v0  }
.LBB2_79:
0x5a0: {  	v17 =	vld [tilespmem:s5+$0x10];
	s4 =	sadd.s32 $0x4, s4;
	vm5 =	vge.s32 v14, v0;
	vm6 =	vlt.s32 v14, v2;
	v14 =	vsub.s32 v14, v0  }
0x5a1: {  	vm7 =	vlt.s32 v8, v2;
	v16 =	vshll.u32 v16, $0x7;
	p1 =	slt.u32 s4, $0x24;
	v18 =	vshll.u32 v14, $0x7;
	v8 =	vld [tilespmem:s5+$0xFFFFFFF0];
	[tilespmem:v12+s2+$0x0] =	vst.idx.msk vm2, v7  }
0x5a2: {  	vm8 =	vge.s32 v9, v0;
	vm9 =	vlt.s32 v9, v2;
	v15 =	vshll.u32 v15, $0x7;
	v9 =	vld [tilespmem:s5+$0x0];
	[tilespmem:v11+s2+$0x0] =	vst.idx.msk vm1, v7  }
.Ltmp43:
0x5a3: {  	vm2 =	vmand vm5, vm6;
	v12 =	vor.u32 $0xE, v18;
	vm1 =	vmand vm4, vm7;
	v14 =	vld [tilespmem:s5+$0xFFFFFFE0];
	[tilespmem:v10+s2+$0x0] =	vst.idx.msk vm0, v7;
	(pc) =	sbr.rel @p1 .LBB2_79-.Ltmp43, $4  }
0x5a4: {  	v11 =	vor.u32 $0xE, v16;
	vm0 =	vmand vm8, vm9;
	v10 =	vor.u32 $0xE, v15;
	[tilespmem:v13+s2+$0x0] =	vst.idx.msk vm3, v7  }
0x5a5: {  	vm3 =	vge.s32 v17, v0;
	vm4 =	vlt.s32 v17, v2;
	v13 =	vsub.s32 v17, v0  }
0x5a6: {  	v16 =	vsub.s32 v8, v0;
	vm3 =	vmand vm3, vm4;
	v13 =	vshll.u32 v13, $0x7  }
0x5a7: {  	s5 =	sadd.s32 $0x40, s5;
	vm4 =	vge.s32 v8, v0;
	v15 =	vsub.s32 v9, v0;
	v13 =	vor.u32 $0xE, v13  }
0x5a8: {  	_ = 	snop  }
0x5a9: {  	vm5 =	vge.s32 v14, v0;
	v17 =	vsub.s32 v14, v0  }
0x5aa: {  	vm6 =	vlt.s32 v14, v2;
	vm7 =	vlt.s32 v8, v2;
	v8 =	vshll.u32 v16, $0x7  }
0x5ab: {  	vm8 =	vlt.s32 v9, v2;
	v14 =	vshll.u32 v17, $0x7;
	vm5 =	vmand vm5, vm6  }
0x5ac: {  	vm6 =	vge.s32 v9, v0;
	vm4 =	vmand vm4, vm7;
	v9 =	vor.u32 $0xE, v14  }
0x5ad: {  	[tilespmem:v12+s2+$0x0] =	vst.idx.msk vm2, v7;
	v12 =	vshll.u32 v15, $0x7;
	v8 =	vor.u32 $0xE, v8;
	vm2 =	vmand vm6, vm8  }
0x5ae: {  	[tilespmem:v11+s2+$0x0] =	vst.idx.msk vm1, v7;
	v11 =	vor.u32 $0xE, v12  }
0x5af: {  	[tilespmem:v10+s2+$0x0] =	vst.idx.msk vm0, v7  }
0x5b0: {  	[tilespmem:v13+s2+$0x0] =	vst.idx.msk vm3, v7  }
0x5b1: {  	[tilespmem:v9+s2+$0x0] =	vst.idx.msk vm5, v7  }
0x5b2: {  	[tilespmem:v8+s2+$0x0] =	vst.idx.msk vm4, v7  }
0x5b3: {  	[tilespmem:v11+s2+$0x0] =	vst.idx.msk vm2, v7  }
0x5b4: {  	[tilespmem:s0], [sflag:$0x1] =	stream.strided.gather [hbm4b:s20+s23], $0x280, s24, s23, $0x38;
	[tilespmem:$0x1D280] =	vst v63  }
0x5b5: {  	_ =	swait.ge [sflag:s25], $0x280  }
0x5b6: {  	[sflag:s25] =	ssyncset.done $0x0  }
0x5b7: {  	s4 =	simm.s32 $0x1D020;
	[sflag:s25] =	ssyncadd.s32 $0xFFFFFD80  }
0x5b8: {  	v8 =	vld [tilespmem:s4+$0x10]  }
0x5b9: {  	v9 =	vld [tilespmem:s4+$0xFFFFFFF0]  }
0x5ba: {  	v10 =	vld [tilespmem:s4+$0x0]  }
0x5bb: {  	v11 =	vld [tilespmem:s4+$0xFFFFFFE0];
	_ =	sdelay $0x1  }
0x5bc: {  	s5 =	simm.s32 $0x1D060  }
0x5bd: {  	v14 =	vld [tilespmem:s5+$0x10];
	vm0 =	vge.s32 v8, v0;
	vm1 =	vlt.s32 v8, v2  }
0x5be: {  	v8 =	vsub.s32 v8, v0;
	v12 =	vsub.s32 v9, v0;
	v13 =	vsub.s32 v10, v0  }
0x5bf: {  	vm2 =	vlt.s32 v11, v2;
	vm3 =	vlt.s32 v9, v2;
	vm5 =	vge.s32 v10, v0  }
0x5c0: {  	vm6 =	vlt.s32 v10, v2;
	vm4 =	vmand vm0, vm1;
	v8 =	vshll.u32 v8, $0x7  }
0x5c1: {  	vm0 =	vge.s32 v9, v0;
	vm1 =	vge.s32 v11, v0;
	v11 =	vsub.s32 v11, v0  }
0x5c2: {  	v10 =	vshll.u32 v13, $0x7;
	v13 =	vsub.s32 v14, v0;
	v15 =	vor.u32 $0xF, v8;
	v8 =	vld [tilespmem:s5+$0xFFFFFFF0]  }
0x5c3: {  	v9 =	vld [tilespmem:s5+$0x0];
	v11 =	vshll.u32 v11, $0x7;
	vm2 =	vmand vm1, vm2;
	vm1 =	vmand vm0, vm3  }
0x5c4: {  	vm0 =	vmand vm5, vm6;
	vm3 =	vge.s32 v14, v0;
	vm5 =	vlt.s32 v14, v2;
	v14 =	vld [tilespmem:s5+$0xFFFFFFE0]  }
0x5c5: {  	v16 =	vshll.u32 v12, $0x7;
	v12 =	vor.u32 $0xF, v11  }
0x5c6: {  	v10 =	vor.u32 $0xF, v10;
	v11 =	vor.u32 $0xF, v16  }
0x5c7: {  	v13 =	vshll.u32 v13, $0x7;
	vm3 =	vmand vm3, vm5;
	v16 =	vsub.s32 v8, v0  }
0x5c8: {  	s4 =	simm.s32 $0x4;
	s5 =	simm.s32 $0x1D0A0;
	v13 =	vor.u32 $0xF, v13;
	[tilespmem:v15+s2+$0x0] =	vst.idx.msk vm4, v7;
	vm4 =	vge.s32 v8, v0;
	v15 =	vsub.s32 v9, v0  }
.LBB2_81:
0x5c9: {  	v17 =	vld [tilespmem:s5+$0x10];
	s4 =	sadd.s32 $0x4, s4;
	vm5 =	vge.s32 v14, v0;
	vm6 =	vlt.s32 v14, v2;
	v14 =	vsub.s32 v14, v0  }
0x5ca: {  	vm7 =	vlt.s32 v8, v2;
	v16 =	vshll.u32 v16, $0x7;
	p1 =	slt.u32 s4, $0x24;
	v18 =	vshll.u32 v14, $0x7;
	v8 =	vld [tilespmem:s5+$0xFFFFFFF0];
	[tilespmem:v12+s2+$0x0] =	vst.idx.msk vm2, v7  }
0x5cb: {  	vm8 =	vge.s32 v9, v0;
	vm9 =	vlt.s32 v9, v2;
	v15 =	vshll.u32 v15, $0x7;
	v9 =	vld [tilespmem:s5+$0x0];
	[tilespmem:v11+s2+$0x0] =	vst.idx.msk vm1, v7  }
.Ltmp44:
0x5cc: {  	vm2 =	vmand vm5, vm6;
	v12 =	vor.u32 $0xF, v18;
	vm1 =	vmand vm4, vm7;
	v14 =	vld [tilespmem:s5+$0xFFFFFFE0];
	[tilespmem:v10+s2+$0x0] =	vst.idx.msk vm0, v7;
	(pc) =	sbr.rel @p1 .LBB2_81-.Ltmp44, $4  }
0x5cd: {  	v11 =	vor.u32 $0xF, v16;
	vm0 =	vmand vm8, vm9;
	v10 =	vor.u32 $0xF, v15;
	[tilespmem:v13+s2+$0x0] =	vst.idx.msk vm3, v7  }
0x5ce: {  	vm3 =	vge.s32 v17, v0;
	vm4 =	vlt.s32 v17, v2;
	v13 =	vsub.s32 v17, v0  }
0x5cf: {  	v16 =	vsub.s32 v8, v0;
	vm3 =	vmand vm3, vm4;
	v13 =	vshll.u32 v13, $0x7  }
0x5d0: {  	s5 =	sadd.s32 $0x40, s5;
	vm4 =	vge.s32 v8, v0;
	v15 =	vsub.s32 v9, v0;
	v13 =	vor.u32 $0xF, v13  }
0x5d1: {  	_ = 	snop  }
0x5d2: {  	vm5 =	vge.s32 v14, v0;
	v17 =	vsub.s32 v14, v0  }
0x5d3: {  	vm6 =	vlt.s32 v14, v2;
	vm7 =	vlt.s32 v8, v2;
	v8 =	vshll.u32 v16, $0x7  }
0x5d4: {  	vm14 =	vge.s32 v9, v0;
	v60 =	vshll.u32 v17, $0x7;
	vm5 =	vmand vm5, vm6  }
0x5d5: {  	vm8 =	vlt.s32 v9, v2;
	vm4 =	vmand vm4, vm7;
	v61 =	vor.u32 $0xF, v60  }
0x5d6: {  	[tilespmem:v12+s2+$0x0] =	vst.idx.msk vm2, v7;
	v62 =	vshll.u32 v15, $0x7;
	v8 =	vor.u32 $0xF, v8;
	vm15 =	vmand vm14, vm8  }
0x5d7: {  	[tilespmem:v11+s2+$0x0] =	vst.idx.msk vm1, v7;
	v63 =	vor.u32 $0xF, v62  }
0x5d8: {  	[tilespmem:v10+s2+$0x0] =	vst.idx.msk vm0, v7  }
0x5d9: {  	[tilespmem:v13+s2+$0x0] =	vst.idx.msk vm3, v7  }
0x5da: {  	[tilespmem:v61+s2+$0x0] =	vst.idx.msk vm5, v7  }
0x5db: {  	[tilespmem:v8+s2+$0x0] =	vst.idx.msk vm4, v7  }
.Ltmp45:
0x5dc: {  	[tilespmem:v63+s2+$0x0] =	vst.idx.msk vm15, v7;
	(pc) =	sbr.rel .LBB2_84-.Ltmp45, $4  }
0x5dd: {  	[hbm4b:s21+s3] =	stream.linear.scatter [tilespmem:s2], [sflag:$0x1], $0x10000, $0x38;
	[tilespmem:$0x1D280] =	vst v63  }
0x5de: {  	_ =	swait.ge [sflag:s25], $0x10000  }
0x5df: {  	[sflag:s25] =	ssyncset.done $0x0  }
0x5e0: {  	[sflag:s25] =	ssyncadd.s32 $0xFFFF0000  }
.LBB2_9:
.Ltmp46:
0x5e1: {  	(pc) =	sbr.rel .LBB2_14-.Ltmp46, $2  }
0x5e2: {  	_ =	sdelay $0x2  }
0x5e3: {  	_ = 	snop  }
.LBB2_11:
.Ltmp47:
0x5e4: {  	(pc) =	sbr.rel .LBB2_14-.Ltmp47, $2  }
0x5e5: {  	_ =	sdelay $0x2  }
0x5e6: {  	s7 =	smov.u32 s5;
	s5 =	smov.u32 s6  }
.LBB2_85:
0x5e7: {  	_ =	sfence.sel $0x180000  }
0x5e8: {  	[bflag:$0x0] =	sbarrier.arrive $0xFFFF  }
0x5e9: {  	_ =	strace $0x90000047  }
0x5ea: {  	s0 =	stileid.u32;
	[bflag:$0x2] =	sbarrier.arrive $0xFFFF  }
0x5eb: {  	p0 =	sne.s32 s0, $0x0;
	s0 =	rddreg [dreg:$0x3]  }
0x5ec: {  	s0 =	sadd.s32 @!p0 $0x100000, s0  }
0x5ed: {  	[sflag:s0] =	ssyncadd.tile.s32 @!p0 $0x1;
	_ =	shalt  }
.Lfunc_end2:
_tile_overlayer_lowered:
.L_overlay_start_2:
0x5ee: {  	(tag) =	ssettag $0x2  }
0x5ef: {  	s0 =	rddreg [dreg:$0x0];
	s2 =	stileid.u32  }
0x5f0: {  	s1 =	rddreg [dreg:$0x1];
	p0 =	sne.s32 s2, $0x0  }
0x5f1: {  	s3 =	rddreg [dreg:$0x2];
	[bflag:$0x3] =	sbarrier.arrive $0xFFFF;
	s2 =	simm.s32 @!p0 $0x1C01  }
0x5f2: {  	[timem:s3], [sflag:s2] =	dma.local @!p0 [hbm:s0], s1  }
0x5f3: {  	s0 =	simm.s32 @!p0 $0x1  }
0x5f4: {  	_ =	swait.ge @!p0 [sflag:s0], s1  }
0x5f5: {  	s1 =	ssub.s32 @!p0 $0x0, s1;
	[sflag:s0] =	ssyncset.done @!p0 $0x0  }
0x5f6: {  	[sflag:s0] =	ssyncadd.s32 @!p0 s1  }
0x5f7: {  	[bflag:$0x3] =	sbarrier.arrive $0xFFFF  }
0x5f8: {  	_ =	shalt  }

</sc_bundles>
